<compile_context>
chip_gen: v7x
topology: tpu7x:2x2x1
jax: 0.10.2.dev20260603
libtpu: 0.0.44.dev20260713+nightly
codegen_flags: <defaults>
</compile_context>

<pallas_src>
import functools

import jax
import jax.numpy as jnp
import numpy as np
from jax import lax
from jax.experimental import pallas as pl
from jax.experimental.pallas import tpu as pltpu
from jax.experimental.pallas import tpu_sc as plsc

B, H, W = 2, 96, 96
C = 192
NH = 8
NP = 9
HC = C // NH
HID = C * 4
LQ = H * W
ROWS = B * LQ
NS = NH * NP * 4
WPAD = 40
NSW = NH * WPAD
CH = 1024
NCH = ROWS // CH

def _col_consts():
    l = lax.broadcasted_iota(jnp.int32, (1, NH * NP), 1)
    p = l % NP
    h = l // NP
    gx = (p % 3 - 1).astype(jnp.float32)
    gy = (p // 3 - 1).astype(jnp.float32)
    return gx, gy, h


def _layernorm(x, g, b, eps=1e-5):
    m = jnp.mean(x, axis=-1, keepdims=True)
    v = jnp.var(x, axis=-1, keepdims=True)
    return (x - m) / jnp.sqrt(v + eps) * g + b



HPAD = 32
CV = NH * HPAD


def _ln_val_body(x_ref, g_ref, b_ref, wv_ref, bv_ref, q_ref, val_ref):
    q = _layernorm(x_ref[...], g_ref[...], b_ref[...])
    q_ref[...] = q
    val = jnp.dot(q, wv_ref[...], preferred_element_type=jnp.float32) + bv_ref[...]
    zpad = jnp.zeros((CH, HPAD - HC), jnp.bfloat16)
    parts = []
    for h in range(NH):
        parts.append(val[:, h * HC:(h + 1) * HC].astype(jnp.bfloat16))
        parts.append(zpad)
    val_ref[...] = jnp.concatenate(parts, axis=-1)


def _ln_val(x2d, g, b, wv, bv):
    return pl.pallas_call(
        _ln_val_body,
        grid=(NCH,),
        in_specs=[
            pl.BlockSpec((CH, C), lambda i: (i, 0)),
            pl.BlockSpec((1, C), lambda i: (0, 0)),
            pl.BlockSpec((1, C), lambda i: (0, 0)),
            pl.BlockSpec((C, C), lambda i: (0, 0)),
            pl.BlockSpec((1, C), lambda i: (0, 0)),
        ],
        out_specs=[
            pl.BlockSpec((CH, C), lambda i: (i, 0)),
            pl.BlockSpec((CH, CV), lambda i: (i, 0)),
        ],
        out_shape=[
            jax.ShapeDtypeStruct((ROWS, C), jnp.float32),
            jax.ShapeDtypeStruct((ROWS, CV), jnp.bfloat16),
        ],
    )(x2d, g, b, wv, bv)



BAND = 16
NB = H // BAND


def _dwconv_body(q_ref, w_ref, bias_ref, g_ref, b_ref, o_ref, pad_ref):
    j = pl.program_id(1)

    @pl.when(j == 0)
    def _fill():
        pad_ref[...] = jnp.zeros((H + 6, W + 6, C), jnp.float32)
        pad_ref[pl.ds(3, H), pl.ds(3, W), :] = q_ref[0]

    acc = jnp.zeros((BAND, W, C), jnp.float32)
    for dx in range(7):
        sh = pad_ref[pl.ds(j * BAND, BAND + 6), pl.ds(dx, W), :]
        for dy in range(7):
            acc = acc + sh[dy:dy + BAND] * w_ref[dy, dx]
    y = _layernorm(acc + bias_ref[...], g_ref[...], b_ref[...])
    o_ref[0] = jax.nn.gelu(y).reshape(BAND * W, C)


def _dwconv(q4d, w3d, bias, g, b):
    return pl.pallas_call(
        _dwconv_body,
        grid=(B, NB),
        in_specs=[
            pl.BlockSpec((1, H, W, C), lambda i, j: (i, 0, 0, 0)),
            pl.BlockSpec((7, 7, C), lambda i, j: (0, 0, 0)),
            pl.BlockSpec((1, C), lambda i, j: (0, 0)),
            pl.BlockSpec((1, C), lambda i, j: (0, 0)),
            pl.BlockSpec((1, C), lambda i, j: (0, 0)),
        ],
        out_specs=pl.BlockSpec((1, BAND * W, C), lambda i, j: (i, j, 0)),
        out_shape=jax.ShapeDtypeStruct((B, LQ, C), jnp.float32),
        scratch_shapes=[pltpu.VMEM((H + 6, W + 6, C), jnp.float32)],
    )(q4d, w3d, bias, g, b)



def _prep_body(qc_ref, rp_ref, wox_ref, box_ref, woy_ref, boy_ref,
               wa_ref, ba_ref, idx_ref, w_ref):
    b = pl.program_id(0)
    qc = qc_ref[0]
    offx = jnp.dot(qc, wox_ref[...], preferred_element_type=jnp.float32) + box_ref[...]
    offy = jnp.dot(qc, woy_ref[...], preferred_element_type=jnp.float32) + boy_ref[...]
    z = jnp.dot(qc, wa_ref[...], preferred_element_type=jnp.float32) + ba_ref[...]
    e = jnp.exp(z)
    seg = (lax.broadcasted_iota(jnp.int32, (NH * NP, NH), 0) // NP ==
           lax.broadcasted_iota(jnp.int32, (NH * NP, NH), 1)).astype(jnp.float32)
    ssum = jnp.dot(e, seg, preferred_element_type=jnp.float32)
    sfull = jnp.dot(ssum, seg.T, preferred_element_type=jnp.float32)
    aw = e / sfull

    gxc, gyc, hrow = _col_consts()
    rpx = rp_ref[0][:, 0:1]
    rpy = rp_ref[0][:, 1:2]
    ximg = rpx * W + gxc + offx - 0.5
    yimg = rpy * H + gyc + offy - 0.5
    x0 = jnp.floor(ximg)
    y0 = jnp.floor(yimg)
    wx1 = ximg - x0
    wy1 = yimg - y0
    wx0 = 1.0 - wx1
    wy0 = 1.0 - wy1
    x1 = x0 + 1.0
    y1 = y0 + 1.0

    def cliphw(v, hi):
        return jnp.clip(v, 0.0, hi).astype(jnp.int32)

    vx0 = ((x0 >= 0) & (x0 < W)).astype(jnp.float32)
    vx1 = ((x1 >= 0) & (x1 < W)).astype(jnp.float32)
    vy0 = ((y0 >= 0) & (y0 < H)).astype(jnp.float32)
    vy1 = ((y1 >= 0) & (y1 < H)).astype(jnp.float32)
    x0c = cliphw(x0, W - 1)
    x1c = cliphw(x1, W - 1)
    y0c = cliphw(y0, H - 1)
    y1c = cliphw(y1, H - 1)

    base = b * (LQ * NH)
    corners = (
        (y0c, x0c, wy0 * wx0 * vy0 * vx0),
        (y0c, x1c, wy0 * wx1 * vy0 * vx1),
        (y1c, x0c, wy1 * wx0 * vy1 * vx0),
        (y1c, x1c, wy1 * wx1 * vy1 * vx1),
    )
    wcs = []
    for k, (yc, xc, wgt) in enumerate(corners):
        idx_ref[0, :, pl.ds(k * NH * NP, NH * NP)] = base + (yc * W + xc) * NH + hrow
        wcs.append(wgt * aw)
    zpad = jnp.zeros((CH, WPAD - 4 * NP), jnp.float32)
    for h in range(NH):
        wh = jnp.concatenate(
            [wc[:, h * NP:(h + 1) * NP] for wc in wcs] + [zpad], axis=-1)
        w_ref[0, :, pl.ds(h * WPAD, WPAD)] = wh


def _prep(qc3d, rp2, wox, box, woy, boy, wa, ba):
    return pl.pallas_call(
        _prep_body,
        grid=(B, LQ // CH),
        in_specs=[
            pl.BlockSpec((1, CH, C), lambda b, j: (b, j, 0)),
            pl.BlockSpec((1, CH, 2), lambda b, j: (b, j, 0)),
            pl.BlockSpec((C, NH * NP), lambda b, j: (0, 0)),
            pl.BlockSpec((1, NH * NP), lambda b, j: (0, 0)),
            pl.BlockSpec((C, NH * NP), lambda b, j: (0, 0)),
            pl.BlockSpec((1, NH * NP), lambda b, j: (0, 0)),
            pl.BlockSpec((C, NH * NP), lambda b, j: (0, 0)),
            pl.BlockSpec((1, NH * NP), lambda b, j: (0, 0)),
        ],
        out_specs=[
            pl.BlockSpec((1, CH, NS), lambda b, j: (b, j, 0)),
            pl.BlockSpec((1, CH, NSW), lambda b, j: (b, j, 0)),
        ],
        out_shape=[
            jax.ShapeDtypeStruct((B, LQ, NS), jnp.int32),
            jax.ShapeDtypeStruct((B, LQ, NSW), jnp.float32),
        ],
    )(qc3d, rp2, wox, box, woy, boy, wa, ba)



_NCORE = 2
_NSUB = 16
_NW = _NCORE * _NSUB
_PERW = ROWS // _NW
_G = 8
_NG = _PERW // _G


def _sc_deform_body(idx_hbm, w_hbm, table_hbm, out_hbm,
                    idx_v0, idx_v1, w_v0, w_v1, rows_v0, rows_v1, out_v,
                    isem0, isem1, wsem0, wsem1, gsem0, gsem1):
    wid = lax.axis_index("s") * _NCORE + lax.axis_index("c")
    idx_v = (idx_v0, idx_v1)
    w_v = (w_v0, w_v1)
    rows_v = (rows_v0, rows_v1)
    isem = (isem0, isem1)
    wsem = (wsem0, wsem1)
    gsem = (gsem0, gsem1)

    def idx_cp(g, b):
        s = wid * _PERW + g * _G
        return pltpu.make_async_copy(
            idx_hbm.at[pl.ds(s * NS, _G * NS)], idx_v[b], isem[b])

    def w_cp(g, b):
        s = wid * _PERW + g * _G
        return pltpu.make_async_copy(
            w_hbm.at[pl.ds(s * NSW, _G * NSW)], w_v[b], wsem[b])

    def gather_cp(b):
        return pltpu.make_async_copy(table_hbm.at[idx_v[b]], rows_v[b], gsem[b])

    def start_idxw(g, b, guard):
        if guard:
            @pl.when(g < _NG)
            def _():
                idx_cp(g, b).start()
                w_cp(g, b).start()
        else:
            idx_cp(g, b).start()
            w_cp(g, b).start()

    def compute(g, b):
        wv_ref = w_v[b]
        rv_ref = rows_v[b]

        def item_body(i, c2):
            def head_body(h, c3):
                acc_e = jnp.zeros((16,), jnp.float32)
                acc_o = jnp.zeros((16,), jnp.float32)
                wb = i * NSW + h * WPAD
                wv0 = wv_ref[pl.ds(wb, 16)]
                wv1 = wv_ref[pl.ds(wb + 16, 16)]
                wv2 = wv_ref[pl.ds(wb + 24, 16)]
                base = i * NS + h * NP
                for k in range(4):
                    for p in range(NP):
                        r = k * NP + p
                        e = base + k * (NH * NP) + p
                        if r % 2 == 1:
                            wspl = plsc.load_gather(
                                wv_ref, [jnp.full((16,), wb + r, jnp.int32)])
                        elif r < 16:
                            wspl = jnp.full((16,), wv0[r], jnp.float32)
                        elif r < 24:
                            wspl = jnp.full((16,), wv1[r - 16], jnp.float32)
                        else:
                            wspl = jnp.full((16,), wv2[r - 24], jnp.float32)
                        row = rv_ref[e, pl.ds(0, HPAD)]
                        ev, od = plsc.unpack(row, format=plsc.PackFormat.INTERLEAVED)
                        acc_e = acc_e + wspl * ev
                        acc_o = acc_o + wspl * od
                o = i * CV + h * HPAD
                out_v[pl.ds(o, 16)] = acc_e
                out_v[pl.ds(o + 16, 16)] = acc_o
                return c3

            return lax.fori_loop(0, NH, head_body, c2)

        lax.fori_loop(0, _G, item_body, 0)
        s = wid * _PERW + g * _G
        pltpu.sync_copy(out_v, out_hbm.at[pl.ds(s * CV, _G * CV)])

    start_idxw(0, 0, guard=False)
    idx_cp(0, 0).wait()
    w_cp(0, 0).wait()
    gather_cp(0).start()
    start_idxw(1, 1, guard=False)

    def pair_body(t, carry):
        g0 = 2 * t
        g1 = g0 + 1
        idx_cp(g1, 1).wait()
        w_cp(g1, 1).wait()
        gather_cp(1).start()
        gather_cp(0).wait()
        compute(g0, 0)
        start_idxw(g0 + 2, 0, guard=True)
        @pl.when(g1 + 1 < _NG)
        def _():
            idx_cp(g1 + 1, 0).wait()
            w_cp(g1 + 1, 0).wait()
            gather_cp(0).start()
        gather_cp(1).wait()
        compute(g1, 1)
        start_idxw(g1 + 2, 1, guard=True)
        return carry

    lax.fori_loop(0, _NG // 2, pair_body, 0)


@functools.lru_cache(maxsize=1)
def _sc_deform_kernel():
    return pl.kernel(
        _sc_deform_body,
        out_type=jax.ShapeDtypeStruct((ROWS * CV,), jnp.float32),
        mesh=plsc.VectorSubcoreMesh(
            core_axis_name="c", subcore_axis_name="s",
            num_cores=_NCORE, num_subcores=_NSUB),
        scratch_types=[
            pltpu.VMEM((_G * NS,), jnp.int32),
            pltpu.VMEM((_G * NS,), jnp.int32),
            pltpu.VMEM((_G * NSW,), jnp.float32),
            pltpu.VMEM((_G * NSW,), jnp.float32),
            pltpu.VMEM((_G * NS, HPAD), jnp.bfloat16),
            pltpu.VMEM((_G * NS, HPAD), jnp.bfloat16),
            pltpu.VMEM((_G * CV,), jnp.float32),
            pltpu.SemaphoreType.DMA,
            pltpu.SemaphoreType.DMA,
            pltpu.SemaphoreType.DMA,
            pltpu.SemaphoreType.DMA,
            pltpu.SemaphoreType.DMA,
            pltpu.SemaphoreType.DMA,
        ],
        compiler_params=pltpu.CompilerParams(
            use_tc_tiling_on_sc=False, needs_layout_passes=False),
    )


def _sc_sample(idx_flat, w_flat, table2d):
    return _sc_deform_kernel()(idx_flat, w_flat, table2d)



def _tail_body(attn_ref, x_ref, wo_ref, bo_ref, g_ref, b_ref,
               w1_ref, b1_ref, w2_ref, b2_ref, o_ref):
    a = jnp.dot(attn_ref[...], wo_ref[...], preferred_element_type=jnp.float32) + bo_ref[...]
    x2 = x_ref[...] + a
    t = _layernorm(x2, g_ref[...], b_ref[...])
    y = jax.nn.gelu(jnp.dot(t, w1_ref[...], preferred_element_type=jnp.float32) + b1_ref[...])
    y = jnp.dot(y, w2_ref[...], preferred_element_type=jnp.float32) + b2_ref[...]
    o_ref[...] = x2 + y


def _tail(attn2d, x2d, wo, bo, g, b, w1, b1, w2, b2):
    return pl.pallas_call(
        _tail_body,
        grid=(NCH,),
        in_specs=[
            pl.BlockSpec((CH, CV), lambda i: (i, 0)),
            pl.BlockSpec((CH, C), lambda i: (i, 0)),
            pl.BlockSpec((CV, C), lambda i: (0, 0)),
            pl.BlockSpec((1, C), lambda i: (0, 0)),
            pl.BlockSpec((1, C), lambda i: (0, 0)),
            pl.BlockSpec((1, C), lambda i: (0, 0)),
            pl.BlockSpec((C, HID), lambda i: (0, 0)),
            pl.BlockSpec((1, HID), lambda i: (0, 0)),
            pl.BlockSpec((HID, C), lambda i: (0, 0)),
            pl.BlockSpec((1, C), lambda i: (0, 0)),
        ],
        out_specs=pl.BlockSpec((CH, C), lambda i: (i, 0)),
        out_shape=jax.ShapeDtypeStruct((ROWS, C), jnp.float32),
    )(attn2d, x2d, wo, bo, g, b, w1, b1, w2, b2)


def kernel(x, reference_points, dw_w, dw_b, ln_dw_g, ln_dw_b, W_off, b_off,
           W_attn, b_attn, W_val, b_val, W_out, b_out, norm1_g, norm1_b,
           norm2_g, norm2_b, W_fc1, b_fc1, W_fc2, b_fc2):
    x2d = x.reshape(ROWS, C)
    q2d, val_bf = _ln_val(x2d, norm1_g.reshape(1, C), norm1_b.reshape(1, C),
                          W_val, b_val.reshape(1, C))

    qc3d = _dwconv(q2d.reshape(B, H, W, C), dw_w.reshape(7, 7, C),
                   dw_b.reshape(1, C), ln_dw_g.reshape(1, C), ln_dw_b.reshape(1, C))

    idx, wgt = _prep(
        qc3d, reference_points[:, :, 0, :],
        W_off[:, 0::2], b_off[0::2].reshape(1, NH * NP),
        W_off[:, 1::2], b_off[1::2].reshape(1, NH * NP),
        W_attn, b_attn.reshape(1, NH * NP),
    )

    attn_flat = _sc_sample(idx.reshape(-1), wgt.reshape(-1),
                           val_bf.reshape(ROWS * NH, HPAD))

    ci = np.arange(C)
    dst = (ci // HC) * HPAD + (ci % HC % 2) * 16 + (ci % HC) // 2
    W_out_p = jnp.zeros((CV, C), W_out.dtype).at[dst].set(W_out)

    out2d = _tail(attn_flat.reshape(ROWS, CV), x2d,
                  W_out_p, b_out.reshape(1, C), norm2_g.reshape(1, C),
                  norm2_b.reshape(1, C), W_fc1, b_fc1.reshape(1, HID),
                  W_fc2, b_fc2.reshape(1, C))
    return out2d.reshape(B, LQ, C)

# --- scband reference (transcript-rebuilt; emitter-appended) ---
"""Pipeline reference for scband-dcnv3-block-53446573032066 (READ-ONLY COPY).

The authoritative reference and input builder live on the scoring server;
editing this copy changes nothing except your own understanding.
"""

import jax, jax.numpy as jnp
import numpy as np

B, H, W = 2, 96, 96
C = 192
NH = 8
NL = 1
NP = 9
HC = C // NH
HID = C * 4
SCALER = 1.0

def _layernorm(x, g, b, eps=1e-5):
    m = jnp.mean(x, axis=-1, keepdims=True)
    v = jnp.var(x, axis=-1, keepdims=True)
    return (x - m) / jnp.sqrt(v + eps) * g + b

def _make_grid():
    lin = np.linspace(-1.0, 1.0, 3, dtype=np.float32)
    gy, gx = np.meshgrid(lin, lin, indexing='ij')
    return jnp.asarray(np.stack([gx, gy], axis=-1).reshape(1, 1, 1, 1, NP, 2))

def _dw_conv(q, dw_w, dw_b, g, b):
    x = q.reshape(B, H, W, C)
    y = jax.lax.conv_general_dilated(x, dw_w, (1, 1), 'SAME', dimension_numbers=('NHWC', 'HWIO', 'NHWC'), feature_group_count=C)
    y = _layernorm(y + dw_b, g, b)
    y = jax.nn.gelu(y)
    return y.reshape(B, H * W, C)

def _ms_deform(value, loc, attw):
    x = loc[..., 0] * W - 0.5
    y = loc[..., 1] * H - 0.5
    x0 = jnp.floor(x)
    y0 = jnp.floor(y)
    wx1 = x - x0
    wy1 = y - y0
    bi = jnp.arange(B)[:, None, None, None]
    hi = jnp.arange(NH)[None, None, :, None]
    def samp(yi, xi):
        valid = (yi >= 0) & (yi < H) & (xi >= 0) & (xi < W)
        yc = jnp.clip(yi, 0, H - 1).astype(jnp.int32)
        xc = jnp.clip(xi, 0, W - 1).astype(jnp.int32)
        g = value[bi, yc * W + xc, hi]
        return g * valid[..., None].astype(value.dtype)
    s = samp(y0, x0) * ((1 - wy1) * (1 - wx1))[..., None]
    s = s + samp(y0, x0 + 1) * ((1 - wy1) * wx1)[..., None]
    s = s + samp(y0 + 1, x0) * (wy1 * (1 - wx1))[..., None]
    s = s + samp(y0 + 1, x0 + 1) * (wy1 * wx1)[..., None]
    out = jnp.sum(s * attw[..., None], axis=3)
    return out.reshape(B, H * W, C)

def _forward(x, reference_points, dw_w, dw_b, ln_dw_g, ln_dw_b, W_off, b_off, W_attn, b_attn, W_val, b_val, W_out, b_out, norm1_g, norm1_b, norm2_g, norm2_b, W_fc1, b_fc1, W_fc2, b_fc2):
    grid = _make_grid()
    q = _layernorm(x, norm1_g, norm1_b)
    qc = _dw_conv(q, dw_w, dw_b, ln_dw_g, ln_dw_b)
    off = (qc @ W_off + b_off).reshape(B, H * W, NH, NL, NP, 2)
    aw = (qc @ W_attn + b_attn).reshape(B, H * W, NH, NL * NP)
    aw = jax.nn.softmax(aw, axis=-1).reshape(B, H * W, NH, NL, NP)
    normalizer = jnp.asarray([W, H], jnp.float32)
    loc = reference_points[:, :, None, :, None, :] + (grid + off * SCALER) / normalizer
    value = (q @ W_val + b_val).reshape(B, H * W, NH, HC)
    attn = _ms_deform(value, loc[:, :, :, 0], aw[:, :, :, 0])
    attn = attn @ W_out + b_out
    x = x + attn
    y = _layernorm(x, norm2_g, norm2_b)
    y = jax.nn.gelu(y @ W_fc1 + b_fc1) @ W_fc2 + b_fc2
    return x + y

def setup_inputs(seed: int = 0):
    key = jax.random.key(seed)
    ks = jax.random.split(key, 12)
    Lq = H * W
    d = {}
    d['x'] = jax.random.normal(ks[0], (B, Lq, C), dtype=jnp.float32)
    d['reference_points'] = jax.random.uniform(ks[1], (B, Lq, NL, 2), dtype=jnp.float32)
    d['dw_w'] = jax.random.normal(ks[2], (7, 7, 1, C), dtype=jnp.float32) * 0.02
    d['dw_b'] = jnp.zeros((C,), jnp.float32)
    d['ln_dw_g'] = jnp.ones((C,), jnp.float32)
    d['ln_dw_b'] = jnp.zeros((C,), jnp.float32)
    d['W_off'] = jax.random.normal(ks[3], (C, NH * NL * NP * 2), dtype=jnp.float32) * 0.01
    d['b_off'] = jnp.zeros((NH * NL * NP * 2,), jnp.float32)
    d['W_attn'] = jax.random.normal(ks[4], (C, NH * NL * NP), dtype=jnp.float32) * 0.01
    d['b_attn'] = jnp.zeros((NH * NL * NP,), jnp.float32)
    d['W_val'] = jax.random.normal(ks[5], (C, C), dtype=jnp.float32) * (C ** -0.5)
    d['b_val'] = jnp.zeros((C,), jnp.float32)
    d['W_out'] = jax.random.normal(ks[6], (C, C), dtype=jnp.float32) * (C ** -0.5)
    d['b_out'] = jnp.zeros((C,), jnp.float32)
    d['norm1_g'] = jnp.ones((C,), jnp.float32)
    d['norm1_b'] = jnp.zeros((C,), jnp.float32)
    d['norm2_g'] = jnp.ones((C,), jnp.float32)
    d['norm2_b'] = jnp.zeros((C,), jnp.float32)
    d['W_fc1'] = jax.random.normal(ks[7], (C, HID), dtype=jnp.float32) * (C ** -0.5)
    d['b_fc1'] = jnp.zeros((HID,), jnp.float32)
    d['W_fc2'] = jax.random.normal(ks[8], (HID, C), dtype=jnp.float32) * (HID ** -0.5)
    d['b_fc2'] = jnp.zeros((C,), jnp.float32)
    return d

def reference(x, reference_points, dw_w, dw_b, ln_dw_g, ln_dw_b, W_off, b_off, W_attn, b_attn, W_val, b_val, W_out, b_out, norm1_g, norm1_b, norm2_g, norm2_b, W_fc1, b_fc1, W_fc2, b_fc2):
    return _forward(x, reference_points, dw_w, dw_b, ln_dw_g, ln_dw_b, W_off, b_off, W_attn, b_attn, W_val, b_val, W_out, b_out, norm1_g, norm1_b, norm2_g, norm2_b, W_fc1, b_fc1, W_fc2, b_fc2)

if __name__ == "__main__":
    import jax
    _d = setup_inputs()
    print(jax.jit(kernel)(*tuple(_d.values())))

</pallas_src>

<mosaic_0001>
#map = affine_map<(d0, d1) -> (0)>
#map1 = affine_map<(d0, d1) -> (0, 0)>
module attributes {stable_mosaic.version = 14 : i64} {
  func.func @_sc_deform_body(%arg0: i32, %arg1: i32, %arg2: memref<5308416xi32, #tpu.memory_space<hbm>>, %arg3: memref<5898240xf32, #tpu.memory_space<hbm>>, %arg4: memref<147456x32xbf16, #tpu.memory_space<hbm>>, %arg5: memref<4718592xf32, #tpu.memory_space<hbm>>, %arg6: memref<2304xi32, #tpu.memory_space<vmem>>, %arg7: memref<2304xi32, #tpu.memory_space<vmem>>, %arg8: memref<2560xf32, #tpu.memory_space<vmem>>, %arg9: memref<2560xf32, #tpu.memory_space<vmem>>, %arg10: memref<2304x32xbf16, #tpu.memory_space<vmem>>, %arg11: memref<2304x32xbf16, #tpu.memory_space<vmem>>, %arg12: memref<2048xf32, #tpu.memory_space<vmem>>, %arg13: memref<!tpu.dma_semaphore, #tpu.memory_space<semaphore_mem>>, %arg14: memref<!tpu.dma_semaphore, #tpu.memory_space<semaphore_mem>>, %arg15: memref<!tpu.dma_semaphore, #tpu.memory_space<semaphore_mem>>, %arg16: memref<!tpu.dma_semaphore, #tpu.memory_space<semaphore_mem>>, %arg17: memref<!tpu.dma_semaphore, #tpu.memory_space<semaphore_mem>>, %arg18: memref<!tpu.dma_semaphore, #tpu.memory_space<semaphore_mem>>) attributes {dimension_semantics = [#tpu.dimension_semantics<core_parallel>, #tpu.dimension_semantics<subcore_parallel>], iteration_bounds = array<i64: 2, 16>, scalar_prefetch = 0 : i64, scratch_operands = 13 : i64, tpu.core_type = #tpu.core_type<sc_vector_subcore>, window_params = [{transform_indices = #map}, {transform_indices = #map}, {transform_indices = #map1}, {transform_indices = #map}]} {
    %mul3A = arith.constant 2 : i32
    %mul3A_0 = arith.muli %arg1, %mul3A : i32
    %add3A = arith.addi %mul3A_0, %arg0 : i32
    %mul3A_1 = arith.constant 576 : i32
    %mul3A_2 = arith.muli %add3A, %mul3A_1 : i32
    %add3A_3 = arith.constant 0 : i32
    %add3A_4 = arith.addi %mul3A_2, %add3A_3 : i32
    %mul3A_5 = arith.constant 288 : i32
    %mul3A_6 = arith.muli %add3A_4, %mul3A_5 : i32
    %dma_start3A = tpu.memref_slice %arg2[%mul3A_6] : memref<5308416xi32, #tpu.memory_space<hbm>> -> memref<2304xi32, #tpu.memory_space<hbm>>
    %dma_start3A_7 = tpu.memref_slice %arg2[%mul3A_6] : memref<5308416xi32, #tpu.memory_space<hbm>> -> memref<2304xi32, #tpu.memory_space<hbm>>
    tpu.enqueue_dma source(%dma_start3A_7 : memref<2304xi32, #tpu.memory_space<hbm>>) target(%arg6 : memref<2304xi32, #tpu.memory_space<vmem>>) target_semaphore(%arg13 : memref<!tpu.dma_semaphore, #tpu.memory_space<semaphore_mem>>)
    %mul3A_8 = arith.constant 576 : i32
    %mul3A_9 = arith.muli %add3A, %mul3A_8 : i32
    %add3A_10 = arith.constant 0 : i32
    %add3A_11 = arith.addi %mul3A_9, %add3A_10 : i32
    %mul3A_12 = arith.constant 320 : i32
    %mul3A_13 = arith.muli %add3A_11, %mul3A_12 : i32
    %dma_start3A_14 = tpu.memref_slice %arg3[%mul3A_13] : memref<5898240xf32, #tpu.memory_space<hbm>> -> memref<2560xf32, #tpu.memory_space<hbm>>
    %dma_start3A_15 = tpu.memref_slice %arg3[%mul3A_13] : memref<5898240xf32, #tpu.memory_space<hbm>> -> memref<2560xf32, #tpu.memory_space<hbm>>
    tpu.enqueue_dma source(%dma_start3A_15 : memref<2560xf32, #tpu.memory_space<hbm>>) target(%arg8 : memref<2560xf32, #tpu.memory_space<vmem>>) target_semaphore(%arg15 : memref<!tpu.dma_semaphore, #tpu.memory_space<semaphore_mem>>)
    %mul3A_16 = arith.constant 576 : i32
    %mul3A_17 = arith.muli %add3A, %mul3A_16 : i32
    %add3A_18 = arith.constant 0 : i32
    %add3A_19 = arith.addi %mul3A_17, %add3A_18 : i32
    %mul3A_20 = arith.constant 288 : i32
    %mul3A_21 = arith.muli %add3A_19, %mul3A_20 : i32
    %dma_wait3A = tpu.memref_slice %arg2[%mul3A_21] : memref<5308416xi32, #tpu.memory_space<hbm>> -> memref<2304xi32, #tpu.memory_space<hbm>>
    %dma_wait3A_22 = tpu.memref_slice %arg2[%mul3A_21] : memref<5308416xi32, #tpu.memory_space<hbm>> -> memref<2304xi32, #tpu.memory_space<hbm>>
    tpu.wait_dma2 semaphore(%arg13 : memref<!tpu.dma_semaphore, #tpu.memory_space<semaphore_mem>>) src(%dma_wait3A_22 : memref<2304xi32, #tpu.memory_space<hbm>>) dst(%arg6 : memref<2304xi32, #tpu.memory_space<vmem>>)
    %mul3A_23 = arith.constant 576 : i32
    %mul3A_24 = arith.muli %add3A, %mul3A_23 : i32
    %add3A_25 = arith.constant 0 : i32
    %add3A_26 = arith.addi %mul3A_24, %add3A_25 : i32
    %mul3A_27 = arith.constant 320 : i32
    %mul3A_28 = arith.muli %add3A_26, %mul3A_27 : i32
    %dma_wait3A_29 = tpu.memref_slice %arg3[%mul3A_28] : memref<5898240xf32, #tpu.memory_space<hbm>> -> memref<2560xf32, #tpu.memory_space<hbm>>
    %dma_wait3A_30 = tpu.memref_slice %arg3[%mul3A_28] : memref<5898240xf32, #tpu.memory_space<hbm>> -> memref<2560xf32, #tpu.memory_space<hbm>>
    tpu.wait_dma2 semaphore(%arg15 : memref<!tpu.dma_semaphore, #tpu.memory_space<semaphore_mem>>) src(%dma_wait3A_30 : memref<2560xf32, #tpu.memory_space<hbm>>) dst(%arg8 : memref<2560xf32, #tpu.memory_space<vmem>>)
    %dma_start3A_31 = arith.constant 0 : i32
    %dma_start3A_32 = arith.constant 0 : i32
    %dma_start3A_33 = tpu.memref_slice %arg4[%dma_start3A_31, %dma_start3A_32] : memref<147456x32xbf16, #tpu.memory_space<hbm>> -> memref<147456x32xbf16, #tpu.memory_space<hbm>>
    tpu.enqueue_indirect_dma source(%dma_start3A_33 : memref<147456x32xbf16, #tpu.memory_space<hbm>>) target(%arg10 : memref<2304x32xbf16, #tpu.memory_space<vmem>>) offsets(%arg6 : memref<2304xi32, #tpu.memory_space<vmem>>) semaphore(%arg17 : memref<!tpu.dma_semaphore, #tpu.memory_space<semaphore_mem>>)
    %mul3A_34 = arith.constant 576 : i32
    %mul3A_35 = arith.muli %add3A, %mul3A_34 : i32
    %add3A_36 = arith.constant 8 : i32
    %add3A_37 = arith.addi %mul3A_35, %add3A_36 : i32
    %mul3A_38 = arith.constant 288 : i32
    %mul3A_39 = arith.muli %add3A_37, %mul3A_38 : i32
    %dma_start3A_40 = tpu.memref_slice %arg2[%mul3A_39] : memref<5308416xi32, #tpu.memory_space<hbm>> -> memref<2304xi32, #tpu.memory_space<hbm>>
    %dma_start3A_41 = tpu.memref_slice %arg2[%mul3A_39] : memref<5308416xi32, #tpu.memory_space<hbm>> -> memref<2304xi32, #tpu.memory_space<hbm>>
    tpu.enqueue_dma source(%dma_start3A_41 : memref<2304xi32, #tpu.memory_space<hbm>>) target(%arg7 : memref<2304xi32, #tpu.memory_space<vmem>>) target_semaphore(%arg14 : memref<!tpu.dma_semaphore, #tpu.memory_space<semaphore_mem>>)
    %mul3A_42 = arith.constant 576 : i32
    %mul3A_43 = arith.muli %add3A, %mul3A_42 : i32
    %add3A_44 = arith.constant 8 : i32
    %add3A_45 = arith.addi %mul3A_43, %add3A_44 : i32
    %mul3A_46 = arith.constant 320 : i32
    %mul3A_47 = arith.muli %add3A_45, %mul3A_46 : i32
    %dma_start3A_48 = tpu.memref_slice %arg3[%mul3A_47] : memref<5898240xf32, #tpu.memory_space<hbm>> -> memref<2560xf32, #tpu.memory_space<hbm>>
    %dma_start3A_49 = tpu.memref_slice %arg3[%mul3A_47] : memref<5898240xf32, #tpu.memory_space<hbm>> -> memref<2560xf32, #tpu.memory_space<hbm>>
    tpu.enqueue_dma source(%dma_start3A_49 : memref<2560xf32, #tpu.memory_space<hbm>>) target(%arg9 : memref<2560xf32, #tpu.memory_space<vmem>>) target_semaphore(%arg16 : memref<!tpu.dma_semaphore, #tpu.memory_space<semaphore_mem>>)
    %scan3A = arith.constant 0 : i32
    %scan3A_50 = arith.constant 0 : i32
    %scan3A_51 = arith.constant 36 : i32
    %scan3A_52 = arith.addi %scan3A_50, %scan3A_51 : i32
    %scan3A_53 = arith.constant 1 : i32
    scf.for %scan3A_55 = %scan3A_50 to %scan3A_52 step %scan3A_53  : i32 {
      %mul3A_56 = arith.constant 2 : i32
      %mul3A_57 = arith.muli %mul3A_56, %scan3A_55 : i32
      %add3A_58 = arith.constant 1 : i32
      %add3A_59 = arith.addi %mul3A_57, %add3A_58 : i32
      %mul3A_60 = arith.constant 576 : i32
      %mul3A_61 = arith.muli %add3A, %mul3A_60 : i32
      %mul3A_62 = arith.constant 8 : i32
      %mul3A_63 = arith.muli %add3A_59, %mul3A_62 : i32
      %add3A_64 = arith.addi %mul3A_61, %mul3A_63 : i32
      %mul3A_65 = arith.constant 288 : i32
      %mul3A_66 = arith.muli %add3A_64, %mul3A_65 : i32
      %dma_wait3A_67 = tpu.memref_slice %arg2[%mul3A_66] : memref<5308416xi32, #tpu.memory_space<hbm>> -> memref<2304xi32, #tpu.memory_space<hbm>>
      %dma_wait3A_68 = tpu.memref_slice %arg2[%mul3A_66] : memref<5308416xi32, #tpu.memory_space<hbm>> -> memref<2304xi32, #tpu.memory_space<hbm>>
      tpu.wait_dma2 semaphore(%arg14 : memref<!tpu.dma_semaphore, #tpu.memory_space<semaphore_mem>>) src(%dma_wait3A_68 : memref<2304xi32, #tpu.memory_space<hbm>>) dst(%arg7 : memref<2304xi32, #tpu.memory_space<vmem>>)
      %mul3A_69 = arith.constant 576 : i32
      %mul3A_70 = arith.muli %add3A, %mul3A_69 : i32
      %mul3A_71 = arith.constant 8 : i32
      %mul3A_72 = arith.muli %add3A_59, %mul3A_71 : i32
      %add3A_73 = arith.addi %mul3A_70, %mul3A_72 : i32
      %mul3A_74 = arith.constant 320 : i32
      %mul3A_75 = arith.muli %add3A_73, %mul3A_74 : i32
      %dma_wait3A_76 = tpu.memref_slice %arg3[%mul3A_75] : memref<5898240xf32, #tpu.memory_space<hbm>> -> memref<2560xf32, #tpu.memory_space<hbm>>
      %dma_wait3A_77 = tpu.memref_slice %arg3[%mul3A_75] : memref<5898240xf32, #tpu.memory_space<hbm>> -> memref<2560xf32, #tpu.memory_space<hbm>>
      tpu.wait_dma2 semaphore(%arg16 : memref<!tpu.dma_semaphore, #tpu.memory_space<semaphore_mem>>) src(%dma_wait3A_77 : memref<2560xf32, #tpu.memory_space<hbm>>) dst(%arg9 : memref<2560xf32, #tpu.memory_space<vmem>>)
      %dma_start3A_78 = arith.constant 0 : i32
      %dma_start3A_79 = arith.constant 0 : i32
      %dma_start3A_80 = tpu.memref_slice %arg4[%dma_start3A_78, %dma_start3A_79] : memref<147456x32xbf16, #tpu.memory_space<hbm>> -> memref<147456x32xbf16, #tpu.memory_space<hbm>>
      tpu.enqueue_indirect_dma source(%dma_start3A_80 : memref<147456x32xbf16, #tpu.memory_space<hbm>>) target(%arg11 : memref<2304x32xbf16, #tpu.memory_space<vmem>>) offsets(%arg7 : memref<2304xi32, #tpu.memory_space<vmem>>) semaphore(%arg18 : memref<!tpu.dma_semaphore, #tpu.memory_space<semaphore_mem>>)
      %dma_wait3A_81 = arith.constant 0 : i32
      %dma_wait3A_82 = arith.constant 0 : i32
      %dma_wait3A_83 = tpu.memref_slice %arg4[%dma_wait3A_81, %dma_wait3A_82] : memref<147456x32xbf16, #tpu.memory_space<hbm>> -> memref<147456x32xbf16, #tpu.memory_space<hbm>>
      tpu.wait_indirect_dma semaphore(%arg17 : memref<!tpu.dma_semaphore, #tpu.memory_space<semaphore_mem>>) src(%dma_wait3A_83 : memref<147456x32xbf16, #tpu.memory_space<hbm>>) dst(%arg10 : memref<2304x32xbf16, #tpu.memory_space<vmem>>)
      %scan3A_84 = arith.constant 0 : i32
      %scan3A_85 = arith.constant 0 : i32
      %scan3A_86 = arith.constant 8 : i32
      %scan3A_87 = arith.addi %scan3A_85, %scan3A_86 : i32
      %scan3A_88 = arith.constant 1 : i32
      scf.for %scan3A_131 = %scan3A_85 to %scan3A_87 step %scan3A_88  : i32 {
        %scan3A_132 = arith.constant 0 : i32
        %scan3A_133 = arith.constant 8 : i32
        %scan3A_134 = arith.addi %scan3A_132, %scan3A_133 : i32
        %scan3A_135 = arith.constant 1 : i32
        scf.for %scan3A_137 = %scan3A_132 to %scan3A_134 step %scan3A_135  : i32 {
          %broadcast_in_dim3A = arith.constant 0.000000e+00 : f32
          %broadcast_in_dim3A_138 = vector.broadcast %broadcast_in_dim3A : f32 to vector<16xf32>
          %broadcast_in_dim3A_139 = arith.constant 0.000000e+00 : f32
          %broadcast_in_dim3A_140 = vector.broadcast %broadcast_in_dim3A_139 : f32 to vector<16xf32>
          %mul3A_141 = arith.constant 320 : i32
          %mul3A_142 = arith.muli %scan3A_131, %mul3A_141 : i32
          %mul3A_143 = arith.constant 40 : i32
          %mul3A_144 = arith.muli %scan3A_137, %mul3A_143 : i32
          %add3A_145 = arith.addi %mul3A_142, %mul3A_144 : i32
          %get3A = arith.index_cast %add3A_145 : i32 to index
          %get3A_146 = tpu.vector_load %arg8[%get3A] {strides = array<i32>} : memref<2560xf32, #tpu.memory_space<vmem>>, vector<16xf32>,
          %add3A_147 = arith.constant 16 : i32
          %add3A_148 = arith.addi %add3A_145, %add3A_147 : i32
          %get3A_149 = arith.index_cast %add3A_148 : i32 to index
          %get3A_150 = tpu.vector_load %arg8[%get3A_149] {strides = array<i32>} : memref<2560xf32, #tpu.memory_space<vmem>>, vector<16xf32>,
          %add3A_151 = arith.constant 24 : i32
          %add3A_152 = arith.addi %add3A_145, %add3A_151 : i32
          %get3A_153 = arith.index_cast %add3A_152 : i32 to index
          %get3A_154 = tpu.vector_load %arg8[%get3A_153] {strides = array<i32>} : memref<2560xf32, #tpu.memory_space<vmem>>, vector<16xf32>,
          %mul3A_155 = arith.constant 288 : i32
          %mul3A_156 = arith.muli %scan3A_131, %mul3A_155 : i32
          %mul3A_157 = arith.constant 9 : i32
          %mul3A_158 = arith.muli %scan3A_137, %mul3A_157 : i32
          %add3A_159 = arith.addi %mul3A_156, %mul3A_158 : i32
          %add3A_160 = arith.constant 0 : i32
          %add3A_161 = arith.addi %add3A_159, %add3A_160 : i32
          %add3A_162 = arith.constant 0 : i32
          %add3A_163 = arith.addi %add3A_161, %add3A_162 : i32
          %slice3A = vector.extract_strided_slice %get3A_146 {offsets = [0], sizes = [1], strides = [1]} : vector<16xf32> to vector<1xf32>
          %squeeze3A = vector.extract %slice3A[0] : f32 from vector<1xf32>
          %broadcast_in_dim3A_164 = vector.broadcast %squeeze3A : f32 to vector<16xf32>
          %get3A_165 = arith.index_cast %add3A_163 : i32 to index
          %get3A_166 = arith.constant 0 : index
          %get3A_167 = tpu.vector_load %arg10[%get3A_165, %get3A_166] {strides = array<i32>} : memref<2304x32xbf16, #tpu.memory_space<vmem>>, vector<32xbf16>,
          %unpack3A = tpu.unpack_subelements %get3A_167, 0 {pack_format = #tpu.pack_format<interleaved>} : vector<32xbf16> -> vector<16xf32>
          %unpack3A_168 = tpu.unpack_subelements %get3A_167, 1 {pack_format = #tpu.pack_format<interleaved>} : vector<32xbf16> -> vector<16xf32>
          %mul3A_169 = arith.mulf %broadcast_in_dim3A_164, %unpack3A : vector<16xf32>
          %add3A_170 = arith.addf %broadcast_in_dim3A_138, %mul3A_169 : vector<16xf32>
          %mul3A_171 = arith.mulf %broadcast_in_dim3A_164, %unpack3A_168 : vector<16xf32>
          %add3A_172 = arith.addf %broadcast_in_dim3A_140, %mul3A_171 : vector<16xf32>
          %add3A_173 = arith.constant 0 : i32
          %add3A_174 = arith.addi %add3A_159, %add3A_173 : i32
          %add3A_175 = arith.constant 1 : i32
          %add3A_176 = arith.addi %add3A_174, %add3A_175 : i32
          %add3A_177 = arith.constant 1 : i32
          %add3A_178 = arith.addi %add3A_145, %add3A_177 : i32
          %broadcast_in_dim3A_179 = vector.broadcast %add3A_178 : i32 to vector<16xi32>
          %gather3A = tpu.vector_load_idx %arg8[%broadcast_in_dim3A_179] : memref<2560xf32, #tpu.memory_space<vmem>>[vector<16xi32>], vector<16xf32>,
          %get3A_180 = arith.index_cast %add3A_176 : i32 to index
          %get3A_181 = arith.constant 0 : index
          %get3A_182 = tpu.vector_load %arg10[%get3A_180, %get3A_181] {strides = array<i32>} : memref<2304x32xbf16, #tpu.memory_space<vmem>>, vector<32xbf16>,
          %unpack3A_183 = tpu.unpack_subelements %get3A_182, 0 {pack_format = #tpu.pack_format<interleaved>} : vector<32xbf16> -> vector<16xf32>
          %unpack3A_184 = tpu.unpack_subelements %get3A_182, 1 {pack_format = #tpu.pack_format<interleaved>} : vector<32xbf16> -> vector<16xf32>
          %mul3A_185 = arith.mulf %gather3A, %unpack3A_183 : vector<16xf32>
          %add3A_186 = arith.addf %add3A_170, %mul3A_185 : vector<16xf32>
          %mul3A_187 = arith.mulf %gather3A, %unpack3A_184 : vector<16xf32>
          %add3A_188 = arith.addf %add3A_172, %mul3A_187 : vector<16xf32>
          %add3A_189 = arith.constant 0 : i32
          %add3A_190 = arith.addi %add3A_159, %add3A_189 : i32
          %add3A_191 = arith.constant 2 : i32
          %add3A_192 = arith.addi %add3A_190, %add3A_191 : i32
          %slice3A_193 = vector.extract_strided_slice %get3A_146 {offsets = [2], sizes = [1], strides = [1]} : vector<16xf32> to vector<1xf32>
          %squeeze3A_194 = vector.extract %slice3A_193[0] : f32 from vector<1xf32>
          %broadcast_in_dim3A_195 = vector.broadcast %squeeze3A_194 : f32 to vector<16xf32>
          %get3A_196 = arith.index_cast %add3A_192 : i32 to index
          %get3A_197 = arith.constant 0 : index
          %get3A_198 = tpu.vector_load %arg10[%get3A_196, %get3A_197] {strides = array<i32>} : memref<2304x32xbf16, #tpu.memory_space<vmem>>, vector<32xbf16>,
          %unpack3A_199 = tpu.unpack_subelements %get3A_198, 0 {pack_format = #tpu.pack_format<interleaved>} : vector<32xbf16> -> vector<16xf32>
          %unpack3A_200 = tpu.unpack_subelements %get3A_198, 1 {pack_format = #tpu.pack_format<interleaved>} : vector<32xbf16> -> vector<16xf32>
          %mul3A_201 = arith.mulf %broadcast_in_dim3A_195, %unpack3A_199 : vector<16xf32>
          %add3A_202 = arith.addf %add3A_186, %mul3A_201 : vector<16xf32>
          %mul3A_203 = arith.mulf %broadcast_in_dim3A_195, %unpack3A_200 : vector<16xf32>
          %add3A_204 = arith.addf %add3A_188, %mul3A_203 : vector<16xf32>
          %add3A_205 = arith.constant 0 : i32
          %add3A_206 = arith.addi %add3A_159, %add3A_205 : i32
          %add3A_207 = arith.constant 3 : i32
          %add3A_208 = arith.addi %add3A_206, %add3A_207 : i32
          %add3A_209 = arith.constant 3 : i32
          %add3A_210 = arith.addi %add3A_145, %add3A_209 : i32
          %broadcast_in_dim3A_211 = vector.broadcast %add3A_210 : i32 to vector<16xi32>
          %gather3A_212 = tpu.vector_load_idx %arg8[%broadcast_in_dim3A_211] : memref<2560xf32, #tpu.memory_space<vmem>>[vector<16xi32>], vector<16xf32>,
          %get3A_213 = arith.index_cast %add3A_208 : i32 to index
          %get3A_214 = arith.constant 0 : index
          %get3A_215 = tpu.vector_load %arg10[%get3A_213, %get3A_214] {strides = array<i32>} : memref<2304x32xbf16, #tpu.memory_space<vmem>>, vector<32xbf16>,
          %unpack3A_216 = tpu.unpack_subelements %get3A_215, 0 {pack_format = #tpu.pack_format<interleaved>} : vector<32xbf16> -> vector<16xf32>
          %unpack3A_217 = tpu.unpack_subelements %get3A_215, 1 {pack_format = #tpu.pack_format<interleaved>} : vector<32xbf16> -> vector<16xf32>
          %mul3A_218 = arith.mulf %gather3A_212, %unpack3A_216 : vector<16xf32>
          %add3A_219 = arith.addf %add3A_202, %mul3A_218 : vector<16xf32>
          %mul3A_220 = arith.mulf %gather3A_212, %unpack3A_217 : vector<16xf32>
          %add3A_221 = arith.addf %add3A_204, %mul3A_220 : vector<16xf32>
          %add3A_222 = arith.constant 0 : i32
          %add3A_223 = arith.addi %add3A_159, %add3A_222 : i32
          %add3A_224 = arith.constant 4 : i32
          %add3A_225 = arith.addi %add3A_223, %add3A_224 : i32
          %slice3A_226 = vector.extract_strided_slice %get3A_146 {offsets = [4], sizes = [1], strides = [1]} : vector<16xf32> to vector<1xf32>
          %squeeze3A_227 = vector.extract %slice3A_226[0] : f32 from vector<1xf32>
          %broadcast_in_dim3A_228 = vector.broadcast %squeeze3A_227 : f32 to vector<16xf32>
          %get3A_229 = arith.index_cast %add3A_225 : i32 to index
          %get3A_230 = arith.constant 0 : index
          %get3A_231 = tpu.vector_load %arg10[%get3A_229, %get3A_230] {strides = array<i32>} : memref<2304x32xbf16, #tpu.memory_space<vmem>>, vector<32xbf16>,
          %unpack3A_232 = tpu.unpack_subelements %get3A_231, 0 {pack_format = #tpu.pack_format<interleaved>} : vector<32xbf16> -> vector<16xf32>
          %unpack3A_233 = tpu.unpack_subelements %get3A_231, 1 {pack_format = #tpu.pack_format<interleaved>} : vector<32xbf16> -> vector<16xf32>
          %mul3A_234 = arith.mulf %broadcast_in_dim3A_228, %unpack3A_232 : vector<16xf32>
          %add3A_235 = arith.addf %add3A_219, %mul3A_234 : vector<16xf32>
          %mul3A_236 = arith.mulf %broadcast_in_dim3A_228, %unpack3A_233 : vector<16xf32>
          %add3A_237 = arith.addf %add3A_221, %mul3A_236 : vector<16xf32>
          %add3A_238 = arith.constant 0 : i32
          %add3A_239 = arith.addi %add3A_159, %add3A_238 : i32
          %add3A_240 = arith.constant 5 : i32
          %add3A_241 = arith.addi %add3A_239, %add3A_240 : i32
          %add3A_242 = arith.constant 5 : i32
          %add3A_243 = arith.addi %add3A_145, %add3A_242 : i32
          %broadcast_in_dim3A_244 = vector.broadcast %add3A_243 : i32 to vector<16xi32>
          %gather3A_245 = tpu.vector_load_idx %arg8[%broadcast_in_dim3A_244] : memref<2560xf32, #tpu.memory_space<vmem>>[vector<16xi32>], vector<16xf32>,
          %get3A_246 = arith.index_cast %add3A_241 : i32 to index
          %get3A_247 = arith.constant 0 : index
          %get3A_248 = tpu.vector_load %arg10[%get3A_246, %get3A_247] {strides = array<i32>} : memref<2304x32xbf16, #tpu.memory_space<vmem>>, vector<32xbf16>,
          %unpack3A_249 = tpu.unpack_subelements %get3A_248, 0 {pack_format = #tpu.pack_format<interleaved>} : vector<32xbf16> -> vector<16xf32>
          %unpack3A_250 = tpu.unpack_subelements %get3A_248, 1 {pack_format = #tpu.pack_format<interleaved>} : vector<32xbf16> -> vector<16xf32>
          %mul3A_251 = arith.mulf %gather3A_245, %unpack3A_249 : vector<16xf32>
          %add3A_252 = arith.addf %add3A_235, %mul3A_251 : vector<16xf32>
          %mul3A_253 = arith.mulf %gather3A_245, %unpack3A_250 : vector<16xf32>
          %add3A_254 = arith.addf %add3A_237, %mul3A_253 : vector<16xf32>
          %add3A_255 = arith.constant 0 : i32
          %add3A_256 = arith.addi %add3A_159, %add3A_255 : i32
          %add3A_257 = arith.constant 6 : i32
          %add3A_258 = arith.addi %add3A_256, %add3A_257 : i32
          %slice3A_259 = vector.extract_strided_slice %get3A_146 {offsets = [6], sizes = [1], strides = [1]} : vector<16xf32> to vector<1xf32>
          %squeeze3A_260 = vector.extract %slice3A_259[0] : f32 from vector<1xf32>
          %broadcast_in_dim3A_261 = vector.broadcast %squeeze3A_260 : f32 to vector<16xf32>
          %get3A_262 = arith.index_cast %add3A_258 : i32 to index
          %get3A_263 = arith.constant 0 : index
          %get3A_264 = tpu.vector_load %arg10[%get3A_262, %get3A_263] {strides = array<i32>} : memref<2304x32xbf16, #tpu.memory_space<vmem>>, vector<32xbf16>,
          %unpack3A_265 = tpu.unpack_subelements %get3A_264, 0 {pack_format = #tpu.pack_format<interleaved>} : vector<32xbf16> -> vector<16xf32>
          %unpack3A_266 = tpu.unpack_subelements %get3A_264, 1 {pack_format = #tpu.pack_format<interleaved>} : vector<32xbf16> -> vector<16xf32>
          %mul3A_267 = arith.mulf %broadcast_in_dim3A_261, %unpack3A_265 : vector<16xf32>
          %add3A_268 = arith.addf %add3A_252, %mul3A_267 : vector<16xf32>
          %mul3A_269 = arith.mulf %broadcast_in_dim3A_261, %unpack3A_266 : vector<16xf32>
          %add3A_270 = arith.addf %add3A_254, %mul3A_269 : vector<16xf32>
          %add3A_271 = arith.constant 0 : i32
          %add3A_272 = arith.addi %add3A_159, %add3A_271 : i32
          %add3A_273 = arith.constant 7 : i32
          %add3A_274 = arith.addi %add3A_272, %add3A_273 : i32
          %add3A_275 = arith.constant 7 : i32
          %add3A_276 = arith.addi %add3A_145, %add3A_275 : i32
          %broadcast_in_dim3A_277 = vector.broadcast %add3A_276 : i32 to vector<16xi32>
          %gather3A_278 = tpu.vector_load_idx %arg8[%broadcast_in_dim3A_277] : memref<2560xf32, #tpu.memory_space<vmem>>[vector<16xi32>], vector<16xf32>,
          %get3A_279 = arith.index_cast %add3A_274 : i32 to index
          %get3A_280 = arith.constant 0 : index
          %get3A_281 = tpu.vector_load %arg10[%get3A_279, %get3A_280] {strides = array<i32>} : memref<2304x32xbf16, #tpu.memory_space<vmem>>, vector<32xbf16>,
          %unpack3A_282 = tpu.unpack_subelements %get3A_281, 0 {pack_format = #tpu.pack_format<interleaved>} : vector<32xbf16> -> vector<16xf32>
          %unpack3A_283 = tpu.unpack_subelements %get3A_281, 1 {pack_format = #tpu.pack_format<interleaved>} : vector<32xbf16> -> vector<16xf32>
          %mul3A_284 = arith.mulf %gather3A_278, %unpack3A_282 : vector<16xf32>
          %add3A_285 = arith.addf %add3A_268, %mul3A_284 : vector<16xf32>
          %mul3A_286 = arith.mulf %gather3A_278, %unpack3A_283 : vector<16xf32>
          %add3A_287 = arith.addf %add3A_270, %mul3A_286 : vector<16xf32>
          %add3A_288 = arith.constant 0 : i32
          %add3A_289 = arith.addi %add3A_159, %add3A_288 : i32
          %add3A_290 = arith.constant 8 : i32
          %add3A_291 = arith.addi %add3A_289, %add3A_290 : i32
          %slice3A_292 = vector.extract_strided_slice %get3A_146 {offsets = [8], sizes = [1], strides = [1]} : vector<16xf32> to vector<1xf32>
          %squeeze3A_293 = vector.extract %slice3A_292[0] : f32 from vector<1xf32>
          %broadcast_in_dim3A_294 = vector.broadcast %squeeze3A_293 : f32 to vector<16xf32>
          %get3A_295 = arith.index_cast %add3A_291 : i32 to index
          %get3A_296 = arith.constant 0 : index
          %get3A_297 = tpu.vector_load %arg10[%get3A_295, %get3A_296] {strides = array<i32>} : memref<2304x32xbf16, #tpu.memory_space<vmem>>, vector<32xbf16>,
          %unpack3A_298 = tpu.unpack_subelements %get3A_297, 0 {pack_format = #tpu.pack_format<interleaved>} : vector<32xbf16> -> vector<16xf32>
          %unpack3A_299 = tpu.unpack_subelements %get3A_297, 1 {pack_format = #tpu.pack_format<interleaved>} : vector<32xbf16> -> vector<16xf32>
          %mul3A_300 = arith.mulf %broadcast_in_dim3A_294, %unpack3A_298 : vector<16xf32>
          %add3A_301 = arith.addf %add3A_285, %mul3A_300 : vector<16xf32>
          %mul3A_302 = arith.mulf %broadcast_in_dim3A_294, %unpack3A_299 : vector<16xf32>
          %add3A_303 = arith.addf %add3A_287, %mul3A_302 : vector<16xf32>
          %add3A_304 = arith.constant 72 : i32
          %add3A_305 = arith.addi %add3A_159, %add3A_304 : i32
          %add3A_306 = arith.constant 0 : i32
          %add3A_307 = arith.addi %add3A_305, %add3A_306 : i32
          %add3A_308 = arith.constant 9 : i32
          %add3A_309 = arith.addi %add3A_145, %add3A_308 : i32
          %broadcast_in_dim3A_310 = vector.broadcast %add3A_309 : i32 to vector<16xi32>
          %gather3A_311 = tpu.vector_load_idx %arg8[%broadcast_in_dim3A_310] : memref<2560xf32, #tpu.memory_space<vmem>>[vector<16xi32>], vector<16xf32>,
          %get3A_312 = arith.index_cast %add3A_307 : i32 to index
          %get3A_313 = arith.constant 0 : index
          %get3A_314 = tpu.vector_load %arg10[%get3A_312, %get3A_313] {strides = array<i32>} : memref<2304x32xbf16, #tpu.memory_space<vmem>>, vector<32xbf16>,
          %unpack3A_315 = tpu.unpack_subelements %get3A_314, 0 {pack_format = #tpu.pack_format<interleaved>} : vector<32xbf16> -> vector<16xf32>
          %unpack3A_316 = tpu.unpack_subelements %get3A_314, 1 {pack_format = #tpu.pack_format<interleaved>} : vector<32xbf16> -> vector<16xf32>
          %mul3A_317 = arith.mulf %gather3A_311, %unpack3A_315 : vector<16xf32>
          %add3A_318 = arith.addf %add3A_301, %mul3A_317 : vector<16xf32>
          %mul3A_319 = arith.mulf %gather3A_311, %unpack3A_316 : vector<16xf32>
          %add3A_320 = arith.addf %add3A_303, %mul3A_319 : vector<16xf32>
          %add3A_321 = arith.constant 72 : i32
          %add3A_322 = arith.addi %add3A_159, %add3A_321 : i32
          %add3A_323 = arith.constant 1 : i32
          %add3A_324 = arith.addi %add3A_322, %add3A_323 : i32
          %slice3A_325 = vector.extract_strided_slice %get3A_146 {offsets = [10], sizes = [1], strides = [1]} : vector<16xf32> to vector<1xf32>
          %squeeze3A_326 = vector.extract %slice3A_325[0] : f32 from vector<1xf32>
          %broadcast_in_dim3A_327 = vector.broadcast %squeeze3A_326 : f32 to vector<16xf32>
          %get3A_328 = arith.index_cast %add3A_324 : i32 to index
          %get3A_329 = arith.constant 0 : index
          %get3A_330 = tpu.vector_load %arg10[%get3A_328, %get3A_329] {strides = array<i32>} : memref<2304x32xbf16, #tpu.memory_space<vmem>>, vector<32xbf16>,
          %unpack3A_331 = tpu.unpack_subelements %get3A_330, 0 {pack_format = #tpu.pack_format<interleaved>} : vector<32xbf16> -> vector<16xf32>
          %unpack3A_332 = tpu.unpack_subelements %get3A_330, 1 {pack_format = #tpu.pack_format<interleaved>} : vector<32xbf16> -> vector<16xf32>
          %mul3A_333 = arith.mulf %broadcast_in_dim3A_327, %unpack3A_331 : vector<16xf32>
          %add3A_334 = arith.addf %add3A_318, %mul3A_333 : vector<16xf32>
          %mul3A_335 = arith.mulf %broadcast_in_dim3A_327, %unpack3A_332 : vector<16xf32>
          %add3A_336 = arith.addf %add3A_320, %mul3A_335 : vector<16xf32>
          %add3A_337 = arith.constant 72 : i32
          %add3A_338 = arith.addi %add3A_159, %add3A_337 : i32
          %add3A_339 = arith.constant 2 : i32
          %add3A_340 = arith.addi %add3A_338, %add3A_339 : i32
          %add3A_341 = arith.constant 11 : i32
          %add3A_342 = arith.addi %add3A_145, %add3A_341 : i32
          %broadcast_in_dim3A_343 = vector.broadcast %add3A_342 : i32 to vector<16xi32>
          %gather3A_344 = tpu.vector_load_idx %arg8[%broadcast_in_dim3A_343] : memref<2560xf32, #tpu.memory_space<vmem>>[vector<16xi32>], vector<16xf32>,
          %get3A_345 = arith.index_cast %add3A_340 : i32 to index
          %get3A_346 = arith.constant 0 : index
          %get3A_347 = tpu.vector_load %arg10[%get3A_345, %get3A_346] {strides = array<i32>} : memref<2304x32xbf16, #tpu.memory_space<vmem>>, vector<32xbf16>,
          %unpack3A_348 = tpu.unpack_subelements %get3A_347, 0 {pack_format = #tpu.pack_format<interleaved>} : vector<32xbf16> -> vector<16xf32>
          %unpack3A_349 = tpu.unpack_subelements %get3A_347, 1 {pack_format = #tpu.pack_format<interleaved>} : vector<32xbf16> -> vector<16xf32>
          %mul3A_350 = arith.mulf %gather3A_344, %unpack3A_348 : vector<16xf32>
          %add3A_351 = arith.addf %add3A_334, %mul3A_350 : vector<16xf32>
          %mul3A_352 = arith.mulf %gather3A_344, %unpack3A_349 : vector<16xf32>
          %add3A_353 = arith.addf %add3A_336, %mul3A_352 : vector<16xf32>
          %add3A_354 = arith.constant 72 : i32
          %add3A_355 = arith.addi %add3A_159, %add3A_354 : i32
          %add3A_356 = arith.constant 3 : i32
          %add3A_357 = arith.addi %add3A_355, %add3A_356 : i32
          %slice3A_358 = vector.extract_strided_slice %get3A_146 {offsets = [12], sizes = [1], strides = [1]} : vector<16xf32> to vector<1xf32>
          %squeeze3A_359 = vector.extract %slice3A_358[0] : f32 from vector<1xf32>
          %broadcast_in_dim3A_360 = vector.broadcast %squeeze3A_359 : f32 to vector<16xf32>
          %get3A_361 = arith.index_cast %add3A_357 : i32 to index
          %get3A_362 = arith.constant 0 : index
          %get3A_363 = tpu.vector_load %arg10[%get3A_361, %get3A_362] {strides = array<i32>} : memref<2304x32xbf16, #tpu.memory_space<vmem>>, vector<32xbf16>,
          %unpack3A_364 = tpu.unpack_subelements %get3A_363, 0 {pack_format = #tpu.pack_format<interleaved>} : vector<32xbf16> -> vector<16xf32>
          %unpack3A_365 = tpu.unpack_subelements %get3A_363, 1 {pack_format = #tpu.pack_format<interleaved>} : vector<32xbf16> -> vector<16xf32>
          %mul3A_366 = arith.mulf %broadcast_in_dim3A_360, %unpack3A_364 : vector<16xf32>
          %add3A_367 = arith.addf %add3A_351, %mul3A_366 : vector<16xf32>
          %mul3A_368 = arith.mulf %broadcast_in_dim3A_360, %unpack3A_365 : vector<16xf32>
          %add3A_369 = arith.addf %add3A_353, %mul3A_368 : vector<16xf32>
          %add3A_370 = arith.constant 72 : i32
          %add3A_371 = arith.addi %add3A_159, %add3A_370 : i32
          %add3A_372 = arith.constant 4 : i32
          %add3A_373 = arith.addi %add3A_371, %add3A_372 : i32
          %add3A_374 = arith.constant 13 : i32
          %add3A_375 = arith.addi %add3A_145, %add3A_374 : i32
          %broadcast_in_dim3A_376 = vector.broadcast %add3A_375 : i32 to vector<16xi32>
          %gather3A_377 = tpu.vector_load_idx %arg8[%broadcast_in_dim3A_376] : memref<2560xf32, #tpu.memory_space<vmem>>[vector<16xi32>], vector<16xf32>,
          %get3A_378 = arith.index_cast %add3A_373 : i32 to index
          %get3A_379 = arith.constant 0 : index
          %get3A_380 = tpu.vector_load %arg10[%get3A_378, %get3A_379] {strides = array<i32>} : memref<2304x32xbf16, #tpu.memory_space<vmem>>, vector<32xbf16>,
          %unpack3A_381 = tpu.unpack_subelements %get3A_380, 0 {pack_format = #tpu.pack_format<interleaved>} : vector<32xbf16> -> vector<16xf32>
          %unpack3A_382 = tpu.unpack_subelements %get3A_380, 1 {pack_format = #tpu.pack_format<interleaved>} : vector<32xbf16> -> vector<16xf32>
          %mul3A_383 = arith.mulf %gather3A_377, %unpack3A_381 : vector<16xf32>
          %add3A_384 = arith.addf %add3A_367, %mul3A_383 : vector<16xf32>
          %mul3A_385 = arith.mulf %gather3A_377, %unpack3A_382 : vector<16xf32>
          %add3A_386 = arith.addf %add3A_369, %mul3A_385 : vector<16xf32>
          %add3A_387 = arith.constant 72 : i32
          %add3A_388 = arith.addi %add3A_159, %add3A_387 : i32
          %add3A_389 = arith.constant 5 : i32
          %add3A_390 = arith.addi %add3A_388, %add3A_389 : i32
          %slice3A_391 = vector.extract_strided_slice %get3A_146 {offsets = [14], sizes = [1], strides = [1]} : vector<16xf32> to vector<1xf32>
          %squeeze3A_392 = vector.extract %slice3A_391[0] : f32 from vector<1xf32>
          %broadcast_in_dim3A_393 = vector.broadcast %squeeze3A_392 : f32 to vector<16xf32>
          %get3A_394 = arith.index_cast %add3A_390 : i32 to index
          %get3A_395 = arith.constant 0 : index
          %get3A_396 = tpu.vector_load %arg10[%get3A_394, %get3A_395] {strides = array<i32>} : memref<2304x32xbf16, #tpu.memory_space<vmem>>, vector<32xbf16>,
          %unpack3A_397 = tpu.unpack_subelements %get3A_396, 0 {pack_format = #tpu.pack_format<interleaved>} : vector<32xbf16> -> vector<16xf32>
          %unpack3A_398 = tpu.unpack_subelements %get3A_396, 1 {pack_format = #tpu.pack_format<interleaved>} : vector<32xbf16> -> vector<16xf32>
          %mul3A_399 = arith.mulf %broadcast_in_dim3A_393, %unpack3A_397 : vector<16xf32>
          %add3A_400 = arith.addf %add3A_384, %mul3A_399 : vector<16xf32>
          %mul3A_401 = arith.mulf %broadcast_in_dim3A_393, %unpack3A_398 : vector<16xf32>
          %add3A_402 = arith.addf %add3A_386, %mul3A_401 : vector<16xf32>
          %add3A_403 = arith.constant 72 : i32
          %add3A_404 = arith.addi %add3A_159, %add3A_403 : i32
          %add3A_405 = arith.constant 6 : i32
          %add3A_406 = arith.addi %add3A_404, %add3A_405 : i32
          %add3A_407 = arith.constant 15 : i32
          %add3A_408 = arith.addi %add3A_145, %add3A_407 : i32
          %broadcast_in_dim3A_409 = vector.broadcast %add3A_408 : i32 to vector<16xi32>
          %gather3A_410 = tpu.vector_load_idx %arg8[%broadcast_in_dim3A_409] : memref<2560xf32, #tpu.memory_space<vmem>>[vector<16xi32>], vector<16xf32>,
          %get3A_411 = arith.index_cast %add3A_406 : i32 to index
          %get3A_412 = arith.constant 0 : index
          %get3A_413 = tpu.vector_load %arg10[%get3A_411, %get3A_412] {strides = array<i32>} : memref<2304x32xbf16, #tpu.memory_space<vmem>>, vector<32xbf16>,
          %unpack3A_414 = tpu.unpack_subelements %get3A_413, 0 {pack_format = #tpu.pack_format<interleaved>} : vector<32xbf16> -> vector<16xf32>
          %unpack3A_415 = tpu.unpack_subelements %get3A_413, 1 {pack_format = #tpu.pack_format<interleaved>} : vector<32xbf16> -> vector<16xf32>
          %mul3A_416 = arith.mulf %gather3A_410, %unpack3A_414 : vector<16xf32>
          %add3A_417 = arith.addf %add3A_400, %mul3A_416 : vector<16xf32>
          %mul3A_418 = arith.mulf %gather3A_410, %unpack3A_415 : vector<16xf32>
          %add3A_419 = arith.addf %add3A_402, %mul3A_418 : vector<16xf32>
          %add3A_420 = arith.constant 72 : i32
          %add3A_421 = arith.addi %add3A_159, %add3A_420 : i32
          %add3A_422 = arith.constant 7 : i32
          %add3A_423 = arith.addi %add3A_421, %add3A_422 : i32
          %slice3A_424 = vector.extract_strided_slice %get3A_150 {offsets = [0], sizes = [1], strides = [1]} : vector<16xf32> to vector<1xf32>
          %squeeze3A_425 = vector.extract %slice3A_424[0] : f32 from vector<1xf32>
          %broadcast_in_dim3A_426 = vector.broadcast %squeeze3A_425 : f32 to vector<16xf32>
          %get3A_427 = arith.index_cast %add3A_423 : i32 to index
          %get3A_428 = arith.constant 0 : index
          %get3A_429 = tpu.vector_load %arg10[%get3A_427, %get3A_428] {strides = array<i32>} : memref<2304x32xbf16, #tpu.memory_space<vmem>>, vector<32xbf16>,
          %unpack3A_430 = tpu.unpack_subelements %get3A_429, 0 {pack_format = #tpu.pack_format<interleaved>} : vector<32xbf16> -> vector<16xf32>
          %unpack3A_431 = tpu.unpack_subelements %get3A_429, 1 {pack_format = #tpu.pack_format<interleaved>} : vector<32xbf16> -> vector<16xf32>
          %mul3A_432 = arith.mulf %broadcast_in_dim3A_426, %unpack3A_430 : vector<16xf32>
          %add3A_433 = arith.addf %add3A_417, %mul3A_432 : vector<16xf32>
          %mul3A_434 = arith.mulf %broadcast_in_dim3A_426, %unpack3A_431 : vector<16xf32>
          %add3A_435 = arith.addf %add3A_419, %mul3A_434 : vector<16xf32>
          %add3A_436 = arith.constant 72 : i32
          %add3A_437 = arith.addi %add3A_159, %add3A_436 : i32
          %add3A_438 = arith.constant 8 : i32
          %add3A_439 = arith.addi %add3A_437, %add3A_438 : i32
          %add3A_440 = arith.constant 17 : i32
          %add3A_441 = arith.addi %add3A_145, %add3A_440 : i32
          %broadcast_in_dim3A_442 = vector.broadcast %add3A_441 : i32 to vector<16xi32>
          %gather3A_443 = tpu.vector_load_idx %arg8[%broadcast_in_dim3A_442] : memref<2560xf32, #tpu.memory_space<vmem>>[vector<16xi32>], vector<16xf32>,
          %get3A_444 = arith.index_cast %add3A_439 : i32 to index
          %get3A_445 = arith.constant 0 : index
          %get3A_446 = tpu.vector_load %arg10[%get3A_444, %get3A_445] {strides = array<i32>} : memref<2304x32xbf16, #tpu.memory_space<vmem>>, vector<32xbf16>,
          %unpack3A_447 = tpu.unpack_subelements %get3A_446, 0 {pack_format = #tpu.pack_format<interleaved>} : vector<32xbf16> -> vector<16xf32>
          %unpack3A_448 = tpu.unpack_subelements %get3A_446, 1 {pack_format = #tpu.pack_format<interleaved>} : vector<32xbf16> -> vector<16xf32>
          %mul3A_449 = arith.mulf %gather3A_443, %unpack3A_447 : vector<16xf32>
          %add3A_450 = arith.addf %add3A_433, %mul3A_449 : vector<16xf32>
          %mul3A_451 = arith.mulf %gather3A_443, %unpack3A_448 : vector<16xf32>
          %add3A_452 = arith.addf %add3A_435, %mul3A_451 : vector<16xf32>
          %add3A_453 = arith.constant 144 : i32
          %add3A_454 = arith.addi %add3A_159, %add3A_453 : i32
          %add3A_455 = arith.constant 0 : i32
          %add3A_456 = arith.addi %add3A_454, %add3A_455 : i32
          %slice3A_457 = vector.extract_strided_slice %get3A_150 {offsets = [2], sizes = [1], strides = [1]} : vector<16xf32> to vector<1xf32>
          %squeeze3A_458 = vector.extract %slice3A_457[0] : f32 from vector<1xf32>
          %broadcast_in_dim3A_459 = vector.broadcast %squeeze3A_458 : f32 to vector<16xf32>
          %get3A_460 = arith.index_cast %add3A_456 : i32 to index
          %get3A_461 = arith.constant 0 : index
          %get3A_462 = tpu.vector_load %arg10[%get3A_460, %get3A_461] {strides = array<i32>} : memref<2304x32xbf16, #tpu.memory_space<vmem>>, vector<32xbf16>,
          %unpack3A_463 = tpu.unpack_subelements %get3A_462, 0 {pack_format = #tpu.pack_format<interleaved>} : vector<32xbf16> -> vector<16xf32>
          %unpack3A_464 = tpu.unpack_subelements %get3A_462, 1 {pack_format = #tpu.pack_format<interleaved>} : vector<32xbf16> -> vector<16xf32>
          %mul3A_465 = arith.mulf %broadcast_in_dim3A_459, %unpack3A_463 : vector<16xf32>
          %add3A_466 = arith.addf %add3A_450, %mul3A_465 : vector<16xf32>
          %mul3A_467 = arith.mulf %broadcast_in_dim3A_459, %unpack3A_464 : vector<16xf32>
          %add3A_468 = arith.addf %add3A_452, %mul3A_467 : vector<16xf32>
          %add3A_469 = arith.constant 144 : i32
          %add3A_470 = arith.addi %add3A_159, %add3A_469 : i32
          %add3A_471 = arith.constant 1 : i32
          %add3A_472 = arith.addi %add3A_470, %add3A_471 : i32
          %add3A_473 = arith.constant 19 : i32
          %add3A_474 = arith.addi %add3A_145, %add3A_473 : i32
          %broadcast_in_dim3A_475 = vector.broadcast %add3A_474 : i32 to vector<16xi32>
          %gather3A_476 = tpu.vector_load_idx %arg8[%broadcast_in_dim3A_475] : memref<2560xf32, #tpu.memory_space<vmem>>[vector<16xi32>], vector<16xf32>,
          %get3A_477 = arith.index_cast %add3A_472 : i32 to index
          %get3A_478 = arith.constant 0 : index
          %get3A_479 = tpu.vector_load %arg10[%get3A_477, %get3A_478] {strides = array<i32>} : memref<2304x32xbf16, #tpu.memory_space<vmem>>, vector<32xbf16>,
          %unpack3A_480 = tpu.unpack_subelements %get3A_479, 0 {pack_format = #tpu.pack_format<interleaved>} : vector<32xbf16> -> vector<16xf32>
          %unpack3A_481 = tpu.unpack_subelements %get3A_479, 1 {pack_format = #tpu.pack_format<interleaved>} : vector<32xbf16> -> vector<16xf32>
          %mul3A_482 = arith.mulf %gather3A_476, %unpack3A_480 : vector<16xf32>
          %add3A_483 = arith.addf %add3A_466, %mul3A_482 : vector<16xf32>
          %mul3A_484 = arith.mulf %gather3A_476, %unpack3A_481 : vector<16xf32>
          %add3A_485 = arith.addf %add3A_468, %mul3A_484 : vector<16xf32>
          %add3A_486 = arith.constant 144 : i32
          %add3A_487 = arith.addi %add3A_159, %add3A_486 : i32
          %add3A_488 = arith.constant 2 : i32
          %add3A_489 = arith.addi %add3A_487, %add3A_488 : i32
          %slice3A_490 = vector.extract_strided_slice %get3A_150 {offsets = [4], sizes = [1], strides = [1]} : vector<16xf32> to vector<1xf32>
          %squeeze3A_491 = vector.extract %slice3A_490[0] : f32 from vector<1xf32>
          %broadcast_in_dim3A_492 = vector.broadcast %squeeze3A_491 : f32 to vector<16xf32>
          %get3A_493 = arith.index_cast %add3A_489 : i32 to index
          %get3A_494 = arith.constant 0 : index
          %get3A_495 = tpu.vector_load %arg10[%get3A_493, %get3A_494] {strides = array<i32>} : memref<2304x32xbf16, #tpu.memory_space<vmem>>, vector<32xbf16>,
          %unpack3A_496 = tpu.unpack_subelements %get3A_495, 0 {pack_format = #tpu.pack_format<interleaved>} : vector<32xbf16> -> vector<16xf32>
          %unpack3A_497 = tpu.unpack_subelements %get3A_495, 1 {pack_format = #tpu.pack_format<interleaved>} : vector<32xbf16> -> vector<16xf32>
          %mul3A_498 = arith.mulf %broadcast_in_dim3A_492, %unpack3A_496 : vector<16xf32>
          %add3A_499 = arith.addf %add3A_483, %mul3A_498 : vector<16xf32>
          %mul3A_500 = arith.mulf %broadcast_in_dim3A_492, %unpack3A_497 : vector<16xf32>
          %add3A_501 = arith.addf %add3A_485, %mul3A_500 : vector<16xf32>
          %add3A_502 = arith.constant 144 : i32
          %add3A_503 = arith.addi %add3A_159, %add3A_502 : i32
          %add3A_504 = arith.constant 3 : i32
          %add3A_505 = arith.addi %add3A_503, %add3A_504 : i32
          %add3A_506 = arith.constant 21 : i32
          %add3A_507 = arith.addi %add3A_145, %add3A_506 : i32
          %broadcast_in_dim3A_508 = vector.broadcast %add3A_507 : i32 to vector<16xi32>
          %gather3A_509 = tpu.vector_load_idx %arg8[%broadcast_in_dim3A_508] : memref<2560xf32, #tpu.memory_space<vmem>>[vector<16xi32>], vector<16xf32>,
          %get3A_510 = arith.index_cast %add3A_505 : i32 to index
          %get3A_511 = arith.constant 0 : index
          %get3A_512 = tpu.vector_load %arg10[%get3A_510, %get3A_511] {strides = array<i32>} : memref<2304x32xbf16, #tpu.memory_space<vmem>>, vector<32xbf16>,
          %unpack3A_513 = tpu.unpack_subelements %get3A_512, 0 {pack_format = #tpu.pack_format<interleaved>} : vector<32xbf16> -> vector<16xf32>
          %unpack3A_514 = tpu.unpack_subelements %get3A_512, 1 {pack_format = #tpu.pack_format<interleaved>} : vector<32xbf16> -> vector<16xf32>
          %mul3A_515 = arith.mulf %gather3A_509, %unpack3A_513 : vector<16xf32>
          %add3A_516 = arith.addf %add3A_499, %mul3A_515 : vector<16xf32>
          %mul3A_517 = arith.mulf %gather3A_509, %unpack3A_514 : vector<16xf32>
          %add3A_518 = arith.addf %add3A_501, %mul3A_517 : vector<16xf32>
          %add3A_519 = arith.constant 144 : i32
          %add3A_520 = arith.addi %add3A_159, %add3A_519 : i32
          %add3A_521 = arith.constant 4 : i32
          %add3A_522 = arith.addi %add3A_520, %add3A_521 : i32
          %slice3A_523 = vector.extract_strided_slice %get3A_150 {offsets = [6], sizes = [1], strides = [1]} : vector<16xf32> to vector<1xf32>
          %squeeze3A_524 = vector.extract %slice3A_523[0] : f32 from vector<1xf32>
          %broadcast_in_dim3A_525 = vector.broadcast %squeeze3A_524 : f32 to vector<16xf32>
          %get3A_526 = arith.index_cast %add3A_522 : i32 to index
          %get3A_527 = arith.constant 0 : index
          %get3A_528 = tpu.vector_load %arg10[%get3A_526, %get3A_527] {strides = array<i32>} : memref<2304x32xbf16, #tpu.memory_space<vmem>>, vector<32xbf16>,
          %unpack3A_529 = tpu.unpack_subelements %get3A_528, 0 {pack_format = #tpu.pack_format<interleaved>} : vector<32xbf16> -> vector<16xf32>
          %unpack3A_530 = tpu.unpack_subelements %get3A_528, 1 {pack_format = #tpu.pack_format<interleaved>} : vector<32xbf16> -> vector<16xf32>
          %mul3A_531 = arith.mulf %broadcast_in_dim3A_525, %unpack3A_529 : vector<16xf32>
          %add3A_532 = arith.addf %add3A_516, %mul3A_531 : vector<16xf32>
          %mul3A_533 = arith.mulf %broadcast_in_dim3A_525, %unpack3A_530 : vector<16xf32>
          %add3A_534 = arith.addf %add3A_518, %mul3A_533 : vector<16xf32>
          %add3A_535 = arith.constant 144 : i32
          %add3A_536 = arith.addi %add3A_159, %add3A_535 : i32
          %add3A_537 = arith.constant 5 : i32
          %add3A_538 = arith.addi %add3A_536, %add3A_537 : i32
          %add3A_539 = arith.constant 23 : i32
          %add3A_540 = arith.addi %add3A_145, %add3A_539 : i32
          %broadcast_in_dim3A_541 = vector.broadcast %add3A_540 : i32 to vector<16xi32>
          %gather3A_542 = tpu.vector_load_idx %arg8[%broadcast_in_dim3A_541] : memref<2560xf32, #tpu.memory_space<vmem>>[vector<16xi32>], vector<16xf32>,
          %get3A_543 = arith.index_cast %add3A_538 : i32 to index
          %get3A_544 = arith.constant 0 : index
          %get3A_545 = tpu.vector_load %arg10[%get3A_543, %get3A_544] {strides = array<i32>} : memref<2304x32xbf16, #tpu.memory_space<vmem>>, vector<32xbf16>,
          %unpack3A_546 = tpu.unpack_subelements %get3A_545, 0 {pack_format = #tpu.pack_format<interleaved>} : vector<32xbf16> -> vector<16xf32>
          %unpack3A_547 = tpu.unpack_subelements %get3A_545, 1 {pack_format = #tpu.pack_format<interleaved>} : vector<32xbf16> -> vector<16xf32>
          %mul3A_548 = arith.mulf %gather3A_542, %unpack3A_546 : vector<16xf32>
          %add3A_549 = arith.addf %add3A_532, %mul3A_548 : vector<16xf32>
          %mul3A_550 = arith.mulf %gather3A_542, %unpack3A_547 : vector<16xf32>
          %add3A_551 = arith.addf %add3A_534, %mul3A_550 : vector<16xf32>
          %add3A_552 = arith.constant 144 : i32
          %add3A_553 = arith.addi %add3A_159, %add3A_552 : i32
          %add3A_554 = arith.constant 6 : i32
          %add3A_555 = arith.addi %add3A_553, %add3A_554 : i32
          %slice3A_556 = vector.extract_strided_slice %get3A_154 {offsets = [0], sizes = [1], strides = [1]} : vector<16xf32> to vector<1xf32>
          %squeeze3A_557 = vector.extract %slice3A_556[0] : f32 from vector<1xf32>
          %broadcast_in_dim3A_558 = vector.broadcast %squeeze3A_557 : f32 to vector<16xf32>
          %get3A_559 = arith.index_cast %add3A_555 : i32 to index
          %get3A_560 = arith.constant 0 : index
          %get3A_561 = tpu.vector_load %arg10[%get3A_559, %get3A_560] {strides = array<i32>} : memref<2304x32xbf16, #tpu.memory_space<vmem>>, vector<32xbf16>,
          %unpack3A_562 = tpu.unpack_subelements %get3A_561, 0 {pack_format = #tpu.pack_format<interleaved>} : vector<32xbf16> -> vector<16xf32>
          %unpack3A_563 = tpu.unpack_subelements %get3A_561, 1 {pack_format = #tpu.pack_format<interleaved>} : vector<32xbf16> -> vector<16xf32>
          %mul3A_564 = arith.mulf %broadcast_in_dim3A_558, %unpack3A_562 : vector<16xf32>
          %add3A_565 = arith.addf %add3A_549, %mul3A_564 : vector<16xf32>
          %mul3A_566 = arith.mulf %broadcast_in_dim3A_558, %unpack3A_563 : vector<16xf32>
          %add3A_567 = arith.addf %add3A_551, %mul3A_566 : vector<16xf32>
          %add3A_568 = arith.constant 144 : i32
          %add3A_569 = arith.addi %add3A_159, %add3A_568 : i32
          %add3A_570 = arith.constant 7 : i32
          %add3A_571 = arith.addi %add3A_569, %add3A_570 : i32
          %add3A_572 = arith.constant 25 : i32
          %add3A_573 = arith.addi %add3A_145, %add3A_572 : i32
          %broadcast_in_dim3A_574 = vector.broadcast %add3A_573 : i32 to vector<16xi32>
          %gather3A_575 = tpu.vector_load_idx %arg8[%broadcast_in_dim3A_574] : memref<2560xf32, #tpu.memory_space<vmem>>[vector<16xi32>], vector<16xf32>,
          %get3A_576 = arith.index_cast %add3A_571 : i32 to index
          %get3A_577 = arith.constant 0 : index
          %get3A_578 = tpu.vector_load %arg10[%get3A_576, %get3A_577] {strides = array<i32>} : memref<2304x32xbf16, #tpu.memory_space<vmem>>, vector<32xbf16>,
          %unpack3A_579 = tpu.unpack_subelements %get3A_578, 0 {pack_format = #tpu.pack_format<interleaved>} : vector<32xbf16> -> vector<16xf32>
          %unpack3A_580 = tpu.unpack_subelements %get3A_578, 1 {pack_format = #tpu.pack_format<interleaved>} : vector<32xbf16> -> vector<16xf32>
          %mul3A_581 = arith.mulf %gather3A_575, %unpack3A_579 : vector<16xf32>
          %add3A_582 = arith.addf %add3A_565, %mul3A_581 : vector<16xf32>
          %mul3A_583 = arith.mulf %gather3A_575, %unpack3A_580 : vector<16xf32>
          %add3A_584 = arith.addf %add3A_567, %mul3A_583 : vector<16xf32>
          %add3A_585 = arith.constant 144 : i32
          %add3A_586 = arith.addi %add3A_159, %add3A_585 : i32
          %add3A_587 = arith.constant 8 : i32
          %add3A_588 = arith.addi %add3A_586, %add3A_587 : i32
          %slice3A_589 = vector.extract_strided_slice %get3A_154 {offsets = [2], sizes = [1], strides = [1]} : vector<16xf32> to vector<1xf32>
          %squeeze3A_590 = vector.extract %slice3A_589[0] : f32 from vector<1xf32>
          %broadcast_in_dim3A_591 = vector.broadcast %squeeze3A_590 : f32 to vector<16xf32>
          %get3A_592 = arith.index_cast %add3A_588 : i32 to index
          %get3A_593 = arith.constant 0 : index
          %get3A_594 = tpu.vector_load %arg10[%get3A_592, %get3A_593] {strides = array<i32>} : memref<2304x32xbf16, #tpu.memory_space<vmem>>, vector<32xbf16>,
          %unpack3A_595 = tpu.unpack_subelements %get3A_594, 0 {pack_format = #tpu.pack_format<interleaved>} : vector<32xbf16> -> vector<16xf32>
          %unpack3A_596 = tpu.unpack_subelements %get3A_594, 1 {pack_format = #tpu.pack_format<interleaved>} : vector<32xbf16> -> vector<16xf32>
          %mul3A_597 = arith.mulf %broadcast_in_dim3A_591, %unpack3A_595 : vector<16xf32>
          %add3A_598 = arith.addf %add3A_582, %mul3A_597 : vector<16xf32>
          %mul3A_599 = arith.mulf %broadcast_in_dim3A_591, %unpack3A_596 : vector<16xf32>
          %add3A_600 = arith.addf %add3A_584, %mul3A_599 : vector<16xf32>
          %add3A_601 = arith.constant 216 : i32
          %add3A_602 = arith.addi %add3A_159, %add3A_601 : i32
          %add3A_603 = arith.constant 0 : i32
          %add3A_604 = arith.addi %add3A_602, %add3A_603 : i32
          %add3A_605 = arith.constant 27 : i32
          %add3A_606 = arith.addi %add3A_145, %add3A_605 : i32
          %broadcast_in_dim3A_607 = vector.broadcast %add3A_606 : i32 to vector<16xi32>
          %gather3A_608 = tpu.vector_load_idx %arg8[%broadcast_in_dim3A_607] : memref<2560xf32, #tpu.memory_space<vmem>>[vector<16xi32>], vector<16xf32>,
          %get3A_609 = arith.index_cast %add3A_604 : i32 to index
          %get3A_610 = arith.constant 0 : index
          %get3A_611 = tpu.vector_load %arg10[%get3A_609, %get3A_610] {strides = array<i32>} : memref<2304x32xbf16, #tpu.memory_space<vmem>>, vector<32xbf16>,
          %unpack3A_612 = tpu.unpack_subelements %get3A_611, 0 {pack_format = #tpu.pack_format<interleaved>} : vector<32xbf16> -> vector<16xf32>
          %unpack3A_613 = tpu.unpack_subelements %get3A_611, 1 {pack_format = #tpu.pack_format<interleaved>} : vector<32xbf16> -> vector<16xf32>
          %mul3A_614 = arith.mulf %gather3A_608, %unpack3A_612 : vector<16xf32>
          %add3A_615 = arith.addf %add3A_598, %mul3A_614 : vector<16xf32>
          %mul3A_616 = arith.mulf %gather3A_608, %unpack3A_613 : vector<16xf32>
          %add3A_617 = arith.addf %add3A_600, %mul3A_616 : vector<16xf32>
          %add3A_618 = arith.constant 216 : i32
          %add3A_619 = arith.addi %add3A_159, %add3A_618 : i32
          %add3A_620 = arith.constant 1 : i32
          %add3A_621 = arith.addi %add3A_619, %add3A_620 : i32
          %slice3A_622 = vector.extract_strided_slice %get3A_154 {offsets = [4], sizes = [1], strides = [1]} : vector<16xf32> to vector<1xf32>
          %squeeze3A_623 = vector.extract %slice3A_622[0] : f32 from vector<1xf32>
          %broadcast_in_dim3A_624 = vector.broadcast %squeeze3A_623 : f32 to vector<16xf32>
          %get3A_625 = arith.index_cast %add3A_621 : i32 to index
          %get3A_626 = arith.constant 0 : index
          %get3A_627 = tpu.vector_load %arg10[%get3A_625, %get3A_626] {strides = array<i32>} : memref<2304x32xbf16, #tpu.memory_space<vmem>>, vector<32xbf16>,
          %unpack3A_628 = tpu.unpack_subelements %get3A_627, 0 {pack_format = #tpu.pack_format<interleaved>} : vector<32xbf16> -> vector<16xf32>
          %unpack3A_629 = tpu.unpack_subelements %get3A_627, 1 {pack_format = #tpu.pack_format<interleaved>} : vector<32xbf16> -> vector<16xf32>
          %mul3A_630 = arith.mulf %broadcast_in_dim3A_624, %unpack3A_628 : vector<16xf32>
          %add3A_631 = arith.addf %add3A_615, %mul3A_630 : vector<16xf32>
          %mul3A_632 = arith.mulf %broadcast_in_dim3A_624, %unpack3A_629 : vector<16xf32>
          %add3A_633 = arith.addf %add3A_617, %mul3A_632 : vector<16xf32>
          %add3A_634 = arith.constant 216 : i32
          %add3A_635 = arith.addi %add3A_159, %add3A_634 : i32
          %add3A_636 = arith.constant 2 : i32
          %add3A_637 = arith.addi %add3A_635, %add3A_636 : i32
          %add3A_638 = arith.constant 29 : i32
          %add3A_639 = arith.addi %add3A_145, %add3A_638 : i32
          %broadcast_in_dim3A_640 = vector.broadcast %add3A_639 : i32 to vector<16xi32>
          %gather3A_641 = tpu.vector_load_idx %arg8[%broadcast_in_dim3A_640] : memref<2560xf32, #tpu.memory_space<vmem>>[vector<16xi32>], vector<16xf32>,
          %get3A_642 = arith.index_cast %add3A_637 : i32 to index
          %get3A_643 = arith.constant 0 : index
          %get3A_644 = tpu.vector_load %arg10[%get3A_642, %get3A_643] {strides = array<i32>} : memref<2304x32xbf16, #tpu.memory_space<vmem>>, vector<32xbf16>,
          %unpack3A_645 = tpu.unpack_subelements %get3A_644, 0 {pack_format = #tpu.pack_format<interleaved>} : vector<32xbf16> -> vector<16xf32>
          %unpack3A_646 = tpu.unpack_subelements %get3A_644, 1 {pack_format = #tpu.pack_format<interleaved>} : vector<32xbf16> -> vector<16xf32>
          %mul3A_647 = arith.mulf %gather3A_641, %unpack3A_645 : vector<16xf32>
          %add3A_648 = arith.addf %add3A_631, %mul3A_647 : vector<16xf32>
          %mul3A_649 = arith.mulf %gather3A_641, %unpack3A_646 : vector<16xf32>
          %add3A_650 = arith.addf %add3A_633, %mul3A_649 : vector<16xf32>
          %add3A_651 = arith.constant 216 : i32
          %add3A_652 = arith.addi %add3A_159, %add3A_651 : i32
          %add3A_653 = arith.constant 3 : i32
          %add3A_654 = arith.addi %add3A_652, %add3A_653 : i32
          %slice3A_655 = vector.extract_strided_slice %get3A_154 {offsets = [6], sizes = [1], strides = [1]} : vector<16xf32> to vector<1xf32>
          %squeeze3A_656 = vector.extract %slice3A_655[0] : f32 from vector<1xf32>
          %broadcast_in_dim3A_657 = vector.broadcast %squeeze3A_656 : f32 to vector<16xf32>
          %get3A_658 = arith.index_cast %add3A_654 : i32 to index
          %get3A_659 = arith.constant 0 : index
          %get3A_660 = tpu.vector_load %arg10[%get3A_658, %get3A_659] {strides = array<i32>} : memref<2304x32xbf16, #tpu.memory_space<vmem>>, vector<32xbf16>,
          %unpack3A_661 = tpu.unpack_subelements %get3A_660, 0 {pack_format = #tpu.pack_format<interleaved>} : vector<32xbf16> -> vector<16xf32>
          %unpack3A_662 = tpu.unpack_subelements %get3A_660, 1 {pack_format = #tpu.pack_format<interleaved>} : vector<32xbf16> -> vector<16xf32>
          %mul3A_663 = arith.mulf %broadcast_in_dim3A_657, %unpack3A_661 : vector<16xf32>
          %add3A_664 = arith.addf %add3A_648, %mul3A_663 : vector<16xf32>
          %mul3A_665 = arith.mulf %broadcast_in_dim3A_657, %unpack3A_662 : vector<16xf32>
          %add3A_666 = arith.addf %add3A_650, %mul3A_665 : vector<16xf32>
          %add3A_667 = arith.constant 216 : i32
          %add3A_668 = arith.addi %add3A_159, %add3A_667 : i32
          %add3A_669 = arith.constant 4 : i32
          %add3A_670 = arith.addi %add3A_668, %add3A_669 : i32
          %add3A_671 = arith.constant 31 : i32
          %add3A_672 = arith.addi %add3A_145, %add3A_671 : i32
          %broadcast_in_dim3A_673 = vector.broadcast %add3A_672 : i32 to vector<16xi32>
          %gather3A_674 = tpu.vector_load_idx %arg8[%broadcast_in_dim3A_673] : memref<2560xf32, #tpu.memory_space<vmem>>[vector<16xi32>], vector<16xf32>,
          %get3A_675 = arith.index_cast %add3A_670 : i32 to index
          %get3A_676 = arith.constant 0 : index
          %get3A_677 = tpu.vector_load %arg10[%get3A_675, %get3A_676] {strides = array<i32>} : memref<2304x32xbf16, #tpu.memory_space<vmem>>, vector<32xbf16>,
          %unpack3A_678 = tpu.unpack_subelements %get3A_677, 0 {pack_format = #tpu.pack_format<interleaved>} : vector<32xbf16> -> vector<16xf32>
          %unpack3A_679 = tpu.unpack_subelements %get3A_677, 1 {pack_format = #tpu.pack_format<interleaved>} : vector<32xbf16> -> vector<16xf32>
          %mul3A_680 = arith.mulf %gather3A_674, %unpack3A_678 : vector<16xf32>
          %add3A_681 = arith.addf %add3A_664, %mul3A_680 : vector<16xf32>
          %mul3A_682 = arith.mulf %gather3A_674, %unpack3A_679 : vector<16xf32>
          %add3A_683 = arith.addf %add3A_666, %mul3A_682 : vector<16xf32>
          %add3A_684 = arith.constant 216 : i32
          %add3A_685 = arith.addi %add3A_159, %add3A_684 : i32
          %add3A_686 = arith.constant 5 : i32
          %add3A_687 = arith.addi %add3A_685, %add3A_686 : i32
          %slice3A_688 = vector.extract_strided_slice %get3A_154 {offsets = [8], sizes = [1], strides = [1]} : vector<16xf32> to vector<1xf32>
          %squeeze3A_689 = vector.extract %slice3A_688[0] : f32 from vector<1xf32>
          %broadcast_in_dim3A_690 = vector.broadcast %squeeze3A_689 : f32 to vector<16xf32>
          %get3A_691 = arith.index_cast %add3A_687 : i32 to index
          %get3A_692 = arith.constant 0 : index
          %get3A_693 = tpu.vector_load %arg10[%get3A_691, %get3A_692] {strides = array<i32>} : memref<2304x32xbf16, #tpu.memory_space<vmem>>, vector<32xbf16>,
          %unpack3A_694 = tpu.unpack_subelements %get3A_693, 0 {pack_format = #tpu.pack_format<interleaved>} : vector<32xbf16> -> vector<16xf32>
          %unpack3A_695 = tpu.unpack_subelements %get3A_693, 1 {pack_format = #tpu.pack_format<interleaved>} : vector<32xbf16> -> vector<16xf32>
          %mul3A_696 = arith.mulf %broadcast_in_dim3A_690, %unpack3A_694 : vector<16xf32>
          %add3A_697 = arith.addf %add3A_681, %mul3A_696 : vector<16xf32>
          %mul3A_698 = arith.mulf %broadcast_in_dim3A_690, %unpack3A_695 : vector<16xf32>
          %add3A_699 = arith.addf %add3A_683, %mul3A_698 : vector<16xf32>
          %add3A_700 = arith.constant 216 : i32
          %add3A_701 = arith.addi %add3A_159, %add3A_700 : i32
          %add3A_702 = arith.constant 6 : i32
          %add3A_703 = arith.addi %add3A_701, %add3A_702 : i32
          %add3A_704 = arith.constant 33 : i32
          %add3A_705 = arith.addi %add3A_145, %add3A_704 : i32
          %broadcast_in_dim3A_706 = vector.broadcast %add3A_705 : i32 to vector<16xi32>
          %gather3A_707 = tpu.vector_load_idx %arg8[%broadcast_in_dim3A_706] : memref<2560xf32, #tpu.memory_space<vmem>>[vector<16xi32>], vector<16xf32>,
          %get3A_708 = arith.index_cast %add3A_703 : i32 to index
          %get3A_709 = arith.constant 0 : index
          %get3A_710 = tpu.vector_load %arg10[%get3A_708, %get3A_709] {strides = array<i32>} : memref<2304x32xbf16, #tpu.memory_space<vmem>>, vector<32xbf16>,
          %unpack3A_711 = tpu.unpack_subelements %get3A_710, 0 {pack_format = #tpu.pack_format<interleaved>} : vector<32xbf16> -> vector<16xf32>
          %unpack3A_712 = tpu.unpack_subelements %get3A_710, 1 {pack_format = #tpu.pack_format<interleaved>} : vector<32xbf16> -> vector<16xf32>
          %mul3A_713 = arith.mulf %gather3A_707, %unpack3A_711 : vector<16xf32>
          %add3A_714 = arith.addf %add3A_697, %mul3A_713 : vector<16xf32>
          %mul3A_715 = arith.mulf %gather3A_707, %unpack3A_712 : vector<16xf32>
          %add3A_716 = arith.addf %add3A_699, %mul3A_715 : vector<16xf32>
          %add3A_717 = arith.constant 216 : i32
          %add3A_718 = arith.addi %add3A_159, %add3A_717 : i32
          %add3A_719 = arith.constant 7 : i32
          %add3A_720 = arith.addi %add3A_718, %add3A_719 : i32
          %slice3A_721 = vector.extract_strided_slice %get3A_154 {offsets = [10], sizes = [1], strides = [1]} : vector<16xf32> to vector<1xf32>
          %squeeze3A_722 = vector.extract %slice3A_721[0] : f32 from vector<1xf32>
          %broadcast_in_dim3A_723 = vector.broadcast %squeeze3A_722 : f32 to vector<16xf32>
          %get3A_724 = arith.index_cast %add3A_720 : i32 to index
          %get3A_725 = arith.constant 0 : index
          %get3A_726 = tpu.vector_load %arg10[%get3A_724, %get3A_725] {strides = array<i32>} : memref<2304x32xbf16, #tpu.memory_space<vmem>>, vector<32xbf16>,
          %unpack3A_727 = tpu.unpack_subelements %get3A_726, 0 {pack_format = #tpu.pack_format<interleaved>} : vector<32xbf16> -> vector<16xf32>
          %unpack3A_728 = tpu.unpack_subelements %get3A_726, 1 {pack_format = #tpu.pack_format<interleaved>} : vector<32xbf16> -> vector<16xf32>
          %mul3A_729 = arith.mulf %broadcast_in_dim3A_723, %unpack3A_727 : vector<16xf32>
          %add3A_730 = arith.addf %add3A_714, %mul3A_729 : vector<16xf32>
          %mul3A_731 = arith.mulf %broadcast_in_dim3A_723, %unpack3A_728 : vector<16xf32>
          %add3A_732 = arith.addf %add3A_716, %mul3A_731 : vector<16xf32>
          %add3A_733 = arith.constant 216 : i32
          %add3A_734 = arith.addi %add3A_159, %add3A_733 : i32
          %add3A_735 = arith.constant 8 : i32
          %add3A_736 = arith.addi %add3A_734, %add3A_735 : i32
          %add3A_737 = arith.constant 35 : i32
          %add3A_738 = arith.addi %add3A_145, %add3A_737 : i32
          %broadcast_in_dim3A_739 = vector.broadcast %add3A_738 : i32 to vector<16xi32>
          %gather3A_740 = tpu.vector_load_idx %arg8[%broadcast_in_dim3A_739] : memref<2560xf32, #tpu.memory_space<vmem>>[vector<16xi32>], vector<16xf32>,
          %get3A_741 = arith.index_cast %add3A_736 : i32 to index
          %get3A_742 = arith.constant 0 : index
          %get3A_743 = tpu.vector_load %arg10[%get3A_741, %get3A_742] {strides = array<i32>} : memref<2304x32xbf16, #tpu.memory_space<vmem>>, vector<32xbf16>,
          %unpack3A_744 = tpu.unpack_subelements %get3A_743, 0 {pack_format = #tpu.pack_format<interleaved>} : vector<32xbf16> -> vector<16xf32>
          %unpack3A_745 = tpu.unpack_subelements %get3A_743, 1 {pack_format = #tpu.pack_format<interleaved>} : vector<32xbf16> -> vector<16xf32>
          %mul3A_746 = arith.mulf %gather3A_740, %unpack3A_744 : vector<16xf32>
          %add3A_747 = arith.addf %add3A_730, %mul3A_746 : vector<16xf32>
          %mul3A_748 = arith.mulf %gather3A_740, %unpack3A_745 : vector<16xf32>
          %add3A_749 = arith.addf %add3A_732, %mul3A_748 : vector<16xf32>
          %mul3A_750 = arith.constant 256 : i32
          %mul3A_751 = arith.muli %scan3A_131, %mul3A_750 : i32
          %mul3A_752 = arith.constant 32 : i32
          %mul3A_753 = arith.muli %scan3A_137, %mul3A_752 : i32
          %add3A_754 = arith.addi %mul3A_751, %mul3A_753 : i32
          %swap3A = arith.index_cast %add3A_754 : i32 to index
          %swap3A_755 = tpu.vector_load %arg12[%swap3A] {strides = array<i32>} : memref<2048xf32, #tpu.memory_space<vmem>>, vector<16xf32>,
          tpu.vector_store %arg12[%swap3A], %add3A_747 {strides = array<i32>} : memref<2048xf32, #tpu.memory_space<vmem>>, vector<16xf32>,
          %add3A_756 = arith.constant 16 : i32
          %add3A_757 = arith.addi %add3A_754, %add3A_756 : i32
          %swap3A_758 = arith.index_cast %add3A_757 : i32 to index
          %swap3A_759 = tpu.vector_load %arg12[%swap3A_758] {strides = array<i32>} : memref<2048xf32, #tpu.memory_space<vmem>>, vector<16xf32>,
          tpu.vector_store %arg12[%swap3A_758], %add3A_749 {strides = array<i32>} : memref<2048xf32, #tpu.memory_space<vmem>>, vector<16xf32>,
        }
        %scan3A_136 = arith.constant 8 : i32
      }
      %scan3A_89 = arith.constant 8 : i32
      %mul3A_90 = arith.constant 576 : i32
      %mul3A_91 = arith.muli %add3A, %mul3A_90 : i32
      %mul3A_92 = arith.constant 8 : i32
      %mul3A_93 = arith.muli %mul3A_57, %mul3A_92 : i32
      %add3A_94 = arith.addi %mul3A_91, %mul3A_93 : i32
      %mul3A_95 = arith.constant 256 : i32
      %mul3A_96 = arith.muli %add3A_94, %mul3A_95 : i32
      "tpu.region"() ({
        %run_scoped3A = tpu.sem_alloc : memref<!tpu.dma_semaphore, #tpu.memory_space<semaphore_mem>>
        %dma_start3A_131 = tpu.memref_slice %arg5[%mul3A_96] : memref<4718592xf32, #tpu.memory_space<hbm>> -> memref<2048xf32, #tpu.memory_space<hbm>>
        %dma_start3A_132 = tpu.memref_slice %arg5[%mul3A_96] : memref<4718592xf32, #tpu.memory_space<hbm>> -> memref<2048xf32, #tpu.memory_space<hbm>>
        tpu.enqueue_dma source(%arg12 : memref<2048xf32, #tpu.memory_space<vmem>>) target(%dma_start3A_132 : memref<2048xf32, #tpu.memory_space<hbm>>) target_semaphore(%run_scoped3A : memref<!tpu.dma_semaphore, #tpu.memory_space<semaphore_mem>>)
        %dma_wait3A_133 = tpu.memref_slice %arg5[%mul3A_96] : memref<4718592xf32, #tpu.memory_space<hbm>> -> memref<2048xf32, #tpu.memory_space<hbm>>
        %dma_wait3A_134 = tpu.memref_slice %arg5[%mul3A_96] : memref<4718592xf32, #tpu.memory_space<hbm>> -> memref<2048xf32, #tpu.memory_space<hbm>>
        tpu.wait_dma2 semaphore(%run_scoped3A : memref<!tpu.dma_semaphore, #tpu.memory_space<semaphore_mem>>) src(%arg12 : memref<2048xf32, #tpu.memory_space<vmem>>) dst(%dma_wait3A_134 : memref<2048xf32, #tpu.memory_space<hbm>>)
        tpu.yield
      }) : () -> ()
      %add3A_97 = arith.constant 2 : i32
      %add3A_98 = arith.addi %mul3A_57, %add3A_97 : i32
      %lt3A = arith.constant 72 : i32
      %lt3A_99 = arith.cmpi slt, %add3A_98, %lt3A : i32
      %convert_element_type3A = arith.extui %lt3A_99 : i1 to i32
      %cond3A = arith.constant 0 : i32
      %cond3A_100 = arith.cmpi ne, %convert_element_type3A, %cond3A : i32
      scf.if %cond3A_100 {
        %mul3A_131 = arith.constant 576 : i32
        %mul3A_132 = arith.muli %add3A, %mul3A_131 : i32
        %mul3A_133 = arith.constant 8 : i32
        %mul3A_134 = arith.muli %add3A_98, %mul3A_133 : i32
        %add3A_135 = arith.addi %mul3A_132, %mul3A_134 : i32
        %mul3A_136 = arith.constant 288 : i32
        %mul3A_137 = arith.muli %add3A_135, %mul3A_136 : i32
        %dma_start3A_138 = tpu.memref_slice %arg2[%mul3A_137] : memref<5308416xi32, #tpu.memory_space<hbm>> -> memref<2304xi32, #tpu.memory_space<hbm>>
        %dma_start3A_139 = tpu.memref_slice %arg2[%mul3A_137] : memref<5308416xi32, #tpu.memory_space<hbm>> -> memref<2304xi32, #tpu.memory_space<hbm>>
        tpu.enqueue_dma source(%dma_start3A_139 : memref<2304xi32, #tpu.memory_space<hbm>>) target(%arg6 : memref<2304xi32, #tpu.memory_space<vmem>>) target_semaphore(%arg13 : memref<!tpu.dma_semaphore, #tpu.memory_space<semaphore_mem>>)
        %mul3A_140 = arith.constant 576 : i32
        %mul3A_141 = arith.muli %add3A, %mul3A_140 : i32
        %mul3A_142 = arith.constant 8 : i32
        %mul3A_143 = arith.muli %add3A_98, %mul3A_142 : i32
        %add3A_144 = arith.addi %mul3A_141, %mul3A_143 : i32
        %mul3A_145 = arith.constant 320 : i32
        %mul3A_146 = arith.muli %add3A_144, %mul3A_145 : i32
        %dma_start3A_147 = tpu.memref_slice %arg3[%mul3A_146] : memref<5898240xf32, #tpu.memory_space<hbm>> -> memref<2560xf32, #tpu.memory_space<hbm>>
        %dma_start3A_148 = tpu.memref_slice %arg3[%mul3A_146] : memref<5898240xf32, #tpu.memory_space<hbm>> -> memref<2560xf32, #tpu.memory_space<hbm>>
        tpu.enqueue_dma source(%dma_start3A_148 : memref<2560xf32, #tpu.memory_space<hbm>>) target(%arg8 : memref<2560xf32, #tpu.memory_space<vmem>>) target_semaphore(%arg15 : memref<!tpu.dma_semaphore, #tpu.memory_space<semaphore_mem>>)
      } else {
      }
      %add3A_101 = arith.constant 1 : i32
      %add3A_102 = arith.addi %add3A_59, %add3A_101 : i32
      %lt3A_103 = arith.constant 72 : i32
      %lt3A_104 = arith.cmpi slt, %add3A_102, %lt3A_103 : i32
      %convert_element_type3A_105 = arith.extui %lt3A_104 : i1 to i32
      %cond3A_106 = arith.constant 0 : i32
      %cond3A_107 = arith.cmpi ne, %convert_element_type3A_105, %cond3A_106 : i32
      scf.if %cond3A_107 {
        %add3A_131 = arith.constant 1 : i32
        %add3A_132 = arith.addi %add3A_59, %add3A_131 : i32
        %mul3A_133 = arith.constant 576 : i32
        %mul3A_134 = arith.muli %add3A, %mul3A_133 : i32
        %mul3A_135 = arith.constant 8 : i32
        %mul3A_136 = arith.muli %add3A_132, %mul3A_135 : i32
        %add3A_137 = arith.addi %mul3A_134, %mul3A_136 : i32
        %mul3A_138 = arith.constant 288 : i32
        %mul3A_139 = arith.muli %add3A_137, %mul3A_138 : i32
        %dma_wait3A_140 = tpu.memref_slice %arg2[%mul3A_139] : memref<5308416xi32, #tpu.memory_space<hbm>> -> memref<2304xi32, #tpu.memory_space<hbm>>
        %dma_wait3A_141 = tpu.memref_slice %arg2[%mul3A_139] : memref<5308416xi32, #tpu.memory_space<hbm>> -> memref<2304xi32, #tpu.memory_space<hbm>>
        tpu.wait_dma2 semaphore(%arg13 : memref<!tpu.dma_semaphore, #tpu.memory_space<semaphore_mem>>) src(%dma_wait3A_141 : memref<2304xi32, #tpu.memory_space<hbm>>) dst(%arg6 : memref<2304xi32, #tpu.memory_space<vmem>>)
        %add3A_142 = arith.constant 1 : i32
        %add3A_143 = arith.addi %add3A_59, %add3A_142 : i32
        %mul3A_144 = arith.constant 576 : i32
        %mul3A_145 = arith.muli %add3A, %mul3A_144 : i32
        %mul3A_146 = arith.constant 8 : i32
        %mul3A_147 = arith.muli %add3A_143, %mul3A_146 : i32
        %add3A_148 = arith.addi %mul3A_145, %mul3A_147 : i32
        %mul3A_149 = arith.constant 320 : i32
        %mul3A_150 = arith.muli %add3A_148, %mul3A_149 : i32
        %dma_wait3A_151 = tpu.memref_slice %arg3[%mul3A_150] : memref<5898240xf32, #tpu.memory_space<hbm>> -> memref<2560xf32, #tpu.memory_space<hbm>>
        %dma_wait3A_152 = tpu.memref_slice %arg3[%mul3A_150] : memref<5898240xf32, #tpu.memory_space<hbm>> -> memref<2560xf32, #tpu.memory_space<hbm>>
        tpu.wait_dma2 semaphore(%arg15 : memref<!tpu.dma_semaphore, #tpu.memory_space<semaphore_mem>>) src(%dma_wait3A_152 : memref<2560xf32, #tpu.memory_space<hbm>>) dst(%arg8 : memref<2560xf32, #tpu.memory_space<vmem>>)
        %dma_start3A_153 = arith.constant 0 : i32
        %dma_start3A_154 = arith.constant 0 : i32
        %dma_start3A_155 = tpu.memref_slice %arg4[%dma_start3A_153, %dma_start3A_154] : memref<147456x32xbf16, #tpu.memory_space<hbm>> -> memref<147456x32xbf16, #tpu.memory_space<hbm>>
        tpu.enqueue_indirect_dma source(%dma_start3A_155 : memref<147456x32xbf16, #tpu.memory_space<hbm>>) target(%arg10 : memref<2304x32xbf16, #tpu.memory_space<vmem>>) offsets(%arg6 : memref<2304xi32, #tpu.memory_space<vmem>>) semaphore(%arg17 : memref<!tpu.dma_semaphore, #tpu.memory_space<semaphore_mem>>)
      } else {
      }
      %dma_wait3A_108 = arith.constant 0 : i32
      %dma_wait3A_109 = arith.constant 0 : i32
      %dma_wait3A_110 = tpu.memref_slice %arg4[%dma_wait3A_108, %dma_wait3A_109] : memref<147456x32xbf16, #tpu.memory_space<hbm>> -> memref<147456x32xbf16, #tpu.memory_space<hbm>>
      tpu.wait_indirect_dma semaphore(%arg18 : memref<!tpu.dma_semaphore, #tpu.memory_space<semaphore_mem>>) src(%dma_wait3A_110 : memref<147456x32xbf16, #tpu.memory_space<hbm>>) dst(%arg11 : memref<2304x32xbf16, #tpu.memory_space<vmem>>)
      %scan3A_111 = arith.constant 0 : i32
      %scan3A_112 = arith.constant 0 : i32
      %scan3A_113 = arith.constant 8 : i32
      %scan3A_114 = arith.addi %scan3A_112, %scan3A_113 : i32
      %scan3A_115 = arith.constant 1 : i32
      scf.for %scan3A_131 = %scan3A_112 to %scan3A_114 step %scan3A_115  : i32 {
        %scan3A_132 = arith.constant 0 : i32
        %scan3A_133 = arith.constant 8 : i32
        %scan3A_134 = arith.addi %scan3A_132, %scan3A_133 : i32
        %scan3A_135 = arith.constant 1 : i32
        scf.for %scan3A_137 = %scan3A_132 to %scan3A_134 step %scan3A_135  : i32 {
          %broadcast_in_dim3A = arith.constant 0.000000e+00 : f32
          %broadcast_in_dim3A_138 = vector.broadcast %broadcast_in_dim3A : f32 to vector<16xf32>
          %broadcast_in_dim3A_139 = arith.constant 0.000000e+00 : f32
          %broadcast_in_dim3A_140 = vector.broadcast %broadcast_in_dim3A_139 : f32 to vector<16xf32>
          %mul3A_141 = arith.constant 320 : i32
          %mul3A_142 = arith.muli %scan3A_131, %mul3A_141 : i32
          %mul3A_143 = arith.constant 40 : i32
          %mul3A_144 = arith.muli %scan3A_137, %mul3A_143 : i32
          %add3A_145 = arith.addi %mul3A_142, %mul3A_144 : i32
          %get3A = arith.index_cast %add3A_145 : i32 to index
          %get3A_146 = tpu.vector_load %arg9[%get3A] {strides = array<i32>} : memref<2560xf32, #tpu.memory_space<vmem>>, vector<16xf32>,
          %add3A_147 = arith.constant 16 : i32
          %add3A_148 = arith.addi %add3A_145, %add3A_147 : i32
          %get3A_149 = arith.index_cast %add3A_148 : i32 to index
          %get3A_150 = tpu.vector_load %arg9[%get3A_149] {strides = array<i32>} : memref<2560xf32, #tpu.memory_space<vmem>>, vector<16xf32>,
          %add3A_151 = arith.constant 24 : i32
          %add3A_152 = arith.addi %add3A_145, %add3A_151 : i32
          %get3A_153 = arith.index_cast %add3A_152 : i32 to index
          %get3A_154 = tpu.vector_load %arg9[%get3A_153] {strides = array<i32>} : memref<2560xf32, #tpu.memory_space<vmem>>, vector<16xf32>,
          %mul3A_155 = arith.constant 288 : i32
          %mul3A_156 = arith.muli %scan3A_131, %mul3A_155 : i32
          %mul3A_157 = arith.constant 9 : i32
          %mul3A_158 = arith.muli %scan3A_137, %mul3A_157 : i32
          %add3A_159 = arith.addi %mul3A_156, %mul3A_158 : i32
          %add3A_160 = arith.constant 0 : i32
          %add3A_161 = arith.addi %add3A_159, %add3A_160 : i32
          %add3A_162 = arith.constant 0 : i32
          %add3A_163 = arith.addi %add3A_161, %add3A_162 : i32
          %slice3A = vector.extract_strided_slice %get3A_146 {offsets = [0], sizes = [1], strides = [1]} : vector<16xf32> to vector<1xf32>
          %squeeze3A = vector.extract %slice3A[0] : f32 from vector<1xf32>
          %broadcast_in_dim3A_164 = vector.broadcast %squeeze3A : f32 to vector<16xf32>
          %get3A_165 = arith.index_cast %add3A_163 : i32 to index
          %get3A_166 = arith.constant 0 : index
          %get3A_167 = tpu.vector_load %arg11[%get3A_165, %get3A_166] {strides = array<i32>} : memref<2304x32xbf16, #tpu.memory_space<vmem>>, vector<32xbf16>,
          %unpack3A = tpu.unpack_subelements %get3A_167, 0 {pack_format = #tpu.pack_format<interleaved>} : vector<32xbf16> -> vector<16xf32>
          %unpack3A_168 = tpu.unpack_subelements %get3A_167, 1 {pack_format = #tpu.pack_format<interleaved>} : vector<32xbf16> -> vector<16xf32>
          %mul3A_169 = arith.mulf %broadcast_in_dim3A_164, %unpack3A : vector<16xf32>
          %add3A_170 = arith.addf %broadcast_in_dim3A_138, %mul3A_169 : vector<16xf32>
          %mul3A_171 = arith.mulf %broadcast_in_dim3A_164, %unpack3A_168 : vector<16xf32>
          %add3A_172 = arith.addf %broadcast_in_dim3A_140, %mul3A_171 : vector<16xf32>
          %add3A_173 = arith.constant 0 : i32
          %add3A_174 = arith.addi %add3A_159, %add3A_173 : i32
          %add3A_175 = arith.constant 1 : i32
          %add3A_176 = arith.addi %add3A_174, %add3A_175 : i32
          %add3A_177 = arith.constant 1 : i32
          %add3A_178 = arith.addi %add3A_145, %add3A_177 : i32
          %broadcast_in_dim3A_179 = vector.broadcast %add3A_178 : i32 to vector<16xi32>
          %gather3A = tpu.vector_load_idx %arg9[%broadcast_in_dim3A_179] : memref<2560xf32, #tpu.memory_space<vmem>>[vector<16xi32>], vector<16xf32>,
          %get3A_180 = arith.index_cast %add3A_176 : i32 to index
          %get3A_181 = arith.constant 0 : index
          %get3A_182 = tpu.vector_load %arg11[%get3A_180, %get3A_181] {strides = array<i32>} : memref<2304x32xbf16, #tpu.memory_space<vmem>>, vector<32xbf16>,
          %unpack3A_183 = tpu.unpack_subelements %get3A_182, 0 {pack_format = #tpu.pack_format<interleaved>} : vector<32xbf16> -> vector<16xf32>
          %unpack3A_184 = tpu.unpack_subelements %get3A_182, 1 {pack_format = #tpu.pack_format<interleaved>} : vector<32xbf16> -> vector<16xf32>
          %mul3A_185 = arith.mulf %gather3A, %unpack3A_183 : vector<16xf32>
          %add3A_186 = arith.addf %add3A_170, %mul3A_185 : vector<16xf32>
          %mul3A_187 = arith.mulf %gather3A, %unpack3A_184 : vector<16xf32>
          %add3A_188 = arith.addf %add3A_172, %mul3A_187 : vector<16xf32>
          %add3A_189 = arith.constant 0 : i32
          %add3A_190 = arith.addi %add3A_159, %add3A_189 : i32
          %add3A_191 = arith.constant 2 : i32
          %add3A_192 = arith.addi %add3A_190, %add3A_191 : i32
          %slice3A_193 = vector.extract_strided_slice %get3A_146 {offsets = [2], sizes = [1], strides = [1]} : vector<16xf32> to vector<1xf32>
          %squeeze3A_194 = vector.extract %slice3A_193[0] : f32 from vector<1xf32>
          %broadcast_in_dim3A_195 = vector.broadcast %squeeze3A_194 : f32 to vector<16xf32>
          %get3A_196 = arith.index_cast %add3A_192 : i32 to index
          %get3A_197 = arith.constant 0 : index
          %get3A_198 = tpu.vector_load %arg11[%get3A_196, %get3A_197] {strides = array<i32>} : memref<2304x32xbf16, #tpu.memory_space<vmem>>, vector<32xbf16>,
          %unpack3A_199 = tpu.unpack_subelements %get3A_198, 0 {pack_format = #tpu.pack_format<interleaved>} : vector<32xbf16> -> vector<16xf32>
          %unpack3A_200 = tpu.unpack_subelements %get3A_198, 1 {pack_format = #tpu.pack_format<interleaved>} : vector<32xbf16> -> vector<16xf32>
          %mul3A_201 = arith.mulf %broadcast_in_dim3A_195, %unpack3A_199 : vector<16xf32>
          %add3A_202 = arith.addf %add3A_186, %mul3A_201 : vector<16xf32>
          %mul3A_203 = arith.mulf %broadcast_in_dim3A_195, %unpack3A_200 : vector<16xf32>
          %add3A_204 = arith.addf %add3A_188, %mul3A_203 : vector<16xf32>
          %add3A_205 = arith.constant 0 : i32
          %add3A_206 = arith.addi %add3A_159, %add3A_205 : i32
          %add3A_207 = arith.constant 3 : i32
          %add3A_208 = arith.addi %add3A_206, %add3A_207 : i32
          %add3A_209 = arith.constant 3 : i32
          %add3A_210 = arith.addi %add3A_145, %add3A_209 : i32
          %broadcast_in_dim3A_211 = vector.broadcast %add3A_210 : i32 to vector<16xi32>
          %gather3A_212 = tpu.vector_load_idx %arg9[%broadcast_in_dim3A_211] : memref<2560xf32, #tpu.memory_space<vmem>>[vector<16xi32>], vector<16xf32>,
          %get3A_213 = arith.index_cast %add3A_208 : i32 to index
          %get3A_214 = arith.constant 0 : index
          %get3A_215 = tpu.vector_load %arg11[%get3A_213, %get3A_214] {strides = array<i32>} : memref<2304x32xbf16, #tpu.memory_space<vmem>>, vector<32xbf16>,
          %unpack3A_216 = tpu.unpack_subelements %get3A_215, 0 {pack_format = #tpu.pack_format<interleaved>} : vector<32xbf16> -> vector<16xf32>
          %unpack3A_217 = tpu.unpack_subelements %get3A_215, 1 {pack_format = #tpu.pack_format<interleaved>} : vector<32xbf16> -> vector<16xf32>
          %mul3A_218 = arith.mulf %gather3A_212, %unpack3A_216 : vector<16xf32>
          %add3A_219 = arith.addf %add3A_202, %mul3A_218 : vector<16xf32>
          %mul3A_220 = arith.mulf %gather3A_212, %unpack3A_217 : vector<16xf32>
          %add3A_221 = arith.addf %add3A_204, %mul3A_220 : vector<16xf32>
          %add3A_222 = arith.constant 0 : i32
          %add3A_223 = arith.addi %add3A_159, %add3A_222 : i32
          %add3A_224 = arith.constant 4 : i32
          %add3A_225 = arith.addi %add3A_223, %add3A_224 : i32
          %slice3A_226 = vector.extract_strided_slice %get3A_146 {offsets = [4], sizes = [1], strides = [1]} : vector<16xf32> to vector<1xf32>
          %squeeze3A_227 = vector.extract %slice3A_226[0] : f32 from vector<1xf32>
          %broadcast_in_dim3A_228 = vector.broadcast %squeeze3A_227 : f32 to vector<16xf32>
          %get3A_229 = arith.index_cast %add3A_225 : i32 to index
          %get3A_230 = arith.constant 0 : index
          %get3A_231 = tpu.vector_load %arg11[%get3A_229, %get3A_230] {strides = array<i32>} : memref<2304x32xbf16, #tpu.memory_space<vmem>>, vector<32xbf16>,
          %unpack3A_232 = tpu.unpack_subelements %get3A_231, 0 {pack_format = #tpu.pack_format<interleaved>} : vector<32xbf16> -> vector<16xf32>
          %unpack3A_233 = tpu.unpack_subelements %get3A_231, 1 {pack_format = #tpu.pack_format<interleaved>} : vector<32xbf16> -> vector<16xf32>
          %mul3A_234 = arith.mulf %broadcast_in_dim3A_228, %unpack3A_232 : vector<16xf32>
          %add3A_235 = arith.addf %add3A_219, %mul3A_234 : vector<16xf32>
          %mul3A_236 = arith.mulf %broadcast_in_dim3A_228, %unpack3A_233 : vector<16xf32>
          %add3A_237 = arith.addf %add3A_221, %mul3A_236 : vector<16xf32>
          %add3A_238 = arith.constant 0 : i32
          %add3A_239 = arith.addi %add3A_159, %add3A_238 : i32
          %add3A_240 = arith.constant 5 : i32
          %add3A_241 = arith.addi %add3A_239, %add3A_240 : i32
          %add3A_242 = arith.constant 5 : i32
          %add3A_243 = arith.addi %add3A_145, %add3A_242 : i32
          %broadcast_in_dim3A_244 = vector.broadcast %add3A_243 : i32 to vector<16xi32>
          %gather3A_245 = tpu.vector_load_idx %arg9[%broadcast_in_dim3A_244] : memref<2560xf32, #tpu.memory_space<vmem>>[vector<16xi32>], vector<16xf32>,
          %get3A_246 = arith.index_cast %add3A_241 : i32 to index
          %get3A_247 = arith.constant 0 : index
          %get3A_248 = tpu.vector_load %arg11[%get3A_246, %get3A_247] {strides = array<i32>} : memref<2304x32xbf16, #tpu.memory_space<vmem>>, vector<32xbf16>,
          %unpack3A_249 = tpu.unpack_subelements %get3A_248, 0 {pack_format = #tpu.pack_format<interleaved>} : vector<32xbf16> -> vector<16xf32>
          %unpack3A_250 = tpu.unpack_subelements %get3A_248, 1 {pack_format = #tpu.pack_format<interleaved>} : vector<32xbf16> -> vector<16xf32>
          %mul3A_251 = arith.mulf %gather3A_245, %unpack3A_249 : vector<16xf32>
          %add3A_252 = arith.addf %add3A_235, %mul3A_251 : vector<16xf32>
          %mul3A_253 = arith.mulf %gather3A_245, %unpack3A_250 : vector<16xf32>
          %add3A_254 = arith.addf %add3A_237, %mul3A_253 : vector<16xf32>
          %add3A_255 = arith.constant 0 : i32
          %add3A_256 = arith.addi %add3A_159, %add3A_255 : i32
          %add3A_257 = arith.constant 6 : i32
          %add3A_258 = arith.addi %add3A_256, %add3A_257 : i32
          %slice3A_259 = vector.extract_strided_slice %get3A_146 {offsets = [6], sizes = [1], strides = [1]} : vector<16xf32> to vector<1xf32>
          %squeeze3A_260 = vector.extract %slice3A_259[0] : f32 from vector<1xf32>
          %broadcast_in_dim3A_261 = vector.broadcast %squeeze3A_260 : f32 to vector<16xf32>
          %get3A_262 = arith.index_cast %add3A_258 : i32 to index
          %get3A_263 = arith.constant 0 : index
          %get3A_264 = tpu.vector_load %arg11[%get3A_262, %get3A_263] {strides = array<i32>} : memref<2304x32xbf16, #tpu.memory_space<vmem>>, vector<32xbf16>,
          %unpack3A_265 = tpu.unpack_subelements %get3A_264, 0 {pack_format = #tpu.pack_format<interleaved>} : vector<32xbf16> -> vector<16xf32>
          %unpack3A_266 = tpu.unpack_subelements %get3A_264, 1 {pack_format = #tpu.pack_format<interleaved>} : vector<32xbf16> -> vector<16xf32>
          %mul3A_267 = arith.mulf %broadcast_in_dim3A_261, %unpack3A_265 : vector<16xf32>
          %add3A_268 = arith.addf %add3A_252, %mul3A_267 : vector<16xf32>
          %mul3A_269 = arith.mulf %broadcast_in_dim3A_261, %unpack3A_266 : vector<16xf32>
          %add3A_270 = arith.addf %add3A_254, %mul3A_269 : vector<16xf32>
          %add3A_271 = arith.constant 0 : i32
          %add3A_272 = arith.addi %add3A_159, %add3A_271 : i32
          %add3A_273 = arith.constant 7 : i32
          %add3A_274 = arith.addi %add3A_272, %add3A_273 : i32
          %add3A_275 = arith.constant 7 : i32
          %add3A_276 = arith.addi %add3A_145, %add3A_275 : i32
          %broadcast_in_dim3A_277 = vector.broadcast %add3A_276 : i32 to vector<16xi32>
          %gather3A_278 = tpu.vector_load_idx %arg9[%broadcast_in_dim3A_277] : memref<2560xf32, #tpu.memory_space<vmem>>[vector<16xi32>], vector<16xf32>,
          %get3A_279 = arith.index_cast %add3A_274 : i32 to index
          %get3A_280 = arith.constant 0 : index
          %get3A_281 = tpu.vector_load %arg11[%get3A_279, %get3A_280] {strides = array<i32>} : memref<2304x32xbf16, #tpu.memory_space<vmem>>, vector<32xbf16>,
          %unpack3A_282 = tpu.unpack_subelements %get3A_281, 0 {pack_format = #tpu.pack_format<interleaved>} : vector<32xbf16> -> vector<16xf32>
          %unpack3A_283 = tpu.unpack_subelements %get3A_281, 1 {pack_format = #tpu.pack_format<interleaved>} : vector<32xbf16> -> vector<16xf32>
          %mul3A_284 = arith.mulf %gather3A_278, %unpack3A_282 : vector<16xf32>
          %add3A_285 = arith.addf %add3A_268, %mul3A_284 : vector<16xf32>
          %mul3A_286 = arith.mulf %gather3A_278, %unpack3A_283 : vector<16xf32>
          %add3A_287 = arith.addf %add3A_270, %mul3A_286 : vector<16xf32>
          %add3A_288 = arith.constant 0 : i32
          %add3A_289 = arith.addi %add3A_159, %add3A_288 : i32
          %add3A_290 = arith.constant 8 : i32
          %add3A_291 = arith.addi %add3A_289, %add3A_290 : i32
          %slice3A_292 = vector.extract_strided_slice %get3A_146 {offsets = [8], sizes = [1], strides = [1]} : vector<16xf32> to vector<1xf32>
          %squeeze3A_293 = vector.extract %slice3A_292[0] : f32 from vector<1xf32>
          %broadcast_in_dim3A_294 = vector.broadcast %squeeze3A_293 : f32 to vector<16xf32>
          %get3A_295 = arith.index_cast %add3A_291 : i32 to index
          %get3A_296 = arith.constant 0 : index
          %get3A_297 = tpu.vector_load %arg11[%get3A_295, %get3A_296] {strides = array<i32>} : memref<2304x32xbf16, #tpu.memory_space<vmem>>, vector<32xbf16>,
          %unpack3A_298 = tpu.unpack_subelements %get3A_297, 0 {pack_format = #tpu.pack_format<interleaved>} : vector<32xbf16> -> vector<16xf32>
          %unpack3A_299 = tpu.unpack_subelements %get3A_297, 1 {pack_format = #tpu.pack_format<interleaved>} : vector<32xbf16> -> vector<16xf32>
          %mul3A_300 = arith.mulf %broadcast_in_dim3A_294, %unpack3A_298 : vector<16xf32>
          %add3A_301 = arith.addf %add3A_285, %mul3A_300 : vector<16xf32>
          %mul3A_302 = arith.mulf %broadcast_in_dim3A_294, %unpack3A_299 : vector<16xf32>
          %add3A_303 = arith.addf %add3A_287, %mul3A_302 : vector<16xf32>
          %add3A_304 = arith.constant 72 : i32
          %add3A_305 = arith.addi %add3A_159, %add3A_304 : i32
          %add3A_306 = arith.constant 0 : i32
          %add3A_307 = arith.addi %add3A_305, %add3A_306 : i32
          %add3A_308 = arith.constant 9 : i32
          %add3A_309 = arith.addi %add3A_145, %add3A_308 : i32
          %broadcast_in_dim3A_310 = vector.broadcast %add3A_309 : i32 to vector<16xi32>
          %gather3A_311 = tpu.vector_load_idx %arg9[%broadcast_in_dim3A_310] : memref<2560xf32, #tpu.memory_space<vmem>>[vector<16xi32>], vector<16xf32>,
          %get3A_312 = arith.index_cast %add3A_307 : i32 to index
          %get3A_313 = arith.constant 0 : index
          %get3A_314 = tpu.vector_load %arg11[%get3A_312, %get3A_313] {strides = array<i32>} : memref<2304x32xbf16, #tpu.memory_space<vmem>>, vector<32xbf16>,
          %unpack3A_315 = tpu.unpack_subelements %get3A_314, 0 {pack_format = #tpu.pack_format<interleaved>} : vector<32xbf16> -> vector<16xf32>
          %unpack3A_316 = tpu.unpack_subelements %get3A_314, 1 {pack_format = #tpu.pack_format<interleaved>} : vector<32xbf16> -> vector<16xf32>
          %mul3A_317 = arith.mulf %gather3A_311, %unpack3A_315 : vector<16xf32>
          %add3A_318 = arith.addf %add3A_301, %mul3A_317 : vector<16xf32>
          %mul3A_319 = arith.mulf %gather3A_311, %unpack3A_316 : vector<16xf32>
          %add3A_320 = arith.addf %add3A_303, %mul3A_319 : vector<16xf32>
          %add3A_321 = arith.constant 72 : i32
          %add3A_322 = arith.addi %add3A_159, %add3A_321 : i32
          %add3A_323 = arith.constant 1 : i32
          %add3A_324 = arith.addi %add3A_322, %add3A_323 : i32
          %slice3A_325 = vector.extract_strided_slice %get3A_146 {offsets = [10], sizes = [1], strides = [1]} : vector<16xf32> to vector<1xf32>
          %squeeze3A_326 = vector.extract %slice3A_325[0] : f32 from vector<1xf32>
          %broadcast_in_dim3A_327 = vector.broadcast %squeeze3A_326 : f32 to vector<16xf32>
          %get3A_328 = arith.index_cast %add3A_324 : i32 to index
          %get3A_329 = arith.constant 0 : index
          %get3A_330 = tpu.vector_load %arg11[%get3A_328, %get3A_329] {strides = array<i32>} : memref<2304x32xbf16, #tpu.memory_space<vmem>>, vector<32xbf16>,
          %unpack3A_331 = tpu.unpack_subelements %get3A_330, 0 {pack_format = #tpu.pack_format<interleaved>} : vector<32xbf16> -> vector<16xf32>
          %unpack3A_332 = tpu.unpack_subelements %get3A_330, 1 {pack_format = #tpu.pack_format<interleaved>} : vector<32xbf16> -> vector<16xf32>
          %mul3A_333 = arith.mulf %broadcast_in_dim3A_327, %unpack3A_331 : vector<16xf32>
          %add3A_334 = arith.addf %add3A_318, %mul3A_333 : vector<16xf32>
          %mul3A_335 = arith.mulf %broadcast_in_dim3A_327, %unpack3A_332 : vector<16xf32>
          %add3A_336 = arith.addf %add3A_320, %mul3A_335 : vector<16xf32>
          %add3A_337 = arith.constant 72 : i32
          %add3A_338 = arith.addi %add3A_159, %add3A_337 : i32
          %add3A_339 = arith.constant 2 : i32
          %add3A_340 = arith.addi %add3A_338, %add3A_339 : i32
          %add3A_341 = arith.constant 11 : i32
          %add3A_342 = arith.addi %add3A_145, %add3A_341 : i32
          %broadcast_in_dim3A_343 = vector.broadcast %add3A_342 : i32 to vector<16xi32>
          %gather3A_344 = tpu.vector_load_idx %arg9[%broadcast_in_dim3A_343] : memref<2560xf32, #tpu.memory_space<vmem>>[vector<16xi32>], vector<16xf32>,
          %get3A_345 = arith.index_cast %add3A_340 : i32 to index
          %get3A_346 = arith.constant 0 : index
          %get3A_347 = tpu.vector_load %arg11[%get3A_345, %get3A_346] {strides = array<i32>} : memref<2304x32xbf16, #tpu.memory_space<vmem>>, vector<32xbf16>,
          %unpack3A_348 = tpu.unpack_subelements %get3A_347, 0 {pack_format = #tpu.pack_format<interleaved>} : vector<32xbf16> -> vector<16xf32>
          %unpack3A_349 = tpu.unpack_subelements %get3A_347, 1 {pack_format = #tpu.pack_format<interleaved>} : vector<32xbf16> -> vector<16xf32>
          %mul3A_350 = arith.mulf %gather3A_344, %unpack3A_348 : vector<16xf32>
          %add3A_351 = arith.addf %add3A_334, %mul3A_350 : vector<16xf32>
          %mul3A_352 = arith.mulf %gather3A_344, %unpack3A_349 : vector<16xf32>
          %add3A_353 = arith.addf %add3A_336, %mul3A_352 : vector<16xf32>
          %add3A_354 = arith.constant 72 : i32
          %add3A_355 = arith.addi %add3A_159, %add3A_354 : i32
          %add3A_356 = arith.constant 3 : i32
          %add3A_357 = arith.addi %add3A_355, %add3A_356 : i32
          %slice3A_358 = vector.extract_strided_slice %get3A_146 {offsets = [12], sizes = [1], strides = [1]} : vector<16xf32> to vector<1xf32>
          %squeeze3A_359 = vector.extract %slice3A_358[0] : f32 from vector<1xf32>
          %broadcast_in_dim3A_360 = vector.broadcast %squeeze3A_359 : f32 to vector<16xf32>
          %get3A_361 = arith.index_cast %add3A_357 : i32 to index
          %get3A_362 = arith.constant 0 : index
          %get3A_363 = tpu.vector_load %arg11[%get3A_361, %get3A_362] {strides = array<i32>} : memref<2304x32xbf16, #tpu.memory_space<vmem>>, vector<32xbf16>,
          %unpack3A_364 = tpu.unpack_subelements %get3A_363, 0 {pack_format = #tpu.pack_format<interleaved>} : vector<32xbf16> -> vector<16xf32>
          %unpack3A_365 = tpu.unpack_subelements %get3A_363, 1 {pack_format = #tpu.pack_format<interleaved>} : vector<32xbf16> -> vector<16xf32>
          %mul3A_366 = arith.mulf %broadcast_in_dim3A_360, %unpack3A_364 : vector<16xf32>
          %add3A_367 = arith.addf %add3A_351, %mul3A_366 : vector<16xf32>
          %mul3A_368 = arith.mulf %broadcast_in_dim3A_360, %unpack3A_365 : vector<16xf32>
          %add3A_369 = arith.addf %add3A_353, %mul3A_368 : vector<16xf32>
          %add3A_370 = arith.constant 72 : i32
          %add3A_371 = arith.addi %add3A_159, %add3A_370 : i32
          %add3A_372 = arith.constant 4 : i32
          %add3A_373 = arith.addi %add3A_371, %add3A_372 : i32
          %add3A_374 = arith.constant 13 : i32
          %add3A_375 = arith.addi %add3A_145, %add3A_374 : i32
          %broadcast_in_dim3A_376 = vector.broadcast %add3A_375 : i32 to vector<16xi32>
          %gather3A_377 = tpu.vector_load_idx %arg9[%broadcast_in_dim3A_376] : memref<2560xf32, #tpu.memory_space<vmem>>[vector<16xi32>], vector<16xf32>,
          %get3A_378 = arith.index_cast %add3A_373 : i32 to index
          %get3A_379 = arith.constant 0 : index
          %get3A_380 = tpu.vector_load %arg11[%get3A_378, %get3A_379] {strides = array<i32>} : memref<2304x32xbf16, #tpu.memory_space<vmem>>, vector<32xbf16>,
          %unpack3A_381 = tpu.unpack_subelements %get3A_380, 0 {pack_format = #tpu.pack_format<interleaved>} : vector<32xbf16> -> vector<16xf32>
          %unpack3A_382 = tpu.unpack_subelements %get3A_380, 1 {pack_format = #tpu.pack_format<interleaved>} : vector<32xbf16> -> vector<16xf32>
          %mul3A_383 = arith.mulf %gather3A_377, %unpack3A_381 : vector<16xf32>
          %add3A_384 = arith.addf %add3A_367, %mul3A_383 : vector<16xf32>
          %mul3A_385 = arith.mulf %gather3A_377, %unpack3A_382 : vector<16xf32>
          %add3A_386 = arith.addf %add3A_369, %mul3A_385 : vector<16xf32>
          %add3A_387 = arith.constant 72 : i32
          %add3A_388 = arith.addi %add3A_159, %add3A_387 : i32
          %add3A_389 = arith.constant 5 : i32
          %add3A_390 = arith.addi %add3A_388, %add3A_389 : i32
          %slice3A_391 = vector.extract_strided_slice %get3A_146 {offsets = [14], sizes = [1], strides = [1]} : vector<16xf32> to vector<1xf32>
          %squeeze3A_392 = vector.extract %slice3A_391[0] : f32 from vector<1xf32>
          %broadcast_in_dim3A_393 = vector.broadcast %squeeze3A_392 : f32 to vector<16xf32>
          %get3A_394 = arith.index_cast %add3A_390 : i32 to index
          %get3A_395 = arith.constant 0 : index
          %get3A_396 = tpu.vector_load %arg11[%get3A_394, %get3A_395] {strides = array<i32>} : memref<2304x32xbf16, #tpu.memory_space<vmem>>, vector<32xbf16>,
          %unpack3A_397 = tpu.unpack_subelements %get3A_396, 0 {pack_format = #tpu.pack_format<interleaved>} : vector<32xbf16> -> vector<16xf32>
          %unpack3A_398 = tpu.unpack_subelements %get3A_396, 1 {pack_format = #tpu.pack_format<interleaved>} : vector<32xbf16> -> vector<16xf32>
          %mul3A_399 = arith.mulf %broadcast_in_dim3A_393, %unpack3A_397 : vector<16xf32>
          %add3A_400 = arith.addf %add3A_384, %mul3A_399 : vector<16xf32>
          %mul3A_401 = arith.mulf %broadcast_in_dim3A_393, %unpack3A_398 : vector<16xf32>
          %add3A_402 = arith.addf %add3A_386, %mul3A_401 : vector<16xf32>
          %add3A_403 = arith.constant 72 : i32
          %add3A_404 = arith.addi %add3A_159, %add3A_403 : i32
          %add3A_405 = arith.constant 6 : i32
          %add3A_406 = arith.addi %add3A_404, %add3A_405 : i32
          %add3A_407 = arith.constant 15 : i32
          %add3A_408 = arith.addi %add3A_145, %add3A_407 : i32
          %broadcast_in_dim3A_409 = vector.broadcast %add3A_408 : i32 to vector<16xi32>
          %gather3A_410 = tpu.vector_load_idx %arg9[%broadcast_in_dim3A_409] : memref<2560xf32, #tpu.memory_space<vmem>>[vector<16xi32>], vector<16xf32>,
          %get3A_411 = arith.index_cast %add3A_406 : i32 to index
          %get3A_412 = arith.constant 0 : index
          %get3A_413 = tpu.vector_load %arg11[%get3A_411, %get3A_412] {strides = array<i32>} : memref<2304x32xbf16, #tpu.memory_space<vmem>>, vector<32xbf16>,
          %unpack3A_414 = tpu.unpack_subelements %get3A_413, 0 {pack_format = #tpu.pack_format<interleaved>} : vector<32xbf16> -> vector<16xf32>
          %unpack3A_415 = tpu.unpack_subelements %get3A_413, 1 {pack_format = #tpu.pack_format<interleaved>} : vector<32xbf16> -> vector<16xf32>
          %mul3A_416 = arith.mulf %gather3A_410, %unpack3A_414 : vector<16xf32>
          %add3A_417 = arith.addf %add3A_400, %mul3A_416 : vector<16xf32>
          %mul3A_418 = arith.mulf %gather3A_410, %unpack3A_415 : vector<16xf32>
          %add3A_419 = arith.addf %add3A_402, %mul3A_418 : vector<16xf32>
          %add3A_420 = arith.constant 72 : i32
          %add3A_421 = arith.addi %add3A_159, %add3A_420 : i32
          %add3A_422 = arith.constant 7 : i32
          %add3A_423 = arith.addi %add3A_421, %add3A_422 : i32
          %slice3A_424 = vector.extract_strided_slice %get3A_150 {offsets = [0], sizes = [1], strides = [1]} : vector<16xf32> to vector<1xf32>
          %squeeze3A_425 = vector.extract %slice3A_424[0] : f32 from vector<1xf32>
          %broadcast_in_dim3A_426 = vector.broadcast %squeeze3A_425 : f32 to vector<16xf32>
          %get3A_427 = arith.index_cast %add3A_423 : i32 to index
          %get3A_428 = arith.constant 0 : index
          %get3A_429 = tpu.vector_load %arg11[%get3A_427, %get3A_428] {strides = array<i32>} : memref<2304x32xbf16, #tpu.memory_space<vmem>>, vector<32xbf16>,
          %unpack3A_430 = tpu.unpack_subelements %get3A_429, 0 {pack_format = #tpu.pack_format<interleaved>} : vector<32xbf16> -> vector<16xf32>
          %unpack3A_431 = tpu.unpack_subelements %get3A_429, 1 {pack_format = #tpu.pack_format<interleaved>} : vector<32xbf16> -> vector<16xf32>
          %mul3A_432 = arith.mulf %broadcast_in_dim3A_426, %unpack3A_430 : vector<16xf32>
          %add3A_433 = arith.addf %add3A_417, %mul3A_432 : vector<16xf32>
          %mul3A_434 = arith.mulf %broadcast_in_dim3A_426, %unpack3A_431 : vector<16xf32>
          %add3A_435 = arith.addf %add3A_419, %mul3A_434 : vector<16xf32>
          %add3A_436 = arith.constant 72 : i32
          %add3A_437 = arith.addi %add3A_159, %add3A_436 : i32
          %add3A_438 = arith.constant 8 : i32
          %add3A_439 = arith.addi %add3A_437, %add3A_438 : i32
          %add3A_440 = arith.constant 17 : i32
          %add3A_441 = arith.addi %add3A_145, %add3A_440 : i32
          %broadcast_in_dim3A_442 = vector.broadcast %add3A_441 : i32 to vector<16xi32>
          %gather3A_443 = tpu.vector_load_idx %arg9[%broadcast_in_dim3A_442] : memref<2560xf32, #tpu.memory_space<vmem>>[vector<16xi32>], vector<16xf32>,
          %get3A_444 = arith.index_cast %add3A_439 : i32 to index
          %get3A_445 = arith.constant 0 : index
          %get3A_446 = tpu.vector_load %arg11[%get3A_444, %get3A_445] {strides = array<i32>} : memref<2304x32xbf16, #tpu.memory_space<vmem>>, vector<32xbf16>,
          %unpack3A_447 = tpu.unpack_subelements %get3A_446, 0 {pack_format = #tpu.pack_format<interleaved>} : vector<32xbf16> -> vector<16xf32>
          %unpack3A_448 = tpu.unpack_subelements %get3A_446, 1 {pack_format = #tpu.pack_format<interleaved>} : vector<32xbf16> -> vector<16xf32>
          %mul3A_449 = arith.mulf %gather3A_443, %unpack3A_447 : vector<16xf32>
          %add3A_450 = arith.addf %add3A_433, %mul3A_449 : vector<16xf32>
          %mul3A_451 = arith.mulf %gather3A_443, %unpack3A_448 : vector<16xf32>
          %add3A_452 = arith.addf %add3A_435, %mul3A_451 : vector<16xf32>
          %add3A_453 = arith.constant 144 : i32
          %add3A_454 = arith.addi %add3A_159, %add3A_453 : i32
          %add3A_455 = arith.constant 0 : i32
          %add3A_456 = arith.addi %add3A_454, %add3A_455 : i32
          %slice3A_457 = vector.extract_strided_slice %get3A_150 {offsets = [2], sizes = [1], strides = [1]} : vector<16xf32> to vector<1xf32>
          %squeeze3A_458 = vector.extract %slice3A_457[0] : f32 from vector<1xf32>
          %broadcast_in_dim3A_459 = vector.broadcast %squeeze3A_458 : f32 to vector<16xf32>
          %get3A_460 = arith.index_cast %add3A_456 : i32 to index
          %get3A_461 = arith.constant 0 : index
          %get3A_462 = tpu.vector_load %arg11[%get3A_460, %get3A_461] {strides = array<i32>} : memref<2304x32xbf16, #tpu.memory_space<vmem>>, vector<32xbf16>,
          %unpack3A_463 = tpu.unpack_subelements %get3A_462, 0 {pack_format = #tpu.pack_format<interleaved>} : vector<32xbf16> -> vector<16xf32>
          %unpack3A_464 = tpu.unpack_subelements %get3A_462, 1 {pack_format = #tpu.pack_format<interleaved>} : vector<32xbf16> -> vector<16xf32>
          %mul3A_465 = arith.mulf %broadcast_in_dim3A_459, %unpack3A_463 : vector<16xf32>
          %add3A_466 = arith.addf %add3A_450, %mul3A_465 : vector<16xf32>
          %mul3A_467 = arith.mulf %broadcast_in_dim3A_459, %unpack3A_464 : vector<16xf32>
          %add3A_468 = arith.addf %add3A_452, %mul3A_467 : vector<16xf32>
          %add3A_469 = arith.constant 144 : i32
          %add3A_470 = arith.addi %add3A_159, %add3A_469 : i32
          %add3A_471 = arith.constant 1 : i32
          %add3A_472 = arith.addi %add3A_470, %add3A_471 : i32
          %add3A_473 = arith.constant 19 : i32
          %add3A_474 = arith.addi %add3A_145, %add3A_473 : i32
          %broadcast_in_dim3A_475 = vector.broadcast %add3A_474 : i32 to vector<16xi32>
          %gather3A_476 = tpu.vector_load_idx %arg9[%broadcast_in_dim3A_475] : memref<2560xf32, #tpu.memory_space<vmem>>[vector<16xi32>], vector<16xf32>,
          %get3A_477 = arith.index_cast %add3A_472 : i32 to index
          %get3A_478 = arith.constant 0 : index
          %get3A_479 = tpu.vector_load %arg11[%get3A_477, %get3A_478] {strides = array<i32>} : memref<2304x32xbf16, #tpu.memory_space<vmem>>, vector<32xbf16>,
          %unpack3A_480 = tpu.unpack_subelements %get3A_479, 0 {pack_format = #tpu.pack_format<interleaved>} : vector<32xbf16> -> vector<16xf32>
          %unpack3A_481 = tpu.unpack_subelements %get3A_479, 1 {pack_format = #tpu.pack_format<interleaved>} : vector<32xbf16> -> vector<16xf32>
          %mul3A_482 = arith.mulf %gather3A_476, %unpack3A_480 : vector<16xf32>
          %add3A_483 = arith.addf %add3A_466, %mul3A_482 : vector<16xf32>
          %mul3A_484 = arith.mulf %gather3A_476, %unpack3A_481 : vector<16xf32>
          %add3A_485 = arith.addf %add3A_468, %mul3A_484 : vector<16xf32>
          %add3A_486 = arith.constant 144 : i32
          %add3A_487 = arith.addi %add3A_159, %add3A_486 : i32
          %add3A_488 = arith.constant 2 : i32
          %add3A_489 = arith.addi %add3A_487, %add3A_488 : i32
          %slice3A_490 = vector.extract_strided_slice %get3A_150 {offsets = [4], sizes = [1], strides = [1]} : vector<16xf32> to vector<1xf32>
          %squeeze3A_491 = vector.extract %slice3A_490[0] : f32 from vector<1xf32>
          %broadcast_in_dim3A_492 = vector.broadcast %squeeze3A_491 : f32 to vector<16xf32>
          %get3A_493 = arith.index_cast %add3A_489 : i32 to index
          %get3A_494 = arith.constant 0 : index
          %get3A_495 = tpu.vector_load %arg11[%get3A_493, %get3A_494] {strides = array<i32>} : memref<2304x32xbf16, #tpu.memory_space<vmem>>, vector<32xbf16>,
          %unpack3A_496 = tpu.unpack_subelements %get3A_495, 0 {pack_format = #tpu.pack_format<interleaved>} : vector<32xbf16> -> vector<16xf32>
          %unpack3A_497 = tpu.unpack_subelements %get3A_495, 1 {pack_format = #tpu.pack_format<interleaved>} : vector<32xbf16> -> vector<16xf32>
          %mul3A_498 = arith.mulf %broadcast_in_dim3A_492, %unpack3A_496 : vector<16xf32>
          %add3A_499 = arith.addf %add3A_483, %mul3A_498 : vector<16xf32>
          %mul3A_500 = arith.mulf %broadcast_in_dim3A_492, %unpack3A_497 : vector<16xf32>
          %add3A_501 = arith.addf %add3A_485, %mul3A_500 : vector<16xf32>
          %add3A_502 = arith.constant 144 : i32
          %add3A_503 = arith.addi %add3A_159, %add3A_502 : i32
          %add3A_504 = arith.constant 3 : i32
          %add3A_505 = arith.addi %add3A_503, %add3A_504 : i32
          %add3A_506 = arith.constant 21 : i32
          %add3A_507 = arith.addi %add3A_145, %add3A_506 : i32
          %broadcast_in_dim3A_508 = vector.broadcast %add3A_507 : i32 to vector<16xi32>
          %gather3A_509 = tpu.vector_load_idx %arg9[%broadcast_in_dim3A_508] : memref<2560xf32, #tpu.memory_space<vmem>>[vector<16xi32>], vector<16xf32>,
          %get3A_510 = arith.index_cast %add3A_505 : i32 to index
          %get3A_511 = arith.constant 0 : index
          %get3A_512 = tpu.vector_load %arg11[%get3A_510, %get3A_511] {strides = array<i32>} : memref<2304x32xbf16, #tpu.memory_space<vmem>>, vector<32xbf16>,
          %unpack3A_513 = tpu.unpack_subelements %get3A_512, 0 {pack_format = #tpu.pack_format<interleaved>} : vector<32xbf16> -> vector<16xf32>
          %unpack3A_514 = tpu.unpack_subelements %get3A_512, 1 {pack_format = #tpu.pack_format<interleaved>} : vector<32xbf16> -> vector<16xf32>
          %mul3A_515 = arith.mulf %gather3A_509, %unpack3A_513 : vector<16xf32>
          %add3A_516 = arith.addf %add3A_499, %mul3A_515 : vector<16xf32>
          %mul3A_517 = arith.mulf %gather3A_509, %unpack3A_514 : vector<16xf32>
          %add3A_518 = arith.addf %add3A_501, %mul3A_517 : vector<16xf32>
          %add3A_519 = arith.constant 144 : i32
          %add3A_520 = arith.addi %add3A_159, %add3A_519 : i32
          %add3A_521 = arith.constant 4 : i32
          %add3A_522 = arith.addi %add3A_520, %add3A_521 : i32
          %slice3A_523 = vector.extract_strided_slice %get3A_150 {offsets = [6], sizes = [1], strides = [1]} : vector<16xf32> to vector<1xf32>
          %squeeze3A_524 = vector.extract %slice3A_523[0] : f32 from vector<1xf32>
          %broadcast_in_dim3A_525 = vector.broadcast %squeeze3A_524 : f32 to vector<16xf32>
          %get3A_526 = arith.index_cast %add3A_522 : i32 to index
          %get3A_527 = arith.constant 0 : index
          %get3A_528 = tpu.vector_load %arg11[%get3A_526, %get3A_527] {strides = array<i32>} : memref<2304x32xbf16, #tpu.memory_space<vmem>>, vector<32xbf16>,
          %unpack3A_529 = tpu.unpack_subelements %get3A_528, 0 {pack_format = #tpu.pack_format<interleaved>} : vector<32xbf16> -> vector<16xf32>
          %unpack3A_530 = tpu.unpack_subelements %get3A_528, 1 {pack_format = #tpu.pack_format<interleaved>} : vector<32xbf16> -> vector<16xf32>
          %mul3A_531 = arith.mulf %broadcast_in_dim3A_525, %unpack3A_529 : vector<16xf32>
          %add3A_532 = arith.addf %add3A_516, %mul3A_531 : vector<16xf32>
          %mul3A_533 = arith.mulf %broadcast_in_dim3A_525, %unpack3A_530 : vector<16xf32>
          %add3A_534 = arith.addf %add3A_518, %mul3A_533 : vector<16xf32>
          %add3A_535 = arith.constant 144 : i32
          %add3A_536 = arith.addi %add3A_159, %add3A_535 : i32
          %add3A_537 = arith.constant 5 : i32
          %add3A_538 = arith.addi %add3A_536, %add3A_537 : i32
          %add3A_539 = arith.constant 23 : i32
          %add3A_540 = arith.addi %add3A_145, %add3A_539 : i32
          %broadcast_in_dim3A_541 = vector.broadcast %add3A_540 : i32 to vector<16xi32>
          %gather3A_542 = tpu.vector_load_idx %arg9[%broadcast_in_dim3A_541] : memref<2560xf32, #tpu.memory_space<vmem>>[vector<16xi32>], vector<16xf32>,
          %get3A_543 = arith.index_cast %add3A_538 : i32 to index
          %get3A_544 = arith.constant 0 : index
          %get3A_545 = tpu.vector_load %arg11[%get3A_543, %get3A_544] {strides = array<i32>} : memref<2304x32xbf16, #tpu.memory_space<vmem>>, vector<32xbf16>,
          %unpack3A_546 = tpu.unpack_subelements %get3A_545, 0 {pack_format = #tpu.pack_format<interleaved>} : vector<32xbf16> -> vector<16xf32>
          %unpack3A_547 = tpu.unpack_subelements %get3A_545, 1 {pack_format = #tpu.pack_format<interleaved>} : vector<32xbf16> -> vector<16xf32>
          %mul3A_548 = arith.mulf %gather3A_542, %unpack3A_546 : vector<16xf32>
          %add3A_549 = arith.addf %add3A_532, %mul3A_548 : vector<16xf32>
          %mul3A_550 = arith.mulf %gather3A_542, %unpack3A_547 : vector<16xf32>
          %add3A_551 = arith.addf %add3A_534, %mul3A_550 : vector<16xf32>
          %add3A_552 = arith.constant 144 : i32
          %add3A_553 = arith.addi %add3A_159, %add3A_552 : i32
          %add3A_554 = arith.constant 6 : i32
          %add3A_555 = arith.addi %add3A_553, %add3A_554 : i32
          %slice3A_556 = vector.extract_strided_slice %get3A_154 {offsets = [0], sizes = [1], strides = [1]} : vector<16xf32> to vector<1xf32>
          %squeeze3A_557 = vector.extract %slice3A_556[0] : f32 from vector<1xf32>
          %broadcast_in_dim3A_558 = vector.broadcast %squeeze3A_557 : f32 to vector<16xf32>
          %get3A_559 = arith.index_cast %add3A_555 : i32 to index
          %get3A_560 = arith.constant 0 : index
          %get3A_561 = tpu.vector_load %arg11[%get3A_559, %get3A_560] {strides = array<i32>} : memref<2304x32xbf16, #tpu.memory_space<vmem>>, vector<32xbf16>,
          %unpack3A_562 = tpu.unpack_subelements %get3A_561, 0 {pack_format = #tpu.pack_format<interleaved>} : vector<32xbf16> -> vector<16xf32>
          %unpack3A_563 = tpu.unpack_subelements %get3A_561, 1 {pack_format = #tpu.pack_format<interleaved>} : vector<32xbf16> -> vector<16xf32>
          %mul3A_564 = arith.mulf %broadcast_in_dim3A_558, %unpack3A_562 : vector<16xf32>
          %add3A_565 = arith.addf %add3A_549, %mul3A_564 : vector<16xf32>
          %mul3A_566 = arith.mulf %broadcast_in_dim3A_558, %unpack3A_563 : vector<16xf32>
          %add3A_567 = arith.addf %add3A_551, %mul3A_566 : vector<16xf32>
          %add3A_568 = arith.constant 144 : i32
          %add3A_569 = arith.addi %add3A_159, %add3A_568 : i32
          %add3A_570 = arith.constant 7 : i32
          %add3A_571 = arith.addi %add3A_569, %add3A_570 : i32
          %add3A_572 = arith.constant 25 : i32
          %add3A_573 = arith.addi %add3A_145, %add3A_572 : i32
          %broadcast_in_dim3A_574 = vector.broadcast %add3A_573 : i32 to vector<16xi32>
          %gather3A_575 = tpu.vector_load_idx %arg9[%broadcast_in_dim3A_574] : memref<2560xf32, #tpu.memory_space<vmem>>[vector<16xi32>], vector<16xf32>,
          %get3A_576 = arith.index_cast %add3A_571 : i32 to index
          %get3A_577 = arith.constant 0 : index
          %get3A_578 = tpu.vector_load %arg11[%get3A_576, %get3A_577] {strides = array<i32>} : memref<2304x32xbf16, #tpu.memory_space<vmem>>, vector<32xbf16>,
          %unpack3A_579 = tpu.unpack_subelements %get3A_578, 0 {pack_format = #tpu.pack_format<interleaved>} : vector<32xbf16> -> vector<16xf32>
          %unpack3A_580 = tpu.unpack_subelements %get3A_578, 1 {pack_format = #tpu.pack_format<interleaved>} : vector<32xbf16> -> vector<16xf32>
          %mul3A_581 = arith.mulf %gather3A_575, %unpack3A_579 : vector<16xf32>
          %add3A_582 = arith.addf %add3A_565, %mul3A_581 : vector<16xf32>
          %mul3A_583 = arith.mulf %gather3A_575, %unpack3A_580 : vector<16xf32>
          %add3A_584 = arith.addf %add3A_567, %mul3A_583 : vector<16xf32>
          %add3A_585 = arith.constant 144 : i32
          %add3A_586 = arith.addi %add3A_159, %add3A_585 : i32
          %add3A_587 = arith.constant 8 : i32
          %add3A_588 = arith.addi %add3A_586, %add3A_587 : i32
          %slice3A_589 = vector.extract_strided_slice %get3A_154 {offsets = [2], sizes = [1], strides = [1]} : vector<16xf32> to vector<1xf32>
          %squeeze3A_590 = vector.extract %slice3A_589[0] : f32 from vector<1xf32>
          %broadcast_in_dim3A_591 = vector.broadcast %squeeze3A_590 : f32 to vector<16xf32>
          %get3A_592 = arith.index_cast %add3A_588 : i32 to index
          %get3A_593 = arith.constant 0 : index
          %get3A_594 = tpu.vector_load %arg11[%get3A_592, %get3A_593] {strides = array<i32>} : memref<2304x32xbf16, #tpu.memory_space<vmem>>, vector<32xbf16>,
          %unpack3A_595 = tpu.unpack_subelements %get3A_594, 0 {pack_format = #tpu.pack_format<interleaved>} : vector<32xbf16> -> vector<16xf32>
          %unpack3A_596 = tpu.unpack_subelements %get3A_594, 1 {pack_format = #tpu.pack_format<interleaved>} : vector<32xbf16> -> vector<16xf32>
          %mul3A_597 = arith.mulf %broadcast_in_dim3A_591, %unpack3A_595 : vector<16xf32>
          %add3A_598 = arith.addf %add3A_582, %mul3A_597 : vector<16xf32>
          %mul3A_599 = arith.mulf %broadcast_in_dim3A_591, %unpack3A_596 : vector<16xf32>
          %add3A_600 = arith.addf %add3A_584, %mul3A_599 : vector<16xf32>
          %add3A_601 = arith.constant 216 : i32
          %add3A_602 = arith.addi %add3A_159, %add3A_601 : i32
          %add3A_603 = arith.constant 0 : i32
          %add3A_604 = arith.addi %add3A_602, %add3A_603 : i32
          %add3A_605 = arith.constant 27 : i32
          %add3A_606 = arith.addi %add3A_145, %add3A_605 : i32
          %broadcast_in_dim3A_607 = vector.broadcast %add3A_606 : i32 to vector<16xi32>
          %gather3A_608 = tpu.vector_load_idx %arg9[%broadcast_in_dim3A_607] : memref<2560xf32, #tpu.memory_space<vmem>>[vector<16xi32>], vector<16xf32>,
          %get3A_609 = arith.index_cast %add3A_604 : i32 to index
          %get3A_610 = arith.constant 0 : index
          %get3A_611 = tpu.vector_load %arg11[%get3A_609, %get3A_610] {strides = array<i32>} : memref<2304x32xbf16, #tpu.memory_space<vmem>>, vector<32xbf16>,
          %unpack3A_612 = tpu.unpack_subelements %get3A_611, 0 {pack_format = #tpu.pack_format<interleaved>} : vector<32xbf16> -> vector<16xf32>
          %unpack3A_613 = tpu.unpack_subelements %get3A_611, 1 {pack_format = #tpu.pack_format<interleaved>} : vector<32xbf16> -> vector<16xf32>
          %mul3A_614 = arith.mulf %gather3A_608, %unpack3A_612 : vector<16xf32>
          %add3A_615 = arith.addf %add3A_598, %mul3A_614 : vector<16xf32>
          %mul3A_616 = arith.mulf %gather3A_608, %unpack3A_613 : vector<16xf32>
          %add3A_617 = arith.addf %add3A_600, %mul3A_616 : vector<16xf32>
          %add3A_618 = arith.constant 216 : i32
          %add3A_619 = arith.addi %add3A_159, %add3A_618 : i32
          %add3A_620 = arith.constant 1 : i32
          %add3A_621 = arith.addi %add3A_619, %add3A_620 : i32
          %slice3A_622 = vector.extract_strided_slice %get3A_154 {offsets = [4], sizes = [1], strides = [1]} : vector<16xf32> to vector<1xf32>
          %squeeze3A_623 = vector.extract %slice3A_622[0] : f32 from vector<1xf32>
          %broadcast_in_dim3A_624 = vector.broadcast %squeeze3A_623 : f32 to vector<16xf32>
          %get3A_625 = arith.index_cast %add3A_621 : i32 to index
          %get3A_626 = arith.constant 0 : index
          %get3A_627 = tpu.vector_load %arg11[%get3A_625, %get3A_626] {strides = array<i32>} : memref<2304x32xbf16, #tpu.memory_space<vmem>>, vector<32xbf16>,
          %unpack3A_628 = tpu.unpack_subelements %get3A_627, 0 {pack_format = #tpu.pack_format<interleaved>} : vector<32xbf16> -> vector<16xf32>
          %unpack3A_629 = tpu.unpack_subelements %get3A_627, 1 {pack_format = #tpu.pack_format<interleaved>} : vector<32xbf16> -> vector<16xf32>
          %mul3A_630 = arith.mulf %broadcast_in_dim3A_624, %unpack3A_628 : vector<16xf32>
          %add3A_631 = arith.addf %add3A_615, %mul3A_630 : vector<16xf32>
          %mul3A_632 = arith.mulf %broadcast_in_dim3A_624, %unpack3A_629 : vector<16xf32>
          %add3A_633 = arith.addf %add3A_617, %mul3A_632 : vector<16xf32>
          %add3A_634 = arith.constant 216 : i32
          %add3A_635 = arith.addi %add3A_159, %add3A_634 : i32
          %add3A_636 = arith.constant 2 : i32
          %add3A_637 = arith.addi %add3A_635, %add3A_636 : i32
          %add3A_638 = arith.constant 29 : i32
          %add3A_639 = arith.addi %add3A_145, %add3A_638 : i32
          %broadcast_in_dim3A_640 = vector.broadcast %add3A_639 : i32 to vector<16xi32>
          %gather3A_641 = tpu.vector_load_idx %arg9[%broadcast_in_dim3A_640] : memref<2560xf32, #tpu.memory_space<vmem>>[vector<16xi32>], vector<16xf32>,
          %get3A_642 = arith.index_cast %add3A_637 : i32 to index
          %get3A_643 = arith.constant 0 : index
          %get3A_644 = tpu.vector_load %arg11[%get3A_642, %get3A_643] {strides = array<i32>} : memref<2304x32xbf16, #tpu.memory_space<vmem>>, vector<32xbf16>,
          %unpack3A_645 = tpu.unpack_subelements %get3A_644, 0 {pack_format = #tpu.pack_format<interleaved>} : vector<32xbf16> -> vector<16xf32>
          %unpack3A_646 = tpu.unpack_subelements %get3A_644, 1 {pack_format = #tpu.pack_format<interleaved>} : vector<32xbf16> -> vector<16xf32>
          %mul3A_647 = arith.mulf %gather3A_641, %unpack3A_645 : vector<16xf32>
          %add3A_648 = arith.addf %add3A_631, %mul3A_647 : vector<16xf32>
          %mul3A_649 = arith.mulf %gather3A_641, %unpack3A_646 : vector<16xf32>
          %add3A_650 = arith.addf %add3A_633, %mul3A_649 : vector<16xf32>
          %add3A_651 = arith.constant 216 : i32
          %add3A_652 = arith.addi %add3A_159, %add3A_651 : i32
          %add3A_653 = arith.constant 3 : i32
          %add3A_654 = arith.addi %add3A_652, %add3A_653 : i32
          %slice3A_655 = vector.extract_strided_slice %get3A_154 {offsets = [6], sizes = [1], strides = [1]} : vector<16xf32> to vector<1xf32>
          %squeeze3A_656 = vector.extract %slice3A_655[0] : f32 from vector<1xf32>
          %broadcast_in_dim3A_657 = vector.broadcast %squeeze3A_656 : f32 to vector<16xf32>
          %get3A_658 = arith.index_cast %add3A_654 : i32 to index
          %get3A_659 = arith.constant 0 : index
          %get3A_660 = tpu.vector_load %arg11[%get3A_658, %get3A_659] {strides = array<i32>} : memref<2304x32xbf16, #tpu.memory_space<vmem>>, vector<32xbf16>,
          %unpack3A_661 = tpu.unpack_subelements %get3A_660, 0 {pack_format = #tpu.pack_format<interleaved>} : vector<32xbf16> -> vector<16xf32>
          %unpack3A_662 = tpu.unpack_subelements %get3A_660, 1 {pack_format = #tpu.pack_format<interleaved>} : vector<32xbf16> -> vector<16xf32>
          %mul3A_663 = arith.mulf %broadcast_in_dim3A_657, %unpack3A_661 : vector<16xf32>
          %add3A_664 = arith.addf %add3A_648, %mul3A_663 : vector<16xf32>
          %mul3A_665 = arith.mulf %broadcast_in_dim3A_657, %unpack3A_662 : vector<16xf32>
          %add3A_666 = arith.addf %add3A_650, %mul3A_665 : vector<16xf32>
          %add3A_667 = arith.constant 216 : i32
          %add3A_668 = arith.addi %add3A_159, %add3A_667 : i32
          %add3A_669 = arith.constant 4 : i32
          %add3A_670 = arith.addi %add3A_668, %add3A_669 : i32
          %add3A_671 = arith.constant 31 : i32
          %add3A_672 = arith.addi %add3A_145, %add3A_671 : i32
          %broadcast_in_dim3A_673 = vector.broadcast %add3A_672 : i32 to vector<16xi32>
          %gather3A_674 = tpu.vector_load_idx %arg9[%broadcast_in_dim3A_673] : memref<2560xf32, #tpu.memory_space<vmem>>[vector<16xi32>], vector<16xf32>,
          %get3A_675 = arith.index_cast %add3A_670 : i32 to index
          %get3A_676 = arith.constant 0 : index
          %get3A_677 = tpu.vector_load %arg11[%get3A_675, %get3A_676] {strides = array<i32>} : memref<2304x32xbf16, #tpu.memory_space<vmem>>, vector<32xbf16>,
          %unpack3A_678 = tpu.unpack_subelements %get3A_677, 0 {pack_format = #tpu.pack_format<interleaved>} : vector<32xbf16> -> vector<16xf32>
          %unpack3A_679 = tpu.unpack_subelements %get3A_677, 1 {pack_format = #tpu.pack_format<interleaved>} : vector<32xbf16> -> vector<16xf32>
          %mul3A_680 = arith.mulf %gather3A_674, %unpack3A_678 : vector<16xf32>
          %add3A_681 = arith.addf %add3A_664, %mul3A_680 : vector<16xf32>
          %mul3A_682 = arith.mulf %gather3A_674, %unpack3A_679 : vector<16xf32>
          %add3A_683 = arith.addf %add3A_666, %mul3A_682 : vector<16xf32>
          %add3A_684 = arith.constant 216 : i32
          %add3A_685 = arith.addi %add3A_159, %add3A_684 : i32
          %add3A_686 = arith.constant 5 : i32
          %add3A_687 = arith.addi %add3A_685, %add3A_686 : i32
          %slice3A_688 = vector.extract_strided_slice %get3A_154 {offsets = [8], sizes = [1], strides = [1]} : vector<16xf32> to vector<1xf32>
          %squeeze3A_689 = vector.extract %slice3A_688[0] : f32 from vector<1xf32>
          %broadcast_in_dim3A_690 = vector.broadcast %squeeze3A_689 : f32 to vector<16xf32>
          %get3A_691 = arith.index_cast %add3A_687 : i32 to index
          %get3A_692 = arith.constant 0 : index
          %get3A_693 = tpu.vector_load %arg11[%get3A_691, %get3A_692] {strides = array<i32>} : memref<2304x32xbf16, #tpu.memory_space<vmem>>, vector<32xbf16>,
          %unpack3A_694 = tpu.unpack_subelements %get3A_693, 0 {pack_format = #tpu.pack_format<interleaved>} : vector<32xbf16> -> vector<16xf32>
          %unpack3A_695 = tpu.unpack_subelements %get3A_693, 1 {pack_format = #tpu.pack_format<interleaved>} : vector<32xbf16> -> vector<16xf32>
          %mul3A_696 = arith.mulf %broadcast_in_dim3A_690, %unpack3A_694 : vector<16xf32>
          %add3A_697 = arith.addf %add3A_681, %mul3A_696 : vector<16xf32>
          %mul3A_698 = arith.mulf %broadcast_in_dim3A_690, %unpack3A_695 : vector<16xf32>
          %add3A_699 = arith.addf %add3A_683, %mul3A_698 : vector<16xf32>
          %add3A_700 = arith.constant 216 : i32
          %add3A_701 = arith.addi %add3A_159, %add3A_700 : i32
          %add3A_702 = arith.constant 6 : i32
          %add3A_703 = arith.addi %add3A_701, %add3A_702 : i32
          %add3A_704 = arith.constant 33 : i32
          %add3A_705 = arith.addi %add3A_145, %add3A_704 : i32
          %broadcast_in_dim3A_706 = vector.broadcast %add3A_705 : i32 to vector<16xi32>
          %gather3A_707 = tpu.vector_load_idx %arg9[%broadcast_in_dim3A_706] : memref<2560xf32, #tpu.memory_space<vmem>>[vector<16xi32>], vector<16xf32>,
          %get3A_708 = arith.index_cast %add3A_703 : i32 to index
          %get3A_709 = arith.constant 0 : index
          %get3A_710 = tpu.vector_load %arg11[%get3A_708, %get3A_709] {strides = array<i32>} : memref<2304x32xbf16, #tpu.memory_space<vmem>>, vector<32xbf16>,
          %unpack3A_711 = tpu.unpack_subelements %get3A_710, 0 {pack_format = #tpu.pack_format<interleaved>} : vector<32xbf16> -> vector<16xf32>
          %unpack3A_712 = tpu.unpack_subelements %get3A_710, 1 {pack_format = #tpu.pack_format<interleaved>} : vector<32xbf16> -> vector<16xf32>
          %mul3A_713 = arith.mulf %gather3A_707, %unpack3A_711 : vector<16xf32>
          %add3A_714 = arith.addf %add3A_697, %mul3A_713 : vector<16xf32>
          %mul3A_715 = arith.mulf %gather3A_707, %unpack3A_712 : vector<16xf32>
          %add3A_716 = arith.addf %add3A_699, %mul3A_715 : vector<16xf32>
          %add3A_717 = arith.constant 216 : i32
          %add3A_718 = arith.addi %add3A_159, %add3A_717 : i32
          %add3A_719 = arith.constant 7 : i32
          %add3A_720 = arith.addi %add3A_718, %add3A_719 : i32
          %slice3A_721 = vector.extract_strided_slice %get3A_154 {offsets = [10], sizes = [1], strides = [1]} : vector<16xf32> to vector<1xf32>
          %squeeze3A_722 = vector.extract %slice3A_721[0] : f32 from vector<1xf32>
          %broadcast_in_dim3A_723 = vector.broadcast %squeeze3A_722 : f32 to vector<16xf32>
          %get3A_724 = arith.index_cast %add3A_720 : i32 to index
          %get3A_725 = arith.constant 0 : index
          %get3A_726 = tpu.vector_load %arg11[%get3A_724, %get3A_725] {strides = array<i32>} : memref<2304x32xbf16, #tpu.memory_space<vmem>>, vector<32xbf16>,
          %unpack3A_727 = tpu.unpack_subelements %get3A_726, 0 {pack_format = #tpu.pack_format<interleaved>} : vector<32xbf16> -> vector<16xf32>
          %unpack3A_728 = tpu.unpack_subelements %get3A_726, 1 {pack_format = #tpu.pack_format<interleaved>} : vector<32xbf16> -> vector<16xf32>
          %mul3A_729 = arith.mulf %broadcast_in_dim3A_723, %unpack3A_727 : vector<16xf32>
          %add3A_730 = arith.addf %add3A_714, %mul3A_729 : vector<16xf32>
          %mul3A_731 = arith.mulf %broadcast_in_dim3A_723, %unpack3A_728 : vector<16xf32>
          %add3A_732 = arith.addf %add3A_716, %mul3A_731 : vector<16xf32>
          %add3A_733 = arith.constant 216 : i32
          %add3A_734 = arith.addi %add3A_159, %add3A_733 : i32
          %add3A_735 = arith.constant 8 : i32
          %add3A_736 = arith.addi %add3A_734, %add3A_735 : i32
          %add3A_737 = arith.constant 35 : i32
          %add3A_738 = arith.addi %add3A_145, %add3A_737 : i32
          %broadcast_in_dim3A_739 = vector.broadcast %add3A_738 : i32 to vector<16xi32>
          %gather3A_740 = tpu.vector_load_idx %arg9[%broadcast_in_dim3A_739] : memref<2560xf32, #tpu.memory_space<vmem>>[vector<16xi32>], vector<16xf32>,
          %get3A_741 = arith.index_cast %add3A_736 : i32 to index
          %get3A_742 = arith.constant 0 : index
          %get3A_743 = tpu.vector_load %arg11[%get3A_741, %get3A_742] {strides = array<i32>} : memref<2304x32xbf16, #tpu.memory_space<vmem>>, vector<32xbf16>,
          %unpack3A_744 = tpu.unpack_subelements %get3A_743, 0 {pack_format = #tpu.pack_format<interleaved>} : vector<32xbf16> -> vector<16xf32>
          %unpack3A_745 = tpu.unpack_subelements %get3A_743, 1 {pack_format = #tpu.pack_format<interleaved>} : vector<32xbf16> -> vector<16xf32>
          %mul3A_746 = arith.mulf %gather3A_740, %unpack3A_744 : vector<16xf32>
          %add3A_747 = arith.addf %add3A_730, %mul3A_746 : vector<16xf32>
          %mul3A_748 = arith.mulf %gather3A_740, %unpack3A_745 : vector<16xf32>
          %add3A_749 = arith.addf %add3A_732, %mul3A_748 : vector<16xf32>
          %mul3A_750 = arith.constant 256 : i32
          %mul3A_751 = arith.muli %scan3A_131, %mul3A_750 : i32
          %mul3A_752 = arith.constant 32 : i32
          %mul3A_753 = arith.muli %scan3A_137, %mul3A_752 : i32
          %add3A_754 = arith.addi %mul3A_751, %mul3A_753 : i32
          %swap3A = arith.index_cast %add3A_754 : i32 to index
          %swap3A_755 = tpu.vector_load %arg12[%swap3A] {strides = array<i32>} : memref<2048xf32, #tpu.memory_space<vmem>>, vector<16xf32>,
          tpu.vector_store %arg12[%swap3A], %add3A_747 {strides = array<i32>} : memref<2048xf32, #tpu.memory_space<vmem>>, vector<16xf32>,
          %add3A_756 = arith.constant 16 : i32
          %add3A_757 = arith.addi %add3A_754, %add3A_756 : i32
          %swap3A_758 = arith.index_cast %add3A_757 : i32 to index
          %swap3A_759 = tpu.vector_load %arg12[%swap3A_758] {strides = array<i32>} : memref<2048xf32, #tpu.memory_space<vmem>>, vector<16xf32>,
          tpu.vector_store %arg12[%swap3A_758], %add3A_749 {strides = array<i32>} : memref<2048xf32, #tpu.memory_space<vmem>>, vector<16xf32>,
        }
        %scan3A_136 = arith.constant 8 : i32
      }
      %scan3A_116 = arith.constant 8 : i32
      %mul3A_117 = arith.constant 576 : i32
      %mul3A_118 = arith.muli %add3A, %mul3A_117 : i32
      %mul3A_119 = arith.constant 8 : i32
      %mul3A_120 = arith.muli %add3A_59, %mul3A_119 : i32
      %add3A_121 = arith.addi %mul3A_118, %mul3A_120 : i32
      %mul3A_122 = arith.constant 256 : i32
      %mul3A_123 = arith.muli %add3A_121, %mul3A_122 : i32
      "tpu.region"() ({
        %run_scoped3A = tpu.sem_alloc : memref<!tpu.dma_semaphore, #tpu.memory_space<semaphore_mem>>
        %dma_start3A_131 = tpu.memref_slice %arg5[%mul3A_123] : memref<4718592xf32, #tpu.memory_space<hbm>> -> memref<2048xf32, #tpu.memory_space<hbm>>
        %dma_start3A_132 = tpu.memref_slice %arg5[%mul3A_123] : memref<4718592xf32, #tpu.memory_space<hbm>> -> memref<2048xf32, #tpu.memory_space<hbm>>
        tpu.enqueue_dma source(%arg12 : memref<2048xf32, #tpu.memory_space<vmem>>) target(%dma_start3A_132 : memref<2048xf32, #tpu.memory_space<hbm>>) target_semaphore(%run_scoped3A : memref<!tpu.dma_semaphore, #tpu.memory_space<semaphore_mem>>)
        %dma_wait3A_133 = tpu.memref_slice %arg5[%mul3A_123] : memref<4718592xf32, #tpu.memory_space<hbm>> -> memref<2048xf32, #tpu.memory_space<hbm>>
        %dma_wait3A_134 = tpu.memref_slice %arg5[%mul3A_123] : memref<4718592xf32, #tpu.memory_space<hbm>> -> memref<2048xf32, #tpu.memory_space<hbm>>
        tpu.wait_dma2 semaphore(%run_scoped3A : memref<!tpu.dma_semaphore, #tpu.memory_space<semaphore_mem>>) src(%arg12 : memref<2048xf32, #tpu.memory_space<vmem>>) dst(%dma_wait3A_134 : memref<2048xf32, #tpu.memory_space<hbm>>)
        tpu.yield
      }) : () -> ()
      %add3A_124 = arith.constant 2 : i32
      %add3A_125 = arith.addi %add3A_59, %add3A_124 : i32
      %lt3A_126 = arith.constant 72 : i32
      %lt3A_127 = arith.cmpi slt, %add3A_125, %lt3A_126 : i32
      %convert_element_type3A_128 = arith.extui %lt3A_127 : i1 to i32
      %cond3A_129 = arith.constant 0 : i32
      %cond3A_130 = arith.cmpi ne, %convert_element_type3A_128, %cond3A_129 : i32
      scf.if %cond3A_130 {
        %mul3A_131 = arith.constant 576 : i32
        %mul3A_132 = arith.muli %add3A, %mul3A_131 : i32
        %mul3A_133 = arith.constant 8 : i32
        %mul3A_134 = arith.muli %add3A_125, %mul3A_133 : i32
        %add3A_135 = arith.addi %mul3A_132, %mul3A_134 : i32
        %mul3A_136 = arith.constant 288 : i32
        %mul3A_137 = arith.muli %add3A_135, %mul3A_136 : i32
        %dma_start3A_138 = tpu.memref_slice %arg2[%mul3A_137] : memref<5308416xi32, #tpu.memory_space<hbm>> -> memref<2304xi32, #tpu.memory_space<hbm>>
        %dma_start3A_139 = tpu.memref_slice %arg2[%mul3A_137] : memref<5308416xi32, #tpu.memory_space<hbm>> -> memref<2304xi32, #tpu.memory_space<hbm>>
        tpu.enqueue_dma source(%dma_start3A_139 : memref<2304xi32, #tpu.memory_space<hbm>>) target(%arg7 : memref<2304xi32, #tpu.memory_space<vmem>>) target_semaphore(%arg14 : memref<!tpu.dma_semaphore, #tpu.memory_space<semaphore_mem>>)
        %mul3A_140 = arith.constant 576 : i32
        %mul3A_141 = arith.muli %add3A, %mul3A_140 : i32
        %mul3A_142 = arith.constant 8 : i32
        %mul3A_143 = arith.muli %add3A_125, %mul3A_142 : i32
        %add3A_144 = arith.addi %mul3A_141, %mul3A_143 : i32
        %mul3A_145 = arith.constant 320 : i32
        %mul3A_146 = arith.muli %add3A_144, %mul3A_145 : i32
        %dma_start3A_147 = tpu.memref_slice %arg3[%mul3A_146] : memref<5898240xf32, #tpu.memory_space<hbm>> -> memref<2560xf32, #tpu.memory_space<hbm>>
        %dma_start3A_148 = tpu.memref_slice %arg3[%mul3A_146] : memref<5898240xf32, #tpu.memory_space<hbm>> -> memref<2560xf32, #tpu.memory_space<hbm>>
        tpu.enqueue_dma source(%dma_start3A_148 : memref<2560xf32, #tpu.memory_space<hbm>>) target(%arg9 : memref<2560xf32, #tpu.memory_space<vmem>>) target_semaphore(%arg16 : memref<!tpu.dma_semaphore, #tpu.memory_space<semaphore_mem>>)
      } else {
      }
    }
    %scan3A_54 = arith.constant 36 : i32
    return
  }
}

module attributes {stable_mosaic.version = 14 : i64} {
  func.func @_ln_val_body(%arg0: i32, %arg1: memref<1024x192xf32, #tpu.memory_space<vmem>>, %arg2: memref<1x192xf32, #tpu.memory_space<vmem>>, %arg3: memref<1x192xf32, #tpu.memory_space<vmem>>, %arg4: memref<192x192xf32, #tpu.memory_space<vmem>>, %arg5: memref<1x192xf32, #tpu.memory_space<vmem>>, %arg6: memref<1024x192xf32, #tpu.memory_space<vmem>>, %arg7: memref<1024x256xbf16, #tpu.memory_space<vmem>>) attributes {dimension_semantics = [#tpu.dimension_semantics<arbitrary>], iteration_bounds = array<i64: 18>, scalar_prefetch = 0 : i64, scratch_operands = 0 : i64, tpu.core_type = #tpu.core_type<tc>, window_params = [{transform_indices = @transform_0, window_bounds = array<i64: 1024, 192>}, {pipeline_mode = #tpu.pipeline_mode<synchronous>, transform_indices = @transform_1, window_bounds = array<i64: 1, 192>}, {pipeline_mode = #tpu.pipeline_mode<synchronous>, transform_indices = @transform_2, window_bounds = array<i64: 1, 192>}, {pipeline_mode = #tpu.pipeline_mode<synchronous>, transform_indices = @transform_3, window_bounds = array<i64: 192, 192>}, {pipeline_mode = #tpu.pipeline_mode<synchronous>, transform_indices = @transform_4, window_bounds = array<i64: 1, 192>}, {transform_indices = @transform_5, window_bounds = array<i64: 1024, 192>}, {transform_indices = @transform_6, window_bounds = array<i64: 1024, 256>}]} {
    %get3A = arith.constant 0 : index
    %get3A_0 = arith.constant 0 : index
    %get3A_1 = vector.load %arg1[%get3A, %get3A_0] : memref<1024x192xf32, #tpu.memory_space<vmem>>, vector<1024x192xf32>
    %get3A_2 = arith.constant 0 : index
    %get3A_3 = arith.constant 0 : index
    %get3A_4 = vector.load %arg2[%get3A_2, %get3A_3] : memref<1x192xf32, #tpu.memory_space<vmem>>, vector<1x192xf32>
    %get3A_5 = arith.constant 0 : index
    %get3A_6 = arith.constant 0 : index
    %get3A_7 = vector.load %arg3[%get3A_5, %get3A_6] : memref<1x192xf32, #tpu.memory_space<vmem>>, vector<1x192xf32>
    %reduce_sum3A = arith.constant dense<0.000000e+00> : vector<1024xf32>
    %reduce_sum3A_8 = vector.multi_reduction <add>, %get3A_1, %reduce_sum3A [1] : vector<1024x192xf32> to vector<1024xf32>
    %broadcast_in_dim3A = vector.shape_cast %reduce_sum3A_8 : vector<1024xf32> to vector<1024x1xf32>
    %div3A = arith.constant 1.920000e+02 : f32
    %div3A_9 = vector.broadcast %div3A : f32 to vector<1024x1xf32>
    %div3A_10 = arith.divf %broadcast_in_dim3A, %div3A_9 : vector<1024x1xf32>
    %jit3A = arith.constant 0 : i32
    %reduce_sum3A_11 = arith.constant dense<0.000000e+00> : vector<1024xf32>
    %reduce_sum3A_12 = vector.multi_reduction <add>, %get3A_1, %reduce_sum3A_11 [1] : vector<1024x192xf32> to vector<1024xf32>
    %broadcast_in_dim3A_13 = vector.shape_cast %reduce_sum3A_12 : vector<1024xf32> to vector<1024x1xf32>
    %div3A_14 = arith.constant 1.920000e+02 : f32
    %div3A_15 = vector.broadcast %div3A_14 : f32 to vector<1024x1xf32>
    %div3A_16 = arith.divf %broadcast_in_dim3A_13, %div3A_15 : vector<1024x1xf32>
    %sub3A = vector.broadcast %div3A_16 : vector<1024x1xf32> to vector<1024x192xf32>
    %sub3A_17 = arith.subf %get3A_1, %sub3A : vector<1024x192xf32>
    %square3A = arith.mulf %sub3A_17, %sub3A_17 : vector<1024x192xf32>
    %convert_element_type3A = arith.sitofp %jit3A : i32 to f32
    %sub3A_18 = arith.constant 1.920000e+02 : f32
    %sub3A_19 = arith.subf %sub3A_18, %convert_element_type3A : f32
    %reduce_sum3A_20 = arith.constant dense<0.000000e+00> : vector<1024xf32>
    %reduce_sum3A_21 = vector.multi_reduction <add>, %square3A, %reduce_sum3A_20 [1] : vector<1024x192xf32> to vector<1024xf32>
    %broadcast_in_dim3A_22 = vector.shape_cast %reduce_sum3A_21 : vector<1024xf32> to vector<1024x1xf32>
    %div3A_23 = vector.broadcast %sub3A_19 : f32 to vector<1024x1xf32>
    %div3A_24 = arith.divf %broadcast_in_dim3A_22, %div3A_23 : vector<1024x1xf32>
    %gt3A = arith.constant 0.000000e+00 : f32
    %gt3A_25 = arith.cmpf ogt, %sub3A_19, %gt3A : f32
    %jit3A_26 = arith.constant 0x7FC00000 : f32
    %broadcast_in_dim3A_27 = vector.broadcast %jit3A_26 : f32 to vector<1024x1xf32>
    %select_n3A = arith.select %gt3A_25, %div3A_24, %broadcast_in_dim3A_27 : vector<1024x1xf32>
    %sub3A_28 = vector.broadcast %div3A_10 : vector<1024x1xf32> to vector<1024x192xf32>
    %sub3A_29 = arith.subf %get3A_1, %sub3A_28 : vector<1024x192xf32>
    %add3A = arith.constant 9.99999974E-6 : f32
    %add3A_30 = vector.broadcast %add3A : f32 to vector<1024x1xf32>
    %add3A_31 = arith.addf %select_n3A, %add3A_30 : vector<1024x1xf32>
    %sqrt3A = math.sqrt %add3A_31 : vector<1024x1xf32>
    %div3A_32 = vector.broadcast %sqrt3A : vector<1024x1xf32> to vector<1024x192xf32>
    %div3A_33 = arith.divf %sub3A_29, %div3A_32 : vector<1024x192xf32>
    %mul3A = vector.broadcast %get3A_4 : vector<1x192xf32> to vector<1024x192xf32>
    %mul3A_34 = arith.mulf %div3A_33, %mul3A : vector<1024x192xf32>
    %add3A_35 = vector.broadcast %get3A_7 : vector<1x192xf32> to vector<1024x192xf32>
    %add3A_36 = arith.addf %mul3A_34, %add3A_35 : vector<1024x192xf32>
    %swap3A = arith.constant 0 : index
    %swap3A_37 = arith.constant 0 : index
    %swap3A_38 = vector.load %arg6[%swap3A, %swap3A_37] : memref<1024x192xf32, #tpu.memory_space<vmem>>, vector<1024x192xf32>
    tpu.vector_store %arg6[%swap3A, %swap3A_37], %add3A_36 {strides = array<i32>} : memref<1024x192xf32, #tpu.memory_space<vmem>>, vector<1024x192xf32>,
    %get3A_39 = arith.constant 0 : index
    %get3A_40 = arith.constant 0 : index
    %get3A_41 = vector.load %arg4[%get3A_39, %get3A_40] : memref<192x192xf32, #tpu.memory_space<vmem>>, vector<192x192xf32>
    %dot_general3A = arith.constant dense<0.000000e+00> : vector<1024x192xf32>
    %dot_general3A_42 = tpu.matmul %add3A_36, %get3A_41, %dot_general3A {dimension_numbers = #tpu.dot_dimension_numbers<[1], [0], [0], [1], [0, 0, 1, 1], [], []>, transpose_lhs_hint = false} : vector<1024x192xf32>, vector<192x192xf32>, vector<1024x192xf32> -> vector<1024x192xf32>
    %get3A_43 = arith.constant 0 : index
    %get3A_44 = arith.constant 0 : index
    %get3A_45 = vector.load %arg5[%get3A_43, %get3A_44] : memref<1x192xf32, #tpu.memory_space<vmem>>, vector<1x192xf32>
    %add3A_46 = vector.broadcast %get3A_45 : vector<1x192xf32> to vector<1024x192xf32>
    %add3A_47 = arith.addf %dot_general3A_42, %add3A_46 : vector<1024x192xf32>
    %broadcast_in_dim3A_48 = arith.constant 0.000000e+00 : bf16
    %broadcast_in_dim3A_49 = vector.broadcast %broadcast_in_dim3A_48 : bf16 to vector<1024x8xbf16>
    %slice3A = vector.extract_strided_slice %add3A_47 {offsets = [0, 0], sizes = [1024, 24], strides = [1, 1]} : vector<1024x192xf32> to vector<1024x24xf32>
    %convert_element_type3A_50 = arith.truncf %slice3A : vector<1024x24xf32> to vector<1024x24xbf16>
    %slice3A_51 = vector.extract_strided_slice %add3A_47 {offsets = [0, 24], sizes = [1024, 24], strides = [1, 1]} : vector<1024x192xf32> to vector<1024x24xf32>
    %convert_element_type3A_52 = arith.truncf %slice3A_51 : vector<1024x24xf32> to vector<1024x24xbf16>
    %slice3A_53 = vector.extract_strided_slice %add3A_47 {offsets = [0, 48], sizes = [1024, 24], strides = [1, 1]} : vector<1024x192xf32> to vector<1024x24xf32>
    %convert_element_type3A_54 = arith.truncf %slice3A_53 : vector<1024x24xf32> to vector<1024x24xbf16>
    %slice3A_55 = vector.extract_strided_slice %add3A_47 {offsets = [0, 72], sizes = [1024, 24], strides = [1, 1]} : vector<1024x192xf32> to vector<1024x24xf32>
    %convert_element_type3A_56 = arith.truncf %slice3A_55 : vector<1024x24xf32> to vector<1024x24xbf16>
    %slice3A_57 = vector.extract_strided_slice %add3A_47 {offsets = [0, 96], sizes = [1024, 24], strides = [1, 1]} : vector<1024x192xf32> to vector<1024x24xf32>
    %convert_element_type3A_58 = arith.truncf %slice3A_57 : vector<1024x24xf32> to vector<1024x24xbf16>
    %slice3A_59 = vector.extract_strided_slice %add3A_47 {offsets = [0, 120], sizes = [1024, 24], strides = [1, 1]} : vector<1024x192xf32> to vector<1024x24xf32>
    %convert_element_type3A_60 = arith.truncf %slice3A_59 : vector<1024x24xf32> to vector<1024x24xbf16>
    %slice3A_61 = vector.extract_strided_slice %add3A_47 {offsets = [0, 144], sizes = [1024, 24], strides = [1, 1]} : vector<1024x192xf32> to vector<1024x24xf32>
    %convert_element_type3A_62 = arith.truncf %slice3A_61 : vector<1024x24xf32> to vector<1024x24xbf16>
    %slice3A_63 = vector.extract_strided_slice %add3A_47 {offsets = [0, 168], sizes = [1024, 24], strides = [1, 1]} : vector<1024x192xf32> to vector<1024x24xf32>
    %convert_element_type3A_64 = arith.truncf %slice3A_63 : vector<1024x24xf32> to vector<1024x24xbf16>
    %concatenate3A = tpu.concatenate %convert_element_type3A_50, %broadcast_in_dim3A_49, %convert_element_type3A_52, %broadcast_in_dim3A_49, %convert_element_type3A_54, %broadcast_in_dim3A_49, %convert_element_type3A_56, %broadcast_in_dim3A_49, %convert_element_type3A_58, %broadcast_in_dim3A_49, %convert_element_type3A_60, %broadcast_in_dim3A_49, %convert_element_type3A_62, %broadcast_in_dim3A_49, %convert_element_type3A_64, %broadcast_in_dim3A_49 in 1 : vector<1024x24xbf16>, vector<1024x8xbf16>, vector<1024x24xbf16>, vector<1024x8xbf16>, vector<1024x24xbf16>, vector<1024x8xbf16>, vector<1024x24xbf16>, vector<1024x8xbf16>, vector<1024x24xbf16>, vector<1024x8xbf16>, vector<1024x24xbf16>, vector<1024x8xbf16>, vector<1024x24xbf16>, vector<1024x8xbf16>, vector<1024x24xbf16>, vector<1024x8xbf16> -> vector<1024x256xbf16>
    %swap3A_65 = arith.constant 0 : index
    %swap3A_66 = arith.constant 0 : index
    %swap3A_67 = vector.load %arg7[%swap3A_65, %swap3A_66] : memref<1024x256xbf16, #tpu.memory_space<vmem>>, vector<1024x256xbf16>
    tpu.vector_store %arg7[%swap3A_65, %swap3A_66], %concatenate3A {strides = array<i32>} : memref<1024x256xbf16, #tpu.memory_space<vmem>>, vector<1024x256xbf16>,
    return
  }
  func.func @transform_0(%arg0: i32) -> (i32, i32) {
    %c0_i32 = arith.constant 0 : i32
    %c0_i32_0 = arith.constant 0 : i32
    return %arg0, %c0_i32 : i32, i32
  }
  func.func @transform_1(%arg0: i32) -> (i32, i32) {
    %c0_i32 = arith.constant 0 : i32
    %c0_i32_0 = arith.constant 0 : i32
    %c0_i32_1 = arith.constant 0 : i32
    return %c0_i32, %c0_i32_0 : i32, i32
  }
  func.func @transform_2(%arg0: i32) -> (i32, i32) {
    %c0_i32 = arith.constant 0 : i32
    %c0_i32_0 = arith.constant 0 : i32
    %c0_i32_1 = arith.constant 0 : i32
    return %c0_i32, %c0_i32_0 : i32, i32
  }
  func.func @transform_3(%arg0: i32) -> (i32, i32) {
    %c0_i32 = arith.constant 0 : i32
    %c0_i32_0 = arith.constant 0 : i32
    %c0_i32_1 = arith.constant 0 : i32
    return %c0_i32, %c0_i32_0 : i32, i32
  }
  func.func @transform_4(%arg0: i32) -> (i32, i32) {
    %c0_i32 = arith.constant 0 : i32
    %c0_i32_0 = arith.constant 0 : i32
    %c0_i32_1 = arith.constant 0 : i32
    return %c0_i32, %c0_i32_0 : i32, i32
  }
  func.func @transform_5(%arg0: i32) -> (i32, i32) {
    %c0_i32 = arith.constant 0 : i32
    %c0_i32_0 = arith.constant 0 : i32
    return %arg0, %c0_i32 : i32, i32
  }
  func.func @transform_6(%arg0: i32) -> (i32, i32) {
    %c0_i32 = arith.constant 0 : i32
    %c0_i32_0 = arith.constant 0 : i32
    return %arg0, %c0_i32 : i32, i32
  }
}

module attributes {stable_mosaic.version = 14 : i64} {
  func.func @_dwconv_body(%arg0: i32, %arg1: i32, %arg2: memref<1x96x96x192xf32, #tpu.memory_space<vmem>>, %arg3: memref<7x7x192xf32, #tpu.memory_space<vmem>>, %arg4: memref<1x192xf32, #tpu.memory_space<vmem>>, %arg5: memref<1x192xf32, #tpu.memory_space<vmem>>, %arg6: memref<1x192xf32, #tpu.memory_space<vmem>>, %arg7: memref<1x1536x192xf32, #tpu.memory_space<vmem>>, %arg8: memref<102x102x192xf32, #tpu.memory_space<vmem>>) attributes {dimension_semantics = [#tpu.dimension_semantics<arbitrary>, #tpu.dimension_semantics<arbitrary>], iteration_bounds = array<i64: 2, 6>, scalar_prefetch = 0 : i64, scratch_operands = 1 : i64, tpu.core_type = #tpu.core_type<tc>, window_params = [{transform_indices = @transform_0, window_bounds = array<i64: 1, 96, 96, 192>}, {pipeline_mode = #tpu.pipeline_mode<synchronous>, transform_indices = @transform_1, window_bounds = array<i64: 7, 7, 192>}, {pipeline_mode = #tpu.pipeline_mode<synchronous>, transform_indices = @transform_2, window_bounds = array<i64: 1, 192>}, {pipeline_mode = #tpu.pipeline_mode<synchronous>, transform_indices = @transform_3, window_bounds = array<i64: 1, 192>}, {pipeline_mode = #tpu.pipeline_mode<synchronous>, transform_indices = @transform_4, window_bounds = array<i64: 1, 192>}, {transform_indices = @transform_5, window_bounds = array<i64: 1, 1536, 192>}]} {
    %eq3A = arith.constant 0 : i32
    %eq3A_0 = arith.cmpi eq, %arg1, %eq3A : i32
    %convert_element_type3A = arith.extui %eq3A_0 : i1 to i32
    %cond3A = arith.constant 0 : i32
    %cond3A_1 = arith.cmpi ne, %convert_element_type3A, %cond3A : i32
    scf.if %cond3A_1 {
      %broadcast_in_dim3A_598 = arith.constant 0.000000e+00 : f32
      %broadcast_in_dim3A_599 = vector.broadcast %broadcast_in_dim3A_598 : f32 to vector<102x102x192xf32>
      %swap3A_600 = arith.constant 0 : index
      %swap3A_601 = arith.constant 0 : index
      %swap3A_602 = arith.constant 0 : index
      %swap3A_603 = vector.load %arg8[%swap3A_600, %swap3A_601, %swap3A_602] : memref<102x102x192xf32, #tpu.memory_space<vmem>>, vector<102x102x192xf32>
      tpu.vector_store %arg8[%swap3A_600, %swap3A_601, %swap3A_602], %broadcast_in_dim3A_599 {strides = array<i32>} : memref<102x102x192xf32, #tpu.memory_space<vmem>>, vector<102x102x192xf32>,
      %get3A_604 = arith.constant 0 : index
      %get3A_605 = arith.constant 0 : index
      %get3A_606 = arith.constant 0 : index
      %get3A_607 = arith.constant 0 : index
      %get3A_608 = vector.load %arg2[%get3A_604, %get3A_605, %get3A_606, %get3A_607] : memref<1x96x96x192xf32, #tpu.memory_space<vmem>>, vector<1x96x96x192xf32>
      %get3A_609 = vector.shape_cast %get3A_608 : vector<1x96x96x192xf32> to vector<96x96x192xf32>
      %swap3A_610 = arith.constant 3 : index
      %swap3A_611 = arith.constant 3 : index
      %swap3A_612 = arith.constant 0 : index
      %swap3A_613 = vector.load %arg8[%swap3A_610, %swap3A_611, %swap3A_612] : memref<102x102x192xf32, #tpu.memory_space<vmem>>, vector<96x96x192xf32>
      tpu.vector_store %arg8[%swap3A_610, %swap3A_611, %swap3A_612], %get3A_609 {strides = array<i32>} : memref<102x102x192xf32, #tpu.memory_space<vmem>>, vector<96x96x192xf32>,
    } else {
    }
    %broadcast_in_dim3A = arith.constant 0.000000e+00 : f32
    %broadcast_in_dim3A_2 = vector.broadcast %broadcast_in_dim3A : f32 to vector<16x96x192xf32>
    %mul3A = arith.constant 16 : i32
    %mul3A_3 = arith.muli %arg1, %mul3A : i32
    %get3A = arith.index_cast %mul3A_3 : i32 to index
    %get3A_4 = arith.constant 0 : index
    %get3A_5 = arith.constant 0 : index
    %get3A_6 = vector.load %arg8[%get3A, %get3A_4, %get3A_5] : memref<102x102x192xf32, #tpu.memory_space<vmem>>, vector<22x96x192xf32>
    %slice3A = vector.extract_strided_slice %get3A_6 {offsets = [0, 0, 0], sizes = [16, 96, 192], strides = [1, 1, 1]} : vector<22x96x192xf32> to vector<16x96x192xf32>
    %get3A_7 = arith.constant 0 : index
    %get3A_8 = arith.constant 0 : index
    %get3A_9 = arith.constant 0 : index
    %get3A_10 = vector.load %arg3[%get3A_7, %get3A_8, %get3A_9] : memref<7x7x192xf32, #tpu.memory_space<vmem>>, vector<1x1x192xf32>
    %get3A_11 = vector.shape_cast %get3A_10 : vector<1x1x192xf32> to vector<192xf32>
    %broadcast_in_dim3A_12 = vector.shape_cast %get3A_11 : vector<192xf32> to vector<1x1x192xf32>
    %mul3A_13 = vector.broadcast %broadcast_in_dim3A_12 : vector<1x1x192xf32> to vector<16x96x192xf32>
    %mul3A_14 = arith.mulf %slice3A, %mul3A_13 : vector<16x96x192xf32>
    %add3A = arith.addf %broadcast_in_dim3A_2, %mul3A_14 : vector<16x96x192xf32>
    %slice3A_15 = vector.extract_strided_slice %get3A_6 {offsets = [1, 0, 0], sizes = [16, 96, 192], strides = [1, 1, 1]} : vector<22x96x192xf32> to vector<16x96x192xf32>
    %get3A_16 = arith.constant 1 : index
    %get3A_17 = arith.constant 0 : index
    %get3A_18 = arith.constant 0 : index
    %get3A_19 = vector.load %arg3[%get3A_16, %get3A_17, %get3A_18] : memref<7x7x192xf32, #tpu.memory_space<vmem>>, vector<1x1x192xf32>
    %get3A_20 = vector.shape_cast %get3A_19 : vector<1x1x192xf32> to vector<192xf32>
    %broadcast_in_dim3A_21 = vector.shape_cast %get3A_20 : vector<192xf32> to vector<1x1x192xf32>
    %mul3A_22 = vector.broadcast %broadcast_in_dim3A_21 : vector<1x1x192xf32> to vector<16x96x192xf32>
    %mul3A_23 = arith.mulf %slice3A_15, %mul3A_22 : vector<16x96x192xf32>
    %add3A_24 = arith.addf %add3A, %mul3A_23 : vector<16x96x192xf32>
    %slice3A_25 = vector.extract_strided_slice %get3A_6 {offsets = [2, 0, 0], sizes = [16, 96, 192], strides = [1, 1, 1]} : vector<22x96x192xf32> to vector<16x96x192xf32>
    %get3A_26 = arith.constant 2 : index
    %get3A_27 = arith.constant 0 : index
    %get3A_28 = arith.constant 0 : index
    %get3A_29 = vector.load %arg3[%get3A_26, %get3A_27, %get3A_28] : memref<7x7x192xf32, #tpu.memory_space<vmem>>, vector<1x1x192xf32>
    %get3A_30 = vector.shape_cast %get3A_29 : vector<1x1x192xf32> to vector<192xf32>
    %broadcast_in_dim3A_31 = vector.shape_cast %get3A_30 : vector<192xf32> to vector<1x1x192xf32>
    %mul3A_32 = vector.broadcast %broadcast_in_dim3A_31 : vector<1x1x192xf32> to vector<16x96x192xf32>
    %mul3A_33 = arith.mulf %slice3A_25, %mul3A_32 : vector<16x96x192xf32>
    %add3A_34 = arith.addf %add3A_24, %mul3A_33 : vector<16x96x192xf32>
    %slice3A_35 = vector.extract_strided_slice %get3A_6 {offsets = [3, 0, 0], sizes = [16, 96, 192], strides = [1, 1, 1]} : vector<22x96x192xf32> to vector<16x96x192xf32>
    %get3A_36 = arith.constant 3 : index
    %get3A_37 = arith.constant 0 : index
    %get3A_38 = arith.constant 0 : index
    %get3A_39 = vector.load %arg3[%get3A_36, %get3A_37, %get3A_38] : memref<7x7x192xf32, #tpu.memory_space<vmem>>, vector<1x1x192xf32>
    %get3A_40 = vector.shape_cast %get3A_39 : vector<1x1x192xf32> to vector<192xf32>
    %broadcast_in_dim3A_41 = vector.shape_cast %get3A_40 : vector<192xf32> to vector<1x1x192xf32>
    %mul3A_42 = vector.broadcast %broadcast_in_dim3A_41 : vector<1x1x192xf32> to vector<16x96x192xf32>
    %mul3A_43 = arith.mulf %slice3A_35, %mul3A_42 : vector<16x96x192xf32>
    %add3A_44 = arith.addf %add3A_34, %mul3A_43 : vector<16x96x192xf32>
    %slice3A_45 = vector.extract_strided_slice %get3A_6 {offsets = [4, 0, 0], sizes = [16, 96, 192], strides = [1, 1, 1]} : vector<22x96x192xf32> to vector<16x96x192xf32>
    %get3A_46 = arith.constant 4 : index
    %get3A_47 = arith.constant 0 : index
    %get3A_48 = arith.constant 0 : index
    %get3A_49 = vector.load %arg3[%get3A_46, %get3A_47, %get3A_48] : memref<7x7x192xf32, #tpu.memory_space<vmem>>, vector<1x1x192xf32>
    %get3A_50 = vector.shape_cast %get3A_49 : vector<1x1x192xf32> to vector<192xf32>
    %broadcast_in_dim3A_51 = vector.shape_cast %get3A_50 : vector<192xf32> to vector<1x1x192xf32>
    %mul3A_52 = vector.broadcast %broadcast_in_dim3A_51 : vector<1x1x192xf32> to vector<16x96x192xf32>
    %mul3A_53 = arith.mulf %slice3A_45, %mul3A_52 : vector<16x96x192xf32>
    %add3A_54 = arith.addf %add3A_44, %mul3A_53 : vector<16x96x192xf32>
    %slice3A_55 = vector.extract_strided_slice %get3A_6 {offsets = [5, 0, 0], sizes = [16, 96, 192], strides = [1, 1, 1]} : vector<22x96x192xf32> to vector<16x96x192xf32>
    %get3A_56 = arith.constant 5 : index
    %get3A_57 = arith.constant 0 : index
    %get3A_58 = arith.constant 0 : index
    %get3A_59 = vector.load %arg3[%get3A_56, %get3A_57, %get3A_58] : memref<7x7x192xf32, #tpu.memory_space<vmem>>, vector<1x1x192xf32>
    %get3A_60 = vector.shape_cast %get3A_59 : vector<1x1x192xf32> to vector<192xf32>
    %broadcast_in_dim3A_61 = vector.shape_cast %get3A_60 : vector<192xf32> to vector<1x1x192xf32>
    %mul3A_62 = vector.broadcast %broadcast_in_dim3A_61 : vector<1x1x192xf32> to vector<16x96x192xf32>
    %mul3A_63 = arith.mulf %slice3A_55, %mul3A_62 : vector<16x96x192xf32>
    %add3A_64 = arith.addf %add3A_54, %mul3A_63 : vector<16x96x192xf32>
    %slice3A_65 = vector.extract_strided_slice %get3A_6 {offsets = [6, 0, 0], sizes = [16, 96, 192], strides = [1, 1, 1]} : vector<22x96x192xf32> to vector<16x96x192xf32>
    %get3A_66 = arith.constant 6 : index
    %get3A_67 = arith.constant 0 : index
    %get3A_68 = arith.constant 0 : index
    %get3A_69 = vector.load %arg3[%get3A_66, %get3A_67, %get3A_68] : memref<7x7x192xf32, #tpu.memory_space<vmem>>, vector<1x1x192xf32>
    %get3A_70 = vector.shape_cast %get3A_69 : vector<1x1x192xf32> to vector<192xf32>
    %broadcast_in_dim3A_71 = vector.shape_cast %get3A_70 : vector<192xf32> to vector<1x1x192xf32>
    %mul3A_72 = vector.broadcast %broadcast_in_dim3A_71 : vector<1x1x192xf32> to vector<16x96x192xf32>
    %mul3A_73 = arith.mulf %slice3A_65, %mul3A_72 : vector<16x96x192xf32>
    %add3A_74 = arith.addf %add3A_64, %mul3A_73 : vector<16x96x192xf32>
    %mul3A_75 = arith.constant 16 : i32
    %mul3A_76 = arith.muli %arg1, %mul3A_75 : i32
    %get3A_77 = arith.index_cast %mul3A_76 : i32 to index
    %get3A_78 = arith.constant 1 : index
    %get3A_79 = arith.constant 0 : index
    %get3A_80 = vector.load %arg8[%get3A_77, %get3A_78, %get3A_79] : memref<102x102x192xf32, #tpu.memory_space<vmem>>, vector<22x96x192xf32>
    %slice3A_81 = vector.extract_strided_slice %get3A_80 {offsets = [0, 0, 0], sizes = [16, 96, 192], strides = [1, 1, 1]} : vector<22x96x192xf32> to vector<16x96x192xf32>
    %get3A_82 = arith.constant 0 : index
    %get3A_83 = arith.constant 1 : index
    %get3A_84 = arith.constant 0 : index
    %get3A_85 = vector.load %arg3[%get3A_82, %get3A_83, %get3A_84] : memref<7x7x192xf32, #tpu.memory_space<vmem>>, vector<1x1x192xf32>
    %get3A_86 = vector.shape_cast %get3A_85 : vector<1x1x192xf32> to vector<192xf32>
    %broadcast_in_dim3A_87 = vector.shape_cast %get3A_86 : vector<192xf32> to vector<1x1x192xf32>
    %mul3A_88 = vector.broadcast %broadcast_in_dim3A_87 : vector<1x1x192xf32> to vector<16x96x192xf32>
    %mul3A_89 = arith.mulf %slice3A_81, %mul3A_88 : vector<16x96x192xf32>
    %add3A_90 = arith.addf %add3A_74, %mul3A_89 : vector<16x96x192xf32>
    %slice3A_91 = vector.extract_strided_slice %get3A_80 {offsets = [1, 0, 0], sizes = [16, 96, 192], strides = [1, 1, 1]} : vector<22x96x192xf32> to vector<16x96x192xf32>
    %get3A_92 = arith.constant 1 : index
    %get3A_93 = arith.constant 1 : index
    %get3A_94 = arith.constant 0 : index
    %get3A_95 = vector.load %arg3[%get3A_92, %get3A_93, %get3A_94] : memref<7x7x192xf32, #tpu.memory_space<vmem>>, vector<1x1x192xf32>
    %get3A_96 = vector.shape_cast %get3A_95 : vector<1x1x192xf32> to vector<192xf32>
    %broadcast_in_dim3A_97 = vector.shape_cast %get3A_96 : vector<192xf32> to vector<1x1x192xf32>
    %mul3A_98 = vector.broadcast %broadcast_in_dim3A_97 : vector<1x1x192xf32> to vector<16x96x192xf32>
    %mul3A_99 = arith.mulf %slice3A_91, %mul3A_98 : vector<16x96x192xf32>
    %add3A_100 = arith.addf %add3A_90, %mul3A_99 : vector<16x96x192xf32>
    %slice3A_101 = vector.extract_strided_slice %get3A_80 {offsets = [2, 0, 0], sizes = [16, 96, 192], strides = [1, 1, 1]} : vector<22x96x192xf32> to vector<16x96x192xf32>
    %get3A_102 = arith.constant 2 : index
    %get3A_103 = arith.constant 1 : index
    %get3A_104 = arith.constant 0 : index
    %get3A_105 = vector.load %arg3[%get3A_102, %get3A_103, %get3A_104] : memref<7x7x192xf32, #tpu.memory_space<vmem>>, vector<1x1x192xf32>
    %get3A_106 = vector.shape_cast %get3A_105 : vector<1x1x192xf32> to vector<192xf32>
    %broadcast_in_dim3A_107 = vector.shape_cast %get3A_106 : vector<192xf32> to vector<1x1x192xf32>
    %mul3A_108 = vector.broadcast %broadcast_in_dim3A_107 : vector<1x1x192xf32> to vector<16x96x192xf32>
    %mul3A_109 = arith.mulf %slice3A_101, %mul3A_108 : vector<16x96x192xf32>
    %add3A_110 = arith.addf %add3A_100, %mul3A_109 : vector<16x96x192xf32>
    %slice3A_111 = vector.extract_strided_slice %get3A_80 {offsets = [3, 0, 0], sizes = [16, 96, 192], strides = [1, 1, 1]} : vector<22x96x192xf32> to vector<16x96x192xf32>
    %get3A_112 = arith.constant 3 : index
    %get3A_113 = arith.constant 1 : index
    %get3A_114 = arith.constant 0 : index
    %get3A_115 = vector.load %arg3[%get3A_112, %get3A_113, %get3A_114] : memref<7x7x192xf32, #tpu.memory_space<vmem>>, vector<1x1x192xf32>
    %get3A_116 = vector.shape_cast %get3A_115 : vector<1x1x192xf32> to vector<192xf32>
    %broadcast_in_dim3A_117 = vector.shape_cast %get3A_116 : vector<192xf32> to vector<1x1x192xf32>
    %mul3A_118 = vector.broadcast %broadcast_in_dim3A_117 : vector<1x1x192xf32> to vector<16x96x192xf32>
    %mul3A_119 = arith.mulf %slice3A_111, %mul3A_118 : vector<16x96x192xf32>
    %add3A_120 = arith.addf %add3A_110, %mul3A_119 : vector<16x96x192xf32>
    %slice3A_121 = vector.extract_strided_slice %get3A_80 {offsets = [4, 0, 0], sizes = [16, 96, 192], strides = [1, 1, 1]} : vector<22x96x192xf32> to vector<16x96x192xf32>
    %get3A_122 = arith.constant 4 : index
    %get3A_123 = arith.constant 1 : index
    %get3A_124 = arith.constant 0 : index
    %get3A_125 = vector.load %arg3[%get3A_122, %get3A_123, %get3A_124] : memref<7x7x192xf32, #tpu.memory_space<vmem>>, vector<1x1x192xf32>
    %get3A_126 = vector.shape_cast %get3A_125 : vector<1x1x192xf32> to vector<192xf32>
    %broadcast_in_dim3A_127 = vector.shape_cast %get3A_126 : vector<192xf32> to vector<1x1x192xf32>
    %mul3A_128 = vector.broadcast %broadcast_in_dim3A_127 : vector<1x1x192xf32> to vector<16x96x192xf32>
    %mul3A_129 = arith.mulf %slice3A_121, %mul3A_128 : vector<16x96x192xf32>
    %add3A_130 = arith.addf %add3A_120, %mul3A_129 : vector<16x96x192xf32>
    %slice3A_131 = vector.extract_strided_slice %get3A_80 {offsets = [5, 0, 0], sizes = [16, 96, 192], strides = [1, 1, 1]} : vector<22x96x192xf32> to vector<16x96x192xf32>
    %get3A_132 = arith.constant 5 : index
    %get3A_133 = arith.constant 1 : index
    %get3A_134 = arith.constant 0 : index
    %get3A_135 = vector.load %arg3[%get3A_132, %get3A_133, %get3A_134] : memref<7x7x192xf32, #tpu.memory_space<vmem>>, vector<1x1x192xf32>
    %get3A_136 = vector.shape_cast %get3A_135 : vector<1x1x192xf32> to vector<192xf32>
    %broadcast_in_dim3A_137 = vector.shape_cast %get3A_136 : vector<192xf32> to vector<1x1x192xf32>
    %mul3A_138 = vector.broadcast %broadcast_in_dim3A_137 : vector<1x1x192xf32> to vector<16x96x192xf32>
    %mul3A_139 = arith.mulf %slice3A_131, %mul3A_138 : vector<16x96x192xf32>
    %add3A_140 = arith.addf %add3A_130, %mul3A_139 : vector<16x96x192xf32>
    %slice3A_141 = vector.extract_strided_slice %get3A_80 {offsets = [6, 0, 0], sizes = [16, 96, 192], strides = [1, 1, 1]} : vector<22x96x192xf32> to vector<16x96x192xf32>
    %get3A_142 = arith.constant 6 : index
    %get3A_143 = arith.constant 1 : index
    %get3A_144 = arith.constant 0 : index
    %get3A_145 = vector.load %arg3[%get3A_142, %get3A_143, %get3A_144] : memref<7x7x192xf32, #tpu.memory_space<vmem>>, vector<1x1x192xf32>
    %get3A_146 = vector.shape_cast %get3A_145 : vector<1x1x192xf32> to vector<192xf32>
    %broadcast_in_dim3A_147 = vector.shape_cast %get3A_146 : vector<192xf32> to vector<1x1x192xf32>
    %mul3A_148 = vector.broadcast %broadcast_in_dim3A_147 : vector<1x1x192xf32> to vector<16x96x192xf32>
    %mul3A_149 = arith.mulf %slice3A_141, %mul3A_148 : vector<16x96x192xf32>
    %add3A_150 = arith.addf %add3A_140, %mul3A_149 : vector<16x96x192xf32>
    %mul3A_151 = arith.constant 16 : i32
    %mul3A_152 = arith.muli %arg1, %mul3A_151 : i32
    %get3A_153 = arith.index_cast %mul3A_152 : i32 to index
    %get3A_154 = arith.constant 2 : index
    %get3A_155 = arith.constant 0 : index
    %get3A_156 = vector.load %arg8[%get3A_153, %get3A_154, %get3A_155] : memref<102x102x192xf32, #tpu.memory_space<vmem>>, vector<22x96x192xf32>
    %slice3A_157 = vector.extract_strided_slice %get3A_156 {offsets = [0, 0, 0], sizes = [16, 96, 192], strides = [1, 1, 1]} : vector<22x96x192xf32> to vector<16x96x192xf32>
    %get3A_158 = arith.constant 0 : index
    %get3A_159 = arith.constant 2 : index
    %get3A_160 = arith.constant 0 : index
    %get3A_161 = vector.load %arg3[%get3A_158, %get3A_159, %get3A_160] : memref<7x7x192xf32, #tpu.memory_space<vmem>>, vector<1x1x192xf32>
    %get3A_162 = vector.shape_cast %get3A_161 : vector<1x1x192xf32> to vector<192xf32>
    %broadcast_in_dim3A_163 = vector.shape_cast %get3A_162 : vector<192xf32> to vector<1x1x192xf32>
    %mul3A_164 = vector.broadcast %broadcast_in_dim3A_163 : vector<1x1x192xf32> to vector<16x96x192xf32>
    %mul3A_165 = arith.mulf %slice3A_157, %mul3A_164 : vector<16x96x192xf32>
    %add3A_166 = arith.addf %add3A_150, %mul3A_165 : vector<16x96x192xf32>
    %slice3A_167 = vector.extract_strided_slice %get3A_156 {offsets = [1, 0, 0], sizes = [16, 96, 192], strides = [1, 1, 1]} : vector<22x96x192xf32> to vector<16x96x192xf32>
    %get3A_168 = arith.constant 1 : index
    %get3A_169 = arith.constant 2 : index
    %get3A_170 = arith.constant 0 : index
    %get3A_171 = vector.load %arg3[%get3A_168, %get3A_169, %get3A_170] : memref<7x7x192xf32, #tpu.memory_space<vmem>>, vector<1x1x192xf32>
    %get3A_172 = vector.shape_cast %get3A_171 : vector<1x1x192xf32> to vector<192xf32>
    %broadcast_in_dim3A_173 = vector.shape_cast %get3A_172 : vector<192xf32> to vector<1x1x192xf32>
    %mul3A_174 = vector.broadcast %broadcast_in_dim3A_173 : vector<1x1x192xf32> to vector<16x96x192xf32>
    %mul3A_175 = arith.mulf %slice3A_167, %mul3A_174 : vector<16x96x192xf32>
    %add3A_176 = arith.addf %add3A_166, %mul3A_175 : vector<16x96x192xf32>
    %slice3A_177 = vector.extract_strided_slice %get3A_156 {offsets = [2, 0, 0], sizes = [16, 96, 192], strides = [1, 1, 1]} : vector<22x96x192xf32> to vector<16x96x192xf32>
    %get3A_178 = arith.constant 2 : index
    %get3A_179 = arith.constant 2 : index
    %get3A_180 = arith.constant 0 : index
    %get3A_181 = vector.load %arg3[%get3A_178, %get3A_179, %get3A_180] : memref<7x7x192xf32, #tpu.memory_space<vmem>>, vector<1x1x192xf32>
    %get3A_182 = vector.shape_cast %get3A_181 : vector<1x1x192xf32> to vector<192xf32>
    %broadcast_in_dim3A_183 = vector.shape_cast %get3A_182 : vector<192xf32> to vector<1x1x192xf32>
    %mul3A_184 = vector.broadcast %broadcast_in_dim3A_183 : vector<1x1x192xf32> to vector<16x96x192xf32>
    %mul3A_185 = arith.mulf %slice3A_177, %mul3A_184 : vector<16x96x192xf32>
    %add3A_186 = arith.addf %add3A_176, %mul3A_185 : vector<16x96x192xf32>
    %slice3A_187 = vector.extract_strided_slice %get3A_156 {offsets = [3, 0, 0], sizes = [16, 96, 192], strides = [1, 1, 1]} : vector<22x96x192xf32> to vector<16x96x192xf32>
    %get3A_188 = arith.constant 3 : index
    %get3A_189 = arith.constant 2 : index
    %get3A_190 = arith.constant 0 : index
    %get3A_191 = vector.load %arg3[%get3A_188, %get3A_189, %get3A_190] : memref<7x7x192xf32, #tpu.memory_space<vmem>>, vector<1x1x192xf32>
    %get3A_192 = vector.shape_cast %get3A_191 : vector<1x1x192xf32> to vector<192xf32>
    %broadcast_in_dim3A_193 = vector.shape_cast %get3A_192 : vector<192xf32> to vector<1x1x192xf32>
    %mul3A_194 = vector.broadcast %broadcast_in_dim3A_193 : vector<1x1x192xf32> to vector<16x96x192xf32>
    %mul3A_195 = arith.mulf %slice3A_187, %mul3A_194 : vector<16x96x192xf32>
    %add3A_196 = arith.addf %add3A_186, %mul3A_195 : vector<16x96x192xf32>
    %slice3A_197 = vector.extract_strided_slice %get3A_156 {offsets = [4, 0, 0], sizes = [16, 96, 192], strides = [1, 1, 1]} : vector<22x96x192xf32> to vector<16x96x192xf32>
    %get3A_198 = arith.constant 4 : index
    %get3A_199 = arith.constant 2 : index
    %get3A_200 = arith.constant 0 : index
    %get3A_201 = vector.load %arg3[%get3A_198, %get3A_199, %get3A_200] : memref<7x7x192xf32, #tpu.memory_space<vmem>>, vector<1x1x192xf32>
    %get3A_202 = vector.shape_cast %get3A_201 : vector<1x1x192xf32> to vector<192xf32>
    %broadcast_in_dim3A_203 = vector.shape_cast %get3A_202 : vector<192xf32> to vector<1x1x192xf32>
    %mul3A_204 = vector.broadcast %broadcast_in_dim3A_203 : vector<1x1x192xf32> to vector<16x96x192xf32>
    %mul3A_205 = arith.mulf %slice3A_197, %mul3A_204 : vector<16x96x192xf32>
    %add3A_206 = arith.addf %add3A_196, %mul3A_205 : vector<16x96x192xf32>
    %slice3A_207 = vector.extract_strided_slice %get3A_156 {offsets = [5, 0, 0], sizes = [16, 96, 192], strides = [1, 1, 1]} : vector<22x96x192xf32> to vector<16x96x192xf32>
    %get3A_208 = arith.constant 5 : index
    %get3A_209 = arith.constant 2 : index
    %get3A_210 = arith.constant 0 : index
    %get3A_211 = vector.load %arg3[%get3A_208, %get3A_209, %get3A_210] : memref<7x7x192xf32, #tpu.memory_space<vmem>>, vector<1x1x192xf32>
    %get3A_212 = vector.shape_cast %get3A_211 : vector<1x1x192xf32> to vector<192xf32>
    %broadcast_in_dim3A_213 = vector.shape_cast %get3A_212 : vector<192xf32> to vector<1x1x192xf32>
    %mul3A_214 = vector.broadcast %broadcast_in_dim3A_213 : vector<1x1x192xf32> to vector<16x96x192xf32>
    %mul3A_215 = arith.mulf %slice3A_207, %mul3A_214 : vector<16x96x192xf32>
    %add3A_216 = arith.addf %add3A_206, %mul3A_215 : vector<16x96x192xf32>
    %slice3A_217 = vector.extract_strided_slice %get3A_156 {offsets = [6, 0, 0], sizes = [16, 96, 192], strides = [1, 1, 1]} : vector<22x96x192xf32> to vector<16x96x192xf32>
    %get3A_218 = arith.constant 6 : index
    %get3A_219 = arith.constant 2 : index
    %get3A_220 = arith.constant 0 : index
    %get3A_221 = vector.load %arg3[%get3A_218, %get3A_219, %get3A_220] : memref<7x7x192xf32, #tpu.memory_space<vmem>>, vector<1x1x192xf32>
    %get3A_222 = vector.shape_cast %get3A_221 : vector<1x1x192xf32> to vector<192xf32>
    %broadcast_in_dim3A_223 = vector.shape_cast %get3A_222 : vector<192xf32> to vector<1x1x192xf32>
    %mul3A_224 = vector.broadcast %broadcast_in_dim3A_223 : vector<1x1x192xf32> to vector<16x96x192xf32>
    %mul3A_225 = arith.mulf %slice3A_217, %mul3A_224 : vector<16x96x192xf32>
    %add3A_226 = arith.addf %add3A_216, %mul3A_225 : vector<16x96x192xf32>
    %mul3A_227 = arith.constant 16 : i32
    %mul3A_228 = arith.muli %arg1, %mul3A_227 : i32
    %get3A_229 = arith.index_cast %mul3A_228 : i32 to index
    %get3A_230 = arith.constant 3 : index
    %get3A_231 = arith.constant 0 : index
    %get3A_232 = vector.load %arg8[%get3A_229, %get3A_230, %get3A_231] : memref<102x102x192xf32, #tpu.memory_space<vmem>>, vector<22x96x192xf32>
    %slice3A_233 = vector.extract_strided_slice %get3A_232 {offsets = [0, 0, 0], sizes = [16, 96, 192], strides = [1, 1, 1]} : vector<22x96x192xf32> to vector<16x96x192xf32>
    %get3A_234 = arith.constant 0 : index
    %get3A_235 = arith.constant 3 : index
    %get3A_236 = arith.constant 0 : index
    %get3A_237 = vector.load %arg3[%get3A_234, %get3A_235, %get3A_236] : memref<7x7x192xf32, #tpu.memory_space<vmem>>, vector<1x1x192xf32>
    %get3A_238 = vector.shape_cast %get3A_237 : vector<1x1x192xf32> to vector<192xf32>
    %broadcast_in_dim3A_239 = vector.shape_cast %get3A_238 : vector<192xf32> to vector<1x1x192xf32>
    %mul3A_240 = vector.broadcast %broadcast_in_dim3A_239 : vector<1x1x192xf32> to vector<16x96x192xf32>
    %mul3A_241 = arith.mulf %slice3A_233, %mul3A_240 : vector<16x96x192xf32>
    %add3A_242 = arith.addf %add3A_226, %mul3A_241 : vector<16x96x192xf32>
    %slice3A_243 = vector.extract_strided_slice %get3A_232 {offsets = [1, 0, 0], sizes = [16, 96, 192], strides = [1, 1, 1]} : vector<22x96x192xf32> to vector<16x96x192xf32>
    %get3A_244 = arith.constant 1 : index
    %get3A_245 = arith.constant 3 : index
    %get3A_246 = arith.constant 0 : index
    %get3A_247 = vector.load %arg3[%get3A_244, %get3A_245, %get3A_246] : memref<7x7x192xf32, #tpu.memory_space<vmem>>, vector<1x1x192xf32>
    %get3A_248 = vector.shape_cast %get3A_247 : vector<1x1x192xf32> to vector<192xf32>
    %broadcast_in_dim3A_249 = vector.shape_cast %get3A_248 : vector<192xf32> to vector<1x1x192xf32>
    %mul3A_250 = vector.broadcast %broadcast_in_dim3A_249 : vector<1x1x192xf32> to vector<16x96x192xf32>
    %mul3A_251 = arith.mulf %slice3A_243, %mul3A_250 : vector<16x96x192xf32>
    %add3A_252 = arith.addf %add3A_242, %mul3A_251 : vector<16x96x192xf32>
    %slice3A_253 = vector.extract_strided_slice %get3A_232 {offsets = [2, 0, 0], sizes = [16, 96, 192], strides = [1, 1, 1]} : vector<22x96x192xf32> to vector<16x96x192xf32>
    %get3A_254 = arith.constant 2 : index
    %get3A_255 = arith.constant 3 : index
    %get3A_256 = arith.constant 0 : index
    %get3A_257 = vector.load %arg3[%get3A_254, %get3A_255, %get3A_256] : memref<7x7x192xf32, #tpu.memory_space<vmem>>, vector<1x1x192xf32>
    %get3A_258 = vector.shape_cast %get3A_257 : vector<1x1x192xf32> to vector<192xf32>
    %broadcast_in_dim3A_259 = vector.shape_cast %get3A_258 : vector<192xf32> to vector<1x1x192xf32>
    %mul3A_260 = vector.broadcast %broadcast_in_dim3A_259 : vector<1x1x192xf32> to vector<16x96x192xf32>
    %mul3A_261 = arith.mulf %slice3A_253, %mul3A_260 : vector<16x96x192xf32>
    %add3A_262 = arith.addf %add3A_252, %mul3A_261 : vector<16x96x192xf32>
    %slice3A_263 = vector.extract_strided_slice %get3A_232 {offsets = [3, 0, 0], sizes = [16, 96, 192], strides = [1, 1, 1]} : vector<22x96x192xf32> to vector<16x96x192xf32>
    %get3A_264 = arith.constant 3 : index
    %get3A_265 = arith.constant 3 : index
    %get3A_266 = arith.constant 0 : index
    %get3A_267 = vector.load %arg3[%get3A_264, %get3A_265, %get3A_266] : memref<7x7x192xf32, #tpu.memory_space<vmem>>, vector<1x1x192xf32>
    %get3A_268 = vector.shape_cast %get3A_267 : vector<1x1x192xf32> to vector<192xf32>
    %broadcast_in_dim3A_269 = vector.shape_cast %get3A_268 : vector<192xf32> to vector<1x1x192xf32>
    %mul3A_270 = vector.broadcast %broadcast_in_dim3A_269 : vector<1x1x192xf32> to vector<16x96x192xf32>
    %mul3A_271 = arith.mulf %slice3A_263, %mul3A_270 : vector<16x96x192xf32>
    %add3A_272 = arith.addf %add3A_262, %mul3A_271 : vector<16x96x192xf32>
    %slice3A_273 = vector.extract_strided_slice %get3A_232 {offsets = [4, 0, 0], sizes = [16, 96, 192], strides = [1, 1, 1]} : vector<22x96x192xf32> to vector<16x96x192xf32>
    %get3A_274 = arith.constant 4 : index
    %get3A_275 = arith.constant 3 : index
    %get3A_276 = arith.constant 0 : index
    %get3A_277 = vector.load %arg3[%get3A_274, %get3A_275, %get3A_276] : memref<7x7x192xf32, #tpu.memory_space<vmem>>, vector<1x1x192xf32>
    %get3A_278 = vector.shape_cast %get3A_277 : vector<1x1x192xf32> to vector<192xf32>
    %broadcast_in_dim3A_279 = vector.shape_cast %get3A_278 : vector<192xf32> to vector<1x1x192xf32>
    %mul3A_280 = vector.broadcast %broadcast_in_dim3A_279 : vector<1x1x192xf32> to vector<16x96x192xf32>
    %mul3A_281 = arith.mulf %slice3A_273, %mul3A_280 : vector<16x96x192xf32>
    %add3A_282 = arith.addf %add3A_272, %mul3A_281 : vector<16x96x192xf32>
    %slice3A_283 = vector.extract_strided_slice %get3A_232 {offsets = [5, 0, 0], sizes = [16, 96, 192], strides = [1, 1, 1]} : vector<22x96x192xf32> to vector<16x96x192xf32>
    %get3A_284 = arith.constant 5 : index
    %get3A_285 = arith.constant 3 : index
    %get3A_286 = arith.constant 0 : index
    %get3A_287 = vector.load %arg3[%get3A_284, %get3A_285, %get3A_286] : memref<7x7x192xf32, #tpu.memory_space<vmem>>, vector<1x1x192xf32>
    %get3A_288 = vector.shape_cast %get3A_287 : vector<1x1x192xf32> to vector<192xf32>
    %broadcast_in_dim3A_289 = vector.shape_cast %get3A_288 : vector<192xf32> to vector<1x1x192xf32>
    %mul3A_290 = vector.broadcast %broadcast_in_dim3A_289 : vector<1x1x192xf32> to vector<16x96x192xf32>
    %mul3A_291 = arith.mulf %slice3A_283, %mul3A_290 : vector<16x96x192xf32>
    %add3A_292 = arith.addf %add3A_282, %mul3A_291 : vector<16x96x192xf32>
    %slice3A_293 = vector.extract_strided_slice %get3A_232 {offsets = [6, 0, 0], sizes = [16, 96, 192], strides = [1, 1, 1]} : vector<22x96x192xf32> to vector<16x96x192xf32>
    %get3A_294 = arith.constant 6 : index
    %get3A_295 = arith.constant 3 : index
    %get3A_296 = arith.constant 0 : index
    %get3A_297 = vector.load %arg3[%get3A_294, %get3A_295, %get3A_296] : memref<7x7x192xf32, #tpu.memory_space<vmem>>, vector<1x1x192xf32>
    %get3A_298 = vector.shape_cast %get3A_297 : vector<1x1x192xf32> to vector<192xf32>
    %broadcast_in_dim3A_299 = vector.shape_cast %get3A_298 : vector<192xf32> to vector<1x1x192xf32>
    %mul3A_300 = vector.broadcast %broadcast_in_dim3A_299 : vector<1x1x192xf32> to vector<16x96x192xf32>
    %mul3A_301 = arith.mulf %slice3A_293, %mul3A_300 : vector<16x96x192xf32>
    %add3A_302 = arith.addf %add3A_292, %mul3A_301 : vector<16x96x192xf32>
    %mul3A_303 = arith.constant 16 : i32
    %mul3A_304 = arith.muli %arg1, %mul3A_303 : i32
    %get3A_305 = arith.index_cast %mul3A_304 : i32 to index
    %get3A_306 = arith.constant 4 : index
    %get3A_307 = arith.constant 0 : index
    %get3A_308 = vector.load %arg8[%get3A_305, %get3A_306, %get3A_307] : memref<102x102x192xf32, #tpu.memory_space<vmem>>, vector<22x96x192xf32>
    %slice3A_309 = vector.extract_strided_slice %get3A_308 {offsets = [0, 0, 0], sizes = [16, 96, 192], strides = [1, 1, 1]} : vector<22x96x192xf32> to vector<16x96x192xf32>
    %get3A_310 = arith.constant 0 : index
    %get3A_311 = arith.constant 4 : index
    %get3A_312 = arith.constant 0 : index
    %get3A_313 = vector.load %arg3[%get3A_310, %get3A_311, %get3A_312] : memref<7x7x192xf32, #tpu.memory_space<vmem>>, vector<1x1x192xf32>
    %get3A_314 = vector.shape_cast %get3A_313 : vector<1x1x192xf32> to vector<192xf32>
    %broadcast_in_dim3A_315 = vector.shape_cast %get3A_314 : vector<192xf32> to vector<1x1x192xf32>
    %mul3A_316 = vector.broadcast %broadcast_in_dim3A_315 : vector<1x1x192xf32> to vector<16x96x192xf32>
    %mul3A_317 = arith.mulf %slice3A_309, %mul3A_316 : vector<16x96x192xf32>
    %add3A_318 = arith.addf %add3A_302, %mul3A_317 : vector<16x96x192xf32>
    %slice3A_319 = vector.extract_strided_slice %get3A_308 {offsets = [1, 0, 0], sizes = [16, 96, 192], strides = [1, 1, 1]} : vector<22x96x192xf32> to vector<16x96x192xf32>
    %get3A_320 = arith.constant 1 : index
    %get3A_321 = arith.constant 4 : index
    %get3A_322 = arith.constant 0 : index
    %get3A_323 = vector.load %arg3[%get3A_320, %get3A_321, %get3A_322] : memref<7x7x192xf32, #tpu.memory_space<vmem>>, vector<1x1x192xf32>
    %get3A_324 = vector.shape_cast %get3A_323 : vector<1x1x192xf32> to vector<192xf32>
    %broadcast_in_dim3A_325 = vector.shape_cast %get3A_324 : vector<192xf32> to vector<1x1x192xf32>
    %mul3A_326 = vector.broadcast %broadcast_in_dim3A_325 : vector<1x1x192xf32> to vector<16x96x192xf32>
    %mul3A_327 = arith.mulf %slice3A_319, %mul3A_326 : vector<16x96x192xf32>
    %add3A_328 = arith.addf %add3A_318, %mul3A_327 : vector<16x96x192xf32>
    %slice3A_329 = vector.extract_strided_slice %get3A_308 {offsets = [2, 0, 0], sizes = [16, 96, 192], strides = [1, 1, 1]} : vector<22x96x192xf32> to vector<16x96x192xf32>
    %get3A_330 = arith.constant 2 : index
    %get3A_331 = arith.constant 4 : index
    %get3A_332 = arith.constant 0 : index
    %get3A_333 = vector.load %arg3[%get3A_330, %get3A_331, %get3A_332] : memref<7x7x192xf32, #tpu.memory_space<vmem>>, vector<1x1x192xf32>
    %get3A_334 = vector.shape_cast %get3A_333 : vector<1x1x192xf32> to vector<192xf32>
    %broadcast_in_dim3A_335 = vector.shape_cast %get3A_334 : vector<192xf32> to vector<1x1x192xf32>
    %mul3A_336 = vector.broadcast %broadcast_in_dim3A_335 : vector<1x1x192xf32> to vector<16x96x192xf32>
    %mul3A_337 = arith.mulf %slice3A_329, %mul3A_336 : vector<16x96x192xf32>
    %add3A_338 = arith.addf %add3A_328, %mul3A_337 : vector<16x96x192xf32>
    %slice3A_339 = vector.extract_strided_slice %get3A_308 {offsets = [3, 0, 0], sizes = [16, 96, 192], strides = [1, 1, 1]} : vector<22x96x192xf32> to vector<16x96x192xf32>
    %get3A_340 = arith.constant 3 : index
    %get3A_341 = arith.constant 4 : index
    %get3A_342 = arith.constant 0 : index
    %get3A_343 = vector.load %arg3[%get3A_340, %get3A_341, %get3A_342] : memref<7x7x192xf32, #tpu.memory_space<vmem>>, vector<1x1x192xf32>
    %get3A_344 = vector.shape_cast %get3A_343 : vector<1x1x192xf32> to vector<192xf32>
    %broadcast_in_dim3A_345 = vector.shape_cast %get3A_344 : vector<192xf32> to vector<1x1x192xf32>
    %mul3A_346 = vector.broadcast %broadcast_in_dim3A_345 : vector<1x1x192xf32> to vector<16x96x192xf32>
    %mul3A_347 = arith.mulf %slice3A_339, %mul3A_346 : vector<16x96x192xf32>
    %add3A_348 = arith.addf %add3A_338, %mul3A_347 : vector<16x96x192xf32>
    %slice3A_349 = vector.extract_strided_slice %get3A_308 {offsets = [4, 0, 0], sizes = [16, 96, 192], strides = [1, 1, 1]} : vector<22x96x192xf32> to vector<16x96x192xf32>
    %get3A_350 = arith.constant 4 : index
    %get3A_351 = arith.constant 4 : index
    %get3A_352 = arith.constant 0 : index
    %get3A_353 = vector.load %arg3[%get3A_350, %get3A_351, %get3A_352] : memref<7x7x192xf32, #tpu.memory_space<vmem>>, vector<1x1x192xf32>
    %get3A_354 = vector.shape_cast %get3A_353 : vector<1x1x192xf32> to vector<192xf32>
    %broadcast_in_dim3A_355 = vector.shape_cast %get3A_354 : vector<192xf32> to vector<1x1x192xf32>
    %mul3A_356 = vector.broadcast %broadcast_in_dim3A_355 : vector<1x1x192xf32> to vector<16x96x192xf32>
    %mul3A_357 = arith.mulf %slice3A_349, %mul3A_356 : vector<16x96x192xf32>
    %add3A_358 = arith.addf %add3A_348, %mul3A_357 : vector<16x96x192xf32>
    %slice3A_359 = vector.extract_strided_slice %get3A_308 {offsets = [5, 0, 0], sizes = [16, 96, 192], strides = [1, 1, 1]} : vector<22x96x192xf32> to vector<16x96x192xf32>
    %get3A_360 = arith.constant 5 : index
    %get3A_361 = arith.constant 4 : index
    %get3A_362 = arith.constant 0 : index
    %get3A_363 = vector.load %arg3[%get3A_360, %get3A_361, %get3A_362] : memref<7x7x192xf32, #tpu.memory_space<vmem>>, vector<1x1x192xf32>
    %get3A_364 = vector.shape_cast %get3A_363 : vector<1x1x192xf32> to vector<192xf32>
    %broadcast_in_dim3A_365 = vector.shape_cast %get3A_364 : vector<192xf32> to vector<1x1x192xf32>
    %mul3A_366 = vector.broadcast %broadcast_in_dim3A_365 : vector<1x1x192xf32> to vector<16x96x192xf32>
    %mul3A_367 = arith.mulf %slice3A_359, %mul3A_366 : vector<16x96x192xf32>
    %add3A_368 = arith.addf %add3A_358, %mul3A_367 : vector<16x96x192xf32>
    %slice3A_369 = vector.extract_strided_slice %get3A_308 {offsets = [6, 0, 0], sizes = [16, 96, 192], strides = [1, 1, 1]} : vector<22x96x192xf32> to vector<16x96x192xf32>
    %get3A_370 = arith.constant 6 : index
    %get3A_371 = arith.constant 4 : index
    %get3A_372 = arith.constant 0 : index
    %get3A_373 = vector.load %arg3[%get3A_370, %get3A_371, %get3A_372] : memref<7x7x192xf32, #tpu.memory_space<vmem>>, vector<1x1x192xf32>
    %get3A_374 = vector.shape_cast %get3A_373 : vector<1x1x192xf32> to vector<192xf32>
    %broadcast_in_dim3A_375 = vector.shape_cast %get3A_374 : vector<192xf32> to vector<1x1x192xf32>
    %mul3A_376 = vector.broadcast %broadcast_in_dim3A_375 : vector<1x1x192xf32> to vector<16x96x192xf32>
    %mul3A_377 = arith.mulf %slice3A_369, %mul3A_376 : vector<16x96x192xf32>
    %add3A_378 = arith.addf %add3A_368, %mul3A_377 : vector<16x96x192xf32>
    %mul3A_379 = arith.constant 16 : i32
    %mul3A_380 = arith.muli %arg1, %mul3A_379 : i32
    %get3A_381 = arith.index_cast %mul3A_380 : i32 to index
    %get3A_382 = arith.constant 5 : index
    %get3A_383 = arith.constant 0 : index
    %get3A_384 = vector.load %arg8[%get3A_381, %get3A_382, %get3A_383] : memref<102x102x192xf32, #tpu.memory_space<vmem>>, vector<22x96x192xf32>
    %slice3A_385 = vector.extract_strided_slice %get3A_384 {offsets = [0, 0, 0], sizes = [16, 96, 192], strides = [1, 1, 1]} : vector<22x96x192xf32> to vector<16x96x192xf32>
    %get3A_386 = arith.constant 0 : index
    %get3A_387 = arith.constant 5 : index
    %get3A_388 = arith.constant 0 : index
    %get3A_389 = vector.load %arg3[%get3A_386, %get3A_387, %get3A_388] : memref<7x7x192xf32, #tpu.memory_space<vmem>>, vector<1x1x192xf32>
    %get3A_390 = vector.shape_cast %get3A_389 : vector<1x1x192xf32> to vector<192xf32>
    %broadcast_in_dim3A_391 = vector.shape_cast %get3A_390 : vector<192xf32> to vector<1x1x192xf32>
    %mul3A_392 = vector.broadcast %broadcast_in_dim3A_391 : vector<1x1x192xf32> to vector<16x96x192xf32>
    %mul3A_393 = arith.mulf %slice3A_385, %mul3A_392 : vector<16x96x192xf32>
    %add3A_394 = arith.addf %add3A_378, %mul3A_393 : vector<16x96x192xf32>
    %slice3A_395 = vector.extract_strided_slice %get3A_384 {offsets = [1, 0, 0], sizes = [16, 96, 192], strides = [1, 1, 1]} : vector<22x96x192xf32> to vector<16x96x192xf32>
    %get3A_396 = arith.constant 1 : index
    %get3A_397 = arith.constant 5 : index
    %get3A_398 = arith.constant 0 : index
    %get3A_399 = vector.load %arg3[%get3A_396, %get3A_397, %get3A_398] : memref<7x7x192xf32, #tpu.memory_space<vmem>>, vector<1x1x192xf32>
    %get3A_400 = vector.shape_cast %get3A_399 : vector<1x1x192xf32> to vector<192xf32>
    %broadcast_in_dim3A_401 = vector.shape_cast %get3A_400 : vector<192xf32> to vector<1x1x192xf32>
    %mul3A_402 = vector.broadcast %broadcast_in_dim3A_401 : vector<1x1x192xf32> to vector<16x96x192xf32>
    %mul3A_403 = arith.mulf %slice3A_395, %mul3A_402 : vector<16x96x192xf32>
    %add3A_404 = arith.addf %add3A_394, %mul3A_403 : vector<16x96x192xf32>
    %slice3A_405 = vector.extract_strided_slice %get3A_384 {offsets = [2, 0, 0], sizes = [16, 96, 192], strides = [1, 1, 1]} : vector<22x96x192xf32> to vector<16x96x192xf32>
    %get3A_406 = arith.constant 2 : index
    %get3A_407 = arith.constant 5 : index
    %get3A_408 = arith.constant 0 : index
    %get3A_409 = vector.load %arg3[%get3A_406, %get3A_407, %get3A_408] : memref<7x7x192xf32, #tpu.memory_space<vmem>>, vector<1x1x192xf32>
    %get3A_410 = vector.shape_cast %get3A_409 : vector<1x1x192xf32> to vector<192xf32>
    %broadcast_in_dim3A_411 = vector.shape_cast %get3A_410 : vector<192xf32> to vector<1x1x192xf32>
    %mul3A_412 = vector.broadcast %broadcast_in_dim3A_411 : vector<1x1x192xf32> to vector<16x96x192xf32>
    %mul3A_413 = arith.mulf %slice3A_405, %mul3A_412 : vector<16x96x192xf32>
    %add3A_414 = arith.addf %add3A_404, %mul3A_413 : vector<16x96x192xf32>
    %slice3A_415 = vector.extract_strided_slice %get3A_384 {offsets = [3, 0, 0], sizes = [16, 96, 192], strides = [1, 1, 1]} : vector<22x96x192xf32> to vector<16x96x192xf32>
    %get3A_416 = arith.constant 3 : index
    %get3A_417 = arith.constant 5 : index
    %get3A_418 = arith.constant 0 : index
    %get3A_419 = vector.load %arg3[%get3A_416, %get3A_417, %get3A_418] : memref<7x7x192xf32, #tpu.memory_space<vmem>>, vector<1x1x192xf32>
    %get3A_420 = vector.shape_cast %get3A_419 : vector<1x1x192xf32> to vector<192xf32>
    %broadcast_in_dim3A_421 = vector.shape_cast %get3A_420 : vector<192xf32> to vector<1x1x192xf32>
    %mul3A_422 = vector.broadcast %broadcast_in_dim3A_421 : vector<1x1x192xf32> to vector<16x96x192xf32>
    %mul3A_423 = arith.mulf %slice3A_415, %mul3A_422 : vector<16x96x192xf32>
    %add3A_424 = arith.addf %add3A_414, %mul3A_423 : vector<16x96x192xf32>
    %slice3A_425 = vector.extract_strided_slice %get3A_384 {offsets = [4, 0, 0], sizes = [16, 96, 192], strides = [1, 1, 1]} : vector<22x96x192xf32> to vector<16x96x192xf32>
    %get3A_426 = arith.constant 4 : index
    %get3A_427 = arith.constant 5 : index
    %get3A_428 = arith.constant 0 : index
    %get3A_429 = vector.load %arg3[%get3A_426, %get3A_427, %get3A_428] : memref<7x7x192xf32, #tpu.memory_space<vmem>>, vector<1x1x192xf32>
    %get3A_430 = vector.shape_cast %get3A_429 : vector<1x1x192xf32> to vector<192xf32>
    %broadcast_in_dim3A_431 = vector.shape_cast %get3A_430 : vector<192xf32> to vector<1x1x192xf32>
    %mul3A_432 = vector.broadcast %broadcast_in_dim3A_431 : vector<1x1x192xf32> to vector<16x96x192xf32>
    %mul3A_433 = arith.mulf %slice3A_425, %mul3A_432 : vector<16x96x192xf32>
    %add3A_434 = arith.addf %add3A_424, %mul3A_433 : vector<16x96x192xf32>
    %slice3A_435 = vector.extract_strided_slice %get3A_384 {offsets = [5, 0, 0], sizes = [16, 96, 192], strides = [1, 1, 1]} : vector<22x96x192xf32> to vector<16x96x192xf32>
    %get3A_436 = arith.constant 5 : index
    %get3A_437 = arith.constant 5 : index
    %get3A_438 = arith.constant 0 : index
    %get3A_439 = vector.load %arg3[%get3A_436, %get3A_437, %get3A_438] : memref<7x7x192xf32, #tpu.memory_space<vmem>>, vector<1x1x192xf32>
    %get3A_440 = vector.shape_cast %get3A_439 : vector<1x1x192xf32> to vector<192xf32>
    %broadcast_in_dim3A_441 = vector.shape_cast %get3A_440 : vector<192xf32> to vector<1x1x192xf32>
    %mul3A_442 = vector.broadcast %broadcast_in_dim3A_441 : vector<1x1x192xf32> to vector<16x96x192xf32>
    %mul3A_443 = arith.mulf %slice3A_435, %mul3A_442 : vector<16x96x192xf32>
    %add3A_444 = arith.addf %add3A_434, %mul3A_443 : vector<16x96x192xf32>
    %slice3A_445 = vector.extract_strided_slice %get3A_384 {offsets = [6, 0, 0], sizes = [16, 96, 192], strides = [1, 1, 1]} : vector<22x96x192xf32> to vector<16x96x192xf32>
    %get3A_446 = arith.constant 6 : index
    %get3A_447 = arith.constant 5 : index
    %get3A_448 = arith.constant 0 : index
    %get3A_449 = vector.load %arg3[%get3A_446, %get3A_447, %get3A_448] : memref<7x7x192xf32, #tpu.memory_space<vmem>>, vector<1x1x192xf32>
    %get3A_450 = vector.shape_cast %get3A_449 : vector<1x1x192xf32> to vector<192xf32>
    %broadcast_in_dim3A_451 = vector.shape_cast %get3A_450 : vector<192xf32> to vector<1x1x192xf32>
    %mul3A_452 = vector.broadcast %broadcast_in_dim3A_451 : vector<1x1x192xf32> to vector<16x96x192xf32>
    %mul3A_453 = arith.mulf %slice3A_445, %mul3A_452 : vector<16x96x192xf32>
    %add3A_454 = arith.addf %add3A_444, %mul3A_453 : vector<16x96x192xf32>
    %mul3A_455 = arith.constant 16 : i32
    %mul3A_456 = arith.muli %arg1, %mul3A_455 : i32
    %get3A_457 = arith.index_cast %mul3A_456 : i32 to index
    %get3A_458 = arith.constant 6 : index
    %get3A_459 = arith.constant 0 : index
    %get3A_460 = vector.load %arg8[%get3A_457, %get3A_458, %get3A_459] : memref<102x102x192xf32, #tpu.memory_space<vmem>>, vector<22x96x192xf32>
    %slice3A_461 = vector.extract_strided_slice %get3A_460 {offsets = [0, 0, 0], sizes = [16, 96, 192], strides = [1, 1, 1]} : vector<22x96x192xf32> to vector<16x96x192xf32>
    %get3A_462 = arith.constant 0 : index
    %get3A_463 = arith.constant 6 : index
    %get3A_464 = arith.constant 0 : index
    %get3A_465 = vector.load %arg3[%get3A_462, %get3A_463, %get3A_464] : memref<7x7x192xf32, #tpu.memory_space<vmem>>, vector<1x1x192xf32>
    %get3A_466 = vector.shape_cast %get3A_465 : vector<1x1x192xf32> to vector<192xf32>
    %broadcast_in_dim3A_467 = vector.shape_cast %get3A_466 : vector<192xf32> to vector<1x1x192xf32>
    %mul3A_468 = vector.broadcast %broadcast_in_dim3A_467 : vector<1x1x192xf32> to vector<16x96x192xf32>
    %mul3A_469 = arith.mulf %slice3A_461, %mul3A_468 : vector<16x96x192xf32>
    %add3A_470 = arith.addf %add3A_454, %mul3A_469 : vector<16x96x192xf32>
    %slice3A_471 = vector.extract_strided_slice %get3A_460 {offsets = [1, 0, 0], sizes = [16, 96, 192], strides = [1, 1, 1]} : vector<22x96x192xf32> to vector<16x96x192xf32>
    %get3A_472 = arith.constant 1 : index
    %get3A_473 = arith.constant 6 : index
    %get3A_474 = arith.constant 0 : index
    %get3A_475 = vector.load %arg3[%get3A_472, %get3A_473, %get3A_474] : memref<7x7x192xf32, #tpu.memory_space<vmem>>, vector<1x1x192xf32>
    %get3A_476 = vector.shape_cast %get3A_475 : vector<1x1x192xf32> to vector<192xf32>
    %broadcast_in_dim3A_477 = vector.shape_cast %get3A_476 : vector<192xf32> to vector<1x1x192xf32>
    %mul3A_478 = vector.broadcast %broadcast_in_dim3A_477 : vector<1x1x192xf32> to vector<16x96x192xf32>
    %mul3A_479 = arith.mulf %slice3A_471, %mul3A_478 : vector<16x96x192xf32>
    %add3A_480 = arith.addf %add3A_470, %mul3A_479 : vector<16x96x192xf32>
    %slice3A_481 = vector.extract_strided_slice %get3A_460 {offsets = [2, 0, 0], sizes = [16, 96, 192], strides = [1, 1, 1]} : vector<22x96x192xf32> to vector<16x96x192xf32>
    %get3A_482 = arith.constant 2 : index
    %get3A_483 = arith.constant 6 : index
    %get3A_484 = arith.constant 0 : index
    %get3A_485 = vector.load %arg3[%get3A_482, %get3A_483, %get3A_484] : memref<7x7x192xf32, #tpu.memory_space<vmem>>, vector<1x1x192xf32>
    %get3A_486 = vector.shape_cast %get3A_485 : vector<1x1x192xf32> to vector<192xf32>
    %broadcast_in_dim3A_487 = vector.shape_cast %get3A_486 : vector<192xf32> to vector<1x1x192xf32>
    %mul3A_488 = vector.broadcast %broadcast_in_dim3A_487 : vector<1x1x192xf32> to vector<16x96x192xf32>
    %mul3A_489 = arith.mulf %slice3A_481, %mul3A_488 : vector<16x96x192xf32>
    %add3A_490 = arith.addf %add3A_480, %mul3A_489 : vector<16x96x192xf32>
    %slice3A_491 = vector.extract_strided_slice %get3A_460 {offsets = [3, 0, 0], sizes = [16, 96, 192], strides = [1, 1, 1]} : vector<22x96x192xf32> to vector<16x96x192xf32>
    %get3A_492 = arith.constant 3 : index
    %get3A_493 = arith.constant 6 : index
    %get3A_494 = arith.constant 0 : index
    %get3A_495 = vector.load %arg3[%get3A_492, %get3A_493, %get3A_494] : memref<7x7x192xf32, #tpu.memory_space<vmem>>, vector<1x1x192xf32>
    %get3A_496 = vector.shape_cast %get3A_495 : vector<1x1x192xf32> to vector<192xf32>
    %broadcast_in_dim3A_497 = vector.shape_cast %get3A_496 : vector<192xf32> to vector<1x1x192xf32>
    %mul3A_498 = vector.broadcast %broadcast_in_dim3A_497 : vector<1x1x192xf32> to vector<16x96x192xf32>
    %mul3A_499 = arith.mulf %slice3A_491, %mul3A_498 : vector<16x96x192xf32>
    %add3A_500 = arith.addf %add3A_490, %mul3A_499 : vector<16x96x192xf32>
    %slice3A_501 = vector.extract_strided_slice %get3A_460 {offsets = [4, 0, 0], sizes = [16, 96, 192], strides = [1, 1, 1]} : vector<22x96x192xf32> to vector<16x96x192xf32>
    %get3A_502 = arith.constant 4 : index
    %get3A_503 = arith.constant 6 : index
    %get3A_504 = arith.constant 0 : index
    %get3A_505 = vector.load %arg3[%get3A_502, %get3A_503, %get3A_504] : memref<7x7x192xf32, #tpu.memory_space<vmem>>, vector<1x1x192xf32>
    %get3A_506 = vector.shape_cast %get3A_505 : vector<1x1x192xf32> to vector<192xf32>
    %broadcast_in_dim3A_507 = vector.shape_cast %get3A_506 : vector<192xf32> to vector<1x1x192xf32>
    %mul3A_508 = vector.broadcast %broadcast_in_dim3A_507 : vector<1x1x192xf32> to vector<16x96x192xf32>
    %mul3A_509 = arith.mulf %slice3A_501, %mul3A_508 : vector<16x96x192xf32>
    %add3A_510 = arith.addf %add3A_500, %mul3A_509 : vector<16x96x192xf32>
    %slice3A_511 = vector.extract_strided_slice %get3A_460 {offsets = [5, 0, 0], sizes = [16, 96, 192], strides = [1, 1, 1]} : vector<22x96x192xf32> to vector<16x96x192xf32>
    %get3A_512 = arith.constant 5 : index
    %get3A_513 = arith.constant 6 : index
    %get3A_514 = arith.constant 0 : index
    %get3A_515 = vector.load %arg3[%get3A_512, %get3A_513, %get3A_514] : memref<7x7x192xf32, #tpu.memory_space<vmem>>, vector<1x1x192xf32>
    %get3A_516 = vector.shape_cast %get3A_515 : vector<1x1x192xf32> to vector<192xf32>
    %broadcast_in_dim3A_517 = vector.shape_cast %get3A_516 : vector<192xf32> to vector<1x1x192xf32>
    %mul3A_518 = vector.broadcast %broadcast_in_dim3A_517 : vector<1x1x192xf32> to vector<16x96x192xf32>
    %mul3A_519 = arith.mulf %slice3A_511, %mul3A_518 : vector<16x96x192xf32>
    %add3A_520 = arith.addf %add3A_510, %mul3A_519 : vector<16x96x192xf32>
    %slice3A_521 = vector.extract_strided_slice %get3A_460 {offsets = [6, 0, 0], sizes = [16, 96, 192], strides = [1, 1, 1]} : vector<22x96x192xf32> to vector<16x96x192xf32>
    %get3A_522 = arith.constant 6 : index
    %get3A_523 = arith.constant 6 : index
    %get3A_524 = arith.constant 0 : index
    %get3A_525 = vector.load %arg3[%get3A_522, %get3A_523, %get3A_524] : memref<7x7x192xf32, #tpu.memory_space<vmem>>, vector<1x1x192xf32>
    %get3A_526 = vector.shape_cast %get3A_525 : vector<1x1x192xf32> to vector<192xf32>
    %broadcast_in_dim3A_527 = vector.shape_cast %get3A_526 : vector<192xf32> to vector<1x1x192xf32>
    %mul3A_528 = vector.broadcast %broadcast_in_dim3A_527 : vector<1x1x192xf32> to vector<16x96x192xf32>
    %mul3A_529 = arith.mulf %slice3A_521, %mul3A_528 : vector<16x96x192xf32>
    %add3A_530 = arith.addf %add3A_520, %mul3A_529 : vector<16x96x192xf32>
    %get3A_531 = arith.constant 0 : index
    %get3A_532 = arith.constant 0 : index
    %get3A_533 = vector.load %arg4[%get3A_531, %get3A_532] : memref<1x192xf32, #tpu.memory_space<vmem>>, vector<1x192xf32>
    %broadcast_in_dim3A_534 = vector.shape_cast %get3A_533 : vector<1x192xf32> to vector<1x1x192xf32>
    %add3A_535 = vector.broadcast %broadcast_in_dim3A_534 : vector<1x1x192xf32> to vector<16x96x192xf32>
    %add3A_536 = arith.addf %add3A_530, %add3A_535 : vector<16x96x192xf32>
    %get3A_537 = arith.constant 0 : index
    %get3A_538 = arith.constant 0 : index
    %get3A_539 = vector.load %arg5[%get3A_537, %get3A_538] : memref<1x192xf32, #tpu.memory_space<vmem>>, vector<1x192xf32>
    %get3A_540 = arith.constant 0 : index
    %get3A_541 = arith.constant 0 : index
    %get3A_542 = vector.load %arg6[%get3A_540, %get3A_541] : memref<1x192xf32, #tpu.memory_space<vmem>>, vector<1x192xf32>
    %reduce_sum3A = arith.constant dense<0.000000e+00> : vector<16x96xf32>
    %reduce_sum3A_543 = vector.multi_reduction <add>, %add3A_536, %reduce_sum3A [2] : vector<16x96x192xf32> to vector<16x96xf32>
    %broadcast_in_dim3A_544 = vector.shape_cast %reduce_sum3A_543 : vector<16x96xf32> to vector<16x96x1xf32>
    %div3A = arith.constant 1.920000e+02 : f32
    %div3A_545 = vector.broadcast %div3A : f32 to vector<16x96x1xf32>
    %div3A_546 = arith.divf %broadcast_in_dim3A_544, %div3A_545 : vector<16x96x1xf32>
    %jit3A = arith.constant 0 : i32
    %reduce_sum3A_547 = arith.constant dense<0.000000e+00> : vector<16x96xf32>
    %reduce_sum3A_548 = vector.multi_reduction <add>, %add3A_536, %reduce_sum3A_547 [2] : vector<16x96x192xf32> to vector<16x96xf32>
    %broadcast_in_dim3A_549 = vector.shape_cast %reduce_sum3A_548 : vector<16x96xf32> to vector<16x96x1xf32>
    %div3A_550 = arith.constant 1.920000e+02 : f32
    %div3A_551 = vector.broadcast %div3A_550 : f32 to vector<16x96x1xf32>
    %div3A_552 = arith.divf %broadcast_in_dim3A_549, %div3A_551 : vector<16x96x1xf32>
    %sub3A = vector.broadcast %div3A_552 : vector<16x96x1xf32> to vector<16x96x192xf32>
    %sub3A_553 = arith.subf %add3A_536, %sub3A : vector<16x96x192xf32>
    %square3A = arith.mulf %sub3A_553, %sub3A_553 : vector<16x96x192xf32>
    %convert_element_type3A_554 = arith.sitofp %jit3A : i32 to f32
    %sub3A_555 = arith.constant 1.920000e+02 : f32
    %sub3A_556 = arith.subf %sub3A_555, %convert_element_type3A_554 : f32
    %reduce_sum3A_557 = arith.constant dense<0.000000e+00> : vector<16x96xf32>
    %reduce_sum3A_558 = vector.multi_reduction <add>, %square3A, %reduce_sum3A_557 [2] : vector<16x96x192xf32> to vector<16x96xf32>
    %broadcast_in_dim3A_559 = vector.shape_cast %reduce_sum3A_558 : vector<16x96xf32> to vector<16x96x1xf32>
    %div3A_560 = vector.broadcast %sub3A_556 : f32 to vector<16x96x1xf32>
    %div3A_561 = arith.divf %broadcast_in_dim3A_559, %div3A_560 : vector<16x96x1xf32>
    %gt3A = arith.constant 0.000000e+00 : f32
    %gt3A_562 = arith.cmpf ogt, %sub3A_556, %gt3A : f32
    %jit3A_563 = arith.constant 0x7FC00000 : f32
    %broadcast_in_dim3A_564 = vector.broadcast %jit3A_563 : f32 to vector<16x96x1xf32>
    %select_n3A = arith.select %gt3A_562, %div3A_561, %broadcast_in_dim3A_564 : vector<16x96x1xf32>
    %sub3A_565 = vector.broadcast %div3A_546 : vector<16x96x1xf32> to vector<16x96x192xf32>
    %sub3A_566 = arith.subf %add3A_536, %sub3A_565 : vector<16x96x192xf32>
    %add3A_567 = arith.constant 9.99999974E-6 : f32
    %add3A_568 = vector.broadcast %add3A_567 : f32 to vector<16x96x1xf32>
    %add3A_569 = arith.addf %select_n3A, %add3A_568 : vector<16x96x1xf32>
    %sqrt3A = math.sqrt %add3A_569 : vector<16x96x1xf32>
    %div3A_570 = vector.broadcast %sqrt3A : vector<16x96x1xf32> to vector<16x96x192xf32>
    %div3A_571 = arith.divf %sub3A_566, %div3A_570 : vector<16x96x192xf32>
    %broadcast_in_dim3A_572 = vector.shape_cast %get3A_539 : vector<1x192xf32> to vector<1x1x192xf32>
    %mul3A_573 = vector.broadcast %broadcast_in_dim3A_572 : vector<1x1x192xf32> to vector<16x96x192xf32>
    %mul3A_574 = arith.mulf %div3A_571, %mul3A_573 : vector<16x96x192xf32>
    %broadcast_in_dim3A_575 = vector.shape_cast %get3A_542 : vector<1x192xf32> to vector<1x1x192xf32>
    %add3A_576 = vector.broadcast %broadcast_in_dim3A_575 : vector<1x1x192xf32> to vector<16x96x192xf32>
    %add3A_577 = arith.addf %mul3A_574, %add3A_576 : vector<16x96x192xf32>
    %integer_pow3A = arith.mulf %add3A_577, %add3A_577 : vector<16x96x192xf32>
    %integer_pow3A_578 = arith.mulf %add3A_577, %integer_pow3A : vector<16x96x192xf32>
    %mul3A_579 = arith.constant 4.471500e-02 : f32
    %mul3A_580 = vector.broadcast %mul3A_579 : f32 to vector<16x96x192xf32>
    %mul3A_581 = arith.mulf %mul3A_580, %integer_pow3A_578 : vector<16x96x192xf32>
    %add3A_582 = arith.addf %add3A_577, %mul3A_581 : vector<16x96x192xf32>
    %mul3A_583 = arith.constant 0.797884583 : f32
    %mul3A_584 = vector.broadcast %mul3A_583 : f32 to vector<16x96x192xf32>
    %mul3A_585 = arith.mulf %mul3A_584, %add3A_582 : vector<16x96x192xf32>
    %tanh3A = math.tanh %mul3A_585 : vector<16x96x192xf32>
    %add3A_586 = arith.constant 1.000000e+00 : f32
    %add3A_587 = vector.broadcast %add3A_586 : f32 to vector<16x96x192xf32>
    %add3A_588 = arith.addf %add3A_587, %tanh3A : vector<16x96x192xf32>
    %mul3A_589 = arith.constant 5.000000e-01 : f32
    %mul3A_590 = vector.broadcast %mul3A_589 : f32 to vector<16x96x192xf32>
    %mul3A_591 = arith.mulf %mul3A_590, %add3A_588 : vector<16x96x192xf32>
    %mul3A_592 = arith.mulf %add3A_577, %mul3A_591 : vector<16x96x192xf32>
    %reshape3A = vector.shape_cast %mul3A_592 : vector<16x96x192xf32> to vector<1536x192xf32>
    %swap3A = arith.constant 0 : index
    %swap3A_593 = arith.constant 0 : index
    %swap3A_594 = arith.constant 0 : index
    %swap3A_595 = vector.load %arg7[%swap3A, %swap3A_593, %swap3A_594] : memref<1x1536x192xf32, #tpu.memory_space<vmem>>, vector<1x1536x192xf32>
    %swap3A_596 = vector.shape_cast %swap3A_595 : vector<1x1536x192xf32> to vector<1536x192xf32>
    %swap3A_597 = vector.shape_cast %reshape3A : vector<1536x192xf32> to vector<1x1536x192xf32>
    tpu.vector_store %arg7[%swap3A, %swap3A_593, %swap3A_594], %swap3A_597 {strides = array<i32>} : memref<1x1536x192xf32, #tpu.memory_space<vmem>>, vector<1x1536x192xf32>,
    return
  }
  func.func @transform_0(%arg0: i32, %arg1: i32) -> (i32, i32, i32, i32) {
    %c0_i32 = arith.constant 0 : i32
    %c0_i32_0 = arith.constant 0 : i32
    %c0_i32_1 = arith.constant 0 : i32
    %c0_i32_2 = arith.constant 0 : i32
    return %arg0, %c0_i32, %c0_i32_0, %c0_i32_1 : i32, i32, i32, i32
  }
  func.func @transform_1(%arg0: i32, %arg1: i32) -> (i32, i32, i32) {
    %c0_i32 = arith.constant 0 : i32
    %c0_i32_0 = arith.constant 0 : i32
    %c0_i32_1 = arith.constant 0 : i32
    %c0_i32_2 = arith.constant 0 : i32
    return %c0_i32, %c0_i32_0, %c0_i32_1 : i32, i32, i32
  }
  func.func @transform_2(%arg0: i32, %arg1: i32) -> (i32, i32) {
    %c0_i32 = arith.constant 0 : i32
    %c0_i32_0 = arith.constant 0 : i32
    %c0_i32_1 = arith.constant 0 : i32
    return %c0_i32, %c0_i32_0 : i32, i32
  }
  func.func @transform_3(%arg0: i32, %arg1: i32) -> (i32, i32) {
    %c0_i32 = arith.constant 0 : i32
    %c0_i32_0 = arith.constant 0 : i32
    %c0_i32_1 = arith.constant 0 : i32
    return %c0_i32, %c0_i32_0 : i32, i32
  }
  func.func @transform_4(%arg0: i32, %arg1: i32) -> (i32, i32) {
    %c0_i32 = arith.constant 0 : i32
    %c0_i32_0 = arith.constant 0 : i32
    %c0_i32_1 = arith.constant 0 : i32
    return %c0_i32, %c0_i32_0 : i32, i32
  }
  func.func @transform_5(%arg0: i32, %arg1: i32) -> (i32, i32, i32) {
    %c0_i32 = arith.constant 0 : i32
    %c0_i32_0 = arith.constant 0 : i32
    return %arg0, %arg1, %c0_i32 : i32, i32, i32
  }
}

module attributes {stable_mosaic.version = 14 : i64} {
  func.func @_prep_body(%arg0: i32, %arg1: i32, %arg2: memref<1x1024x192xf32, #tpu.memory_space<vmem>>, %arg3: memref<1x1024x2xf32, #tpu.memory_space<vmem>>, %arg4: memref<192x72xf32, #tpu.memory_space<vmem>>, %arg5: memref<1x72xf32, #tpu.memory_space<vmem>>, %arg6: memref<192x72xf32, #tpu.memory_space<vmem>>, %arg7: memref<1x72xf32, #tpu.memory_space<vmem>>, %arg8: memref<192x72xf32, #tpu.memory_space<vmem>>, %arg9: memref<1x72xf32, #tpu.memory_space<vmem>>, %arg10: memref<1x1024x288xi32, #tpu.memory_space<vmem>>, %arg11: memref<1x1024x320xf32, #tpu.memory_space<vmem>>) attributes {dimension_semantics = [#tpu.dimension_semantics<arbitrary>, #tpu.dimension_semantics<arbitrary>], iteration_bounds = array<i64: 2, 9>, scalar_prefetch = 0 : i64, scratch_operands = 0 : i64, tpu.core_type = #tpu.core_type<tc>, window_params = [{transform_indices = @transform_0, window_bounds = array<i64: 1, 1024, 192>}, {transform_indices = @transform_1, window_bounds = array<i64: 1, 1024, 2>}, {pipeline_mode = #tpu.pipeline_mode<synchronous>, transform_indices = @transform_2, window_bounds = array<i64: 192, 72>}, {pipeline_mode = #tpu.pipeline_mode<synchronous>, transform_indices = @transform_3, window_bounds = array<i64: 1, 72>}, {pipeline_mode = #tpu.pipeline_mode<synchronous>, transform_indices = @transform_4, window_bounds = array<i64: 192, 72>}, {pipeline_mode = #tpu.pipeline_mode<synchronous>, transform_indices = @transform_5, window_bounds = array<i64: 1, 72>}, {pipeline_mode = #tpu.pipeline_mode<synchronous>, transform_indices = @transform_6, window_bounds = array<i64: 192, 72>}, {pipeline_mode = #tpu.pipeline_mode<synchronous>, transform_indices = @transform_7, window_bounds = array<i64: 1, 72>}, {transform_indices = @transform_8, window_bounds = array<i64: 1, 1024, 288>}, {transform_indices = @transform_9, window_bounds = array<i64: 1, 1024, 320>}]} {
    %get3A = arith.constant 0 : index
    %get3A_0 = arith.constant 0 : index
    %get3A_1 = arith.constant 0 : index
    %get3A_2 = vector.load %arg2[%get3A, %get3A_0, %get3A_1] : memref<1x1024x192xf32, #tpu.memory_space<vmem>>, vector<1x1024x192xf32>
    %get3A_3 = vector.shape_cast %get3A_2 : vector<1x1024x192xf32> to vector<1024x192xf32>
    %get3A_4 = arith.constant 0 : index
    %get3A_5 = arith.constant 0 : index
    %get3A_6 = vector.load %arg4[%get3A_4, %get3A_5] : memref<192x72xf32, #tpu.memory_space<vmem>>, vector<192x72xf32>
    %dot_general3A = arith.constant dense<0.000000e+00> : vector<1024x72xf32>
    %dot_general3A_7 = tpu.matmul %get3A_3, %get3A_6, %dot_general3A {dimension_numbers = #tpu.dot_dimension_numbers<[1], [0], [0], [1], [0, 0, 1, 1], [], []>, transpose_lhs_hint = false} : vector<1024x192xf32>, vector<192x72xf32>, vector<1024x72xf32> -> vector<1024x72xf32>
    %get3A_8 = arith.constant 0 : index
    %get3A_9 = arith.constant 0 : index
    %get3A_10 = vector.load %arg5[%get3A_8, %get3A_9] : memref<1x72xf32, #tpu.memory_space<vmem>>, vector<1x72xf32>
    %add3A = vector.broadcast %get3A_10 : vector<1x72xf32> to vector<1024x72xf32>
    %add3A_11 = arith.addf %dot_general3A_7, %add3A : vector<1024x72xf32>
    %get3A_12 = arith.constant 0 : index
    %get3A_13 = arith.constant 0 : index
    %get3A_14 = vector.load %arg6[%get3A_12, %get3A_13] : memref<192x72xf32, #tpu.memory_space<vmem>>, vector<192x72xf32>
    %dot_general3A_15 = arith.constant dense<0.000000e+00> : vector<1024x72xf32>
    %dot_general3A_16 = tpu.matmul %get3A_3, %get3A_14, %dot_general3A_15 {dimension_numbers = #tpu.dot_dimension_numbers<[1], [0], [0], [1], [0, 0, 1, 1], [], []>, transpose_lhs_hint = false} : vector<1024x192xf32>, vector<192x72xf32>, vector<1024x72xf32> -> vector<1024x72xf32>
    %get3A_17 = arith.constant 0 : index
    %get3A_18 = arith.constant 0 : index
    %get3A_19 = vector.load %arg7[%get3A_17, %get3A_18] : memref<1x72xf32, #tpu.memory_space<vmem>>, vector<1x72xf32>
    %add3A_20 = vector.broadcast %get3A_19 : vector<1x72xf32> to vector<1024x72xf32>
    %add3A_21 = arith.addf %dot_general3A_16, %add3A_20 : vector<1024x72xf32>
    %get3A_22 = arith.constant 0 : index
    %get3A_23 = arith.constant 0 : index
    %get3A_24 = vector.load %arg8[%get3A_22, %get3A_23] : memref<192x72xf32, #tpu.memory_space<vmem>>, vector<192x72xf32>
    %dot_general3A_25 = arith.constant dense<0.000000e+00> : vector<1024x72xf32>
    %dot_general3A_26 = tpu.matmul %get3A_3, %get3A_24, %dot_general3A_25 {dimension_numbers = #tpu.dot_dimension_numbers<[1], [0], [0], [1], [0, 0, 1, 1], [], []>, transpose_lhs_hint = false} : vector<1024x192xf32>, vector<192x72xf32>, vector<1024x72xf32> -> vector<1024x72xf32>
    %get3A_27 = arith.constant 0 : index
    %get3A_28 = arith.constant 0 : index
    %get3A_29 = vector.load %arg9[%get3A_27, %get3A_28] : memref<1x72xf32, #tpu.memory_space<vmem>>, vector<1x72xf32>
    %add3A_30 = vector.broadcast %get3A_29 : vector<1x72xf32> to vector<1024x72xf32>
    %add3A_31 = arith.addf %dot_general3A_26, %add3A_30 : vector<1024x72xf32>
    %exp3A = math.exp %add3A_31 : vector<1024x72xf32>
    %iota3A = tpu.iota {dimensions = array<i32: 0>} : vector<72x8xi32>
    %jit3A = arith.constant 9 : i32
    %div3A = vector.broadcast %jit3A : i32 to vector<72x8xi32>
    %div3A_32 = arith.divsi %iota3A, %div3A : vector<72x8xi32>
    %sign3A = arith.constant 0 : i32
    %sign3A_33 = vector.broadcast %sign3A : i32 to vector<72x8xi32>
    %sign3A_34 = arith.cmpi sgt, %iota3A, %sign3A_33 : vector<72x8xi32>
    %sign3A_35 = arith.extui %sign3A_34 : vector<72x8xi1> to vector<72x8xi32>
    %sign3A_36 = arith.constant 0 : i32
    %sign3A_37 = vector.broadcast %sign3A_36 : i32 to vector<72x8xi32>
    %sign3A_38 = arith.cmpi slt, %iota3A, %sign3A_37 : vector<72x8xi32>
    %sign3A_39 = arith.extui %sign3A_38 : vector<72x8xi1> to vector<72x8xi32>
    %sign3A_40 = arith.subi %sign3A_35, %sign3A_39 : vector<72x8xi32>
    %sign3A_41 = arith.constant 0 : i32
    %sign3A_42 = arith.cmpi sgt, %jit3A, %sign3A_41 : i32
    %sign3A_43 = arith.extui %sign3A_42 : i1 to i32
    %sign3A_44 = arith.constant 0 : i32
    %sign3A_45 = arith.cmpi slt, %jit3A, %sign3A_44 : i32
    %sign3A_46 = arith.extui %sign3A_45 : i1 to i32
    %sign3A_47 = arith.subi %sign3A_43, %sign3A_46 : i32
    %ne3A = vector.broadcast %sign3A_47 : i32 to vector<72x8xi32>
    %ne3A_48 = arith.cmpi ne, %sign3A_40, %ne3A : vector<72x8xi32>
    %rem3A = vector.broadcast %jit3A : i32 to vector<72x8xi32>
    %rem3A_49 = arith.remsi %iota3A, %rem3A : vector<72x8xi32>
    %ne3A_50 = arith.constant 0 : i32
    %ne3A_51 = vector.broadcast %ne3A_50 : i32 to vector<72x8xi32>
    %ne3A_52 = arith.cmpi ne, %rem3A_49, %ne3A_51 : vector<72x8xi32>
    %and3A = arith.andi %ne3A_48, %ne3A_52 : vector<72x8xi1>
    %sub3A = arith.constant 1 : i32
    %sub3A_53 = vector.broadcast %sub3A : i32 to vector<72x8xi32>
    %sub3A_54 = arith.subi %div3A_32, %sub3A_53 : vector<72x8xi32>
    %select_n3A = arith.select %and3A, %sub3A_54, %div3A_32 : vector<72x8xi1>, vector<72x8xi32>
    %iota3A_55 = tpu.iota {dimensions = array<i32: 1>} : vector<72x8xi32>
    %eq3A = arith.cmpi eq, %select_n3A, %iota3A_55 : vector<72x8xi32>
    %convert_element_type3A = arith.extui %eq3A : vector<72x8xi1> to vector<72x8xi32>
    %convert_element_type3A_56 = arith.sitofp %convert_element_type3A : vector<72x8xi32> to vector<72x8xf32>
    %dot_general3A_57 = arith.constant dense<0.000000e+00> : vector<1024x8xf32>
    %dot_general3A_58 = tpu.matmul %exp3A, %convert_element_type3A_56, %dot_general3A_57 {dimension_numbers = #tpu.dot_dimension_numbers<[1], [0], [0], [1], [0, 0, 1, 1], [], []>, transpose_lhs_hint = false} : vector<1024x72xf32>, vector<72x8xf32>, vector<1024x8xf32> -> vector<1024x8xf32>
    %transpose3A = tpu.transpose %convert_element_type3A_56, [1, 0] : vector<72x8xf32> -> vector<8x72xf32>
    %dot_general3A_59 = arith.constant dense<0.000000e+00> : vector<1024x72xf32>
    %dot_general3A_60 = tpu.matmul %dot_general3A_58, %transpose3A, %dot_general3A_59 {dimension_numbers = #tpu.dot_dimension_numbers<[1], [0], [0], [1], [0, 0, 1, 1], [], []>, transpose_lhs_hint = false} : vector<1024x8xf32>, vector<8x72xf32>, vector<1024x72xf32> -> vector<1024x72xf32>
    %div3A_61 = arith.divf %exp3A, %dot_general3A_60 : vector<1024x72xf32>
    %iota3A_62 = tpu.iota {dimensions = array<i32: 1>} : vector<1x72xi32>
    %jit3A_63 = arith.constant 9 : i32
    %eq3A_64 = arith.constant 0 : i32
    %eq3A_65 = arith.cmpi eq, %jit3A_63, %eq3A_64 : i32
    %jit3A_66 = arith.constant 1 : i32
    %select_n3A_67 = arith.select %eq3A_65, %jit3A_66, %jit3A_63 : i32
    %rem3A_68 = vector.broadcast %select_n3A_67 : i32 to vector<1x72xi32>
    %rem3A_69 = arith.remsi %iota3A_62, %rem3A_68 : vector<1x72xi32>
    %ne3A_70 = arith.constant 0 : i32
    %ne3A_71 = vector.broadcast %ne3A_70 : i32 to vector<1x72xi32>
    %ne3A_72 = arith.cmpi ne, %rem3A_69, %ne3A_71 : vector<1x72xi32>
    %lt3A = arith.constant 0 : i32
    %lt3A_73 = vector.broadcast %lt3A : i32 to vector<1x72xi32>
    %lt3A_74 = arith.cmpi slt, %rem3A_69, %lt3A_73 : vector<1x72xi32>
    %lt3A_75 = arith.constant 0 : i32
    %lt3A_76 = arith.cmpi slt, %select_n3A_67, %lt3A_75 : i32
    %ne3A_77 = vector.broadcast %lt3A_76 : i1 to vector<1x72xi1>
    %ne3A_78 = vector.broadcast %ne3A_77 : vector<1x72xi1> to vector<1x72xi1>
    %ne3A_79 = arith.xori %lt3A_74, %ne3A_78 : vector<1x72xi1>
    %and3A_80 = arith.andi %ne3A_79, %ne3A_72 : vector<1x72xi1>
    %add3A_81 = vector.broadcast %select_n3A_67 : i32 to vector<1x72xi32>
    %add3A_82 = arith.addi %rem3A_69, %add3A_81 : vector<1x72xi32>
    %select_n3A_83 = arith.select %and3A_80, %add3A_82, %rem3A_69 : vector<1x72xi1>, vector<1x72xi32>
    %jit3A_84 = arith.constant 9 : i32
    %div3A_85 = vector.broadcast %jit3A_84 : i32 to vector<1x72xi32>
    %div3A_86 = arith.divsi %iota3A_62, %div3A_85 : vector<1x72xi32>
    %sign3A_87 = arith.constant 0 : i32
    %sign3A_88 = vector.broadcast %sign3A_87 : i32 to vector<1x72xi32>
    %sign3A_89 = arith.cmpi sgt, %iota3A_62, %sign3A_88 : vector<1x72xi32>
    %sign3A_90 = arith.extui %sign3A_89 : vector<1x72xi1> to vector<1x72xi32>
    %sign3A_91 = arith.constant 0 : i32
    %sign3A_92 = vector.broadcast %sign3A_91 : i32 to vector<1x72xi32>
    %sign3A_93 = arith.cmpi slt, %iota3A_62, %sign3A_92 : vector<1x72xi32>
    %sign3A_94 = arith.extui %sign3A_93 : vector<1x72xi1> to vector<1x72xi32>
    %sign3A_95 = arith.subi %sign3A_90, %sign3A_94 : vector<1x72xi32>
    %sign3A_96 = arith.constant 0 : i32
    %sign3A_97 = arith.cmpi sgt, %jit3A_84, %sign3A_96 : i32
    %sign3A_98 = arith.extui %sign3A_97 : i1 to i32
    %sign3A_99 = arith.constant 0 : i32
    %sign3A_100 = arith.cmpi slt, %jit3A_84, %sign3A_99 : i32
    %sign3A_101 = arith.extui %sign3A_100 : i1 to i32
    %sign3A_102 = arith.subi %sign3A_98, %sign3A_101 : i32
    %ne3A_103 = vector.broadcast %sign3A_102 : i32 to vector<1x72xi32>
    %ne3A_104 = arith.cmpi ne, %sign3A_95, %ne3A_103 : vector<1x72xi32>
    %rem3A_105 = vector.broadcast %jit3A_84 : i32 to vector<1x72xi32>
    %rem3A_106 = arith.remsi %iota3A_62, %rem3A_105 : vector<1x72xi32>
    %ne3A_107 = arith.constant 0 : i32
    %ne3A_108 = vector.broadcast %ne3A_107 : i32 to vector<1x72xi32>
    %ne3A_109 = arith.cmpi ne, %rem3A_106, %ne3A_108 : vector<1x72xi32>
    %and3A_110 = arith.andi %ne3A_104, %ne3A_109 : vector<1x72xi1>
    %sub3A_111 = arith.constant 1 : i32
    %sub3A_112 = vector.broadcast %sub3A_111 : i32 to vector<1x72xi32>
    %sub3A_113 = arith.subi %div3A_86, %sub3A_112 : vector<1x72xi32>
    %select_n3A_114 = arith.select %and3A_110, %sub3A_113, %div3A_86 : vector<1x72xi1>, vector<1x72xi32>
    %jit3A_115 = arith.constant 3 : i32
    %eq3A_116 = arith.constant 0 : i32
    %eq3A_117 = arith.cmpi eq, %jit3A_115, %eq3A_116 : i32
    %jit3A_118 = arith.constant 1 : i32
    %select_n3A_119 = arith.select %eq3A_117, %jit3A_118, %jit3A_115 : i32
    %rem3A_120 = vector.broadcast %select_n3A_119 : i32 to vector<1x72xi32>
    %rem3A_121 = arith.remsi %select_n3A_83, %rem3A_120 : vector<1x72xi32>
    %ne3A_122 = arith.constant 0 : i32
    %ne3A_123 = vector.broadcast %ne3A_122 : i32 to vector<1x72xi32>
    %ne3A_124 = arith.cmpi ne, %rem3A_121, %ne3A_123 : vector<1x72xi32>
    %lt3A_125 = arith.constant 0 : i32
    %lt3A_126 = vector.broadcast %lt3A_125 : i32 to vector<1x72xi32>
    %lt3A_127 = arith.cmpi slt, %rem3A_121, %lt3A_126 : vector<1x72xi32>
    %lt3A_128 = arith.constant 0 : i32
    %lt3A_129 = arith.cmpi slt, %select_n3A_119, %lt3A_128 : i32
    %ne3A_130 = vector.broadcast %lt3A_129 : i1 to vector<1x72xi1>
    %ne3A_131 = vector.broadcast %ne3A_130 : vector<1x72xi1> to vector<1x72xi1>
    %ne3A_132 = arith.xori %lt3A_127, %ne3A_131 : vector<1x72xi1>
    %and3A_133 = arith.andi %ne3A_132, %ne3A_124 : vector<1x72xi1>
    %add3A_134 = vector.broadcast %select_n3A_119 : i32 to vector<1x72xi32>
    %add3A_135 = arith.addi %rem3A_121, %add3A_134 : vector<1x72xi32>
    %select_n3A_136 = arith.select %and3A_133, %add3A_135, %rem3A_121 : vector<1x72xi1>, vector<1x72xi32>
    %sub3A_137 = arith.constant 1 : i32
    %sub3A_138 = vector.broadcast %sub3A_137 : i32 to vector<1x72xi32>
    %sub3A_139 = arith.subi %select_n3A_136, %sub3A_138 : vector<1x72xi32>
    %convert_element_type3A_140 = arith.sitofp %sub3A_139 : vector<1x72xi32> to vector<1x72xf32>
    %jit3A_141 = arith.constant 3 : i32
    %div3A_142 = vector.broadcast %jit3A_141 : i32 to vector<1x72xi32>
    %div3A_143 = arith.divsi %select_n3A_83, %div3A_142 : vector<1x72xi32>
    %sign3A_144 = arith.constant 0 : i32
    %sign3A_145 = vector.broadcast %sign3A_144 : i32 to vector<1x72xi32>
    %sign3A_146 = arith.cmpi sgt, %select_n3A_83, %sign3A_145 : vector<1x72xi32>
    %sign3A_147 = arith.extui %sign3A_146 : vector<1x72xi1> to vector<1x72xi32>
    %sign3A_148 = arith.constant 0 : i32
    %sign3A_149 = vector.broadcast %sign3A_148 : i32 to vector<1x72xi32>
    %sign3A_150 = arith.cmpi slt, %select_n3A_83, %sign3A_149 : vector<1x72xi32>
    %sign3A_151 = arith.extui %sign3A_150 : vector<1x72xi1> to vector<1x72xi32>
    %sign3A_152 = arith.subi %sign3A_147, %sign3A_151 : vector<1x72xi32>
    %sign3A_153 = arith.constant 0 : i32
    %sign3A_154 = arith.cmpi sgt, %jit3A_141, %sign3A_153 : i32
    %sign3A_155 = arith.extui %sign3A_154 : i1 to i32
    %sign3A_156 = arith.constant 0 : i32
    %sign3A_157 = arith.cmpi slt, %jit3A_141, %sign3A_156 : i32
    %sign3A_158 = arith.extui %sign3A_157 : i1 to i32
    %sign3A_159 = arith.subi %sign3A_155, %sign3A_158 : i32
    %ne3A_160 = vector.broadcast %sign3A_159 : i32 to vector<1x72xi32>
    %ne3A_161 = arith.cmpi ne, %sign3A_152, %ne3A_160 : vector<1x72xi32>
    %rem3A_162 = vector.broadcast %jit3A_141 : i32 to vector<1x72xi32>
    %rem3A_163 = arith.remsi %select_n3A_83, %rem3A_162 : vector<1x72xi32>
    %ne3A_164 = arith.constant 0 : i32
    %ne3A_165 = vector.broadcast %ne3A_164 : i32 to vector<1x72xi32>
    %ne3A_166 = arith.cmpi ne, %rem3A_163, %ne3A_165 : vector<1x72xi32>
    %and3A_167 = arith.andi %ne3A_161, %ne3A_166 : vector<1x72xi1>
    %sub3A_168 = arith.constant 1 : i32
    %sub3A_169 = vector.broadcast %sub3A_168 : i32 to vector<1x72xi32>
    %sub3A_170 = arith.subi %div3A_143, %sub3A_169 : vector<1x72xi32>
    %select_n3A_171 = arith.select %and3A_167, %sub3A_170, %div3A_143 : vector<1x72xi1>, vector<1x72xi32>
    %sub3A_172 = arith.constant 1 : i32
    %sub3A_173 = vector.broadcast %sub3A_172 : i32 to vector<1x72xi32>
    %sub3A_174 = arith.subi %select_n3A_171, %sub3A_173 : vector<1x72xi32>
    %convert_element_type3A_175 = arith.sitofp %sub3A_174 : vector<1x72xi32> to vector<1x72xf32>
    %get3A_176 = arith.constant 0 : index
    %get3A_177 = arith.constant 0 : index
    %get3A_178 = arith.constant 0 : index
    %get3A_179 = vector.load %arg3[%get3A_176, %get3A_177, %get3A_178] : memref<1x1024x2xf32, #tpu.memory_space<vmem>>, vector<1x1024x2xf32>
    %get3A_180 = vector.shape_cast %get3A_179 : vector<1x1024x2xf32> to vector<1024x2xf32>
    %slice3A = vector.extract_strided_slice %get3A_180 {offsets = [0, 0], sizes = [1024, 1], strides = [1, 1]} : vector<1024x2xf32> to vector<1024x1xf32>
    %get3A_181 = arith.constant 0 : index
    %get3A_182 = arith.constant 0 : index
    %get3A_183 = arith.constant 0 : index
    %get3A_184 = vector.load %arg3[%get3A_181, %get3A_182, %get3A_183] : memref<1x1024x2xf32, #tpu.memory_space<vmem>>, vector<1x1024x2xf32>
    %get3A_185 = vector.shape_cast %get3A_184 : vector<1x1024x2xf32> to vector<1024x2xf32>
    %slice3A_186 = vector.extract_strided_slice %get3A_185 {offsets = [0, 1], sizes = [1024, 1], strides = [1, 1]} : vector<1024x2xf32> to vector<1024x1xf32>
    %mul3A = arith.constant 9.600000e+01 : f32
    %mul3A_187 = vector.broadcast %mul3A : f32 to vector<1024x1xf32>
    %mul3A_188 = arith.mulf %slice3A, %mul3A_187 : vector<1024x1xf32>
    %add3A_189 = vector.broadcast %mul3A_188 : vector<1024x1xf32> to vector<1024x72xf32>
    %add3A_190 = vector.broadcast %convert_element_type3A_140 : vector<1x72xf32> to vector<1024x72xf32>
    %add3A_191 = arith.addf %add3A_189, %add3A_190 : vector<1024x72xf32>
    %add3A_192 = arith.addf %add3A_191, %add3A_11 : vector<1024x72xf32>
    %sub3A_193 = arith.constant 5.000000e-01 : f32
    %sub3A_194 = vector.broadcast %sub3A_193 : f32 to vector<1024x72xf32>
    %sub3A_195 = arith.subf %add3A_192, %sub3A_194 : vector<1024x72xf32>
    %mul3A_196 = arith.constant 9.600000e+01 : f32
    %mul3A_197 = vector.broadcast %mul3A_196 : f32 to vector<1024x1xf32>
    %mul3A_198 = arith.mulf %slice3A_186, %mul3A_197 : vector<1024x1xf32>
    %add3A_199 = vector.broadcast %mul3A_198 : vector<1024x1xf32> to vector<1024x72xf32>
    %add3A_200 = vector.broadcast %convert_element_type3A_175 : vector<1x72xf32> to vector<1024x72xf32>
    %add3A_201 = arith.addf %add3A_199, %add3A_200 : vector<1024x72xf32>
    %add3A_202 = arith.addf %add3A_201, %add3A_21 : vector<1024x72xf32>
    %sub3A_203 = arith.constant 5.000000e-01 : f32
    %sub3A_204 = vector.broadcast %sub3A_203 : f32 to vector<1024x72xf32>
    %sub3A_205 = arith.subf %add3A_202, %sub3A_204 : vector<1024x72xf32>
    %floor3A = math.floor %sub3A_195 : vector<1024x72xf32>
    %floor3A_206 = math.floor %sub3A_205 : vector<1024x72xf32>
    %sub3A_207 = arith.subf %sub3A_195, %floor3A : vector<1024x72xf32>
    %sub3A_208 = arith.subf %sub3A_205, %floor3A_206 : vector<1024x72xf32>
    %sub3A_209 = arith.constant 1.000000e+00 : f32
    %sub3A_210 = vector.broadcast %sub3A_209 : f32 to vector<1024x72xf32>
    %sub3A_211 = arith.subf %sub3A_210, %sub3A_207 : vector<1024x72xf32>
    %sub3A_212 = arith.constant 1.000000e+00 : f32
    %sub3A_213 = vector.broadcast %sub3A_212 : f32 to vector<1024x72xf32>
    %sub3A_214 = arith.subf %sub3A_213, %sub3A_208 : vector<1024x72xf32>
    %add3A_215 = arith.constant 1.000000e+00 : f32
    %add3A_216 = vector.broadcast %add3A_215 : f32 to vector<1024x72xf32>
    %add3A_217 = arith.addf %floor3A, %add3A_216 : vector<1024x72xf32>
    %add3A_218 = arith.constant 1.000000e+00 : f32
    %add3A_219 = vector.broadcast %add3A_218 : f32 to vector<1024x72xf32>
    %add3A_220 = arith.addf %floor3A_206, %add3A_219 : vector<1024x72xf32>
    %ge3A = arith.constant 0.000000e+00 : f32
    %ge3A_221 = vector.broadcast %ge3A : f32 to vector<1024x72xf32>
    %ge3A_222 = arith.cmpf oge, %floor3A, %ge3A_221 : vector<1024x72xf32>
    %lt3A_223 = arith.constant 9.600000e+01 : f32
    %lt3A_224 = vector.broadcast %lt3A_223 : f32 to vector<1024x72xf32>
    %lt3A_225 = arith.cmpf olt, %floor3A, %lt3A_224 : vector<1024x72xf32>
    %and3A_226 = arith.andi %ge3A_222, %lt3A_225 : vector<1024x72xi1>
    %convert_element_type3A_227 = arith.extui %and3A_226 : vector<1024x72xi1> to vector<1024x72xi32>
    %convert_element_type3A_228 = arith.sitofp %convert_element_type3A_227 : vector<1024x72xi32> to vector<1024x72xf32>
    %ge3A_229 = arith.constant 0.000000e+00 : f32
    %ge3A_230 = vector.broadcast %ge3A_229 : f32 to vector<1024x72xf32>
    %ge3A_231 = arith.cmpf oge, %add3A_217, %ge3A_230 : vector<1024x72xf32>
    %lt3A_232 = arith.constant 9.600000e+01 : f32
    %lt3A_233 = vector.broadcast %lt3A_232 : f32 to vector<1024x72xf32>
    %lt3A_234 = arith.cmpf olt, %add3A_217, %lt3A_233 : vector<1024x72xf32>
    %and3A_235 = arith.andi %ge3A_231, %lt3A_234 : vector<1024x72xi1>
    %convert_element_type3A_236 = arith.extui %and3A_235 : vector<1024x72xi1> to vector<1024x72xi32>
    %convert_element_type3A_237 = arith.sitofp %convert_element_type3A_236 : vector<1024x72xi32> to vector<1024x72xf32>
    %ge3A_238 = arith.constant 0.000000e+00 : f32
    %ge3A_239 = vector.broadcast %ge3A_238 : f32 to vector<1024x72xf32>
    %ge3A_240 = arith.cmpf oge, %floor3A_206, %ge3A_239 : vector<1024x72xf32>
    %lt3A_241 = arith.constant 9.600000e+01 : f32
    %lt3A_242 = vector.broadcast %lt3A_241 : f32 to vector<1024x72xf32>
    %lt3A_243 = arith.cmpf olt, %floor3A_206, %lt3A_242 : vector<1024x72xf32>
    %and3A_244 = arith.andi %ge3A_240, %lt3A_243 : vector<1024x72xi1>
    %convert_element_type3A_245 = arith.extui %and3A_244 : vector<1024x72xi1> to vector<1024x72xi32>
    %convert_element_type3A_246 = arith.sitofp %convert_element_type3A_245 : vector<1024x72xi32> to vector<1024x72xf32>
    %ge3A_247 = arith.constant 0.000000e+00 : f32
    %ge3A_248 = vector.broadcast %ge3A_247 : f32 to vector<1024x72xf32>
    %ge3A_249 = arith.cmpf oge, %add3A_220, %ge3A_248 : vector<1024x72xf32>
    %lt3A_250 = arith.constant 9.600000e+01 : f32
    %lt3A_251 = vector.broadcast %lt3A_250 : f32 to vector<1024x72xf32>
    %lt3A_252 = arith.cmpf olt, %add3A_220, %lt3A_251 : vector<1024x72xf32>
    %and3A_253 = arith.andi %ge3A_249, %lt3A_252 : vector<1024x72xi1>
    %convert_element_type3A_254 = arith.extui %and3A_253 : vector<1024x72xi1> to vector<1024x72xi32>
    %convert_element_type3A_255 = arith.sitofp %convert_element_type3A_254 : vector<1024x72xi32> to vector<1024x72xf32>
    %jit3A_256 = arith.constant 0.000000e+00 : f32
    %jit3A_257 = arith.constant 95 : i32
    %max3A = vector.broadcast %jit3A_256 : f32 to vector<1024x72xf32>
    %max3A_258 = arith.maximumf %max3A, %floor3A : vector<1024x72xf32>
    %convert_element_type3A_259 = arith.sitofp %jit3A_257 : i32 to f32
    %min3A = vector.broadcast %convert_element_type3A_259 : f32 to vector<1024x72xf32>
    %min3A_260 = arith.minimumf %min3A, %max3A_258 : vector<1024x72xf32>
    %convert_element_type3A_261 = arith.fptosi %min3A_260 : vector<1024x72xf32> to vector<1024x72xi32>
    %jit3A_262 = arith.constant 0.000000e+00 : f32
    %jit3A_263 = arith.constant 95 : i32
    %max3A_264 = vector.broadcast %jit3A_262 : f32 to vector<1024x72xf32>
    %max3A_265 = arith.maximumf %max3A_264, %add3A_217 : vector<1024x72xf32>
    %convert_element_type3A_266 = arith.sitofp %jit3A_263 : i32 to f32
    %min3A_267 = vector.broadcast %convert_element_type3A_266 : f32 to vector<1024x72xf32>
    %min3A_268 = arith.minimumf %min3A_267, %max3A_265 : vector<1024x72xf32>
    %convert_element_type3A_269 = arith.fptosi %min3A_268 : vector<1024x72xf32> to vector<1024x72xi32>
    %jit3A_270 = arith.constant 0.000000e+00 : f32
    %jit3A_271 = arith.constant 95 : i32
    %max3A_272 = vector.broadcast %jit3A_270 : f32 to vector<1024x72xf32>
    %max3A_273 = arith.maximumf %max3A_272, %floor3A_206 : vector<1024x72xf32>
    %convert_element_type3A_274 = arith.sitofp %jit3A_271 : i32 to f32
    %min3A_275 = vector.broadcast %convert_element_type3A_274 : f32 to vector<1024x72xf32>
    %min3A_276 = arith.minimumf %min3A_275, %max3A_273 : vector<1024x72xf32>
    %convert_element_type3A_277 = arith.fptosi %min3A_276 : vector<1024x72xf32> to vector<1024x72xi32>
    %jit3A_278 = arith.constant 0.000000e+00 : f32
    %jit3A_279 = arith.constant 95 : i32
    %max3A_280 = vector.broadcast %jit3A_278 : f32 to vector<1024x72xf32>
    %max3A_281 = arith.maximumf %max3A_280, %add3A_220 : vector<1024x72xf32>
    %convert_element_type3A_282 = arith.sitofp %jit3A_279 : i32 to f32
    %min3A_283 = vector.broadcast %convert_element_type3A_282 : f32 to vector<1024x72xf32>
    %min3A_284 = arith.minimumf %min3A_283, %max3A_281 : vector<1024x72xf32>
    %convert_element_type3A_285 = arith.fptosi %min3A_284 : vector<1024x72xf32> to vector<1024x72xi32>
    %mul3A_286 = arith.constant 73728 : i32
    %mul3A_287 = arith.muli %arg0, %mul3A_286 : i32
    %mul3A_288 = arith.mulf %sub3A_214, %sub3A_211 : vector<1024x72xf32>
    %mul3A_289 = arith.mulf %mul3A_288, %convert_element_type3A_246 : vector<1024x72xf32>
    %mul3A_290 = arith.mulf %mul3A_289, %convert_element_type3A_228 : vector<1024x72xf32>
    %mul3A_291 = arith.mulf %sub3A_214, %sub3A_207 : vector<1024x72xf32>
    %mul3A_292 = arith.mulf %mul3A_291, %convert_element_type3A_246 : vector<1024x72xf32>
    %mul3A_293 = arith.mulf %mul3A_292, %convert_element_type3A_237 : vector<1024x72xf32>
    %mul3A_294 = arith.mulf %sub3A_208, %sub3A_211 : vector<1024x72xf32>
    %mul3A_295 = arith.mulf %mul3A_294, %convert_element_type3A_255 : vector<1024x72xf32>
    %mul3A_296 = arith.mulf %mul3A_295, %convert_element_type3A_228 : vector<1024x72xf32>
    %mul3A_297 = arith.mulf %sub3A_208, %sub3A_207 : vector<1024x72xf32>
    %mul3A_298 = arith.mulf %mul3A_297, %convert_element_type3A_255 : vector<1024x72xf32>
    %mul3A_299 = arith.mulf %mul3A_298, %convert_element_type3A_237 : vector<1024x72xf32>
    %mul3A_300 = arith.constant 96 : i32
    %mul3A_301 = vector.broadcast %mul3A_300 : i32 to vector<1024x72xi32>
    %mul3A_302 = arith.muli %convert_element_type3A_277, %mul3A_301 : vector<1024x72xi32>
    %add3A_303 = arith.addi %mul3A_302, %convert_element_type3A_261 : vector<1024x72xi32>
    %mul3A_304 = arith.constant 8 : i32
    %mul3A_305 = vector.broadcast %mul3A_304 : i32 to vector<1024x72xi32>
    %mul3A_306 = arith.muli %add3A_303, %mul3A_305 : vector<1024x72xi32>
    %add3A_307 = vector.broadcast %mul3A_287 : i32 to vector<1024x72xi32>
    %add3A_308 = arith.addi %add3A_307, %mul3A_306 : vector<1024x72xi32>
    %add3A_309 = vector.broadcast %select_n3A_114 : vector<1x72xi32> to vector<1024x72xi32>
    %add3A_310 = arith.addi %add3A_308, %add3A_309 : vector<1024x72xi32>
    %swap3A = arith.constant 0 : index
    %swap3A_311 = arith.constant 0 : index
    %swap3A_312 = arith.constant 0 : index
    %swap3A_313 = vector.load %arg10[%swap3A, %swap3A_311, %swap3A_312] : memref<1x1024x288xi32, #tpu.memory_space<vmem>>, vector<1x1024x72xi32>
    %swap3A_314 = vector.shape_cast %swap3A_313 : vector<1x1024x72xi32> to vector<1024x72xi32>
    %swap3A_315 = vector.shape_cast %add3A_310 : vector<1024x72xi32> to vector<1x1024x72xi32>
    tpu.vector_store %arg10[%swap3A, %swap3A_311, %swap3A_312], %swap3A_315 {strides = array<i32>} : memref<1x1024x288xi32, #tpu.memory_space<vmem>>, vector<1x1024x72xi32>,
    %mul3A_316 = arith.mulf %mul3A_290, %div3A_61 : vector<1024x72xf32>
    %mul3A_317 = arith.constant 96 : i32
    %mul3A_318 = vector.broadcast %mul3A_317 : i32 to vector<1024x72xi32>
    %mul3A_319 = arith.muli %convert_element_type3A_277, %mul3A_318 : vector<1024x72xi32>
    %add3A_320 = arith.addi %mul3A_319, %convert_element_type3A_269 : vector<1024x72xi32>
    %mul3A_321 = arith.constant 8 : i32
    %mul3A_322 = vector.broadcast %mul3A_321 : i32 to vector<1024x72xi32>
    %mul3A_323 = arith.muli %add3A_320, %mul3A_322 : vector<1024x72xi32>
    %add3A_324 = vector.broadcast %mul3A_287 : i32 to vector<1024x72xi32>
    %add3A_325 = arith.addi %add3A_324, %mul3A_323 : vector<1024x72xi32>
    %add3A_326 = vector.broadcast %select_n3A_114 : vector<1x72xi32> to vector<1024x72xi32>
    %add3A_327 = arith.addi %add3A_325, %add3A_326 : vector<1024x72xi32>
    %swap3A_328 = arith.constant 0 : index
    %swap3A_329 = arith.constant 0 : index
    %swap3A_330 = arith.constant 72 : index
    %swap3A_331 = vector.load %arg10[%swap3A_328, %swap3A_329, %swap3A_330] : memref<1x1024x288xi32, #tpu.memory_space<vmem>>, vector<1x1024x72xi32>
    %swap3A_332 = vector.shape_cast %swap3A_331 : vector<1x1024x72xi32> to vector<1024x72xi32>
    %swap3A_333 = vector.shape_cast %add3A_327 : vector<1024x72xi32> to vector<1x1024x72xi32>
    tpu.vector_store %arg10[%swap3A_328, %swap3A_329, %swap3A_330], %swap3A_333 {strides = array<i32>} : memref<1x1024x288xi32, #tpu.memory_space<vmem>>, vector<1x1024x72xi32>,
    %mul3A_334 = arith.mulf %mul3A_293, %div3A_61 : vector<1024x72xf32>
    %mul3A_335 = arith.constant 96 : i32
    %mul3A_336 = vector.broadcast %mul3A_335 : i32 to vector<1024x72xi32>
    %mul3A_337 = arith.muli %convert_element_type3A_285, %mul3A_336 : vector<1024x72xi32>
    %add3A_338 = arith.addi %mul3A_337, %convert_element_type3A_261 : vector<1024x72xi32>
    %mul3A_339 = arith.constant 8 : i32
    %mul3A_340 = vector.broadcast %mul3A_339 : i32 to vector<1024x72xi32>
    %mul3A_341 = arith.muli %add3A_338, %mul3A_340 : vector<1024x72xi32>
    %add3A_342 = vector.broadcast %mul3A_287 : i32 to vector<1024x72xi32>
    %add3A_343 = arith.addi %add3A_342, %mul3A_341 : vector<1024x72xi32>
    %add3A_344 = vector.broadcast %select_n3A_114 : vector<1x72xi32> to vector<1024x72xi32>
    %add3A_345 = arith.addi %add3A_343, %add3A_344 : vector<1024x72xi32>
    %swap3A_346 = arith.constant 0 : index
    %swap3A_347 = arith.constant 0 : index
    %swap3A_348 = arith.constant 144 : index
    %swap3A_349 = vector.load %arg10[%swap3A_346, %swap3A_347, %swap3A_348] : memref<1x1024x288xi32, #tpu.memory_space<vmem>>, vector<1x1024x72xi32>
    %swap3A_350 = vector.shape_cast %swap3A_349 : vector<1x1024x72xi32> to vector<1024x72xi32>
    %swap3A_351 = vector.shape_cast %add3A_345 : vector<1024x72xi32> to vector<1x1024x72xi32>
    tpu.vector_store %arg10[%swap3A_346, %swap3A_347, %swap3A_348], %swap3A_351 {strides = array<i32>} : memref<1x1024x288xi32, #tpu.memory_space<vmem>>, vector<1x1024x72xi32>,
    %mul3A_352 = arith.mulf %mul3A_296, %div3A_61 : vector<1024x72xf32>
    %mul3A_353 = arith.constant 96 : i32
    %mul3A_354 = vector.broadcast %mul3A_353 : i32 to vector<1024x72xi32>
    %mul3A_355 = arith.muli %convert_element_type3A_285, %mul3A_354 : vector<1024x72xi32>
    %add3A_356 = arith.addi %mul3A_355, %convert_element_type3A_269 : vector<1024x72xi32>
    %mul3A_357 = arith.constant 8 : i32
    %mul3A_358 = vector.broadcast %mul3A_357 : i32 to vector<1024x72xi32>
    %mul3A_359 = arith.muli %add3A_356, %mul3A_358 : vector<1024x72xi32>
    %add3A_360 = vector.broadcast %mul3A_287 : i32 to vector<1024x72xi32>
    %add3A_361 = arith.addi %add3A_360, %mul3A_359 : vector<1024x72xi32>
    %add3A_362 = vector.broadcast %select_n3A_114 : vector<1x72xi32> to vector<1024x72xi32>
    %add3A_363 = arith.addi %add3A_361, %add3A_362 : vector<1024x72xi32>
    %swap3A_364 = arith.constant 0 : index
    %swap3A_365 = arith.constant 0 : index
    %swap3A_366 = arith.constant 216 : index
    %swap3A_367 = vector.load %arg10[%swap3A_364, %swap3A_365, %swap3A_366] : memref<1x1024x288xi32, #tpu.memory_space<vmem>>, vector<1x1024x72xi32>
    %swap3A_368 = vector.shape_cast %swap3A_367 : vector<1x1024x72xi32> to vector<1024x72xi32>
    %swap3A_369 = vector.shape_cast %add3A_363 : vector<1024x72xi32> to vector<1x1024x72xi32>
    tpu.vector_store %arg10[%swap3A_364, %swap3A_365, %swap3A_366], %swap3A_369 {strides = array<i32>} : memref<1x1024x288xi32, #tpu.memory_space<vmem>>, vector<1x1024x72xi32>,
    %mul3A_370 = arith.mulf %mul3A_299, %div3A_61 : vector<1024x72xf32>
    %broadcast_in_dim3A = arith.constant 0.000000e+00 : f32
    %broadcast_in_dim3A_371 = vector.broadcast %broadcast_in_dim3A : f32 to vector<1024x4xf32>
    %slice3A_372 = vector.extract_strided_slice %mul3A_316 {offsets = [0, 0], sizes = [1024, 9], strides = [1, 1]} : vector<1024x72xf32> to vector<1024x9xf32>
    %slice3A_373 = vector.extract_strided_slice %mul3A_334 {offsets = [0, 0], sizes = [1024, 9], strides = [1, 1]} : vector<1024x72xf32> to vector<1024x9xf32>
    %slice3A_374 = vector.extract_strided_slice %mul3A_352 {offsets = [0, 0], sizes = [1024, 9], strides = [1, 1]} : vector<1024x72xf32> to vector<1024x9xf32>
    %slice3A_375 = vector.extract_strided_slice %mul3A_370 {offsets = [0, 0], sizes = [1024, 9], strides = [1, 1]} : vector<1024x72xf32> to vector<1024x9xf32>
    %concatenate3A = tpu.concatenate %slice3A_372, %slice3A_373, %slice3A_374, %slice3A_375, %broadcast_in_dim3A_371 in 1 : vector<1024x9xf32>, vector<1024x9xf32>, vector<1024x9xf32>, vector<1024x9xf32>, vector<1024x4xf32> -> vector<1024x40xf32>
    %swap3A_376 = arith.constant 0 : index
    %swap3A_377 = arith.constant 0 : index
    %swap3A_378 = arith.constant 0 : index
    %swap3A_379 = vector.load %arg11[%swap3A_376, %swap3A_377, %swap3A_378] : memref<1x1024x320xf32, #tpu.memory_space<vmem>>, vector<1x1024x40xf32>
    %swap3A_380 = vector.shape_cast %swap3A_379 : vector<1x1024x40xf32> to vector<1024x40xf32>
    %swap3A_381 = vector.shape_cast %concatenate3A : vector<1024x40xf32> to vector<1x1024x40xf32>
    tpu.vector_store %arg11[%swap3A_376, %swap3A_377, %swap3A_378], %swap3A_381 {strides = array<i32>} : memref<1x1024x320xf32, #tpu.memory_space<vmem>>, vector<1x1024x40xf32>,
    %slice3A_382 = vector.extract_strided_slice %mul3A_316 {offsets = [0, 9], sizes = [1024, 9], strides = [1, 1]} : vector<1024x72xf32> to vector<1024x9xf32>
    %slice3A_383 = vector.extract_strided_slice %mul3A_334 {offsets = [0, 9], sizes = [1024, 9], strides = [1, 1]} : vector<1024x72xf32> to vector<1024x9xf32>
    %slice3A_384 = vector.extract_strided_slice %mul3A_352 {offsets = [0, 9], sizes = [1024, 9], strides = [1, 1]} : vector<1024x72xf32> to vector<1024x9xf32>
    %slice3A_385 = vector.extract_strided_slice %mul3A_370 {offsets = [0, 9], sizes = [1024, 9], strides = [1, 1]} : vector<1024x72xf32> to vector<1024x9xf32>
    %concatenate3A_386 = tpu.concatenate %slice3A_382, %slice3A_383, %slice3A_384, %slice3A_385, %broadcast_in_dim3A_371 in 1 : vector<1024x9xf32>, vector<1024x9xf32>, vector<1024x9xf32>, vector<1024x9xf32>, vector<1024x4xf32> -> vector<1024x40xf32>
    %swap3A_387 = arith.constant 0 : index
    %swap3A_388 = arith.constant 0 : index
    %swap3A_389 = arith.constant 40 : index
    %swap3A_390 = vector.load %arg11[%swap3A_387, %swap3A_388, %swap3A_389] : memref<1x1024x320xf32, #tpu.memory_space<vmem>>, vector<1x1024x40xf32>
    %swap3A_391 = vector.shape_cast %swap3A_390 : vector<1x1024x40xf32> to vector<1024x40xf32>
    %swap3A_392 = vector.shape_cast %concatenate3A_386 : vector<1024x40xf32> to vector<1x1024x40xf32>
    tpu.vector_store %arg11[%swap3A_387, %swap3A_388, %swap3A_389], %swap3A_392 {strides = array<i32>} : memref<1x1024x320xf32, #tpu.memory_space<vmem>>, vector<1x1024x40xf32>,
    %slice3A_393 = vector.extract_strided_slice %mul3A_316 {offsets = [0, 18], sizes = [1024, 9], strides = [1, 1]} : vector<1024x72xf32> to vector<1024x9xf32>
    %slice3A_394 = vector.extract_strided_slice %mul3A_334 {offsets = [0, 18], sizes = [1024, 9], strides = [1, 1]} : vector<1024x72xf32> to vector<1024x9xf32>
    %slice3A_395 = vector.extract_strided_slice %mul3A_352 {offsets = [0, 18], sizes = [1024, 9], strides = [1, 1]} : vector<1024x72xf32> to vector<1024x9xf32>
    %slice3A_396 = vector.extract_strided_slice %mul3A_370 {offsets = [0, 18], sizes = [1024, 9], strides = [1, 1]} : vector<1024x72xf32> to vector<1024x9xf32>
    %concatenate3A_397 = tpu.concatenate %slice3A_393, %slice3A_394, %slice3A_395, %slice3A_396, %broadcast_in_dim3A_371 in 1 : vector<1024x9xf32>, vector<1024x9xf32>, vector<1024x9xf32>, vector<1024x9xf32>, vector<1024x4xf32> -> vector<1024x40xf32>
    %swap3A_398 = arith.constant 0 : index
    %swap3A_399 = arith.constant 0 : index
    %swap3A_400 = arith.constant 80 : index
    %swap3A_401 = vector.load %arg11[%swap3A_398, %swap3A_399, %swap3A_400] : memref<1x1024x320xf32, #tpu.memory_space<vmem>>, vector<1x1024x40xf32>
    %swap3A_402 = vector.shape_cast %swap3A_401 : vector<1x1024x40xf32> to vector<1024x40xf32>
    %swap3A_403 = vector.shape_cast %concatenate3A_397 : vector<1024x40xf32> to vector<1x1024x40xf32>
    tpu.vector_store %arg11[%swap3A_398, %swap3A_399, %swap3A_400], %swap3A_403 {strides = array<i32>} : memref<1x1024x320xf32, #tpu.memory_space<vmem>>, vector<1x1024x40xf32>,
    %slice3A_404 = vector.extract_strided_slice %mul3A_316 {offsets = [0, 27], sizes = [1024, 9], strides = [1, 1]} : vector<1024x72xf32> to vector<1024x9xf32>
    %slice3A_405 = vector.extract_strided_slice %mul3A_334 {offsets = [0, 27], sizes = [1024, 9], strides = [1, 1]} : vector<1024x72xf32> to vector<1024x9xf32>
    %slice3A_406 = vector.extract_strided_slice %mul3A_352 {offsets = [0, 27], sizes = [1024, 9], strides = [1, 1]} : vector<1024x72xf32> to vector<1024x9xf32>
    %slice3A_407 = vector.extract_strided_slice %mul3A_370 {offsets = [0, 27], sizes = [1024, 9], strides = [1, 1]} : vector<1024x72xf32> to vector<1024x9xf32>
    %concatenate3A_408 = tpu.concatenate %slice3A_404, %slice3A_405, %slice3A_406, %slice3A_407, %broadcast_in_dim3A_371 in 1 : vector<1024x9xf32>, vector<1024x9xf32>, vector<1024x9xf32>, vector<1024x9xf32>, vector<1024x4xf32> -> vector<1024x40xf32>
    %swap3A_409 = arith.constant 0 : index
    %swap3A_410 = arith.constant 0 : index
    %swap3A_411 = arith.constant 120 : index
    %swap3A_412 = vector.load %arg11[%swap3A_409, %swap3A_410, %swap3A_411] : memref<1x1024x320xf32, #tpu.memory_space<vmem>>, vector<1x1024x40xf32>
    %swap3A_413 = vector.shape_cast %swap3A_412 : vector<1x1024x40xf32> to vector<1024x40xf32>
    %swap3A_414 = vector.shape_cast %concatenate3A_408 : vector<1024x40xf32> to vector<1x1024x40xf32>
    tpu.vector_store %arg11[%swap3A_409, %swap3A_410, %swap3A_411], %swap3A_414 {strides = array<i32>} : memref<1x1024x320xf32, #tpu.memory_space<vmem>>, vector<1x1024x40xf32>,
    %slice3A_415 = vector.extract_strided_slice %mul3A_316 {offsets = [0, 36], sizes = [1024, 9], strides = [1, 1]} : vector<1024x72xf32> to vector<1024x9xf32>
    %slice3A_416 = vector.extract_strided_slice %mul3A_334 {offsets = [0, 36], sizes = [1024, 9], strides = [1, 1]} : vector<1024x72xf32> to vector<1024x9xf32>
    %slice3A_417 = vector.extract_strided_slice %mul3A_352 {offsets = [0, 36], sizes = [1024, 9], strides = [1, 1]} : vector<1024x72xf32> to vector<1024x9xf32>
    %slice3A_418 = vector.extract_strided_slice %mul3A_370 {offsets = [0, 36], sizes = [1024, 9], strides = [1, 1]} : vector<1024x72xf32> to vector<1024x9xf32>
    %concatenate3A_419 = tpu.concatenate %slice3A_415, %slice3A_416, %slice3A_417, %slice3A_418, %broadcast_in_dim3A_371 in 1 : vector<1024x9xf32>, vector<1024x9xf32>, vector<1024x9xf32>, vector<1024x9xf32>, vector<1024x4xf32> -> vector<1024x40xf32>
    %swap3A_420 = arith.constant 0 : index
    %swap3A_421 = arith.constant 0 : index
    %swap3A_422 = arith.constant 160 : index
    %swap3A_423 = vector.load %arg11[%swap3A_420, %swap3A_421, %swap3A_422] : memref<1x1024x320xf32, #tpu.memory_space<vmem>>, vector<1x1024x40xf32>
    %swap3A_424 = vector.shape_cast %swap3A_423 : vector<1x1024x40xf32> to vector<1024x40xf32>
    %swap3A_425 = vector.shape_cast %concatenate3A_419 : vector<1024x40xf32> to vector<1x1024x40xf32>
    tpu.vector_store %arg11[%swap3A_420, %swap3A_421, %swap3A_422], %swap3A_425 {strides = array<i32>} : memref<1x1024x320xf32, #tpu.memory_space<vmem>>, vector<1x1024x40xf32>,
    %slice3A_426 = vector.extract_strided_slice %mul3A_316 {offsets = [0, 45], sizes = [1024, 9], strides = [1, 1]} : vector<1024x72xf32> to vector<1024x9xf32>
    %slice3A_427 = vector.extract_strided_slice %mul3A_334 {offsets = [0, 45], sizes = [1024, 9], strides = [1, 1]} : vector<1024x72xf32> to vector<1024x9xf32>
    %slice3A_428 = vector.extract_strided_slice %mul3A_352 {offsets = [0, 45], sizes = [1024, 9], strides = [1, 1]} : vector<1024x72xf32> to vector<1024x9xf32>
    %slice3A_429 = vector.extract_strided_slice %mul3A_370 {offsets = [0, 45], sizes = [1024, 9], strides = [1, 1]} : vector<1024x72xf32> to vector<1024x9xf32>
    %concatenate3A_430 = tpu.concatenate %slice3A_426, %slice3A_427, %slice3A_428, %slice3A_429, %broadcast_in_dim3A_371 in 1 : vector<1024x9xf32>, vector<1024x9xf32>, vector<1024x9xf32>, vector<1024x9xf32>, vector<1024x4xf32> -> vector<1024x40xf32>
    %swap3A_431 = arith.constant 0 : index
    %swap3A_432 = arith.constant 0 : index
    %swap3A_433 = arith.constant 200 : index
    %swap3A_434 = vector.load %arg11[%swap3A_431, %swap3A_432, %swap3A_433] : memref<1x1024x320xf32, #tpu.memory_space<vmem>>, vector<1x1024x40xf32>
    %swap3A_435 = vector.shape_cast %swap3A_434 : vector<1x1024x40xf32> to vector<1024x40xf32>
    %swap3A_436 = vector.shape_cast %concatenate3A_430 : vector<1024x40xf32> to vector<1x1024x40xf32>
    tpu.vector_store %arg11[%swap3A_431, %swap3A_432, %swap3A_433], %swap3A_436 {strides = array<i32>} : memref<1x1024x320xf32, #tpu.memory_space<vmem>>, vector<1x1024x40xf32>,
    %slice3A_437 = vector.extract_strided_slice %mul3A_316 {offsets = [0, 54], sizes = [1024, 9], strides = [1, 1]} : vector<1024x72xf32> to vector<1024x9xf32>
    %slice3A_438 = vector.extract_strided_slice %mul3A_334 {offsets = [0, 54], sizes = [1024, 9], strides = [1, 1]} : vector<1024x72xf32> to vector<1024x9xf32>
    %slice3A_439 = vector.extract_strided_slice %mul3A_352 {offsets = [0, 54], sizes = [1024, 9], strides = [1, 1]} : vector<1024x72xf32> to vector<1024x9xf32>
    %slice3A_440 = vector.extract_strided_slice %mul3A_370 {offsets = [0, 54], sizes = [1024, 9], strides = [1, 1]} : vector<1024x72xf32> to vector<1024x9xf32>
    %concatenate3A_441 = tpu.concatenate %slice3A_437, %slice3A_438, %slice3A_439, %slice3A_440, %broadcast_in_dim3A_371 in 1 : vector<1024x9xf32>, vector<1024x9xf32>, vector<1024x9xf32>, vector<1024x9xf32>, vector<1024x4xf32> -> vector<1024x40xf32>
    %swap3A_442 = arith.constant 0 : index
    %swap3A_443 = arith.constant 0 : index
    %swap3A_444 = arith.constant 240 : index
    %swap3A_445 = vector.load %arg11[%swap3A_442, %swap3A_443, %swap3A_444] : memref<1x1024x320xf32, #tpu.memory_space<vmem>>, vector<1x1024x40xf32>
    %swap3A_446 = vector.shape_cast %swap3A_445 : vector<1x1024x40xf32> to vector<1024x40xf32>
    %swap3A_447 = vector.shape_cast %concatenate3A_441 : vector<1024x40xf32> to vector<1x1024x40xf32>
    tpu.vector_store %arg11[%swap3A_442, %swap3A_443, %swap3A_444], %swap3A_447 {strides = array<i32>} : memref<1x1024x320xf32, #tpu.memory_space<vmem>>, vector<1x1024x40xf32>,
    %slice3A_448 = vector.extract_strided_slice %mul3A_316 {offsets = [0, 63], sizes = [1024, 9], strides = [1, 1]} : vector<1024x72xf32> to vector<1024x9xf32>
    %slice3A_449 = vector.extract_strided_slice %mul3A_334 {offsets = [0, 63], sizes = [1024, 9], strides = [1, 1]} : vector<1024x72xf32> to vector<1024x9xf32>
    %slice3A_450 = vector.extract_strided_slice %mul3A_352 {offsets = [0, 63], sizes = [1024, 9], strides = [1, 1]} : vector<1024x72xf32> to vector<1024x9xf32>
    %slice3A_451 = vector.extract_strided_slice %mul3A_370 {offsets = [0, 63], sizes = [1024, 9], strides = [1, 1]} : vector<1024x72xf32> to vector<1024x9xf32>
    %concatenate3A_452 = tpu.concatenate %slice3A_448, %slice3A_449, %slice3A_450, %slice3A_451, %broadcast_in_dim3A_371 in 1 : vector<1024x9xf32>, vector<1024x9xf32>, vector<1024x9xf32>, vector<1024x9xf32>, vector<1024x4xf32> -> vector<1024x40xf32>
    %swap3A_453 = arith.constant 0 : index
    %swap3A_454 = arith.constant 0 : index
    %swap3A_455 = arith.constant 280 : index
    %swap3A_456 = vector.load %arg11[%swap3A_453, %swap3A_454, %swap3A_455] : memref<1x1024x320xf32, #tpu.memory_space<vmem>>, vector<1x1024x40xf32>
    %swap3A_457 = vector.shape_cast %swap3A_456 : vector<1x1024x40xf32> to vector<1024x40xf32>
    %swap3A_458 = vector.shape_cast %concatenate3A_452 : vector<1024x40xf32> to vector<1x1024x40xf32>
    tpu.vector_store %arg11[%swap3A_453, %swap3A_454, %swap3A_455], %swap3A_458 {strides = array<i32>} : memref<1x1024x320xf32, #tpu.memory_space<vmem>>, vector<1x1024x40xf32>,
    return
  }
  func.func @transform_0(%arg0: i32, %arg1: i32) -> (i32, i32, i32) {
    %c0_i32 = arith.constant 0 : i32
    %c0_i32_0 = arith.constant 0 : i32
    return %arg0, %arg1, %c0_i32 : i32, i32, i32
  }
  func.func @transform_1(%arg0: i32, %arg1: i32) -> (i32, i32, i32) {
    %c0_i32 = arith.constant 0 : i32
    %c0_i32_0 = arith.constant 0 : i32
    return %arg0, %arg1, %c0_i32 : i32, i32, i32
  }
  func.func @transform_2(%arg0: i32, %arg1: i32) -> (i32, i32) {
    %c0_i32 = arith.constant 0 : i32
    %c0_i32_0 = arith.constant 0 : i32
    %c0_i32_1 = arith.constant 0 : i32
    return %c0_i32, %c0_i32_0 : i32, i32
  }
  func.func @transform_3(%arg0: i32, %arg1: i32) -> (i32, i32) {
    %c0_i32 = arith.constant 0 : i32
    %c0_i32_0 = arith.constant 0 : i32
    %c0_i32_1 = arith.constant 0 : i32
    return %c0_i32, %c0_i32_0 : i32, i32
  }
  func.func @transform_4(%arg0: i32, %arg1: i32) -> (i32, i32) {
    %c0_i32 = arith.constant 0 : i32
    %c0_i32_0 = arith.constant 0 : i32
    %c0_i32_1 = arith.constant 0 : i32
    return %c0_i32, %c0_i32_0 : i32, i32
  }
  func.func @transform_5(%arg0: i32, %arg1: i32) -> (i32, i32) {
    %c0_i32 = arith.constant 0 : i32
    %c0_i32_0 = arith.constant 0 : i32
    %c0_i32_1 = arith.constant 0 : i32
    return %c0_i32, %c0_i32_0 : i32, i32
  }
  func.func @transform_6(%arg0: i32, %arg1: i32) -> (i32, i32) {
    %c0_i32 = arith.constant 0 : i32
    %c0_i32_0 = arith.constant 0 : i32
    %c0_i32_1 = arith.constant 0 : i32
    return %c0_i32, %c0_i32_0 : i32, i32
  }
  func.func @transform_7(%arg0: i32, %arg1: i32) -> (i32, i32) {
    %c0_i32 = arith.constant 0 : i32
    %c0_i32_0 = arith.constant 0 : i32
    %c0_i32_1 = arith.constant 0 : i32
    return %c0_i32, %c0_i32_0 : i32, i32
  }
  func.func @transform_8(%arg0: i32, %arg1: i32) -> (i32, i32, i32) {
    %c0_i32 = arith.constant 0 : i32
    %c0_i32_0 = arith.constant 0 : i32
    return %arg0, %arg1, %c0_i32 : i32, i32, i32
  }
  func.func @transform_9(%arg0: i32, %arg1: i32) -> (i32, i32, i32) {
    %c0_i32 = arith.constant 0 : i32
    %c0_i32_0 = arith.constant 0 : i32
    return %arg0, %arg1, %c0_i32 : i32, i32, i32
  }
}

module attributes {stable_mosaic.version = 14 : i64} {
  func.func @_tail_body(%arg0: i32, %arg1: memref<1024x256xf32, #tpu.memory_space<vmem>>, %arg2: memref<1024x192xf32, #tpu.memory_space<vmem>>, %arg3: memref<256x192xf32, #tpu.memory_space<vmem>>, %arg4: memref<1x192xf32, #tpu.memory_space<vmem>>, %arg5: memref<1x192xf32, #tpu.memory_space<vmem>>, %arg6: memref<1x192xf32, #tpu.memory_space<vmem>>, %arg7: memref<192x768xf32, #tpu.memory_space<vmem>>, %arg8: memref<1x768xf32, #tpu.memory_space<vmem>>, %arg9: memref<768x192xf32, #tpu.memory_space<vmem>>, %arg10: memref<1x192xf32, #tpu.memory_space<vmem>>, %arg11: memref<1024x192xf32, #tpu.memory_space<vmem>>) attributes {dimension_semantics = [#tpu.dimension_semantics<arbitrary>], iteration_bounds = array<i64: 18>, scalar_prefetch = 0 : i64, scratch_operands = 0 : i64, tpu.core_type = #tpu.core_type<tc>, window_params = [{transform_indices = @transform_0, window_bounds = array<i64: 1024, 256>}, {transform_indices = @transform_1, window_bounds = array<i64: 1024, 192>}, {pipeline_mode = #tpu.pipeline_mode<synchronous>, transform_indices = @transform_2, window_bounds = array<i64: 256, 192>}, {pipeline_mode = #tpu.pipeline_mode<synchronous>, transform_indices = @transform_3, window_bounds = array<i64: 1, 192>}, {pipeline_mode = #tpu.pipeline_mode<synchronous>, transform_indices = @transform_4, window_bounds = array<i64: 1, 192>}, {pipeline_mode = #tpu.pipeline_mode<synchronous>, transform_indices = @transform_5, window_bounds = array<i64: 1, 192>}, {pipeline_mode = #tpu.pipeline_mode<synchronous>, transform_indices = @transform_6, window_bounds = array<i64: 192, 768>}, {pipeline_mode = #tpu.pipeline_mode<synchronous>, transform_indices = @transform_7, window_bounds = array<i64: 1, 768>}, {pipeline_mode = #tpu.pipeline_mode<synchronous>, transform_indices = @transform_8, window_bounds = array<i64: 768, 192>}, {pipeline_mode = #tpu.pipeline_mode<synchronous>, transform_indices = @transform_9, window_bounds = array<i64: 1, 192>}, {transform_indices = @transform_10, window_bounds = array<i64: 1024, 192>}]} {
    %get3A = arith.constant 0 : index
    %get3A_0 = arith.constant 0 : index
    %get3A_1 = vector.load %arg1[%get3A, %get3A_0] : memref<1024x256xf32, #tpu.memory_space<vmem>>, vector<1024x256xf32>
    %get3A_2 = arith.constant 0 : index
    %get3A_3 = arith.constant 0 : index
    %get3A_4 = vector.load %arg3[%get3A_2, %get3A_3] : memref<256x192xf32, #tpu.memory_space<vmem>>, vector<256x192xf32>
    %dot_general3A = arith.constant dense<0.000000e+00> : vector<1024x192xf32>
    %dot_general3A_5 = tpu.matmul %get3A_1, %get3A_4, %dot_general3A {dimension_numbers = #tpu.dot_dimension_numbers<[1], [0], [0], [1], [0, 0, 1, 1], [], []>, transpose_lhs_hint = false} : vector<1024x256xf32>, vector<256x192xf32>, vector<1024x192xf32> -> vector<1024x192xf32>
    %get3A_6 = arith.constant 0 : index
    %get3A_7 = arith.constant 0 : index
    %get3A_8 = vector.load %arg4[%get3A_6, %get3A_7] : memref<1x192xf32, #tpu.memory_space<vmem>>, vector<1x192xf32>
    %add3A = vector.broadcast %get3A_8 : vector<1x192xf32> to vector<1024x192xf32>
    %add3A_9 = arith.addf %dot_general3A_5, %add3A : vector<1024x192xf32>
    %get3A_10 = arith.constant 0 : index
    %get3A_11 = arith.constant 0 : index
    %get3A_12 = vector.load %arg2[%get3A_10, %get3A_11] : memref<1024x192xf32, #tpu.memory_space<vmem>>, vector<1024x192xf32>
    %add3A_13 = arith.addf %get3A_12, %add3A_9 : vector<1024x192xf32>
    %get3A_14 = arith.constant 0 : index
    %get3A_15 = arith.constant 0 : index
    %get3A_16 = vector.load %arg5[%get3A_14, %get3A_15] : memref<1x192xf32, #tpu.memory_space<vmem>>, vector<1x192xf32>
    %get3A_17 = arith.constant 0 : index
    %get3A_18 = arith.constant 0 : index
    %get3A_19 = vector.load %arg6[%get3A_17, %get3A_18] : memref<1x192xf32, #tpu.memory_space<vmem>>, vector<1x192xf32>
    %reduce_sum3A = arith.constant dense<0.000000e+00> : vector<1024xf32>
    %reduce_sum3A_20 = vector.multi_reduction <add>, %add3A_13, %reduce_sum3A [1] : vector<1024x192xf32> to vector<1024xf32>
    %broadcast_in_dim3A = vector.shape_cast %reduce_sum3A_20 : vector<1024xf32> to vector<1024x1xf32>
    %div3A = arith.constant 1.920000e+02 : f32
    %div3A_21 = vector.broadcast %div3A : f32 to vector<1024x1xf32>
    %div3A_22 = arith.divf %broadcast_in_dim3A, %div3A_21 : vector<1024x1xf32>
    %jit3A = arith.constant 0 : i32
    %reduce_sum3A_23 = arith.constant dense<0.000000e+00> : vector<1024xf32>
    %reduce_sum3A_24 = vector.multi_reduction <add>, %add3A_13, %reduce_sum3A_23 [1] : vector<1024x192xf32> to vector<1024xf32>
    %broadcast_in_dim3A_25 = vector.shape_cast %reduce_sum3A_24 : vector<1024xf32> to vector<1024x1xf32>
    %div3A_26 = arith.constant 1.920000e+02 : f32
    %div3A_27 = vector.broadcast %div3A_26 : f32 to vector<1024x1xf32>
    %div3A_28 = arith.divf %broadcast_in_dim3A_25, %div3A_27 : vector<1024x1xf32>
    %sub3A = vector.broadcast %div3A_28 : vector<1024x1xf32> to vector<1024x192xf32>
    %sub3A_29 = arith.subf %add3A_13, %sub3A : vector<1024x192xf32>
    %square3A = arith.mulf %sub3A_29, %sub3A_29 : vector<1024x192xf32>
    %convert_element_type3A = arith.sitofp %jit3A : i32 to f32
    %sub3A_30 = arith.constant 1.920000e+02 : f32
    %sub3A_31 = arith.subf %sub3A_30, %convert_element_type3A : f32
    %reduce_sum3A_32 = arith.constant dense<0.000000e+00> : vector<1024xf32>
    %reduce_sum3A_33 = vector.multi_reduction <add>, %square3A, %reduce_sum3A_32 [1] : vector<1024x192xf32> to vector<1024xf32>
    %broadcast_in_dim3A_34 = vector.shape_cast %reduce_sum3A_33 : vector<1024xf32> to vector<1024x1xf32>
    %div3A_35 = vector.broadcast %sub3A_31 : f32 to vector<1024x1xf32>
    %div3A_36 = arith.divf %broadcast_in_dim3A_34, %div3A_35 : vector<1024x1xf32>
    %gt3A = arith.constant 0.000000e+00 : f32
    %gt3A_37 = arith.cmpf ogt, %sub3A_31, %gt3A : f32
    %jit3A_38 = arith.constant 0x7FC00000 : f32
    %broadcast_in_dim3A_39 = vector.broadcast %jit3A_38 : f32 to vector<1024x1xf32>
    %select_n3A = arith.select %gt3A_37, %div3A_36, %broadcast_in_dim3A_39 : vector<1024x1xf32>
    %sub3A_40 = vector.broadcast %div3A_22 : vector<1024x1xf32> to vector<1024x192xf32>
    %sub3A_41 = arith.subf %add3A_13, %sub3A_40 : vector<1024x192xf32>
    %add3A_42 = arith.constant 9.99999974E-6 : f32
    %add3A_43 = vector.broadcast %add3A_42 : f32 to vector<1024x1xf32>
    %add3A_44 = arith.addf %select_n3A, %add3A_43 : vector<1024x1xf32>
    %sqrt3A = math.sqrt %add3A_44 : vector<1024x1xf32>
    %div3A_45 = vector.broadcast %sqrt3A : vector<1024x1xf32> to vector<1024x192xf32>
    %div3A_46 = arith.divf %sub3A_41, %div3A_45 : vector<1024x192xf32>
    %mul3A = vector.broadcast %get3A_16 : vector<1x192xf32> to vector<1024x192xf32>
    %mul3A_47 = arith.mulf %div3A_46, %mul3A : vector<1024x192xf32>
    %add3A_48 = vector.broadcast %get3A_19 : vector<1x192xf32> to vector<1024x192xf32>
    %add3A_49 = arith.addf %mul3A_47, %add3A_48 : vector<1024x192xf32>
    %get3A_50 = arith.constant 0 : index
    %get3A_51 = arith.constant 0 : index
    %get3A_52 = vector.load %arg7[%get3A_50, %get3A_51] : memref<192x768xf32, #tpu.memory_space<vmem>>, vector<192x768xf32>
    %dot_general3A_53 = arith.constant dense<0.000000e+00> : vector<1024x768xf32>
    %dot_general3A_54 = tpu.matmul %add3A_49, %get3A_52, %dot_general3A_53 {dimension_numbers = #tpu.dot_dimension_numbers<[1], [0], [0], [1], [0, 0, 1, 1], [], []>, transpose_lhs_hint = false} : vector<1024x192xf32>, vector<192x768xf32>, vector<1024x768xf32> -> vector<1024x768xf32>
    %get3A_55 = arith.constant 0 : index
    %get3A_56 = arith.constant 0 : index
    %get3A_57 = vector.load %arg8[%get3A_55, %get3A_56] : memref<1x768xf32, #tpu.memory_space<vmem>>, vector<1x768xf32>
    %add3A_58 = vector.broadcast %get3A_57 : vector<1x768xf32> to vector<1024x768xf32>
    %add3A_59 = arith.addf %dot_general3A_54, %add3A_58 : vector<1024x768xf32>
    %integer_pow3A = arith.mulf %add3A_59, %add3A_59 : vector<1024x768xf32>
    %integer_pow3A_60 = arith.mulf %add3A_59, %integer_pow3A : vector<1024x768xf32>
    %mul3A_61 = arith.constant 4.471500e-02 : f32
    %mul3A_62 = vector.broadcast %mul3A_61 : f32 to vector<1024x768xf32>
    %mul3A_63 = arith.mulf %mul3A_62, %integer_pow3A_60 : vector<1024x768xf32>
    %add3A_64 = arith.addf %add3A_59, %mul3A_63 : vector<1024x768xf32>
    %mul3A_65 = arith.constant 0.797884583 : f32
    %mul3A_66 = vector.broadcast %mul3A_65 : f32 to vector<1024x768xf32>
    %mul3A_67 = arith.mulf %mul3A_66, %add3A_64 : vector<1024x768xf32>
    %tanh3A = math.tanh %mul3A_67 : vector<1024x768xf32>
    %add3A_68 = arith.constant 1.000000e+00 : f32
    %add3A_69 = vector.broadcast %add3A_68 : f32 to vector<1024x768xf32>
    %add3A_70 = arith.addf %add3A_69, %tanh3A : vector<1024x768xf32>
    %mul3A_71 = arith.constant 5.000000e-01 : f32
    %mul3A_72 = vector.broadcast %mul3A_71 : f32 to vector<1024x768xf32>
    %mul3A_73 = arith.mulf %mul3A_72, %add3A_70 : vector<1024x768xf32>
    %mul3A_74 = arith.mulf %add3A_59, %mul3A_73 : vector<1024x768xf32>
    %get3A_75 = arith.constant 0 : index
    %get3A_76 = arith.constant 0 : index
    %get3A_77 = vector.load %arg9[%get3A_75, %get3A_76] : memref<768x192xf32, #tpu.memory_space<vmem>>, vector<768x192xf32>
    %dot_general3A_78 = arith.constant dense<0.000000e+00> : vector<1024x192xf32>
    %dot_general3A_79 = tpu.matmul %mul3A_74, %get3A_77, %dot_general3A_78 {dimension_numbers = #tpu.dot_dimension_numbers<[1], [0], [0], [1], [0, 0, 1, 1], [], []>, transpose_lhs_hint = false} : vector<1024x768xf32>, vector<768x192xf32>, vector<1024x192xf32> -> vector<1024x192xf32>
    %get3A_80 = arith.constant 0 : index
    %get3A_81 = arith.constant 0 : index
    %get3A_82 = vector.load %arg10[%get3A_80, %get3A_81] : memref<1x192xf32, #tpu.memory_space<vmem>>, vector<1x192xf32>
    %add3A_83 = vector.broadcast %get3A_82 : vector<1x192xf32> to vector<1024x192xf32>
    %add3A_84 = arith.addf %dot_general3A_79, %add3A_83 : vector<1024x192xf32>
    %add3A_85 = arith.addf %add3A_13, %add3A_84 : vector<1024x192xf32>
    %swap3A = arith.constant 0 : index
    %swap3A_86 = arith.constant 0 : index
    %swap3A_87 = vector.load %arg11[%swap3A, %swap3A_86] : memref<1024x192xf32, #tpu.memory_space<vmem>>, vector<1024x192xf32>
    tpu.vector_store %arg11[%swap3A, %swap3A_86], %add3A_85 {strides = array<i32>} : memref<1024x192xf32, #tpu.memory_space<vmem>>, vector<1024x192xf32>,
    return
  }
  func.func @transform_0(%arg0: i32) -> (i32, i32) {
    %c0_i32 = arith.constant 0 : i32
    %c0_i32_0 = arith.constant 0 : i32
    return %arg0, %c0_i32 : i32, i32
  }
  func.func @transform_1(%arg0: i32) -> (i32, i32) {
    %c0_i32 = arith.constant 0 : i32
    %c0_i32_0 = arith.constant 0 : i32
    return %arg0, %c0_i32 : i32, i32
  }
  func.func @transform_2(%arg0: i32) -> (i32, i32) {
    %c0_i32 = arith.constant 0 : i32
    %c0_i32_0 = arith.constant 0 : i32
    %c0_i32_1 = arith.constant 0 : i32
    return %c0_i32, %c0_i32_0 : i32, i32
  }
  func.func @transform_3(%arg0: i32) -> (i32, i32) {
    %c0_i32 = arith.constant 0 : i32
    %c0_i32_0 = arith.constant 0 : i32
    %c0_i32_1 = arith.constant 0 : i32
    return %c0_i32, %c0_i32_0 : i32, i32
  }
  func.func @transform_4(%arg0: i32) -> (i32, i32) {
    %c0_i32 = arith.constant 0 : i32
    %c0_i32_0 = arith.constant 0 : i32
    %c0_i32_1 = arith.constant 0 : i32
    return %c0_i32, %c0_i32_0 : i32, i32
  }
  func.func @transform_5(%arg0: i32) -> (i32, i32) {
    %c0_i32 = arith.constant 0 : i32
    %c0_i32_0 = arith.constant 0 : i32
    %c0_i32_1 = arith.constant 0 : i32
    return %c0_i32, %c0_i32_0 : i32, i32
  }
  func.func @transform_6(%arg0: i32) -> (i32, i32) {
    %c0_i32 = arith.constant 0 : i32
    %c0_i32_0 = arith.constant 0 : i32
    %c0_i32_1 = arith.constant 0 : i32
    return %c0_i32, %c0_i32_0 : i32, i32
  }
  func.func @transform_7(%arg0: i32) -> (i32, i32) {
    %c0_i32 = arith.constant 0 : i32
    %c0_i32_0 = arith.constant 0 : i32
    %c0_i32_1 = arith.constant 0 : i32
    return %c0_i32, %c0_i32_0 : i32, i32
  }
  func.func @transform_8(%arg0: i32) -> (i32, i32) {
    %c0_i32 = arith.constant 0 : i32
    %c0_i32_0 = arith.constant 0 : i32
    %c0_i32_1 = arith.constant 0 : i32
    return %c0_i32, %c0_i32_0 : i32, i32
  }
  func.func @transform_9(%arg0: i32) -> (i32, i32) {
    %c0_i32 = arith.constant 0 : i32
    %c0_i32_0 = arith.constant 0 : i32
    %c0_i32_1 = arith.constant 0 : i32
    return %c0_i32, %c0_i32_0 : i32, i32
  }
  func.func @transform_10(%arg0: i32) -> (i32, i32) {
    %c0_i32 = arith.constant 0 : i32
    %c0_i32_0 = arith.constant 0 : i32
    return %arg0, %c0_i32 : i32, i32
  }
}

</mosaic_0001>

<sc_bundles>
// kernel: kernel.7.cloned.1.call-start
scs
__scs_entry_jumppad:
0x0: {  	(pc) =	sbr.rel $0x88, $3  }
0x1: {  	(tag) =	ssettag $0x0;
	lr =	simm.s32 $0x1  }
0x2: {  	[smem:$0x3F8B] =	sst lr;
	_ =	strace $0xD0000000  }
0x3: {  	_ = 	snop  }
0x4: {  	_ = 	snop  }
0x5: {  	_ = 	snop  }
0x6: {  	_ = 	snop  }
0x7: {  	_ = 	snop  }
__scs_overlays_trampoline_lowered:
0x8: {  	[smem:$0x3F9A] =	sst s0  }
0x9: {  	[smem:$0x3F9B] =	sst s1  }
0xa: {  	[smem:$0x3F9C] =	sst s2  }
0xb: {  	[smem:$0x3F9D] =	sst s3  }
0xc: {  	[smem:$0x3F9E] =	sst s4  }
0xd: {  	[smem:$0x3F9F] =	sst s5  }
0xe: {  	[smem:$0x3FA0] =	sst s6  }
0xf: {  	[smem:$0x3FA1] =	sst s7  }
0x10: {  	[smem:$0x3FA2] =	sst s8  }
0x11: {  	[smem:$0x3FA3] =	sst s9;
	s0 =	simm.s32 @!p0 $0x0  }
0x12: {  	s1 =	sld [smem:$0x3F89];
	s0 =	simm.s32 @p0 $0x1  }
0x13: {  	[smem:$0x3FA4] =	sst s0;
	s0 =	simm.s32 @!p1 $0x0  }
0x14: {  	s2 =	sld [smem:$0x3F88];
	s0 =	simm.s32 @p1 $0x1  }
0x15: {  	[smem:$0x3FA5] =	sst s0;
	s0 =	simm.s32 @!p2 $0x0  }
0x16: {  	s3 =	sld [smem:$0x3FDB];
	s0 =	simm.s32 @p2 $0x1  }
0x17: {  	s4 =	simm.s32 $0x1BF5;
	[smem:$0x3FA7] =	sst s0  }
0x18: {  	s0 =	sld [smem:$0x3F8A];
	_ =	swait.ge [sflag:s4], $0x0  }
0x19: {  	s7 =	sld [smem:$0x3F8B]  }
0x1a: {  	s8 =	sadd.s32 $0xFFFFE003, lr  }
0x1b: {  	s9 =	sadd.s32 $0xFFFFFEF7, lr;
	s5 =	simm.s32 $0xFFFFFFFF;
	p2 =	slt.u32 s8, $0xFFFFF086  }
0x1c: {  	p1 =	slt.u32 s9, $0xF7A;
	s5 =	simm.s32 @!p2 $0x0  }
0x1d: {  	s5 =	simm.s32 @p1 $0x1;
	p0 =	seq.s32 s7, s2  }
0x1e: {  	s7 =	smul.u32 @!p0 $0xF7A, s2;
	p2 =	seq.s32 @!p0 s5, $0x0  }
0x1f: {  	s9 =	smul.u32 $0xF7A, s1;
	s8 =	simm.s32 @!p0 $0x1BF5;
	p2 =	por !p2, p0  }
0x20: {  	[sflag:s8] =	ssyncset.s32 @!p0 $0xFFFFF086;
	s6 =	sadd.s32 @!p0 s3, s7;
	s7 =	simm.s32 @!p0 $0x108  }
0x21: {  	s3 =	sadd.s32 s3, s9;
	s6 =	sadd.s32 @!p0 $0x88, s6;
	s7 =	simm.s32 @p2 $0x1082  }
0x22: {  	[simem:s7], [sflag:s8] =	dma.local @!p0 [hbm:s6], $0xF7A  }
0x23: {  	s9 =	sor.u32 $0xD0000000, s2;
	s6 =	simm.s32 $0x108;
	_ =	swait.ge @!p0 [sflag:s8], $0x0  }
0x24: {  	s3 =	sadd.s32 $0x88, s3;
	s6 =	simm.s32 @!p1 $0x1082;
	[sflag:s4] =	ssyncset.s32 $0xFFFFF086  }
0x25: {  	[simem:s6], [sflag:s4] =	dma.local [hbm:s3], $0xF7A  }
0x26: {  	[smem:$0x3F8B] =	sst s1;
	(tag) =	ssettag s2;
	_ =	strace s9  }
0x27: {  	s1 =	sld [smem:$0x3F9B]  }
0x28: {  	s2 =	sld [smem:$0x3F9C]  }
0x29: {  	s4 =	sld [smem:$0x3F9E]  }
0x2a: {  	p0 =	seq.s32 s5, $0x0;
	s5 =	sld [smem:$0x3F9F]  }
0x2b: {  	s6 =	sld [smem:$0x3FA0]  }
0x2c: {  	s7 =	sld [smem:$0x3FA1]  }
0x2d: {  	s3 =	simm.s32 $0x108;
	s8 =	sld [smem:$0x3FA2]  }
0x2e: {  	s3 =	simm.s32 @!p0 $0x1082;
	s9 =	sld [smem:$0x3FA3]  }
0x2f: {  	lr =	sadd.s32 s0, s3;
	s0 =	sld [smem:$0x3F9A]  }
0x30: {  	s3 =	sld [smem:$0x3F9D]  }
0x31: {  	[smem:$0x3FA6] =	sst s10  }
0x32: {  	s10 =	sld [smem:$0x3FA4];
	_ =	sdelay $0x3  }
0x33: {  	p0 =	seq.s32 s10, $0x1;
	s10 =	sld [smem:$0x3FA6];
	_ =	sdelay $0x3  }
0x34: {  	[smem:$0x3FA6] =	sst s10  }
0x35: {  	s10 =	sld [smem:$0x3FA5];
	_ =	sdelay $0x3  }
0x36: {  	p1 =	seq.s32 s10, $0x1;
	s10 =	sld [smem:$0x3FA6];
	_ =	sdelay $0x3  }
0x37: {  	[smem:$0x3FA6] =	sst s10  }
0x38: {  	s10 =	sld [smem:$0x3FA7]  }
0x39: {  	_ = 	snop;
	(pc) =	sbr.ind lr, $3  }
0x3a: {  	_ = 	snop  }
0x3b: {  	_ = 	snop  }
0x3c: {  	p2 =	seq.s32 s10, $0x1;
	s10 =	sld [smem:$0x3FA6]  }
0x3d: {  	_ =	shalt  }
0x3e: {  	_ =	shalt  }
0x3f: {  	_ =	shalt  }
0x40: {  	_ =	shalt  }
0x41: {  	_ =	shalt  }
0x42: {  	_ =	shalt  }
0x43: {  	_ =	shalt  }
0x44: {  	_ =	shalt  }
0x45: {  	_ =	shalt  }
0x46: {  	_ =	shalt  }
0x47: {  	_ =	shalt  }
0x48: {  	_ =	shalt  }
0x49: {  	_ =	shalt  }
0x4a: {  	_ =	shalt  }
0x4b: {  	_ =	shalt  }
0x4c: {  	_ =	shalt  }
0x4d: {  	_ =	shalt  }
0x4e: {  	_ =	shalt  }
0x4f: {  	_ =	shalt  }
0x50: {  	_ =	shalt  }
0x51: {  	_ =	shalt  }
0x52: {  	_ =	shalt  }
0x53: {  	_ =	shalt  }
0x54: {  	_ =	shalt  }
0x55: {  	_ =	shalt  }
0x56: {  	_ =	shalt  }
0x57: {  	_ =	shalt  }
0x58: {  	_ =	shalt  }
0x59: {  	_ =	shalt  }
0x5a: {  	_ =	shalt  }
0x5b: {  	_ =	shalt  }
0x5c: {  	_ =	shalt  }
0x5d: {  	_ =	shalt  }
0x5e: {  	_ =	shalt  }
0x5f: {  	_ =	shalt  }
0x60: {  	_ =	shalt  }
0x61: {  	_ =	shalt  }
0x62: {  	_ =	shalt  }
0x63: {  	_ =	shalt  }
0x64: {  	_ =	shalt  }
0x65: {  	_ =	shalt  }
0x66: {  	_ =	shalt  }
0x67: {  	_ =	shalt  }
0x68: {  	_ =	shalt  }
0x69: {  	_ =	shalt  }
0x6a: {  	_ =	shalt  }
0x6b: {  	_ =	shalt  }
0x6c: {  	_ =	shalt  }
0x6d: {  	_ =	shalt  }
0x6e: {  	_ =	shalt  }
0x6f: {  	_ =	shalt  }
0x70: {  	_ =	shalt  }
0x71: {  	_ =	shalt  }
0x72: {  	_ =	shalt  }
0x73: {  	_ =	shalt  }
0x74: {  	_ =	shalt  }
0x75: {  	_ =	shalt  }
0x76: {  	_ =	shalt  }
0x77: {  	_ =	shalt  }
0x78: {  	_ =	shalt  }
0x79: {  	_ =	shalt  }
0x7a: {  	_ =	shalt  }
0x7b: {  	_ =	shalt  }
0x7c: {  	_ =	shalt  }
0x7d: {  	_ =	shalt  }
0x7e: {  	_ =	shalt  }
0x7f: {  	_ =	shalt  }
0x80: {  	_ =	shalt  }
0x81: {  	_ =	shalt  }
0x82: {  	_ =	shalt  }
0x83: {  	_ =	shalt  }
0x84: {  	_ =	shalt  }
0x85: {  	_ =	shalt  }
0x86: {  	_ =	shalt  }
0x87: {  	_ =	shalt  }
.Lfunc_end0:
.L_simem_size_0:
called_computation_lowered:
.L_overlay_start_0:
0x88: {  	s2 =	sld [smem:$0x3FD9]  }
0x89: {  	s3 =	sld [smem:$0x3FFE];
	_ =	sdelay $0x1  }
0x8a: {  	s1 =	srdreg.scid  }
0x8b: {  	s0 =	sand.u32 $0x1, s1  }
0x8c: {  	s17 =	sshll.u32 s0, $0xA;
	s2 =	sadd.s32 s3, s2  }
0x8d: {  	s2 =	sadd.s32 s2, s17  }
0x8e: {  	[smem:$0x3FB2] =	sst s2  }
0x8f: {  	_ = 	snop  }
0x90: {  	s2 =	sld [smem:$0x3FD0];
	(tm) =	ssettm $0x1  }
0x91: {  	s18 =	sld [smem:$0x3FFB];
	_ =	sdelay $0x3  }
0x92: {  	_ =	strace s18  }
0x93: {  	s3 =	sld [smem:$0x3FFC];
	_ =	sdelay $0x3  }
0x94: {  	_ =	strace s3  }
0x95: {  	s3 =	sld [smem:$0x3FFD];
	_ =	sdelay $0x3  }
0x96: {  	_ =	strace s3  }
0x97: {  	_ =	strace $0x8FFFFFFF  }
0x98: {  	s19 =	sld [smem:$0x3FDB];
	_ =	sdelay $0x1  }
0x99: {  	s4 =	simm.s32 $_scs_section_size  }
0x9a: {  	s5 =	simm.s32 $_size__tile_overlayer_lowered;
	s6 =	simm.s32 $_tile_overlayer_lowered  }
0x9b: {  	s22 =	simm.s32 $0x1BFF;
	s21 =	sshll.u32 s6, $0x1;
	s3 =	sadd.s32 s4, s19  }
0x9c: {  	s7 =	simm.s32 $0x0;
	s20 =	sshll.u32 s5, $0x1;
	s5 =	sadd.s32 s21, s3  }
0x9d: {  	[timem:s7], [sflag:s22] =	dma.local [hbm:s5], s20  }
0x9e: {  	_ =	swait.ge [sflag:s22], s20  }
0x9f: {  	s4 =	ssub.s32 $0x0, s20;
	[sflag:s22] =	ssyncset.done $0x0  }
0xa0: {  	[sflag:s22] =	ssyncadd.s32 s4;
	_ =	sdelay $0x1  }
0xa1: {  	s23 =	simm.s32 $0x1B8B  }
0xa2: {  	_ =	swait.ge [sflag:s23], $0x1  }
0xa3: {  	[sflag:s23] =	ssyncset.done $0x0  }
0xa4: {  	s25 =	simm.s32 $0x1B8E;
	s24 =	sld [smem:$0x3FFE];
	[sflag:s23] =	ssyncadd.s32 $0xFFFFFFFF  }
0xa5: {  	s26 =	simm.s32 $execute0_lowered;
	[smem:$0x3FD2] =	sst s25  }
0xa6: {  	s5 =	sshll.u32 s26, $0x1;
	_ =	strace $0x80000046;
	[dreg:$0x1] =	wrdreg $0xFFFFFFFF  }
0xa7: {  	s28 =	simm.s32 $_size_execute0_lowered;
	s3 =	sadd.s32 s3, s5;
	[dreg:$0x0] =	wrdreg $0x0  }
0xa8: {  	s5 =	sshll.u32 s28, $0x1;
	[dreg:$0x2] =	wrdreg s3  }
0xa9: {  	[dreg:$0x3] =	wrdreg s5  }
0xaa: {  	[dreg:$0x4] =	wrdreg $0xC0  }
0xab: {  	_ =	task [dreg:s7], $0x5FFFF  }
0xac: {  	[dreg:$0x1] =	wrdreg $0xFFFFFFFF  }
0xad: {  	[dreg:$0x0] =	wrdreg $0x60  }
0xae: {  	[dreg:$0x2] =	wrdreg s24  }
0xaf: {  	[dreg:$0x3] =	wrdreg s2  }
0xb0: {  	[dreg:$0x4] =	wrdreg $0x9  }
0xb1: {  	_ =	task.clear_ibuf [dreg:s7], $0x5FFFF;
	_ =	strace $0x90000046  }
0xb2: {  	s29 =	simm.s32 $0x9;
	_ =	strace $0x80000048  }
0xb3: {  	_ =	swait.ge [sflag:s29], $0x1  }
0xb4: {  	[sflag:s29] =	ssyncadd.s32 $0xFFFFFFFF  }
0xb5: {  	_ =	strace $0x90000048  }
0xb6: {  	_ =	sfence  }
0xb7: {  	s30 =	sld [smem:$0x0];
	_ =	sdelay $0x2  }
0xb8: {  	s31 =	sshll.u32 s1, $0xD;
	s1 =	sshrl.u32 s1, $0x2  }
0xb9: {  	s3 =	sand.u32 $0x4000, s31;
	s1 =	sadd.s32 s1, s30  }
0xba: {  	s0 =	sor.u32 s3, s0;
	s1 =	sshll.u32 s1, $0x11  }
0xbb: {  	s0 =	sor.u32 s1, s0  }
0xbc: {  	s0 =	sadd.s32 $0x8F2B, s0  }
0xbd: {  	[sflag:s0] =	ssyncadd.remote.s32 $0x1  }
0xbe: {  	_ =	sfence.sel $0xFFFF  }
0xbf: {  	[dreg:$0x0] =	wrdreg $0xFFFFFFFF;
	(pc) =	sbr.abs _section_cstart, $3  }
0xc0: {  	[dreg:$0x1] =	wrdreg $0xFFFFFFFF  }
0xc1: {  	_ =	task.clear_ibuf [dreg:s7], $0x2FFFF;
	_ =	strace $0x9FFFFFFF  }
0xc2: {  	(tm) =	ssettm $0x7FFFFFFF  }
0xc3: {  	_ =	shalt  }
tec
execute0_lowered:
.L_overlay_start_1:
0x0: {  	(tag) =	ssettag $0x1  }
0x1: {  	s0 =	srdreg.scid  }
0x2: {  	s2 =	stileid.u32;
	s1 =	rddreg [dreg:$0x0]  }
0x3: {  	s21 =	rddreg [dreg:$0x1];
	s0 =	sand.u32 $0x1, s0;
	s3 =	sshll.u32 s2, $0x1  }
0x4: {  	s16 =	simm.s32 $0x1200;
	s19 =	simm.s32 $0x900;
	s8 =	sor.u32 s0, s3  }
0x5: {  	s28 =	simm.s32 $0x7;
	s29 =	simm.s32 $0x6;
	s9 =	smul.u32 $0x240, s8  }
0x6: {  	s5 =	sadd.s32 $0x93A00, s1;
	s6 =	sadd.s32 $0x2D3A00, s1;
	s10 =	smul.u32 $0x5100, s8  }
0x7: {  	s7 =	sadd.s32 $0x135A00, s1;
	s3 =	simm.s32 $0x0;
	s26 =	smul.u32 $0x24000, s8  }
0x8: {  	s1 =	simm.s32 $0x0;
	[smem:$0x7FF] =	sst s3;
	s11 =	smul.u32 $0x5A00, s8  }
0x9: {  	_ =	strace $0x80000047;
	s4 =	sor.u32 $0x8, s9;
	[dreg:$0x8] =	wrdreg s26  }
0xa: {  	s0 =	ssub.s32 $0x2, s0;
	s22 =	sadd.s32 s5, s10;
	[dreg:$0x3] =	wrdreg s4  }
0xb: {  	s13 =	sshrl.u32 s0, $0x1;
	s23 =	sadd.s32 s6, s11;
	[dreg:$0x4] =	wrdreg s22  }
0xc: {  	s0 =	ssub.s32 s0, s13;
	s30 =	sor.u32 $0x10, s9;
	[dreg:$0x5] =	wrdreg s23  }
0xd: {  	s31 =	sor.u32 $0x18, s9;
	s12 =	smul.u32 $0x24, s4;
	[dreg:$0x9] =	wrdreg s30  }
.Ltmp0:
0xe: {  	s0 =	smax.u32 s0, $0x1;
	[dreg:$0xa] =	wrdreg s31;
	(pc) =	sbr.rel .LBB2_1-.Ltmp0, $4  }
0xf: {  	s26 =	simm.s32 $0x14600;
	s14 =	smul.u32 $0x28, s4;
	[dreg:$0xb] =	wrdreg s0  }
0x10: {  	s22 =	simm.s32 $0x2;
	s23 =	simm.s32 $0x4;
	s24 =	sadd.s32 s5, s12  }
0x11: {  	v0 =	vimm.s32 $0x0;
	vm0 =	vcmask $0x300;
	s12 =	smov.u32 s21;
	s25 =	sadd.s32 s6, s14;
	[dreg:$0x6] =	wrdreg s24  }
0x12: {  	v0 =	vsel vm0, $0x3, v0;
	s21 =	simm.s32 $0x1C00;
	[dreg:$0x7] =	wrdreg s25;
	s25 =	simm.s32 $0x5  }
.LBB2_12:
0x13: {  	s1 =	rddreg [dreg:$0xc]  }
0x14: {  	s0 =	rddreg [dreg:$0xb];
	s1 =	sadd.s32 $0x1, s1  }
0x15: {  	p0 =	sne.s32 s1, s0  }
.Ltmp1:
0x16: {  	_ = 	snop;
	(pc) =	sbr.rel @!p0 .LBB2_13-.Ltmp1, $2  }
0x17: {  	_ =	sdelay $0x2  }
0x18: {  	s12 =	smov.u32 s2  }
.LBB2_1:
0x19: {  	[dreg:$0xc] =	wrdreg s1  }
0x1a: {  	s0 =	rddreg [dreg:$0x4]  }
0x1b: {  	[tilespmem:s3], [sflag:$0x1] =	stream.linear.gather [hbm4b:s0+s3], $0x900, $0x38;
	[tilespmem:$0x14E00] =	vst v63  }
0x1c: {  	s15 =	rddreg [dreg:$0x5];
	s17 =	simm.s32 $0x1  }
0x1d: {  	[tilespmem:s16], [sflag:$0x3] =	stream.linear.gather [hbm4b:s15+s3], $0xA00, $0x38;
	[tilespmem:$0x14E00] =	vst v63  }
0x1e: {  	_ =	swait.ge [sflag:s17], $0x900  }
0x1f: {  	[sflag:s17] =	ssyncset.done $0x0  }
0x20: {  	s18 =	simm.s32 $0x3;
	[sflag:s17] =	ssyncadd.s32 $0xFFFFF700  }
0x21: {  	_ =	swait.ge [sflag:s18], $0xA00  }
0x22: {  	[sflag:s18] =	ssyncset.done $0x0  }
0x23: {  	s20 =	simm.s32 $0x2600;
	[sflag:s18] =	ssyncadd.s32 $0xFFFFF600  }
0x24: {  	[tilespmem:s20], [sflag:$0x5] =	stream.indirect.gather [hbm4b:s12+s19], $0x10, s3, s19, $0xb8;
	[tilespmem:$0x14E00] =	vst v63  }
0x25: {  	s24 =	rddreg [dreg:$0x6]  }
0x26: {  	[tilespmem:s19], [sflag:$0x2] =	stream.linear.gather [hbm4b:s24+s3], $0x900, $0x38;
	[tilespmem:$0x14E00] =	vst v63  }
0x27: {  	s31 =	simm.s32 $0x0;
	s30 =	rddreg [dreg:$0x7]  }
0x28: {  	[tilespmem:s21], [sflag:$0x4] =	stream.linear.gather [hbm4b:s30+s3], $0xA00, $0x38;
	[tilespmem:$0x14E00] =	vst v63  }
.LBB2_2:
0x29: {  	_ =	swait.ge [sflag:s22], $0x900  }
0x2a: {  	[sflag:s22] =	ssyncset.done $0x0  }
0x2b: {  	[sflag:s22] =	ssyncadd.s32 $0xFFFFF700  }
0x2c: {  	_ =	swait.ge [sflag:s23], $0xA00  }
0x2d: {  	[sflag:s23] =	ssyncset.done $0x0  }
0x2e: {  	s0 =	simm.s32 $0xB600;
	[sflag:s23] =	ssyncadd.s32 $0xFFFFF600  }
0x2f: {  	[tilespmem:s0], [sflag:$0x6] =	stream.indirect.gather [hbm4b:s12+s19], $0x10, s19, s19, $0xb8;
	[tilespmem:$0x14E00] =	vst v63  }
0x30: {  	s1 =	simm.s32 $0x0;
	_ =	swait.ge [sflag:s25], $0x9000  }
0x31: {  	s8 =	simm.s32 $0x1218;
	s9 =	simm.s32 $0x2600;
	[sflag:s25] =	ssyncset.done $0x0  }
0x32: {  	s10 =	simm.s32 $0x0;
	s0 =	simm.s32 $0x14610;
	[sflag:s25] =	ssyncadd.s32 $0xFFFF7000  }
.LBB2_3:
0x33: {  	v1 =	vmov s9;
	s11 =	sadd.s32 $0x9, s1;
	s14 =	sadd.s32 $0xB, s1;
	s15 =	sadd.s32 $0xD, s1  }
0x34: {  	s17 =	sadd.s32 $0x1B, s1;
	s18 =	sadd.s32 $0x1D, s1;
	v2 =	vmov s11;
	v3 =	vmov s14;
	v4 =	vmov s15  }
0x35: {  	v40 =	vmov s17;
	v57 =	vmov s18;
	v2 =	vshrl.u32 v2, $0x3  }
0x36: {  	v25 =	vld [tilespmem:s8+$0xFFFFFFE8];
	v3 =	vshrl.u32 v3, $0x3;
	v4 =	vshrl.u32 v4, $0x3;
	v53 =	vshrl.u32 v40, $0x3  }
0x37: {  	v62 =	vshrl.u32 v57, $0x3;
	v2 =	vshll.u32 v2, v0;
	v3 =	vshll.u32 v3, v0  }
0x38: {  	v22 =	vld [tilespmem:s8+$0xFFFFFFF8];
	v4 =	vshll.u32 v4, v0;
	v42 =	vshll.u32 v53, v0;
	v2 =	vadd.s32 $0x1, v2  }
0x39: {  	v3 =	vadd.s32 $0x3, v3;
	v4 =	vadd.s32 $0x5, v4;
	v28 =	vbroadcast v2, $0x0  }
0x3a: {  	s24 =	sadd.s32 $0xF, s1;
	s11 =	simm.s32 $0x0;
	v55 =	vadd.s32 $0x3, v42;
	v26 =	vbroadcast v3, $0x0;
	v18 =	vbroadcast v4, $0x0  }
0x3b: {  	s30 =	sadd.s32 $0x11, s1;
	v5 =	vld.idx.msk [tilespmem:v1+s11+$0x40 ss:$0x1], $0xffff;
	v2 =	vmov s24;
	v8 =	vbroadcast v25, $0x0;
	v9 =	vbroadcast v25, $0x2  }
0x3c: {  	s2 =	sadd.s32 $0x13, s1;
	v6 =	vld.idx.msk [tilespmem:v1+s11+$0x20 ss:$0x1], $0xffff;
	v3 =	vmov s30;
	v24 =	vbroadcast v25, $0xA;
	v27 =	vbroadcast v25, $0xC  }
0x3d: {  	v7 =	vld.idx.msk [tilespmem:v1+s11+$0x0 ss:$0x1], $0xffff;
	v4 =	vmov s2;
	v19 =	vbroadcast v25, $0xE;
	v45 =	vbroadcast v22, $0x2  }
0x3e: {  	v60 =	vbroadcast v25, $0x4;
	v2 =	vshrl.u32 v2, $0x3;
	v3 =	vshrl.u32 v3, $0x3  }
0x3f: {  	v21 =	vld.idx.msk [tilespmem:v1+s11+$0x80 ss:$0x1], $0xffff;
	v4 =	vshrl.u32 v4, $0x3;
	v2 =	vshll.u32 v2, v0;
	v3 =	vshll.u32 v3, v0  }
0x40: {  	v43 =	vld.idx.msk [tilespmem:v1+s11+$0x900 ss:$0x1], $0xffff;
	v4 =	vshll.u32 v4, v0;
	v2 =	vadd.s32 $0x7, v2;
	v3 =	vadd.s32 $0x1, v3  }
0x41: {  	v17 =	vbroadcast v2, $0x0;
	v2 =	vld.idx.msk [tilespmem:v1+s11+$0x4F0 ss:$0x1], $0xffff;
	v20 =	vbroadcast v3, $0x0;
	v3 =	vadd.s32 $0x3, v4  }
0x42: {  	v44 =	vld.idx.msk [tilespmem:v1+s11+$0x920 ss:$0x1], $0xffff;
	v10 =	vunpack.i.u.bf16.f32 v6;
	v30 =	vunpack.i.u.bf16.f32 v5;
	v11 =	vunpack.i.u.bf16.f32 v7  }
0x43: {  	v48 =	vld.idx.msk [tilespmem:v1+s11+$0x940 ss:$0x1], $0xffff;
	v7 =	vunpack.i.l.bf16.f32 v7;
	v31 =	vunpack.i.l.bf16.f32 v5;
	v5 =	vunpack.i.l.bf16.f32 v6  }
0x44: {  	s4 =	sadd.s32 $0x15, s1;
	v51 =	vld.idx.msk [tilespmem:v1+s11+$0x960 ss:$0x1], $0xffff;
	v29 =	vunpack.i.u.bf16.f32 v21;
	v12 =	vbroadcast v3, $0x0;
	v3 =	vbroadcast v22, $0x0  }
0x45: {  	v46 =	vunpack.i.u.bf16.f32 v43;
	v32 =	vmul.f32 v5, v9;
	v5 =	vmov s4  }
0x46: {  	v41 =	vld.idx.msk [tilespmem:v1+s11+$0x10 ss:$0x1], $0xffff;
	v5 =	vshrl.u32 v5, $0x3;
	v4 =	vunpack.i.u.bf16.f32 v2;
	v2 =	vunpack.i.l.bf16.f32 v2  }
0x47: {  	v47 =	vunpack.i.u.bf16.f32 v44;
	v13 =	vmul.f32 v2, v3;
	v2 =	vshll.u32 v5, v0  }
0x48: {  	v52 =	vunpack.i.u.bf16.f32 v48;
	v5 =	vmov s1;
	v2 =	vadd.s32 $0x5, v2  }
0x49: {  	v54 =	vunpack.i.u.bf16.f32 v51;
	v15 =	vbroadcast v2, $0x0;
	v2 =	vshrl.u32 v5, $0x3  }
0x4a: {  	v42 =	vunpack.i.l.bf16.f32 v21;
	v21 =	vbroadcast v55, $0x0;
	v2 =	vshll.u32 v2, v0  }
0x4b: {  	v56 =	vunpack.i.u.bf16.f32 v41;
	v33 =	vmul.f32 v10, v9;
	v49 =	vadd.s32 $0x1, v2  }
0x4c: {  	v41 =	vunpack.i.l.bf16.f32 v41;
	v34 =	vmul.f32 v7, v8;
	v36 =	vbroadcast v49, $0x0  }
0x4d: {  	v35 =	vmul.f32 v11, v8;
	v7 =	vunpack.i.l.bf16.f32 v44;
	v10 =	vunpack.i.l.bf16.f32 v48;
	v44 =	vld.idx.msk [tilespmem:v1+s11+$0x60 ss:$0x1], $0xffff  }
0x4e: {  	v8 =	vunpack.i.l.bf16.f32 v51;
	v48 =	vld.idx.msk [tilespmem:v1+s11+$0x70 ss:$0x1], $0xffff;
	v31 =	vmul.f32 v31, v60;
	v30 =	vmul.f32 v30, v60  }
0x4f: {  	v35 =	vadd.f32 $0.0e+00, v35;
	v14 =	vmul.f32 v4, v3;
	v50 =	vadd.s32 $0x3, v2  }
0x50: {  	v34 =	vadd.f32 $0.0e+00, v34;
	v3 =	vmul.f32 v46, v45;
	v37 =	vbroadcast v50, $0x0  }
0x51: {  	s13 =	sadd.s32 $0x17, s1;
	v4 =	vunpack.i.l.bf16.f32 v43;
	v43 =	vld.idx.msk [tilespmem:v1+s11+$0x30 ss:$0x1], $0xffff;
	v46 =	vbroadcast v25, $0x6;
	v25 =	vbroadcast v25, $0x8  }
0x52: {  	v6 =	vmul.f32 v4, v45;
	v4 =	vmov s13;
	v53 =	vunpack.i.l.bf16.f32 v44;
	v36 =	vld.idx.msk [tilespmem:v36+s16+$0x0], $0xffff  }
0x53: {  	v55 =	vunpack.i.u.bf16.f32 v48;
	v5 =	vbroadcast v22, $0x4;
	v16 =	vadd.s32 $0x5, v2  }
0x54: {  	v57 =	vunpack.i.l.bf16.f32 v48;
	v2 =	vadd.s32 $0x7, v2;
	v38 =	vbroadcast v16, $0x0  }
0x55: {  	v45 =	vld.idx.msk [tilespmem:v1+s11+$0x50 ss:$0x1], $0xffff;
	v4 =	vshrl.u32 v4, $0x3;
	v9 =	vmul.f32 v47, v5;
	v39 =	vbroadcast v2, $0x0  }
0x56: {  	v2 =	vshll.u32 v4, v0;
	v16 =	vmul.f32 v7, v5;
	v5 =	vbroadcast v22, $0x6;
	v37 =	vld.idx.msk [tilespmem:v37+s16+$0x0], $0xffff  }
0x57: {  	v58 =	vunpack.i.u.bf16.f32 v43;
	v41 =	vmul.f32 v41, v36;
	v36 =	vmul.f32 v56, v36  }
0x58: {  	s15 =	sadd.s32 $0x19, s1;
	v59 =	vunpack.i.l.bf16.f32 v43;
	v49 =	vunpack.i.u.bf16.f32 v44;
	v2 =	vadd.s32 $0x7, v2  }
0x59: {  	v4 =	vld [tilespmem:s8+$0x0];
	v23 =	vbroadcast v2, $0x0;
	v2 =	vmov s15;
	v35 =	vadd.f32 v36, v35  }
0x5a: {  	v43 =	vunpack.i.u.bf16.f32 v45;
	v2 =	vshrl.u32 v2, $0x3;
	v38 =	vld.idx.msk [tilespmem:v38+s16+$0x0], $0xffff;
	v34 =	vadd.f32 v41, v34  }
0x5b: {  	v2 =	vshll.u32 v2, v0;
	v36 =	vmul.f32 v58, v37;
	v33 =	vadd.f32 v33, v35  }
0x5c: {  	v2 =	vadd.s32 $0x1, v2;
	v61 =	vmul.f32 v59, v37;
	v32 =	vadd.f32 v32, v34  }
0x5d: {  	v10 =	vmul.f32 v10, v5;
	v22 =	vbroadcast v2, $0x0;
	v2 =	vld.idx.msk [tilespmem:v1+s11+$0x980 ss:$0x1], $0xffff;
	v33 =	vadd.f32 v36, v33  }
0x5e: {  	v11 =	vmul.f32 v52, v5;
	v5 =	vbroadcast v4, $0x0;
	v63 =	vld.idx.msk [tilespmem:v39+s16+$0x0], $0xffff;
	v32 =	vadd.f32 v61, v32  }
0x5f: {  	v45 =	vunpack.i.l.bf16.f32 v45;
	v34 =	vmul.f32 v43, v38;
	v30 =	vadd.f32 v30, v33  }
0x60: {  	v50 =	vld.idx.msk [tilespmem:v1+s11+$0x490 ss:$0x1], $0xffff;
	v7 =	vmul.f32 v8, v5;
	v51 =	vmul.f32 v45, v38;
	v31 =	vadd.f32 v31, v32  }
0x61: {  	v52 =	vld.idx.msk [tilespmem:v1+s11+$0x480 ss:$0x1], $0xffff;
	v8 =	vmul.f32 v54, v5;
	v54 =	vmul.f32 v49, v46;
	v30 =	vadd.f32 v34, v30  }
0x62: {  	v28 =	vld.idx.msk [tilespmem:v28+s16+$0x0], $0xffff;
	v5 =	vbroadcast v4, $0x2;
	v56 =	vmul.f32 v53, v46;
	v31 =	vadd.f32 v51, v31  }
0x63: {  	v47 =	vunpack.i.u.bf16.f32 v2;
	v58 =	vmul.f32 v55, v63;
	v30 =	vadd.f32 v54, v30  }
0x64: {  	v44 =	vld.idx.msk [tilespmem:v1+s11+$0x4C0 ss:$0x1], $0xffff;
	v60 =	vmul.f32 v57, v63;
	v34 =	vshll.u32 v62, v0;
	v31 =	vadd.f32 v56, v31  }
0x65: {  	v59 =	vld.idx.msk [tilespmem:v1+s11+$0x4A0 ss:$0x1], $0xffff;
	v62 =	vmul.f32 v42, v25;
	v25 =	vmul.f32 v29, v25;
	v30 =	vadd.f32 v58, v30  }
0x66: {  	v26 =	vld.idx.msk [tilespmem:v26+s16+$0x0], $0xffff;
	v46 =	vunpack.i.l.bf16.f32 v50;
	v41 =	vunpack.i.u.bf16.f32 v52;
	v63 =	vadd.f32 v60, v31  }
0x67: {  	v61 =	vld.idx.msk [tilespmem:v1+s11+$0x4B0 ss:$0x1], $0xffff;
	v42 =	vunpack.i.l.bf16.f32 v52;
	v31 =	vmul.f32 v41, v28;
	v25 =	vadd.f32 v25, v30  }
0x68: {  	v43 =	vunpack.i.u.bf16.f32 v50;
	v28 =	vmul.f32 v42, v28;
	v29 =	vadd.f32 v62, v63  }
0x69: {  	v18 =	vld.idx.msk [tilespmem:v18+s16+$0x0], $0xffff;
	v57 =	vunpack.i.l.bf16.f32 v44;
	v33 =	vmul.f32 v43, v24;
	v25 =	vadd.f32 v31, v25  }
0x6a: {  	v45 =	vld.idx.msk [tilespmem:v1+s11+$0x4D0 ss:$0x1], $0xffff;
	v48 =	vunpack.i.u.bf16.f32 v59;
	v24 =	vmul.f32 v46, v24;
	v28 =	vadd.f32 v28, v29  }
0x6b: {  	v49 =	vunpack.i.l.bf16.f32 v59;
	v50 =	vmul.f32 v48, v26;
	v25 =	vadd.f32 v33, v25  }
0x6c: {  	v26 =	vmul.f32 v49, v26;
	v52 =	vld.idx.msk [tilespmem:v1+s11+$0x4E0 ss:$0x1], $0xffff;
	v51 =	vunpack.i.u.bf16.f32 v61;
	v24 =	vadd.f32 v24, v28  }
0x6d: {  	v17 =	vld.idx.msk [tilespmem:v17+s16+$0x0], $0xffff;
	v53 =	vunpack.i.l.bf16.f32 v61;
	v54 =	vmul.f32 v51, v27;
	v25 =	vadd.f32 v50, v25  }
0x6e: {  	v55 =	vunpack.i.u.bf16.f32 v44;
	v56 =	vmul.f32 v53, v27;
	v24 =	vadd.f32 v26, v24  }
0x6f: {  	v59 =	vunpack.i.u.bf16.f32 v45;
	v58 =	vmul.f32 v55, v18;
	v25 =	vadd.f32 v54, v25  }
0x70: {  	v61 =	vunpack.i.l.bf16.f32 v45;
	v18 =	vmul.f32 v57, v18;
	v24 =	vadd.f32 v56, v24  }
0x71: {  	v60 =	vld.idx.msk [tilespmem:v1+s11+$0x500 ss:$0x1], $0xffff;
	v62 =	vmul.f32 v59, v19;
	v63 =	vunpack.i.u.bf16.f32 v52;
	v32 =	vadd.f32 v58, v25  }
0x72: {  	v20 =	vld.idx.msk [tilespmem:v20+s16+$0x0], $0xffff;
	v19 =	vmul.f32 v61, v19;
	v35 =	vmul.f32 v63, v17;
	v18 =	vadd.f32 v18, v24  }
0x73: {  	v37 =	vld.idx.msk [tilespmem:v1+s11+$0x910 ss:$0x1], $0xffff;
	v33 =	vadd.s32 $0x5, v34;
	v34 =	vunpack.i.l.bf16.f32 v52;
	v36 =	vadd.f32 v62, v32  }
0x74: {  	v2 =	vunpack.i.l.bf16.f32 v2;
	v17 =	vmul.f32 v34, v17;
	v18 =	vadd.f32 v19, v18  }
0x75: {  	s20 =	sadd.s32 $0x1F, s1;
	v12 =	vld.idx.msk [tilespmem:v12+s16+$0x0], $0xffff;
	v2 =	vmul.f32 v2, v5;
	v39 =	vadd.f32 v35, v36  }
0x76: {  	v38 =	vmov s20;
	v43 =	vld.idx.msk [tilespmem:v1+s11+$0x930 ss:$0x1], $0xffff;
	v40 =	vunpack.i.u.bf16.f32 v60;
	v17 =	vadd.f32 v17, v18  }
0x77: {  	v26 =	vunpack.i.l.bf16.f32 v60;
	v19 =	vmul.f32 v40, v20;
	v14 =	vadd.f32 v14, v39  }
0x78: {  	s24 =	sadd.s32 $0x21, s1;
	v46 =	vunpack.i.u.bf16.f32 v37;
	v42 =	vmul.f32 v26, v20;
	v13 =	vadd.f32 v13, v17  }
0x79: {  	v15 =	vld.idx.msk [tilespmem:v15+s16+$0x0], $0xffff;
	v45 =	vmov s24;
	v27 =	vmul.f32 v47, v5;
	v14 =	vadd.f32 v19, v14  }
0x7a: {  	v49 =	vld.idx.msk [tilespmem:v1+s11+$0x950 ss:$0x1], $0xffff;
	v47 =	vunpack.i.l.bf16.f32 v37;
	v51 =	vshrl.u32 v45, $0x3;
	v13 =	vadd.f32 v42, v13  }
0x7b: {  	v53 =	vunpack.i.l.bf16.f32 v43;
	v55 =	vld.idx.msk [tilespmem:v1+s11+$0xD90 ss:$0x1], $0xffff;
	v17 =	vmul.f32 v46, v12;
	v3 =	vadd.f32 v3, v14  }
0x7c: {  	v41 =	vshrl.u32 v38, $0x3;
	v63 =	vld.idx.msk [tilespmem:v1+s11+$0xD80 ss:$0x1], $0xffff;
	v12 =	vmul.f32 v47, v12;
	v6 =	vadd.f32 v6, v13  }
0x7d: {  	v57 =	vbroadcast v4, $0x8;
	v44 =	vshll.u32 v41, v0;
	v30 =	vld.idx.msk [tilespmem:v21+s16+$0x0], $0xffff;
	v3 =	vadd.f32 v17, v3  }
0x7e: {  	v23 =	vld.idx.msk [tilespmem:v23+s16+$0x0], $0xffff;
	v48 =	vadd.s32 $0x7, v44;
	v52 =	vunpack.i.u.bf16.f32 v43;
	v6 =	vadd.f32 v12, v6  }
0x7f: {  	v61 =	vunpack.i.u.bf16.f32 v49;
	v12 =	vmul.f32 v52, v15;
	v3 =	vadd.f32 v9, v3  }
0x80: {  	v41 =	vld.idx.msk [tilespmem:v1+s11+$0xDD0 ss:$0x1], $0xffff;
	v29 =	vunpack.i.u.bf16.f32 v55;
	v56 =	vmul.f32 v53, v15;
	v6 =	vadd.f32 v16, v6  }
0x81: {  	v50 =	vbroadcast v48, $0x0;
	v5 =	vunpack.i.l.bf16.f32 v63;
	v58 =	vld.idx.msk [tilespmem:v1+s11+$0x970 ss:$0x1], $0xffff;
	v3 =	vadd.f32 v12, v3  }
0x82: {  	v60 =	vld.idx.msk [tilespmem:v22+s16+$0x0], $0xffff;
	v5 =	vmul.f32 v5, v30;
	v54 =	vshll.u32 v51, v0;
	v6 =	vadd.f32 v56, v6  }
0x83: {  	v14 =	vunpack.i.l.bf16.f32 v49;
	v9 =	vmul.f32 v61, v23;
	v3 =	vadd.f32 v11, v3  }
0x84: {  	v24 =	vbroadcast v33, $0x0;
	v26 =	vmul.f32 v14, v23;
	v6 =	vadd.f32 v10, v6  }
0x85: {  	v53 =	vunpack.i.u.bf16.f32 v41;
	v59 =	vadd.s32 $0x1, v54;
	v33 =	vld.idx.msk [tilespmem:v1+s11+$0xDA0 ss:$0x1], $0xffff;
	v3 =	vadd.f32 v9, v3  }
0x86: {  	v28 =	vbroadcast v59, $0x0;
	v31 =	vunpack.i.u.bf16.f32 v58;
	v6 =	vadd.f32 v26, v6  }
0x87: {  	s30 =	sadd.s32 $0x23, s1;
	v35 =	vld.idx.msk [tilespmem:v1+s11+$0xDB0 ss:$0x1], $0xffff;
	v32 =	vunpack.i.l.bf16.f32 v58;
	v9 =	vmul.f32 v31, v60;
	v3 =	vadd.f32 v8, v3  }
0x88: {  	v62 =	vmov s30;
	v34 =	vmul.f32 v32, v60;
	v6 =	vadd.f32 v7, v6  }
0x89: {  	v18 =	vbroadcast v4, $0x4;
	v36 =	vunpack.i.u.bf16.f32 v63;
	v3 =	vadd.f32 v9, v3  }
0x8a: {  	v38 =	vmul.f32 v36, v30;
	v43 =	vunpack.i.u.bf16.f32 v33;
	v37 =	vld.idx.msk [tilespmem:v24+s16+$0x0], $0xffff;
	v6 =	vadd.f32 v34, v6  }
0x8b: {  	v44 =	vunpack.i.l.bf16.f32 v33;
	v42 =	vunpack.i.l.bf16.f32 v55;
	v3 =	vadd.f32 v27, v3  }
0x8c: {  	v46 =	vunpack.i.u.bf16.f32 v35;
	v13 =	vbroadcast v4, $0x6;
	v2 =	vadd.f32 v2, v6  }
0x8d: {  	v40 =	vld.idx.msk [tilespmem:v1+s11+$0xDC0 ss:$0x1], $0xffff;
	v14 =	vmul.f32 v29, v18;
	v12 =	vshrl.u32 v62, $0x3;
	v3 =	vadd.f32 v38, v3  }
0x8e: {  	v19 =	vld.idx.msk [tilespmem:v50+s16+$0x0], $0xffff;
	v12 =	vshll.u32 v12, v0;
	v2 =	vadd.f32 v5, v2;
	v5 =	vmul.f32 v42, v18  }
0x8f: {  	v45 =	vmul.f32 v43, v37;
	v12 =	vadd.s32 $0x3, v12;
	v3 =	vadd.f32 v14, v3  }
0x90: {  	v39 =	vbroadcast v12, $0x0;
	v2 =	vadd.f32 v5, v2;
	v5 =	vmul.f32 v44, v37  }
0x91: {  	v47 =	vld.idx.msk [tilespmem:v1+s11+$0xDE0 ss:$0x1], $0xffff;
	v49 =	vmul.f32 v46, v13;
	v8 =	vunpack.i.l.bf16.f32 v35;
	v3 =	vadd.f32 v45, v3  }
0x92: {  	v50 =	vunpack.i.u.bf16.f32 v40;
	v11 =	vld.idx.msk [tilespmem:v28+s16+$0x0], $0xffff;
	v2 =	vadd.f32 v5, v2;
	v5 =	vmul.f32 v8, v13  }
0x93: {  	v48 =	vld.idx.msk [tilespmem:v1+s11+$0xDF0 ss:$0x1], $0xffff;
	v51 =	vunpack.i.l.bf16.f32 v40;
	v52 =	vmul.f32 v50, v19;
	v3 =	vadd.f32 v49, v3  }
0x94: {  	v55 =	vmul.f32 v53, v57;
	v2 =	vadd.f32 v5, v2;
	v5 =	vmul.f32 v51, v19  }
0x95: {  	v54 =	vld.idx.msk [tilespmem:v1+s11+$0xE00 ss:$0x1], $0xffff;
	v4 =	vbroadcast v4, $0xA;
	v6 =	vunpack.i.l.bf16.f32 v41;
	v3 =	vadd.f32 v52, v3  }
0x96: {  	v56 =	vunpack.i.u.bf16.f32 v47;
	v9 =	vld.idx.msk [tilespmem:v39+s16+$0x0], $0xffff;
	v2 =	vadd.f32 v5, v2;
	v5 =	vmul.f32 v6, v57  }
0x97: {  	v58 =	vmul.f32 v56, v11;
	v57 =	vunpack.i.l.bf16.f32 v47;
	v3 =	vadd.f32 v55, v3  }
0x98: {  	v59 =	vunpack.i.u.bf16.f32 v48;
	v2 =	vadd.f32 v5, v2;
	v5 =	vmul.f32 v57, v11  }
0x99: {  	v61 =	vmul.f32 v59, v4;
	v60 =	vunpack.i.l.bf16.f32 v48;
	v3 =	vadd.f32 v58, v3  }
0x9a: {  	v62 =	vunpack.i.u.bf16.f32 v54;
	v4 =	vmul.f32 v60, v4;
	v2 =	vadd.f32 v5, v2  }
0x9b: {  	v63 =	vmul.f32 v62, v9;
	v5 =	vunpack.i.l.bf16.f32 v54;
	v3 =	vadd.f32 v61, v3  }
0x9c: {  	v2 =	vadd.f32 v4, v2;
	v4 =	vmul.f32 v5, v9  }
0x9d: {  	s17 =	sadd.s32 $0x28, s1;
	s18 =	sadd.s32 $0x28, s8;
	v3 =	vadd.f32 v63, v3  }
0x9e: {  	s15 =	sadd.s32 $0x20, s0;
	s20 =	smov.u32 s0;
	s11 =	simm.s32 $0x240;
	v2 =	vadd.f32 v4, v2  }
.LBB2_4:
0x9f: {  	s14 =	sadd.s32 $0x9, s17;
	s30 =	sadd.s32 $0xB, s17;
	s4 =	sadd.s32 $0xD, s17;
	[tilespmem:s20+$0x0] =	vst v3  }
0xa0: {  	s24 =	sshra.s32 s11, $0x2;
	p0 =	sne.s32 s11, $0xFC0;
	s11 =	sadd.s32 $0x240, s11;
	v3 =	vmov s14;
	v4 =	vmov s30;
	v5 =	vmov s4;
	[tilespmem:s20+$0xFFFFFFF0] =	vst v2  }
0xa1: {  	s20 =	smov.u32 s15;
	v2 =	vld.idx.msk [tilespmem:v1+s24+$0x40 ss:$0x1], $0xffff;
	v3 =	vshrl.u32 v3, $0x3;
	v4 =	vshrl.u32 v4, $0x3;
	v5 =	vshrl.u32 v5, $0x3  }
0xa2: {  	v6 =	vld.idx.msk [tilespmem:v1+s24+$0x20 ss:$0x1], $0xffff;
	v3 =	vshll.u32 v3, v0;
	v4 =	vshll.u32 v4, v0;
	v5 =	vshll.u32 v5, v0  }
0xa3: {  	s4 =	sadd.s32 $0xF, s17;
	v26 =	vld [tilespmem:s18+$0xFFFFFFE8];
	v3 =	vadd.s32 $0x1, v3;
	v4 =	vadd.s32 $0x3, v4;
	v5 =	vadd.s32 $0x5, v5  }
0xa4: {  	v7 =	vld.idx.msk [tilespmem:v1+s24+$0x0 ss:$0x1], $0xffff;
	v28 =	vbroadcast v3, $0x0;
	v25 =	vbroadcast v4, $0x0;
	v3 =	vmov s4;
	s4 =	sadd.s32 $0x11, s17  }
0xa5: {  	v17 =	vbroadcast v5, $0x0;
	v4 =	vld.idx.msk [tilespmem:v1+s24+$0x80 ss:$0x1], $0xffff;
	v3 =	vshrl.u32 v3, $0x3;
	v5 =	vmov s4;
	s4 =	sadd.s32 $0x13, s17  }
0xa6: {  	v3 =	vshll.u32 v3, v0;
	v5 =	vshrl.u32 v5, $0x3;
	v8 =	vmov s4  }
0xa7: {  	v3 =	vadd.s32 $0x7, v3;
	v5 =	vshll.u32 v5, v0;
	v8 =	vshrl.u32 v8, $0x3  }
0xa8: {  	v11 =	vunpack.i.u.bf16.f32 v6;
	v9 =	vbroadcast v26, $0x0;
	v10 =	vbroadcast v26, $0x2  }
0xa9: {  	v31 =	vunpack.i.u.bf16.f32 v2;
	v24 =	vbroadcast v26, $0xA;
	v18 =	vbroadcast v3, $0x0;
	v3 =	vld.idx.msk [tilespmem:v1+s24+$0x4F0 ss:$0x1], $0xffff  }
0xaa: {  	v32 =	vunpack.i.l.bf16.f32 v2;
	v12 =	vunpack.i.u.bf16.f32 v7;
	v7 =	vunpack.i.l.bf16.f32 v7;
	v21 =	vld [tilespmem:s18+$0xFFFFFFF8]  }
0xab: {  	v2 =	vunpack.i.l.bf16.f32 v6;
	v29 =	vunpack.i.u.bf16.f32 v4;
	v30 =	vunpack.i.l.bf16.f32 v4;
	v4 =	vld.idx.msk [tilespmem:v1+s24+$0x900 ss:$0x1], $0xffff  }
0xac: {  	v33 =	vmul.f32 v2, v10;
	v34 =	vmul.f32 v11, v10;
	v2 =	vadd.s32 $0x1, v5  }
0xad: {  	v35 =	vmul.f32 v7, v9;
	v36 =	vmul.f32 v12, v9;
	v5 =	vshll.u32 v8, v0  }
0xae: {  	v27 =	vbroadcast v26, $0xC;
	v20 =	vbroadcast v2, $0x0;
	v2 =	vadd.s32 $0x3, v5  }
0xaf: {  	s4 =	sadd.s32 $0x15, s17;
	v19 =	vbroadcast v26, $0xE;
	v14 =	vbroadcast v2, $0x0;
	v5 =	vunpack.i.u.bf16.f32 v3  }
0xb0: {  	v6 =	vmov s4;
	v3 =	vunpack.i.l.bf16.f32 v3;
	v2 =	vbroadcast v21, $0x0;
	v7 =	vld.idx.msk [tilespmem:v1+s24+$0x920 ss:$0x1], $0xffff  }
0xb1: {  	v6 =	vshrl.u32 v6, $0x3;
	v8 =	vbroadcast v21, $0x2;
	v9 =	vunpack.i.u.bf16.f32 v4  }
0xb2: {  	v12 =	vmul.f32 v3, v2;
	v13 =	vmul.f32 v5, v2;
	v2 =	vshll.u32 v6, v0  }
0xb3: {  	v3 =	vunpack.i.l.bf16.f32 v4;
	v4 =	vmul.f32 v9, v8;
	v2 =	vadd.s32 $0x5, v2  }
0xb4: {  	s4 =	sadd.s32 $0x17, s17;
	v5 =	vmov s17;
	v6 =	vmul.f32 v3, v8;
	v16 =	vbroadcast v2, $0x0  }
0xb5: {  	v3 =	vmov s4;
	v2 =	vshrl.u32 v5, $0x3;
	v5 =	vbroadcast v21, $0x4  }
0xb6: {  	v9 =	vshrl.u32 v3, $0x3;
	v2 =	vshll.u32 v2, v0;
	v8 =	vunpack.i.u.bf16.f32 v7;
	v10 =	vld.idx.msk [tilespmem:v1+s24+$0x940 ss:$0x1], $0xffff  }
0xb7: {  	v3 =	vadd.s32 $0x1, v2;
	v11 =	vadd.s32 $0x3, v2;
	v15 =	vadd.s32 $0x5, v2  }
0xb8: {  	v2 =	vadd.s32 $0x7, v2;
	v22 =	vbroadcast v3, $0x0;
	v37 =	vbroadcast v11, $0x0  }
0xb9: {  	v38 =	vbroadcast v15, $0x0;
	v39 =	vbroadcast v2, $0x0;
	v2 =	vshll.u32 v9, v0;
	v3 =	vld [tilespmem:s18+$0x0]  }
0xba: {  	s4 =	sadd.s32 $0x19, s17;
	v7 =	vunpack.i.l.bf16.f32 v7;
	v9 =	vmul.f32 v8, v5;
	v2 =	vadd.s32 $0x7, v2;
	v8 =	vld.idx.msk [tilespmem:v1+s24+$0x960 ss:$0x1], $0xffff  }
0xbb: {  	v15 =	vmul.f32 v7, v5;
	v23 =	vbroadcast v2, $0x0;
	v2 =	vmov s4  }
0xbc: {  	v5 =	vbroadcast v21, $0x6;
	s4 =	sadd.s32 $0x1B, s17;
	v2 =	vshrl.u32 v2, $0x3;
	v7 =	vunpack.i.u.bf16.f32 v10  }
0xbd: {  	v21 =	vmov s4;
	v2 =	vshll.u32 v2, v0;
	v10 =	vunpack.i.l.bf16.f32 v10;
	v40 =	vld.idx.msk [tilespmem:v1+s24+$0x10 ss:$0x1], $0xffff  }
0xbe: {  	v2 =	vadd.s32 $0x1, v2;
	v10 =	vmul.f32 v10, v5;
	v11 =	vmul.f32 v7, v5;
	v41 =	vld.idx.msk [tilespmem:v22+s16+$0x0], $0xffff  }
0xbf: {  	v7 =	vshrl.u32 v21, $0x3;
	v5 =	vbroadcast v3, $0x0;
	v22 =	vbroadcast v2, $0x0;
	v2 =	vld.idx.msk [tilespmem:v1+s24+$0x980 ss:$0x1], $0xffff  }
0xc0: {  	v43 =	vshll.u32 v7, v0;
	v21 =	vunpack.i.u.bf16.f32 v8;
	v8 =	vunpack.i.l.bf16.f32 v8;
	v42 =	vld.idx.msk [tilespmem:v1+s24+$0x30 ss:$0x1], $0xffff  }
0xc1: {  	s4 =	sadd.s32 $0x1D, s17;
	v7 =	vmul.f32 v8, v5;
	v8 =	vmul.f32 v21, v5;
	v21 =	vadd.s32 $0x3, v43;
	v37 =	vld.idx.msk [tilespmem:v37+s16+$0x0], $0xffff  }
0xc2: {  	v5 =	vbroadcast v3, $0x2;
	v43 =	vmov s4;
	v21 =	vbroadcast v21, $0x0  }
0xc3: {  	v36 =	vadd.f32 $0.0e+00, v36;
	v44 =	vunpack.i.u.bf16.f32 v40;
	v40 =	vunpack.i.l.bf16.f32 v40;
	v45 =	vld.idx.msk [tilespmem:v1+s24+$0x60 ss:$0x1], $0xffff  }
0xc4: {  	v46 =	vadd.f32 $0.0e+00, v35;
	v40 =	vmul.f32 v40, v41;
	v41 =	vmul.f32 v44, v41;
	v44 =	vld.idx.msk [tilespmem:v1+s24+$0x50 ss:$0x1], $0xffff  }
0xc5: {  	v47 =	vbroadcast v26, $0x6;
	v43 =	vshrl.u32 v43, $0x3;
	v35 =	vunpack.i.u.bf16.f32 v2;
	v38 =	vld.idx.msk [tilespmem:v38+s16+$0x0], $0xffff  }
0xc6: {  	v40 =	vadd.f32 v40, v46;
	v36 =	vadd.f32 v41, v36;
	v41 =	vunpack.i.u.bf16.f32 v42  }
0xc7: {  	v42 =	vunpack.i.l.bf16.f32 v42;
	v46 =	vbroadcast v26, $0x4;
	v41 =	vmul.f32 v41, v37;
	v48 =	vld.idx.msk [tilespmem:v1+s24+$0x70 ss:$0x1], $0xffff  }
0xc8: {  	v33 =	vadd.f32 v33, v40;
	v34 =	vadd.f32 v34, v36;
	v36 =	vmul.f32 v42, v37  }
0xc9: {  	v32 =	vmul.f32 v32, v46;
	v31 =	vmul.f32 v31, v46;
	v37 =	vld.idx.msk [tilespmem:v39+s16+$0x0], $0xffff;
	v39 =	vshll.u32 v43, v0  }
0xca: {  	v33 =	vadd.f32 v36, v33;
	v34 =	vadd.f32 v41, v34;
	v36 =	vunpack.i.u.bf16.f32 v44  }
0xcb: {  	v40 =	vunpack.i.l.bf16.f32 v44;
	v41 =	vunpack.i.u.bf16.f32 v45;
	v36 =	vmul.f32 v36, v38;
	v42 =	vld.idx.msk [tilespmem:v1+s24+$0x490 ss:$0x1], $0xffff  }
0xcc: {  	v32 =	vadd.f32 v32, v33;
	v31 =	vadd.f32 v31, v34;
	v33 =	vmul.f32 v40, v38;
	v34 =	vld.idx.msk [tilespmem:v1+s24+$0x480 ss:$0x1], $0xffff  }
0xcd: {  	v38 =	vunpack.i.l.bf16.f32 v45;
	v40 =	vmul.f32 v41, v47;
	v41 =	vunpack.i.u.bf16.f32 v48;
	v28 =	vld.idx.msk [tilespmem:v28+s16+$0x0], $0xffff  }
0xce: {  	v32 =	vadd.f32 v33, v32;
	v31 =	vadd.f32 v36, v31;
	v33 =	vmul.f32 v38, v47  }
0xcf: {  	v26 =	vbroadcast v26, $0x8;
	v36 =	vunpack.i.l.bf16.f32 v48;
	v38 =	vmul.f32 v41, v37;
	v41 =	vld.idx.msk [tilespmem:v1+s24+$0x4A0 ss:$0x1], $0xffff  }
0xd0: {  	v32 =	vadd.f32 v33, v32;
	v31 =	vadd.f32 v40, v31;
	v33 =	vmul.f32 v36, v37;
	v36 =	vld.idx.msk [tilespmem:v1+s24+$0x4B0 ss:$0x1], $0xffff  }
0xd1: {  	v30 =	vmul.f32 v30, v26;
	v26 =	vmul.f32 v29, v26;
	v29 =	vadd.s32 $0x5, v39;
	v25 =	vld.idx.msk [tilespmem:v25+s16+$0x0], $0xffff  }
0xd2: {  	v32 =	vadd.f32 v33, v32;
	v31 =	vadd.f32 v38, v31;
	v33 =	vunpack.i.u.bf16.f32 v34  }
0xd3: {  	v37 =	vunpack.i.u.bf16.f32 v42;
	v34 =	vunpack.i.l.bf16.f32 v34;
	v33 =	vmul.f32 v33, v28;
	v38 =	vld.idx.msk [tilespmem:v1+s24+$0x4C0 ss:$0x1], $0xffff  }
0xd4: {  	v28 =	vmul.f32 v34, v28;
	v30 =	vadd.f32 v30, v32;
	v26 =	vadd.f32 v26, v31;
	v31 =	vld.idx.msk [tilespmem:v1+s24+$0x4D0 ss:$0x1], $0xffff  }
0xd5: {  	v34 =	vmul.f32 v37, v24;
	v32 =	vunpack.i.l.bf16.f32 v42;
	v37 =	vunpack.i.u.bf16.f32 v41;
	v17 =	vld.idx.msk [tilespmem:v17+s16+$0x0], $0xffff  }
0xd6: {  	v24 =	vmul.f32 v32, v24;
	v28 =	vadd.f32 v28, v30;
	v26 =	vadd.f32 v33, v26  }
0xd7: {  	v30 =	vunpack.i.l.bf16.f32 v41;
	v33 =	vunpack.i.u.bf16.f32 v36;
	v32 =	vmul.f32 v37, v25;
	v37 =	vld.idx.msk [tilespmem:v1+s24+$0x4E0 ss:$0x1], $0xffff  }
0xd8: {  	v25 =	vmul.f32 v30, v25;
	v24 =	vadd.f32 v24, v28;
	v26 =	vadd.f32 v34, v26  }
0xd9: {  	v30 =	vmul.f32 v33, v27;
	v28 =	vunpack.i.l.bf16.f32 v36;
	v33 =	vunpack.i.u.bf16.f32 v38;
	v18 =	vld.idx.msk [tilespmem:v18+s16+$0x0], $0xffff  }
0xda: {  	v24 =	vadd.f32 v25, v24;
	v25 =	vadd.f32 v32, v26;
	v26 =	vmul.f32 v28, v27  }
0xdb: {  	v27 =	vunpack.i.l.bf16.f32 v38;
	v32 =	vunpack.i.u.bf16.f32 v31;
	v28 =	vmul.f32 v33, v17  }
0xdc: {  	v17 =	vmul.f32 v27, v17;
	v24 =	vadd.f32 v26, v24;
	v25 =	vadd.f32 v30, v25;
	v26 =	vld.idx.msk [tilespmem:v1+s24+$0x500 ss:$0x1], $0xffff  }
0xdd: {  	v27 =	vunpack.i.l.bf16.f32 v31;
	v30 =	vmul.f32 v32, v19;
	v31 =	vunpack.i.u.bf16.f32 v37;
	v20 =	vld.idx.msk [tilespmem:v20+s16+$0x0], $0xffff  }
0xde: {  	v19 =	vmul.f32 v27, v19;
	v17 =	vadd.f32 v17, v24;
	v24 =	vadd.f32 v28, v25  }
0xdf: {  	v25 =	vunpack.i.l.bf16.f32 v37;
	v28 =	vbroadcast v29, $0x0;
	v27 =	vmul.f32 v31, v18  }
0xe0: {  	s4 =	sadd.s32 $0x1F, s17;
	v18 =	vmul.f32 v25, v18;
	v17 =	vadd.f32 v19, v17;
	v19 =	vadd.f32 v30, v24;
	v24 =	vld.idx.msk [tilespmem:v1+s24+$0x910 ss:$0x1], $0xffff  }
0xe1: {  	v29 =	vbroadcast v3, $0x4;
	v25 =	vmul.f32 v35, v5;
	v30 =	vmov s4;
	v14 =	vld.idx.msk [tilespmem:v14+s16+$0x0], $0xffff  }
0xe2: {  	v17 =	vadd.f32 v18, v17;
	v18 =	vadd.f32 v27, v19;
	v19 =	vunpack.i.u.bf16.f32 v26  }
0xe3: {  	v26 =	vunpack.i.l.bf16.f32 v26;
	v27 =	vshrl.u32 v30, $0x3;
	v19 =	vmul.f32 v19, v20  }
0xe4: {  	s4 =	sadd.s32 $0x21, s17;
	v12 =	vadd.f32 v12, v17;
	v13 =	vadd.f32 v13, v18;
	v17 =	vmul.f32 v26, v20;
	v18 =	vld.idx.msk [tilespmem:v1+s24+$0x930 ss:$0x1], $0xffff  }
0xe5: {  	v20 =	vbroadcast v3, $0x6;
	v26 =	vshll.u32 v27, v0;
	v27 =	vmov s4;
	v16 =	vld.idx.msk [tilespmem:v16+s16+$0x0], $0xffff  }
0xe6: {  	v12 =	vadd.f32 v17, v12;
	v13 =	vadd.f32 v19, v13;
	v17 =	vunpack.i.u.bf16.f32 v24  }
0xe7: {  	v19 =	vunpack.i.l.bf16.f32 v24;
	v24 =	vadd.s32 $0x7, v26;
	v17 =	vmul.f32 v17, v14  }
0xe8: {  	v6 =	vadd.f32 v6, v12;
	v4 =	vadd.f32 v4, v13;
	v12 =	vmul.f32 v19, v14;
	v13 =	vld.idx.msk [tilespmem:v1+s24+$0x950 ss:$0x1], $0xffff  }
0xe9: {  	v19 =	vbroadcast v24, $0x0;
	v24 =	vshrl.u32 v27, $0x3;
	v14 =	vld.idx.msk [tilespmem:v23+s16+$0x0], $0xffff;
	v23 =	vbroadcast v3, $0x8  }
0xea: {  	v6 =	vadd.f32 v12, v6;
	v4 =	vadd.f32 v17, v4;
	v12 =	vunpack.i.u.bf16.f32 v18  }
0xeb: {  	v24 =	vshll.u32 v24, v0;
	v17 =	vunpack.i.l.bf16.f32 v18;
	v12 =	vmul.f32 v12, v16;
	v18 =	vld.idx.msk [tilespmem:v1+s24+$0xD90 ss:$0x1], $0xffff  }
0xec: {  	s4 =	sadd.s32 $0x23, s17;
	v6 =	vadd.f32 v15, v6;
	v4 =	vadd.f32 v9, v4;
	v9 =	vmul.f32 v17, v16;
	v15 =	vld.idx.msk [tilespmem:v1+s24+$0x970 ss:$0x1], $0xffff  }
0xed: {  	v3 =	vbroadcast v3, $0xA;
	v17 =	vadd.s32 $0x1, v24;
	v16 =	vld.idx.msk [tilespmem:v22+s16+$0x0], $0xffff;
	v22 =	vmov s4  }
0xee: {  	v6 =	vadd.f32 v9, v6;
	v4 =	vadd.f32 v12, v4;
	v9 =	vunpack.i.u.bf16.f32 v13  }
0xef: {  	v17 =	vbroadcast v17, $0x0;
	v12 =	vunpack.i.l.bf16.f32 v13;
	v9 =	vmul.f32 v9, v14;
	v13 =	vld.idx.msk [tilespmem:v1+s24+$0xD80 ss:$0x1], $0xffff  }
0xf0: {  	v6 =	vadd.f32 v10, v6;
	v4 =	vadd.f32 v11, v4;
	v10 =	vmul.f32 v12, v14  }
0xf1: {  	v14 =	vshrl.u32 v22, $0x3;
	v12 =	vunpack.i.u.bf16.f32 v18;
	v11 =	vld.idx.msk [tilespmem:v21+s16+$0x0], $0xffff  }
0xf2: {  	v6 =	vadd.f32 v10, v6;
	v4 =	vadd.f32 v9, v4;
	v9 =	vunpack.i.u.bf16.f32 v15  }
0xf3: {  	v14 =	vshll.u32 v14, v0;
	v10 =	vunpack.i.l.bf16.f32 v15;
	v9 =	vmul.f32 v9, v16;
	v15 =	vld.idx.msk [tilespmem:v1+s24+$0xDA0 ss:$0x1], $0xffff  }
0xf4: {  	v6 =	vadd.f32 v7, v6;
	v4 =	vadd.f32 v8, v4;
	v7 =	vmul.f32 v10, v16;
	v8 =	vld.idx.msk [tilespmem:v1+s24+$0xDB0 ss:$0x1], $0xffff  }
0xf5: {  	v2 =	vunpack.i.l.bf16.f32 v2;
	v14 =	vadd.s32 $0x3, v14;
	v10 =	vunpack.i.u.bf16.f32 v13;
	v16 =	vld.idx.msk [tilespmem:v28+s16+$0x0], $0xffff  }
0xf6: {  	v2 =	vmul.f32 v2, v5;
	v6 =	vadd.f32 v7, v6;
	v4 =	vadd.f32 v9, v4  }
0xf7: {  	v5 =	vunpack.i.l.bf16.f32 v13;
	v7 =	vmul.f32 v10, v11;
	v10 =	vbroadcast v14, $0x0;
	v9 =	vld.idx.msk [tilespmem:v1+s24+$0xDC0 ss:$0x1], $0xffff  }
0xf8: {  	v5 =	vmul.f32 v5, v11;
	v2 =	vadd.f32 v2, v6;
	v4 =	vadd.f32 v25, v4;
	v6 =	vld.idx.msk [tilespmem:v1+s24+$0xDD0 ss:$0x1], $0xffff  }
0xf9: {  	v12 =	vmul.f32 v12, v29;
	v11 =	vunpack.i.l.bf16.f32 v18;
	v13 =	vunpack.i.u.bf16.f32 v15;
	v14 =	vld.idx.msk [tilespmem:v19+s16+$0x0], $0xffff  }
0xfa: {  	v2 =	vadd.f32 v5, v2;
	v4 =	vadd.f32 v7, v4;
	v5 =	vmul.f32 v11, v29  }
0xfb: {  	v7 =	vunpack.i.l.bf16.f32 v15;
	v11 =	vmul.f32 v13, v16;
	v13 =	vunpack.i.u.bf16.f32 v8;
	v15 =	vld.idx.msk [tilespmem:v1+s24+$0xDE0 ss:$0x1], $0xffff  }
0xfc: {  	v2 =	vadd.f32 v5, v2;
	v4 =	vadd.f32 v12, v4;
	v5 =	vmul.f32 v7, v16;
	v7 =	vld.idx.msk [tilespmem:v1+s24+$0xDF0 ss:$0x1], $0xffff  }
0xfd: {  	v8 =	vunpack.i.l.bf16.f32 v8;
	v12 =	vmul.f32 v13, v20;
	v13 =	vunpack.i.u.bf16.f32 v9;
	v16 =	vld.idx.msk [tilespmem:v17+s16+$0x0], $0xffff  }
0xfe: {  	v2 =	vadd.f32 v5, v2;
	v4 =	vadd.f32 v11, v4;
	v5 =	vmul.f32 v8, v20  }
0xff: {  	v8 =	vunpack.i.l.bf16.f32 v9;
	v11 =	vunpack.i.u.bf16.f32 v6;
	v9 =	vmul.f32 v13, v14;
	v13 =	vld.idx.msk [tilespmem:v1+s24+$0xE00 ss:$0x1], $0xffff  }
0x100: {  	v2 =	vadd.f32 v5, v2;
	v4 =	vadd.f32 v12, v4;
	v5 =	vmul.f32 v8, v14  }
0x101: {  	v6 =	vunpack.i.l.bf16.f32 v6;
	v8 =	vmul.f32 v11, v23;
	v11 =	vunpack.i.u.bf16.f32 v15;
	v10 =	vld.idx.msk [tilespmem:v10+s16+$0x0], $0xffff  }
0x102: {  	v2 =	vadd.f32 v5, v2;
	v4 =	vadd.f32 v9, v4;
	v5 =	vmul.f32 v6, v23  }
0x103: {  	v6 =	vunpack.i.l.bf16.f32 v15;
	v9 =	vmul.f32 v11, v16;
	v11 =	vunpack.i.u.bf16.f32 v7  }
0x104: {  	v2 =	vadd.f32 v5, v2;
	v4 =	vadd.f32 v8, v4;
	v5 =	vmul.f32 v6, v16  }
0x105: {  	v6 =	vunpack.i.l.bf16.f32 v7;
	v7 =	vmul.f32 v11, v3;
	v8 =	vunpack.i.u.bf16.f32 v13  }
0x106: {  	v3 =	vmul.f32 v6, v3;
	v2 =	vadd.f32 v5, v2;
	v4 =	vadd.f32 v9, v4  }
.Ltmp2:
0x107: {  	v5 =	vunpack.i.l.bf16.f32 v13;
	v6 =	vmul.f32 v8, v10;
	(pc) =	sbr.rel @p0 .LBB2_4-.Ltmp2, $3  }
0x108: {  	v2 =	vadd.f32 v3, v2;
	v3 =	vadd.f32 v7, v4;
	v4 =	vmul.f32 v5, v10;
	_ =	sdelay $0x1  }
0x109: {  	v2 =	vadd.f32 v4, v2;
	v3 =	vadd.f32 v6, v3  }
0x10a: {  	s15 =	sadd.s32 $0x20, s15;
	s18 =	sadd.s32 $0x28, s18;
	s17 =	sadd.s32 $0x28, s17  }
0x10b: {  	s10 =	sadd.s32 $0x1, s10  }
0x10c: {  	p0 =	sne.s32 s10, $0x8  }
.Ltmp3:
0x10d: {  	_ = 	snop;
	(pc) =	sbr.rel @p0 .LBB2_3-.Ltmp3, $3  }
0x10e: {  	_ =	sdelay $0x1  }
0x10f: {  	[tilespmem:s20+$0x0] =	vst v3;
	s0 =	sadd.s32 $0x100, s0  }
0x110: {  	[tilespmem:s20+$0xFFFFFFF0] =	vst v2;
	s1 =	sadd.s32 $0x140, s1;
	s8 =	sadd.s32 $0x140, s8;
	s9 =	sadd.s32 $0x1200, s9  }
0x111: {  	s0 =	sshll.u32 s31, $0xC;
	s1 =	rddreg [dreg:$0x8]  }
0x112: {  	s0 =	sadd.s32 s1, s0  }
0x113: {  	s0 =	sshrl.u32 s0, $0x3  }
0x114: {  	s0 =	sadd.s32 s7, s0  }
0x115: {  	[hbm4b:s0+s3] =	stream.linear.scatter [tilespmem:s26], [sflag:$0x7], $0x800, $0x38;
	[tilespmem:$0x14E00] =	vst v63  }
0x116: {  	_ =	swait.ge [sflag:s28], $0x800  }
0x117: {  	p0 =	seq.s32 s31, $0x23;
	s1 =	sshll.u32 s31, $0x4;
	s0 =	rddreg [dreg:$0x9]  }
0x118: {  	s0 =	sadd.s32 @!p0 s1, s0  }
0x119: {  	s4 =	smul.u32 @!p0 $0x24, s0  }
0x11a: {  	s8 =	simm.s32 @!p0 $0x0;
	[sflag:s28] =	ssyncset.done $0x0  }
0x11b: {  	[sflag:s28] =	ssyncadd.s32 $0xFFFFF800;
	s0 =	smul.u32 @!p0 $0x28, s0;
	s4 =	sadd.s32 @!p0 s5, s4  }
0x11c: {  	[tilespmem:s8], [sflag:$0x1] =	stream.linear.gather @!p0 [hbm4b:s4+s8], $0x900, $0x38;
	[tilespmem:$0x14E00] =	vst v63  }
0x11d: {  	s0 =	sadd.s32 @!p0 s6, s0;
	s4 =	simm.s32 @!p0 $0x1200  }
0x11e: {  	[tilespmem:s4], [sflag:$0x3] =	stream.linear.gather @!p0 [hbm4b:s0+s8], $0xA00, $0x38;
	[tilespmem:$0x14E00] =	vst v63  }
0x11f: {  	s0 =	simm.s32 @!p0 $0x1  }
0x120: {  	_ =	swait.ge @!p0 [sflag:s0], $0x900  }
0x121: {  	[sflag:s0] =	ssyncset.done @!p0 $0x0  }
0x122: {  	[sflag:s0] =	ssyncadd.s32 @!p0 $0xFFFFF700;
	s0 =	simm.s32 @!p0 $0x3  }
0x123: {  	_ =	swait.ge @!p0 [sflag:s0], $0xA00  }
0x124: {  	s2 =	smov.u32 s12;
	s24 =	simm.s32 $0x14610;
	[sflag:s0] =	ssyncset.done @!p0 $0x0  }
0x125: {  	s4 =	simm.s32 @!p0 $0x2600;
	[sflag:s0] =	ssyncadd.s32 @!p0 $0xFFFFF600;
	s0 =	simm.s32 @!p0 $0x900  }
0x126: {  	[tilespmem:s4], [sflag:$0x5] =	stream.indirect.gather @!p0 [hbm4b:s12+s0], $0x10, s8, s0, $0xb8;
	[tilespmem:$0x14E00] =	vst v63  }
0x127: {  	s9 =	simm.s32 $0x1C18;
	s10 =	simm.s32 $0xB600;
	_ =	swait.ge [sflag:s29], $0x9000  }
0x128: {  	s11 =	simm.s32 $0x0;
	s30 =	rddreg [dreg:$0x3];
	[sflag:s29] =	ssyncset.done $0x0  }
0x129: {  	s8 =	simm.s32 $0x0;
	s0 =	sadd.s32 s1, s30;
	[sflag:s29] =	ssyncadd.s32 $0xFFFF7000  }
.LBB2_7:
0x12a: {  	s4 =	sadd.s32 $0x9, s8  }
0x12b: {  	v1 =	vmov s10;
	s14 =	sadd.s32 $0xB, s8;
	s15 =	sadd.s32 $0xD, s8;
	v2 =	vmov s4  }
0x12c: {  	v25 =	vld [tilespmem:s9+$0xFFFFFFE8];
	v3 =	vmov s14;
	v4 =	vmov s15;
	v2 =	vshrl.u32 v2, $0x3  }
0x12d: {  	v3 =	vshrl.u32 v3, $0x3;
	v4 =	vshrl.u32 v4, $0x3;
	v2 =	vshll.u32 v2, v0  }
0x12e: {  	v22 =	vld [tilespmem:s9+$0xFFFFFFF8];
	v3 =	vshll.u32 v3, v0;
	v4 =	vshll.u32 v4, v0;
	v2 =	vadd.s32 $0x1, v2  }
0x12f: {  	v3 =	vadd.s32 $0x3, v3;
	v4 =	vadd.s32 $0x5, v4;
	v28 =	vbroadcast v2, $0x0  }
0x130: {  	s13 =	sadd.s32 $0xF, s8;
	v26 =	vbroadcast v3, $0x0;
	v18 =	vbroadcast v4, $0x0  }
0x131: {  	s15 =	sadd.s32 $0x11, s8;
	v2 =	vmov s13;
	v8 =	vbroadcast v25, $0x0;
	v9 =	vbroadcast v25, $0x2  }
0x132: {  	s17 =	sadd.s32 $0x13, s8;
	s14 =	simm.s32 $0x0;
	v3 =	vmov s15;
	v24 =	vbroadcast v25, $0xA;
	v27 =	vbroadcast v25, $0xC  }
0x133: {  	v5 =	vld.idx.msk [tilespmem:v1+s14+$0x40 ss:$0x1], $0xffff;
	v4 =	vmov s17;
	v19 =	vbroadcast v25, $0xE;
	v45 =	vbroadcast v22, $0x2  }
0x134: {  	v6 =	vld.idx.msk [tilespmem:v1+s14+$0x20 ss:$0x1], $0xffff;
	s13 =	sadd.s32 $0x1B, s8;
	s15 =	sadd.s32 $0x1D, s8;
	v60 =	vbroadcast v25, $0x4;
	v2 =	vshrl.u32 v2, $0x3;
	v3 =	vshrl.u32 v3, $0x3  }
0x135: {  	v7 =	vld.idx.msk [tilespmem:v1+s14+$0x0 ss:$0x1], $0xffff;
	v4 =	vshrl.u32 v4, $0x3;
	v40 =	vmov s13;
	v57 =	vmov s15  }
0x136: {  	v2 =	vshll.u32 v2, v0;
	v3 =	vshll.u32 v3, v0;
	v4 =	vshll.u32 v4, v0  }
0x137: {  	v21 =	vld.idx.msk [tilespmem:v1+s14+$0x80 ss:$0x1], $0xffff;
	v53 =	vshrl.u32 v40, $0x3;
	v62 =	vshrl.u32 v57, $0x3;
	v2 =	vadd.s32 $0x7, v2  }
0x138: {  	v43 =	vld.idx.msk [tilespmem:v1+s14+$0x900 ss:$0x1], $0xffff;
	v3 =	vadd.s32 $0x1, v3;
	v42 =	vshll.u32 v53, v0;
	v17 =	vbroadcast v2, $0x0  }
0x139: {  	v2 =	vld.idx.msk [tilespmem:v1+s14+$0x4F0 ss:$0x1], $0xffff;
	v20 =	vbroadcast v3, $0x0;
	v3 =	vadd.s32 $0x3, v4;
	v55 =	vadd.s32 $0x3, v42  }
0x13a: {  	v44 =	vld.idx.msk [tilespmem:v1+s14+$0x920 ss:$0x1], $0xffff;
	v10 =	vunpack.i.u.bf16.f32 v6;
	v30 =	vunpack.i.u.bf16.f32 v5;
	v11 =	vunpack.i.u.bf16.f32 v7  }
0x13b: {  	v48 =	vld.idx.msk [tilespmem:v1+s14+$0x940 ss:$0x1], $0xffff;
	v7 =	vunpack.i.l.bf16.f32 v7;
	v31 =	vunpack.i.l.bf16.f32 v5;
	v5 =	vunpack.i.l.bf16.f32 v6  }
0x13c: {  	s18 =	sadd.s32 $0x15, s8;
	v51 =	vld.idx.msk [tilespmem:v1+s14+$0x960 ss:$0x1], $0xffff;
	v29 =	vunpack.i.u.bf16.f32 v21;
	v12 =	vbroadcast v3, $0x0;
	v3 =	vbroadcast v22, $0x0  }
0x13d: {  	v46 =	vunpack.i.u.bf16.f32 v43;
	v32 =	vmul.f32 v5, v9;
	v5 =	vmov s18  }
0x13e: {  	v41 =	vld.idx.msk [tilespmem:v1+s14+$0x10 ss:$0x1], $0xffff;
	v5 =	vshrl.u32 v5, $0x3;
	v4 =	vunpack.i.u.bf16.f32 v2;
	v2 =	vunpack.i.l.bf16.f32 v2  }
0x13f: {  	v47 =	vunpack.i.u.bf16.f32 v44;
	v13 =	vmul.f32 v2, v3;
	v2 =	vshll.u32 v5, v0  }
0x140: {  	v52 =	vunpack.i.u.bf16.f32 v48;
	v5 =	vmov s8;
	v2 =	vadd.s32 $0x5, v2  }
0x141: {  	v54 =	vunpack.i.u.bf16.f32 v51;
	v15 =	vbroadcast v2, $0x0;
	v2 =	vshrl.u32 v5, $0x3  }
0x142: {  	v42 =	vunpack.i.l.bf16.f32 v21;
	v21 =	vbroadcast v55, $0x0;
	v2 =	vshll.u32 v2, v0  }
0x143: {  	v56 =	vunpack.i.u.bf16.f32 v41;
	v33 =	vmul.f32 v10, v9;
	v49 =	vadd.s32 $0x1, v2  }
0x144: {  	v41 =	vunpack.i.l.bf16.f32 v41;
	v34 =	vmul.f32 v7, v8;
	v36 =	vbroadcast v49, $0x0  }
0x145: {  	v35 =	vmul.f32 v11, v8;
	v7 =	vunpack.i.l.bf16.f32 v44;
	v10 =	vunpack.i.l.bf16.f32 v48;
	v44 =	vld.idx.msk [tilespmem:v1+s14+$0x60 ss:$0x1], $0xffff  }
0x146: {  	v8 =	vunpack.i.l.bf16.f32 v51;
	v48 =	vld.idx.msk [tilespmem:v1+s14+$0x70 ss:$0x1], $0xffff;
	v31 =	vmul.f32 v31, v60;
	v30 =	vmul.f32 v30, v60  }
0x147: {  	v35 =	vadd.f32 $0.0e+00, v35;
	v14 =	vmul.f32 v4, v3;
	v50 =	vadd.s32 $0x3, v2  }
0x148: {  	v34 =	vadd.f32 $0.0e+00, v34;
	v3 =	vmul.f32 v46, v45;
	v37 =	vbroadcast v50, $0x0  }
0x149: {  	s20 =	sadd.s32 $0x17, s8;
	v4 =	vunpack.i.l.bf16.f32 v43;
	v43 =	vld.idx.msk [tilespmem:v1+s14+$0x30 ss:$0x1], $0xffff;
	v46 =	vbroadcast v25, $0x6;
	v25 =	vbroadcast v25, $0x8  }
0x14a: {  	v6 =	vmul.f32 v4, v45;
	v4 =	vmov s20;
	v53 =	vunpack.i.l.bf16.f32 v44;
	v36 =	vld.idx.msk [tilespmem:v36+s21+$0x0], $0xffff  }
0x14b: {  	v55 =	vunpack.i.u.bf16.f32 v48;
	v5 =	vbroadcast v22, $0x4;
	v16 =	vadd.s32 $0x5, v2  }
0x14c: {  	v57 =	vunpack.i.l.bf16.f32 v48;
	v2 =	vadd.s32 $0x7, v2;
	v38 =	vbroadcast v16, $0x0  }
0x14d: {  	v45 =	vld.idx.msk [tilespmem:v1+s14+$0x50 ss:$0x1], $0xffff;
	v4 =	vshrl.u32 v4, $0x3;
	v9 =	vmul.f32 v47, v5;
	v39 =	vbroadcast v2, $0x0  }
0x14e: {  	v2 =	vshll.u32 v4, v0;
	v16 =	vmul.f32 v7, v5;
	v5 =	vbroadcast v22, $0x6;
	v37 =	vld.idx.msk [tilespmem:v37+s21+$0x0], $0xffff  }
0x14f: {  	v58 =	vunpack.i.u.bf16.f32 v43;
	v41 =	vmul.f32 v41, v36;
	v36 =	vmul.f32 v56, v36  }
0x150: {  	s12 =	sadd.s32 $0x19, s8;
	v59 =	vunpack.i.l.bf16.f32 v43;
	v49 =	vunpack.i.u.bf16.f32 v44;
	v2 =	vadd.s32 $0x7, v2  }
0x151: {  	v4 =	vld [tilespmem:s9+$0x0];
	v23 =	vbroadcast v2, $0x0;
	v2 =	vmov s12;
	v35 =	vadd.f32 v36, v35  }
0x152: {  	v43 =	vunpack.i.u.bf16.f32 v45;
	v2 =	vshrl.u32 v2, $0x3;
	v38 =	vld.idx.msk [tilespmem:v38+s21+$0x0], $0xffff;
	v34 =	vadd.f32 v41, v34  }
0x153: {  	v2 =	vshll.u32 v2, v0;
	v36 =	vmul.f32 v58, v37;
	v33 =	vadd.f32 v33, v35  }
0x154: {  	v2 =	vadd.s32 $0x1, v2;
	v61 =	vmul.f32 v59, v37;
	v32 =	vadd.f32 v32, v34  }
0x155: {  	v10 =	vmul.f32 v10, v5;
	v22 =	vbroadcast v2, $0x0;
	v2 =	vld.idx.msk [tilespmem:v1+s14+$0x980 ss:$0x1], $0xffff;
	v33 =	vadd.f32 v36, v33  }
0x156: {  	v11 =	vmul.f32 v52, v5;
	v5 =	vbroadcast v4, $0x0;
	v63 =	vld.idx.msk [tilespmem:v39+s21+$0x0], $0xffff;
	v32 =	vadd.f32 v61, v32  }
0x157: {  	v45 =	vunpack.i.l.bf16.f32 v45;
	v34 =	vmul.f32 v43, v38;
	v30 =	vadd.f32 v30, v33  }
0x158: {  	v50 =	vld.idx.msk [tilespmem:v1+s14+$0x490 ss:$0x1], $0xffff;
	v7 =	vmul.f32 v8, v5;
	v51 =	vmul.f32 v45, v38;
	v31 =	vadd.f32 v31, v32  }
0x159: {  	v52 =	vld.idx.msk [tilespmem:v1+s14+$0x480 ss:$0x1], $0xffff;
	v8 =	vmul.f32 v54, v5;
	v54 =	vmul.f32 v49, v46;
	v30 =	vadd.f32 v34, v30  }
0x15a: {  	v28 =	vld.idx.msk [tilespmem:v28+s21+$0x0], $0xffff;
	v5 =	vbroadcast v4, $0x2;
	v56 =	vmul.f32 v53, v46;
	v31 =	vadd.f32 v51, v31  }
0x15b: {  	v47 =	vunpack.i.u.bf16.f32 v2;
	v58 =	vmul.f32 v55, v63;
	v30 =	vadd.f32 v54, v30  }
0x15c: {  	v44 =	vld.idx.msk [tilespmem:v1+s14+$0x4C0 ss:$0x1], $0xffff;
	v60 =	vmul.f32 v57, v63;
	v34 =	vshll.u32 v62, v0;
	v31 =	vadd.f32 v56, v31  }
0x15d: {  	v59 =	vld.idx.msk [tilespmem:v1+s14+$0x4A0 ss:$0x1], $0xffff;
	v62 =	vmul.f32 v42, v25;
	v25 =	vmul.f32 v29, v25;
	v30 =	vadd.f32 v58, v30  }
0x15e: {  	v26 =	vld.idx.msk [tilespmem:v26+s21+$0x0], $0xffff;
	v46 =	vunpack.i.l.bf16.f32 v50;
	v41 =	vunpack.i.u.bf16.f32 v52;
	v63 =	vadd.f32 v60, v31  }
0x15f: {  	v61 =	vld.idx.msk [tilespmem:v1+s14+$0x4B0 ss:$0x1], $0xffff;
	v42 =	vunpack.i.l.bf16.f32 v52;
	v31 =	vmul.f32 v41, v28;
	v25 =	vadd.f32 v25, v30  }
0x160: {  	v43 =	vunpack.i.u.bf16.f32 v50;
	v28 =	vmul.f32 v42, v28;
	v29 =	vadd.f32 v62, v63  }
0x161: {  	v18 =	vld.idx.msk [tilespmem:v18+s21+$0x0], $0xffff;
	v57 =	vunpack.i.l.bf16.f32 v44;
	v33 =	vmul.f32 v43, v24;
	v25 =	vadd.f32 v31, v25  }
0x162: {  	v45 =	vld.idx.msk [tilespmem:v1+s14+$0x4D0 ss:$0x1], $0xffff;
	v48 =	vunpack.i.u.bf16.f32 v59;
	v24 =	vmul.f32 v46, v24;
	v28 =	vadd.f32 v28, v29  }
0x163: {  	v49 =	vunpack.i.l.bf16.f32 v59;
	v50 =	vmul.f32 v48, v26;
	v25 =	vadd.f32 v33, v25  }
0x164: {  	v26 =	vmul.f32 v49, v26;
	v52 =	vld.idx.msk [tilespmem:v1+s14+$0x4E0 ss:$0x1], $0xffff;
	v51 =	vunpack.i.u.bf16.f32 v61;
	v24 =	vadd.f32 v24, v28  }
0x165: {  	v17 =	vld.idx.msk [tilespmem:v17+s21+$0x0], $0xffff;
	v53 =	vunpack.i.l.bf16.f32 v61;
	v54 =	vmul.f32 v51, v27;
	v25 =	vadd.f32 v50, v25  }
0x166: {  	v55 =	vunpack.i.u.bf16.f32 v44;
	v56 =	vmul.f32 v53, v27;
	v24 =	vadd.f32 v26, v24  }
0x167: {  	v59 =	vunpack.i.u.bf16.f32 v45;
	v58 =	vmul.f32 v55, v18;
	v25 =	vadd.f32 v54, v25  }
0x168: {  	v61 =	vunpack.i.l.bf16.f32 v45;
	v18 =	vmul.f32 v57, v18;
	v24 =	vadd.f32 v56, v24  }
0x169: {  	v60 =	vld.idx.msk [tilespmem:v1+s14+$0x500 ss:$0x1], $0xffff;
	v62 =	vmul.f32 v59, v19;
	v63 =	vunpack.i.u.bf16.f32 v52;
	v32 =	vadd.f32 v58, v25  }
0x16a: {  	v20 =	vld.idx.msk [tilespmem:v20+s21+$0x0], $0xffff;
	v19 =	vmul.f32 v61, v19;
	v35 =	vmul.f32 v63, v17;
	v18 =	vadd.f32 v18, v24  }
0x16b: {  	v37 =	vld.idx.msk [tilespmem:v1+s14+$0x910 ss:$0x1], $0xffff;
	v33 =	vadd.s32 $0x5, v34;
	v34 =	vunpack.i.l.bf16.f32 v52;
	v36 =	vadd.f32 v62, v32  }
0x16c: {  	v2 =	vunpack.i.l.bf16.f32 v2;
	v17 =	vmul.f32 v34, v17;
	v18 =	vadd.f32 v19, v18  }
0x16d: {  	s17 =	sadd.s32 $0x1F, s8;
	v12 =	vld.idx.msk [tilespmem:v12+s21+$0x0], $0xffff;
	v2 =	vmul.f32 v2, v5;
	v39 =	vadd.f32 v35, v36  }
0x16e: {  	v38 =	vmov s17;
	v43 =	vld.idx.msk [tilespmem:v1+s14+$0x930 ss:$0x1], $0xffff;
	v40 =	vunpack.i.u.bf16.f32 v60;
	v17 =	vadd.f32 v17, v18  }
0x16f: {  	v26 =	vunpack.i.l.bf16.f32 v60;
	v19 =	vmul.f32 v40, v20;
	v14 =	vadd.f32 v14, v39  }
0x170: {  	s18 =	sadd.s32 $0x21, s8;
	v46 =	vunpack.i.u.bf16.f32 v37;
	v42 =	vmul.f32 v26, v20;
	v13 =	vadd.f32 v13, v17  }
0x171: {  	v15 =	vld.idx.msk [tilespmem:v15+s21+$0x0], $0xffff;
	v45 =	vmov s18;
	v27 =	vmul.f32 v47, v5;
	v14 =	vadd.f32 v19, v14  }
0x172: {  	v49 =	vld.idx.msk [tilespmem:v1+s14+$0x950 ss:$0x1], $0xffff;
	v47 =	vunpack.i.l.bf16.f32 v37;
	v51 =	vshrl.u32 v45, $0x3;
	v13 =	vadd.f32 v42, v13  }
0x173: {  	v53 =	vunpack.i.l.bf16.f32 v43;
	v55 =	vld.idx.msk [tilespmem:v1+s14+$0xD90 ss:$0x1], $0xffff;
	v17 =	vmul.f32 v46, v12;
	v3 =	vadd.f32 v3, v14  }
0x174: {  	v41 =	vshrl.u32 v38, $0x3;
	v63 =	vld.idx.msk [tilespmem:v1+s14+$0xD80 ss:$0x1], $0xffff;
	v12 =	vmul.f32 v47, v12;
	v6 =	vadd.f32 v6, v13  }
0x175: {  	v57 =	vbroadcast v4, $0x8;
	v44 =	vshll.u32 v41, v0;
	v30 =	vld.idx.msk [tilespmem:v21+s21+$0x0], $0xffff;
	v3 =	vadd.f32 v17, v3  }
0x176: {  	v23 =	vld.idx.msk [tilespmem:v23+s21+$0x0], $0xffff;
	v48 =	vadd.s32 $0x7, v44;
	v52 =	vunpack.i.u.bf16.f32 v43;
	v6 =	vadd.f32 v12, v6  }
0x177: {  	v61 =	vunpack.i.u.bf16.f32 v49;
	v12 =	vmul.f32 v52, v15;
	v3 =	vadd.f32 v9, v3  }
0x178: {  	v41 =	vld.idx.msk [tilespmem:v1+s14+$0xDD0 ss:$0x1], $0xffff;
	v29 =	vunpack.i.u.bf16.f32 v55;
	v56 =	vmul.f32 v53, v15;
	v6 =	vadd.f32 v16, v6  }
0x179: {  	v50 =	vbroadcast v48, $0x0;
	v5 =	vunpack.i.l.bf16.f32 v63;
	v58 =	vld.idx.msk [tilespmem:v1+s14+$0x970 ss:$0x1], $0xffff;
	v3 =	vadd.f32 v12, v3  }
0x17a: {  	v60 =	vld.idx.msk [tilespmem:v22+s21+$0x0], $0xffff;
	v5 =	vmul.f32 v5, v30;
	v54 =	vshll.u32 v51, v0;
	v6 =	vadd.f32 v56, v6  }
0x17b: {  	v14 =	vunpack.i.l.bf16.f32 v49;
	v9 =	vmul.f32 v61, v23;
	v3 =	vadd.f32 v11, v3  }
0x17c: {  	v24 =	vbroadcast v33, $0x0;
	v26 =	vmul.f32 v14, v23;
	v6 =	vadd.f32 v10, v6  }
0x17d: {  	v53 =	vunpack.i.u.bf16.f32 v41;
	v59 =	vadd.s32 $0x1, v54;
	v33 =	vld.idx.msk [tilespmem:v1+s14+$0xDA0 ss:$0x1], $0xffff;
	v3 =	vadd.f32 v9, v3  }
0x17e: {  	v28 =	vbroadcast v59, $0x0;
	v31 =	vunpack.i.u.bf16.f32 v58;
	v6 =	vadd.f32 v26, v6  }
0x17f: {  	s20 =	sadd.s32 $0x23, s8;
	v35 =	vld.idx.msk [tilespmem:v1+s14+$0xDB0 ss:$0x1], $0xffff;
	v32 =	vunpack.i.l.bf16.f32 v58;
	v9 =	vmul.f32 v31, v60;
	v3 =	vadd.f32 v8, v3  }
0x180: {  	v62 =	vmov s20;
	v34 =	vmul.f32 v32, v60;
	v6 =	vadd.f32 v7, v6  }
0x181: {  	v18 =	vbroadcast v4, $0x4;
	v36 =	vunpack.i.u.bf16.f32 v63;
	v3 =	vadd.f32 v9, v3  }
0x182: {  	v38 =	vmul.f32 v36, v30;
	v43 =	vunpack.i.u.bf16.f32 v33;
	v37 =	vld.idx.msk [tilespmem:v24+s21+$0x0], $0xffff;
	v6 =	vadd.f32 v34, v6  }
0x183: {  	v44 =	vunpack.i.l.bf16.f32 v33;
	v42 =	vunpack.i.l.bf16.f32 v55;
	v3 =	vadd.f32 v27, v3  }
0x184: {  	v46 =	vunpack.i.u.bf16.f32 v35;
	v13 =	vbroadcast v4, $0x6;
	v2 =	vadd.f32 v2, v6  }
0x185: {  	v40 =	vld.idx.msk [tilespmem:v1+s14+$0xDC0 ss:$0x1], $0xffff;
	v14 =	vmul.f32 v29, v18;
	v12 =	vshrl.u32 v62, $0x3;
	v3 =	vadd.f32 v38, v3  }
0x186: {  	v19 =	vld.idx.msk [tilespmem:v50+s21+$0x0], $0xffff;
	v12 =	vshll.u32 v12, v0;
	v2 =	vadd.f32 v5, v2;
	v5 =	vmul.f32 v42, v18  }
0x187: {  	v45 =	vmul.f32 v43, v37;
	v12 =	vadd.s32 $0x3, v12;
	v3 =	vadd.f32 v14, v3  }
0x188: {  	v39 =	vbroadcast v12, $0x0;
	v2 =	vadd.f32 v5, v2;
	v5 =	vmul.f32 v44, v37  }
0x189: {  	v47 =	vld.idx.msk [tilespmem:v1+s14+$0xDE0 ss:$0x1], $0xffff;
	v49 =	vmul.f32 v46, v13;
	v8 =	vunpack.i.l.bf16.f32 v35;
	v3 =	vadd.f32 v45, v3  }
0x18a: {  	v50 =	vunpack.i.u.bf16.f32 v40;
	v11 =	vld.idx.msk [tilespmem:v28+s21+$0x0], $0xffff;
	v2 =	vadd.f32 v5, v2;
	v5 =	vmul.f32 v8, v13  }
0x18b: {  	v48 =	vld.idx.msk [tilespmem:v1+s14+$0xDF0 ss:$0x1], $0xffff;
	v51 =	vunpack.i.l.bf16.f32 v40;
	v52 =	vmul.f32 v50, v19;
	v3 =	vadd.f32 v49, v3  }
0x18c: {  	v55 =	vmul.f32 v53, v57;
	v2 =	vadd.f32 v5, v2;
	v5 =	vmul.f32 v51, v19  }
0x18d: {  	v54 =	vld.idx.msk [tilespmem:v1+s14+$0xE00 ss:$0x1], $0xffff;
	v4 =	vbroadcast v4, $0xA;
	v6 =	vunpack.i.l.bf16.f32 v41;
	v3 =	vadd.f32 v52, v3  }
0x18e: {  	v56 =	vunpack.i.u.bf16.f32 v47;
	v9 =	vld.idx.msk [tilespmem:v39+s21+$0x0], $0xffff;
	v2 =	vadd.f32 v5, v2;
	v5 =	vmul.f32 v6, v57  }
0x18f: {  	v58 =	vmul.f32 v56, v11;
	v57 =	vunpack.i.l.bf16.f32 v47;
	v3 =	vadd.f32 v55, v3  }
0x190: {  	v59 =	vunpack.i.u.bf16.f32 v48;
	v2 =	vadd.f32 v5, v2;
	v5 =	vmul.f32 v57, v11  }
0x191: {  	v61 =	vmul.f32 v59, v4;
	v60 =	vunpack.i.l.bf16.f32 v48;
	v3 =	vadd.f32 v58, v3  }
0x192: {  	v62 =	vunpack.i.u.bf16.f32 v54;
	v4 =	vmul.f32 v60, v4;
	v2 =	vadd.f32 v5, v2  }
0x193: {  	v63 =	vmul.f32 v62, v9;
	v5 =	vunpack.i.l.bf16.f32 v54;
	v3 =	vadd.f32 v61, v3  }
0x194: {  	v2 =	vadd.f32 v4, v2;
	v4 =	vmul.f32 v5, v9  }
0x195: {  	s30 =	sadd.s32 $0x28, s9;
	s15 =	simm.s32 $0x240;
	v3 =	vadd.f32 v63, v3  }
0x196: {  	s17 =	sadd.s32 $0x20, s24;
	s18 =	sadd.s32 $0x28, s8;
	s20 =	smov.u32 s24;
	v2 =	vadd.f32 v4, v2  }
.LBB2_8:
0x197: {  	s4 =	sadd.s32 $0x9, s18;
	s12 =	sadd.s32 $0xB, s18;
	s13 =	sadd.s32 $0xD, s18;
	[tilespmem:s20+$0x0] =	vst v3  }
0x198: {  	s14 =	sshra.s32 s15, $0x2;
	p1 =	sne.s32 s15, $0xFC0;
	s15 =	sadd.s32 $0x240, s15;
	v3 =	vmov s4;
	v4 =	vmov s12;
	v5 =	vmov s13;
	[tilespmem:s20+$0xFFFFFFF0] =	vst v2  }
0x199: {  	s20 =	smov.u32 s17;
	v2 =	vld.idx.msk [tilespmem:v1+s14+$0x40 ss:$0x1], $0xffff;
	v3 =	vshrl.u32 v3, $0x3;
	v4 =	vshrl.u32 v4, $0x3;
	v5 =	vshrl.u32 v5, $0x3  }
0x19a: {  	v6 =	vld.idx.msk [tilespmem:v1+s14+$0x20 ss:$0x1], $0xffff;
	v3 =	vshll.u32 v3, v0;
	v4 =	vshll.u32 v4, v0;
	v5 =	vshll.u32 v5, v0  }
0x19b: {  	s4 =	sadd.s32 $0xF, s18;
	v26 =	vld [tilespmem:s30+$0xFFFFFFE8];
	v3 =	vadd.s32 $0x1, v3;
	v4 =	vadd.s32 $0x3, v4;
	v5 =	vadd.s32 $0x5, v5  }
0x19c: {  	v7 =	vld.idx.msk [tilespmem:v1+s14+$0x0 ss:$0x1], $0xffff;
	v28 =	vbroadcast v3, $0x0;
	v25 =	vbroadcast v4, $0x0;
	v3 =	vmov s4;
	s4 =	sadd.s32 $0x11, s18  }
0x19d: {  	v17 =	vbroadcast v5, $0x0;
	v4 =	vld.idx.msk [tilespmem:v1+s14+$0x80 ss:$0x1], $0xffff;
	v3 =	vshrl.u32 v3, $0x3;
	v5 =	vmov s4;
	s4 =	sadd.s32 $0x13, s18  }
0x19e: {  	v3 =	vshll.u32 v3, v0;
	v5 =	vshrl.u32 v5, $0x3;
	v8 =	vmov s4  }
0x19f: {  	v3 =	vadd.s32 $0x7, v3;
	v5 =	vshll.u32 v5, v0;
	v8 =	vshrl.u32 v8, $0x3  }
0x1a0: {  	v11 =	vunpack.i.u.bf16.f32 v6;
	v9 =	vbroadcast v26, $0x0;
	v10 =	vbroadcast v26, $0x2  }
0x1a1: {  	v31 =	vunpack.i.u.bf16.f32 v2;
	v24 =	vbroadcast v26, $0xA;
	v18 =	vbroadcast v3, $0x0;
	v3 =	vld.idx.msk [tilespmem:v1+s14+$0x4F0 ss:$0x1], $0xffff  }
0x1a2: {  	v32 =	vunpack.i.l.bf16.f32 v2;
	v12 =	vunpack.i.u.bf16.f32 v7;
	v7 =	vunpack.i.l.bf16.f32 v7;
	v21 =	vld [tilespmem:s30+$0xFFFFFFF8]  }
0x1a3: {  	v2 =	vunpack.i.l.bf16.f32 v6;
	v29 =	vunpack.i.u.bf16.f32 v4;
	v30 =	vunpack.i.l.bf16.f32 v4;
	v4 =	vld.idx.msk [tilespmem:v1+s14+$0x900 ss:$0x1], $0xffff  }
0x1a4: {  	v33 =	vmul.f32 v2, v10;
	v34 =	vmul.f32 v11, v10;
	v2 =	vadd.s32 $0x1, v5  }
0x1a5: {  	v35 =	vmul.f32 v7, v9;
	v36 =	vmul.f32 v12, v9;
	v5 =	vshll.u32 v8, v0  }
0x1a6: {  	v27 =	vbroadcast v26, $0xC;
	v20 =	vbroadcast v2, $0x0;
	v2 =	vadd.s32 $0x3, v5  }
0x1a7: {  	s4 =	sadd.s32 $0x15, s18;
	v19 =	vbroadcast v26, $0xE;
	v14 =	vbroadcast v2, $0x0;
	v5 =	vunpack.i.u.bf16.f32 v3  }
0x1a8: {  	v6 =	vmov s4;
	v3 =	vunpack.i.l.bf16.f32 v3;
	v2 =	vbroadcast v21, $0x0;
	v7 =	vld.idx.msk [tilespmem:v1+s14+$0x920 ss:$0x1], $0xffff  }
0x1a9: {  	v6 =	vshrl.u32 v6, $0x3;
	v8 =	vbroadcast v21, $0x2;
	v9 =	vunpack.i.u.bf16.f32 v4  }
0x1aa: {  	v12 =	vmul.f32 v3, v2;
	v13 =	vmul.f32 v5, v2;
	v2 =	vshll.u32 v6, v0  }
0x1ab: {  	v3 =	vunpack.i.l.bf16.f32 v4;
	v4 =	vmul.f32 v9, v8;
	v2 =	vadd.s32 $0x5, v2  }
0x1ac: {  	s4 =	sadd.s32 $0x17, s18;
	v5 =	vmov s18;
	v6 =	vmul.f32 v3, v8;
	v16 =	vbroadcast v2, $0x0  }
0x1ad: {  	v3 =	vmov s4;
	v2 =	vshrl.u32 v5, $0x3;
	v5 =	vbroadcast v21, $0x4  }
0x1ae: {  	v9 =	vshrl.u32 v3, $0x3;
	v2 =	vshll.u32 v2, v0;
	v8 =	vunpack.i.u.bf16.f32 v7;
	v10 =	vld.idx.msk [tilespmem:v1+s14+$0x940 ss:$0x1], $0xffff  }
0x1af: {  	v3 =	vadd.s32 $0x1, v2;
	v11 =	vadd.s32 $0x3, v2;
	v15 =	vadd.s32 $0x5, v2  }
0x1b0: {  	v2 =	vadd.s32 $0x7, v2;
	v22 =	vbroadcast v3, $0x0;
	v37 =	vbroadcast v11, $0x0  }
0x1b1: {  	v38 =	vbroadcast v15, $0x0;
	v39 =	vbroadcast v2, $0x0;
	v2 =	vshll.u32 v9, v0;
	v3 =	vld [tilespmem:s30+$0x0]  }
0x1b2: {  	s4 =	sadd.s32 $0x19, s18;
	v7 =	vunpack.i.l.bf16.f32 v7;
	v9 =	vmul.f32 v8, v5;
	v2 =	vadd.s32 $0x7, v2;
	v8 =	vld.idx.msk [tilespmem:v1+s14+$0x960 ss:$0x1], $0xffff  }
0x1b3: {  	v15 =	vmul.f32 v7, v5;
	v23 =	vbroadcast v2, $0x0;
	v2 =	vmov s4  }
0x1b4: {  	v5 =	vbroadcast v21, $0x6;
	s4 =	sadd.s32 $0x1B, s18;
	v2 =	vshrl.u32 v2, $0x3;
	v7 =	vunpack.i.u.bf16.f32 v10  }
0x1b5: {  	v21 =	vmov s4;
	v2 =	vshll.u32 v2, v0;
	v10 =	vunpack.i.l.bf16.f32 v10;
	v40 =	vld.idx.msk [tilespmem:v1+s14+$0x10 ss:$0x1], $0xffff  }
0x1b6: {  	v2 =	vadd.s32 $0x1, v2;
	v10 =	vmul.f32 v10, v5;
	v11 =	vmul.f32 v7, v5;
	v41 =	vld.idx.msk [tilespmem:v22+s21+$0x0], $0xffff  }
0x1b7: {  	v7 =	vshrl.u32 v21, $0x3;
	v5 =	vbroadcast v3, $0x0;
	v22 =	vbroadcast v2, $0x0;
	v2 =	vld.idx.msk [tilespmem:v1+s14+$0x980 ss:$0x1], $0xffff  }
0x1b8: {  	v43 =	vshll.u32 v7, v0;
	v21 =	vunpack.i.u.bf16.f32 v8;
	v8 =	vunpack.i.l.bf16.f32 v8;
	v42 =	vld.idx.msk [tilespmem:v1+s14+$0x30 ss:$0x1], $0xffff  }
0x1b9: {  	s4 =	sadd.s32 $0x1D, s18;
	v7 =	vmul.f32 v8, v5;
	v8 =	vmul.f32 v21, v5;
	v21 =	vadd.s32 $0x3, v43;
	v37 =	vld.idx.msk [tilespmem:v37+s21+$0x0], $0xffff  }
0x1ba: {  	v5 =	vbroadcast v3, $0x2;
	v43 =	vmov s4;
	v21 =	vbroadcast v21, $0x0  }
0x1bb: {  	v36 =	vadd.f32 $0.0e+00, v36;
	v44 =	vunpack.i.u.bf16.f32 v40;
	v40 =	vunpack.i.l.bf16.f32 v40;
	v45 =	vld.idx.msk [tilespmem:v1+s14+$0x60 ss:$0x1], $0xffff  }
0x1bc: {  	v46 =	vadd.f32 $0.0e+00, v35;
	v40 =	vmul.f32 v40, v41;
	v41 =	vmul.f32 v44, v41;
	v44 =	vld.idx.msk [tilespmem:v1+s14+$0x50 ss:$0x1], $0xffff  }
0x1bd: {  	v47 =	vbroadcast v26, $0x6;
	v43 =	vshrl.u32 v43, $0x3;
	v35 =	vunpack.i.u.bf16.f32 v2;
	v38 =	vld.idx.msk [tilespmem:v38+s21+$0x0], $0xffff  }
0x1be: {  	v40 =	vadd.f32 v40, v46;
	v36 =	vadd.f32 v41, v36;
	v41 =	vunpack.i.u.bf16.f32 v42  }
0x1bf: {  	v42 =	vunpack.i.l.bf16.f32 v42;
	v46 =	vbroadcast v26, $0x4;
	v41 =	vmul.f32 v41, v37;
	v48 =	vld.idx.msk [tilespmem:v1+s14+$0x70 ss:$0x1], $0xffff  }
0x1c0: {  	v33 =	vadd.f32 v33, v40;
	v34 =	vadd.f32 v34, v36;
	v36 =	vmul.f32 v42, v37  }
0x1c1: {  	v32 =	vmul.f32 v32, v46;
	v31 =	vmul.f32 v31, v46;
	v37 =	vld.idx.msk [tilespmem:v39+s21+$0x0], $0xffff;
	v39 =	vshll.u32 v43, v0  }
0x1c2: {  	v33 =	vadd.f32 v36, v33;
	v34 =	vadd.f32 v41, v34;
	v36 =	vunpack.i.u.bf16.f32 v44  }
0x1c3: {  	v40 =	vunpack.i.l.bf16.f32 v44;
	v41 =	vunpack.i.u.bf16.f32 v45;
	v36 =	vmul.f32 v36, v38;
	v42 =	vld.idx.msk [tilespmem:v1+s14+$0x490 ss:$0x1], $0xffff  }
0x1c4: {  	v32 =	vadd.f32 v32, v33;
	v31 =	vadd.f32 v31, v34;
	v33 =	vmul.f32 v40, v38;
	v34 =	vld.idx.msk [tilespmem:v1+s14+$0x480 ss:$0x1], $0xffff  }
0x1c5: {  	v38 =	vunpack.i.l.bf16.f32 v45;
	v40 =	vmul.f32 v41, v47;
	v41 =	vunpack.i.u.bf16.f32 v48;
	v28 =	vld.idx.msk [tilespmem:v28+s21+$0x0], $0xffff  }
0x1c6: {  	v32 =	vadd.f32 v33, v32;
	v31 =	vadd.f32 v36, v31;
	v33 =	vmul.f32 v38, v47  }
0x1c7: {  	v26 =	vbroadcast v26, $0x8;
	v36 =	vunpack.i.l.bf16.f32 v48;
	v38 =	vmul.f32 v41, v37;
	v41 =	vld.idx.msk [tilespmem:v1+s14+$0x4A0 ss:$0x1], $0xffff  }
0x1c8: {  	v32 =	vadd.f32 v33, v32;
	v31 =	vadd.f32 v40, v31;
	v33 =	vmul.f32 v36, v37;
	v36 =	vld.idx.msk [tilespmem:v1+s14+$0x4B0 ss:$0x1], $0xffff  }
0x1c9: {  	v30 =	vmul.f32 v30, v26;
	v26 =	vmul.f32 v29, v26;
	v29 =	vadd.s32 $0x5, v39;
	v25 =	vld.idx.msk [tilespmem:v25+s21+$0x0], $0xffff  }
0x1ca: {  	v32 =	vadd.f32 v33, v32;
	v31 =	vadd.f32 v38, v31;
	v33 =	vunpack.i.u.bf16.f32 v34  }
0x1cb: {  	v37 =	vunpack.i.u.bf16.f32 v42;
	v34 =	vunpack.i.l.bf16.f32 v34;
	v33 =	vmul.f32 v33, v28;
	v38 =	vld.idx.msk [tilespmem:v1+s14+$0x4C0 ss:$0x1], $0xffff  }
0x1cc: {  	v28 =	vmul.f32 v34, v28;
	v30 =	vadd.f32 v30, v32;
	v26 =	vadd.f32 v26, v31;
	v31 =	vld.idx.msk [tilespmem:v1+s14+$0x4D0 ss:$0x1], $0xffff  }
0x1cd: {  	v34 =	vmul.f32 v37, v24;
	v32 =	vunpack.i.l.bf16.f32 v42;
	v37 =	vunpack.i.u.bf16.f32 v41;
	v17 =	vld.idx.msk [tilespmem:v17+s21+$0x0], $0xffff  }
0x1ce: {  	v24 =	vmul.f32 v32, v24;
	v28 =	vadd.f32 v28, v30;
	v26 =	vadd.f32 v33, v26  }
0x1cf: {  	v30 =	vunpack.i.l.bf16.f32 v41;
	v33 =	vunpack.i.u.bf16.f32 v36;
	v32 =	vmul.f32 v37, v25;
	v37 =	vld.idx.msk [tilespmem:v1+s14+$0x4E0 ss:$0x1], $0xffff  }
0x1d0: {  	v25 =	vmul.f32 v30, v25;
	v24 =	vadd.f32 v24, v28;
	v26 =	vadd.f32 v34, v26  }
0x1d1: {  	v30 =	vmul.f32 v33, v27;
	v28 =	vunpack.i.l.bf16.f32 v36;
	v33 =	vunpack.i.u.bf16.f32 v38;
	v18 =	vld.idx.msk [tilespmem:v18+s21+$0x0], $0xffff  }
0x1d2: {  	v24 =	vadd.f32 v25, v24;
	v25 =	vadd.f32 v32, v26;
	v26 =	vmul.f32 v28, v27  }
0x1d3: {  	v27 =	vunpack.i.l.bf16.f32 v38;
	v32 =	vunpack.i.u.bf16.f32 v31;
	v28 =	vmul.f32 v33, v17  }
0x1d4: {  	v17 =	vmul.f32 v27, v17;
	v24 =	vadd.f32 v26, v24;
	v25 =	vadd.f32 v30, v25;
	v26 =	vld.idx.msk [tilespmem:v1+s14+$0x500 ss:$0x1], $0xffff  }
0x1d5: {  	v27 =	vunpack.i.l.bf16.f32 v31;
	v30 =	vmul.f32 v32, v19;
	v31 =	vunpack.i.u.bf16.f32 v37;
	v20 =	vld.idx.msk [tilespmem:v20+s21+$0x0], $0xffff  }
0x1d6: {  	v19 =	vmul.f32 v27, v19;
	v17 =	vadd.f32 v17, v24;
	v24 =	vadd.f32 v28, v25  }
0x1d7: {  	v25 =	vunpack.i.l.bf16.f32 v37;
	v28 =	vbroadcast v29, $0x0;
	v27 =	vmul.f32 v31, v18  }
0x1d8: {  	s4 =	sadd.s32 $0x1F, s18;
	v18 =	vmul.f32 v25, v18;
	v17 =	vadd.f32 v19, v17;
	v19 =	vadd.f32 v30, v24;
	v24 =	vld.idx.msk [tilespmem:v1+s14+$0x910 ss:$0x1], $0xffff  }
0x1d9: {  	v29 =	vbroadcast v3, $0x4;
	v25 =	vmul.f32 v35, v5;
	v30 =	vmov s4;
	v14 =	vld.idx.msk [tilespmem:v14+s21+$0x0], $0xffff  }
0x1da: {  	v17 =	vadd.f32 v18, v17;
	v18 =	vadd.f32 v27, v19;
	v19 =	vunpack.i.u.bf16.f32 v26  }
0x1db: {  	v26 =	vunpack.i.l.bf16.f32 v26;
	v27 =	vshrl.u32 v30, $0x3;
	v19 =	vmul.f32 v19, v20  }
0x1dc: {  	s4 =	sadd.s32 $0x21, s18;
	v12 =	vadd.f32 v12, v17;
	v13 =	vadd.f32 v13, v18;
	v17 =	vmul.f32 v26, v20;
	v18 =	vld.idx.msk [tilespmem:v1+s14+$0x930 ss:$0x1], $0xffff  }
0x1dd: {  	v20 =	vbroadcast v3, $0x6;
	v26 =	vshll.u32 v27, v0;
	v27 =	vmov s4;
	v16 =	vld.idx.msk [tilespmem:v16+s21+$0x0], $0xffff  }
0x1de: {  	v12 =	vadd.f32 v17, v12;
	v13 =	vadd.f32 v19, v13;
	v17 =	vunpack.i.u.bf16.f32 v24  }
0x1df: {  	v19 =	vunpack.i.l.bf16.f32 v24;
	v24 =	vadd.s32 $0x7, v26;
	v17 =	vmul.f32 v17, v14  }
0x1e0: {  	v6 =	vadd.f32 v6, v12;
	v4 =	vadd.f32 v4, v13;
	v12 =	vmul.f32 v19, v14;
	v13 =	vld.idx.msk [tilespmem:v1+s14+$0x950 ss:$0x1], $0xffff  }
0x1e1: {  	v19 =	vbroadcast v24, $0x0;
	v24 =	vshrl.u32 v27, $0x3;
	v14 =	vld.idx.msk [tilespmem:v23+s21+$0x0], $0xffff;
	v23 =	vbroadcast v3, $0x8  }
0x1e2: {  	v6 =	vadd.f32 v12, v6;
	v4 =	vadd.f32 v17, v4;
	v12 =	vunpack.i.u.bf16.f32 v18  }
0x1e3: {  	v24 =	vshll.u32 v24, v0;
	v17 =	vunpack.i.l.bf16.f32 v18;
	v12 =	vmul.f32 v12, v16;
	v18 =	vld.idx.msk [tilespmem:v1+s14+$0xD90 ss:$0x1], $0xffff  }
0x1e4: {  	s4 =	sadd.s32 $0x23, s18;
	v6 =	vadd.f32 v15, v6;
	v4 =	vadd.f32 v9, v4;
	v9 =	vmul.f32 v17, v16;
	v15 =	vld.idx.msk [tilespmem:v1+s14+$0x970 ss:$0x1], $0xffff  }
0x1e5: {  	v3 =	vbroadcast v3, $0xA;
	v17 =	vadd.s32 $0x1, v24;
	v16 =	vld.idx.msk [tilespmem:v22+s21+$0x0], $0xffff;
	v22 =	vmov s4  }
0x1e6: {  	v6 =	vadd.f32 v9, v6;
	v4 =	vadd.f32 v12, v4;
	v9 =	vunpack.i.u.bf16.f32 v13  }
0x1e7: {  	v17 =	vbroadcast v17, $0x0;
	v12 =	vunpack.i.l.bf16.f32 v13;
	v9 =	vmul.f32 v9, v14;
	v13 =	vld.idx.msk [tilespmem:v1+s14+$0xD80 ss:$0x1], $0xffff  }
0x1e8: {  	v6 =	vadd.f32 v10, v6;
	v4 =	vadd.f32 v11, v4;
	v10 =	vmul.f32 v12, v14  }
0x1e9: {  	v14 =	vshrl.u32 v22, $0x3;
	v12 =	vunpack.i.u.bf16.f32 v18;
	v11 =	vld.idx.msk [tilespmem:v21+s21+$0x0], $0xffff  }
0x1ea: {  	v6 =	vadd.f32 v10, v6;
	v4 =	vadd.f32 v9, v4;
	v9 =	vunpack.i.u.bf16.f32 v15  }
0x1eb: {  	v14 =	vshll.u32 v14, v0;
	v10 =	vunpack.i.l.bf16.f32 v15;
	v9 =	vmul.f32 v9, v16;
	v15 =	vld.idx.msk [tilespmem:v1+s14+$0xDA0 ss:$0x1], $0xffff  }
0x1ec: {  	v6 =	vadd.f32 v7, v6;
	v4 =	vadd.f32 v8, v4;
	v7 =	vmul.f32 v10, v16;
	v8 =	vld.idx.msk [tilespmem:v1+s14+$0xDB0 ss:$0x1], $0xffff  }
0x1ed: {  	v2 =	vunpack.i.l.bf16.f32 v2;
	v14 =	vadd.s32 $0x3, v14;
	v10 =	vunpack.i.u.bf16.f32 v13;
	v16 =	vld.idx.msk [tilespmem:v28+s21+$0x0], $0xffff  }
0x1ee: {  	v2 =	vmul.f32 v2, v5;
	v6 =	vadd.f32 v7, v6;
	v4 =	vadd.f32 v9, v4  }
0x1ef: {  	v5 =	vunpack.i.l.bf16.f32 v13;
	v7 =	vmul.f32 v10, v11;
	v10 =	vbroadcast v14, $0x0;
	v9 =	vld.idx.msk [tilespmem:v1+s14+$0xDC0 ss:$0x1], $0xffff  }
0x1f0: {  	v5 =	vmul.f32 v5, v11;
	v2 =	vadd.f32 v2, v6;
	v4 =	vadd.f32 v25, v4;
	v6 =	vld.idx.msk [tilespmem:v1+s14+$0xDD0 ss:$0x1], $0xffff  }
0x1f1: {  	v12 =	vmul.f32 v12, v29;
	v11 =	vunpack.i.l.bf16.f32 v18;
	v13 =	vunpack.i.u.bf16.f32 v15;
	v14 =	vld.idx.msk [tilespmem:v19+s21+$0x0], $0xffff  }
0x1f2: {  	v2 =	vadd.f32 v5, v2;
	v4 =	vadd.f32 v7, v4;
	v5 =	vmul.f32 v11, v29  }
0x1f3: {  	v7 =	vunpack.i.l.bf16.f32 v15;
	v11 =	vmul.f32 v13, v16;
	v13 =	vunpack.i.u.bf16.f32 v8;
	v15 =	vld.idx.msk [tilespmem:v1+s14+$0xDE0 ss:$0x1], $0xffff  }
0x1f4: {  	v2 =	vadd.f32 v5, v2;
	v4 =	vadd.f32 v12, v4;
	v5 =	vmul.f32 v7, v16;
	v7 =	vld.idx.msk [tilespmem:v1+s14+$0xDF0 ss:$0x1], $0xffff  }
0x1f5: {  	v8 =	vunpack.i.l.bf16.f32 v8;
	v12 =	vmul.f32 v13, v20;
	v13 =	vunpack.i.u.bf16.f32 v9;
	v16 =	vld.idx.msk [tilespmem:v17+s21+$0x0], $0xffff  }
0x1f6: {  	v2 =	vadd.f32 v5, v2;
	v4 =	vadd.f32 v11, v4;
	v5 =	vmul.f32 v8, v20  }
0x1f7: {  	v8 =	vunpack.i.l.bf16.f32 v9;
	v11 =	vunpack.i.u.bf16.f32 v6;
	v9 =	vmul.f32 v13, v14;
	v13 =	vld.idx.msk [tilespmem:v1+s14+$0xE00 ss:$0x1], $0xffff  }
0x1f8: {  	v2 =	vadd.f32 v5, v2;
	v4 =	vadd.f32 v12, v4;
	v5 =	vmul.f32 v8, v14  }
0x1f9: {  	v6 =	vunpack.i.l.bf16.f32 v6;
	v8 =	vmul.f32 v11, v23;
	v11 =	vunpack.i.u.bf16.f32 v15;
	v10 =	vld.idx.msk [tilespmem:v10+s21+$0x0], $0xffff  }
0x1fa: {  	v2 =	vadd.f32 v5, v2;
	v4 =	vadd.f32 v9, v4;
	v5 =	vmul.f32 v6, v23  }
0x1fb: {  	v6 =	vunpack.i.l.bf16.f32 v15;
	v9 =	vmul.f32 v11, v16;
	v11 =	vunpack.i.u.bf16.f32 v7  }
0x1fc: {  	v2 =	vadd.f32 v5, v2;
	v4 =	vadd.f32 v8, v4;
	v5 =	vmul.f32 v6, v16  }
0x1fd: {  	v6 =	vunpack.i.l.bf16.f32 v7;
	v7 =	vmul.f32 v11, v3;
	v8 =	vunpack.i.u.bf16.f32 v13  }
0x1fe: {  	v3 =	vmul.f32 v6, v3;
	v2 =	vadd.f32 v5, v2;
	v4 =	vadd.f32 v9, v4  }
.Ltmp4:
0x1ff: {  	v5 =	vunpack.i.l.bf16.f32 v13;
	v6 =	vmul.f32 v8, v10;
	(pc) =	sbr.rel @p1 .LBB2_8-.Ltmp4, $3  }
0x200: {  	v2 =	vadd.f32 v3, v2;
	v3 =	vadd.f32 v7, v4;
	v4 =	vmul.f32 v5, v10;
	_ =	sdelay $0x1  }
0x201: {  	v2 =	vadd.f32 v4, v2;
	v3 =	vadd.f32 v6, v3  }
0x202: {  	s17 =	sadd.s32 $0x20, s17;
	s30 =	sadd.s32 $0x28, s30;
	s18 =	sadd.s32 $0x28, s18  }
0x203: {  	s11 =	sadd.s32 $0x1, s11  }
0x204: {  	p1 =	sne.s32 s11, $0x8  }
.Ltmp5:
0x205: {  	_ = 	snop;
	(pc) =	sbr.rel @p1 .LBB2_7-.Ltmp5, $3  }
0x206: {  	_ =	sdelay $0x1  }
0x207: {  	[tilespmem:s20+$0x0] =	vst v3;
	s24 =	sadd.s32 $0x100, s24  }
0x208: {  	[tilespmem:s20+$0xFFFFFFF0] =	vst v2;
	s8 =	sadd.s32 $0x140, s8;
	s9 =	sadd.s32 $0x140, s9;
	s10 =	sadd.s32 $0x1200, s10  }
0x209: {  	s0 =	sshll.u32 s0, $0x5  }
0x20a: {  	s0 =	sand.u32 $0x1FFFFF00, s0  }
.Ltmp6:
0x20b: {  	s0 =	sadd.s32 s7, s0;
	(pc) =	sbr.rel @p0 .LBB2_12-.Ltmp6, $4  }
0x20c: {  	[hbm4b:s0+s3] =	stream.linear.scatter [tilespmem:s26], [sflag:$0x7], $0x800, $0x38;
	[tilespmem:$0x14E00] =	vst v63  }
0x20d: {  	_ =	swait.ge [sflag:s28], $0x800  }
0x20e: {  	[sflag:s28] =	ssyncset.done $0x0  }
0x20f: {  	[sflag:s28] =	ssyncadd.s32 $0xFFFFF800  }
0x210: {  	s0 =	rddreg [dreg:$0xa]  }
0x211: {  	s0 =	sadd.s32 s1, s0  }
0x212: {  	s1 =	smul.u32 $0x24, s0  }
.Ltmp7:
0x213: {  	_ = 	snop;
	(pc) =	sbr.rel .LBB2_2-.Ltmp7, $4  }
0x214: {  	s0 =	smul.u32 $0x28, s0;
	s1 =	sadd.s32 s5, s1  }
0x215: {  	[tilespmem:s19], [sflag:$0x2] =	stream.linear.gather [hbm4b:s1+s3], $0x900, $0x38;
	[tilespmem:$0x14E00] =	vst v63  }
0x216: {  	s31 =	sadd.s32 $0x1, s31;
	s12 =	smov.u32 s2;
	s0 =	sadd.s32 s6, s0  }
0x217: {  	[tilespmem:s21], [sflag:$0x4] =	stream.linear.gather [hbm4b:s0+s3], $0xA00, $0x38;
	[tilespmem:$0x14E00] =	vst v63  }
.LBB2_13:
0x218: {  	_ =	sfence.sel $0x180000  }
0x219: {  	[bflag:$0x0] =	sbarrier.arrive $0xFFFF  }
0x21a: {  	_ =	strace $0x90000047  }
0x21b: {  	s0 =	stileid.u32;
	[bflag:$0x2] =	sbarrier.arrive $0xFFFF  }
0x21c: {  	p0 =	sne.s32 s0, $0x0;
	s0 =	rddreg [dreg:$0x2]  }
0x21d: {  	s0 =	sadd.s32 @!p0 $0x100000, s0  }
0x21e: {  	[sflag:s0] =	ssyncadd.tile.s32 @!p0 $0x1;
	_ =	shalt  }
.Lfunc_end2:
_tile_overlayer_lowered:
.L_overlay_start_2:
0x21f: {  	(tag) =	ssettag $0x2  }
0x220: {  	s0 =	rddreg [dreg:$0x0];
	s2 =	stileid.u32  }
0x221: {  	s1 =	rddreg [dreg:$0x1];
	p0 =	sne.s32 s2, $0x0  }
0x222: {  	s3 =	rddreg [dreg:$0x2];
	[bflag:$0x3] =	sbarrier.arrive $0xFFFF;
	s2 =	simm.s32 @!p0 $0x1C07  }
0x223: {  	[timem:s3], [sflag:s2] =	dma.local @!p0 [hbm:s0], s1  }
0x224: {  	s0 =	simm.s32 @!p0 $0x7  }
0x225: {  	_ =	swait.ge @!p0 [sflag:s0], s1  }
0x226: {  	s1 =	ssub.s32 @!p0 $0x0, s1;
	[sflag:s0] =	ssyncset.done @!p0 $0x0  }
0x227: {  	[sflag:s0] =	ssyncadd.s32 @!p0 s1  }
0x228: {  	[bflag:$0x3] =	sbarrier.arrive $0xFFFF  }
0x229: {  	_ =	shalt  }

</sc_bundles>
